<compile_context>
chip_gen: v7x
topology: tpu7x:2x2x1
jax: 0.10.2.dev20260603
libtpu: 0.0.44.dev20260713+nightly
codegen_flags: <defaults>
</compile_context>

<pallas_src>
import functools

import jax
import jax.numpy as jnp
from jax import lax
from jax.experimental import pallas as pl
from jax.experimental.pallas import tpu as pltpu
from jax.experimental.pallas import tpu_sc as plsc

N, E, D, C = 10000, 160000, 256, 64
HALF = D // 2
NC, NS = 2, 16
CHUNK = 128
HC = 40
CH = 2 * HC
EP = NS * CH * CHUNK
NP = 10240
STRIPE = NP // NS
LANES = 16
MASK14 = (1 << 14) - 1


def _fill(buf, val):
  vec = jnp.full((LANES,), val, jnp.float32)

  @pl.loop(0, CHUNK)
  def _(r):
    @pl.loop(0, HALF, step=LANES)
    def _(j):
      buf[r, pl.ds(j, LANES)] = vec


def _sc_body(x_hbm, epk, agg_out, cnt_out,
             pkh, idx_dst, rows0, rows1, agg_sh, sem0, sem1, sem2, sem3):
  c = lax.axis_index("c")
  s = lax.axis_index("s")
  base = s * STRIPE
  obase = c * NP + base
  xcol = x_hbm.at[:, pl.ds(pl.multiple_of(c * HALF, HALF), HALF)]

  _fill(rows0, 0.0)
  for j in range(STRIPE // CHUNK):
    pltpu.sync_copy(rows0, agg_sh.at[pl.ds(base + j * CHUNK, CHUNK)])

  plsc.subcore_barrier()

  for h in range(CH // HC):
    pltpu.sync_copy(epk.at[pl.ds(s * CH + h * HC, HC)], pkh)

    @pl.loop(0, HC)
    def _(r):
      @pl.loop(0, CHUNK, step=LANES)
      def _(j):
        v = pkh[r, pl.ds(j, LANES)]
        idx_dst[h * HC + r, pl.ds(j, LANES)] = v >> 14
        pkh[r, pl.ds(j, LANES)] = v & MASK14

    pltpu.make_async_copy(xcol.at[pkh.at[0]], rows0, sem0).start()
    pltpu.make_async_copy(xcol.at[pkh.at[1]], rows1, sem1).start()

    @pl.loop(0, HC, step=2)
    def _(g):
      pltpu.make_async_copy(xcol.at[pkh.at[g]], rows0, sem0).wait()
      pltpu.sync_copy(rows0, agg_sh.at[idx_dst.at[h * HC + g]], add=True)

      @pl.when(g + 2 < HC)
      def _():
        pltpu.make_async_copy(xcol.at[pkh.at[g + 2]], rows0, sem0).start()

      pltpu.make_async_copy(xcol.at[pkh.at[g + 1]], rows1, sem1).wait()
      pltpu.sync_copy(rows1, agg_sh.at[idx_dst.at[h * HC + g + 1]],
                      add=True)

      @pl.when(g + 3 < HC)
      def _():
        pltpu.make_async_copy(xcol.at[pkh.at[g + 3]], rows1, sem1).start()

  plsc.subcore_barrier()

  pltpu.sync_copy(agg_sh.at[pl.ds(base, STRIPE)],
                  agg_out.at[pl.ds(obase, STRIPE)])

  plsc.subcore_barrier()

  _fill(rows1, 1.0)

  @pl.loop(0, CH, step=8)
  def _(g):
    for k in range(4):
      pltpu.make_async_copy(
          rows1, agg_sh.at[idx_dst.at[g + 2 * k + c]], sem2).start(add=True)
    for k in range(4):
      pltpu.make_async_copy(
          rows1, agg_sh.at[idx_dst.at[g + 2 * k + c]], sem2).wait()

  plsc.subcore_barrier()

  pltpu.sync_copy(agg_sh.at[pl.ds(base, STRIPE)],
                  cnt_out.at[pl.ds(obase, STRIPE)])


def _sc_aggregate(x, epk):
  mesh = plsc.VectorSubcoreMesh(core_axis_name="c", subcore_axis_name="s",
                                num_cores=NC, num_subcores=NS)
  kern = pl.kernel(
      _sc_body,
      out_type=[
          jax.ShapeDtypeStruct((NC * NP, HALF), jnp.float32),
          jax.ShapeDtypeStruct((NC * NP, HALF), jnp.float32),
      ],
      mesh=mesh,
      scratch_types=[
          pltpu.VMEM((HC, CHUNK), jnp.int32),
          pltpu.VMEM((CH, CHUNK), jnp.int32),
          pltpu.VMEM((CHUNK, HALF), jnp.float32),
          pltpu.VMEM((CHUNK, HALF), jnp.float32),
          pltpu.VMEM_SHARED((NP, HALF), jnp.float32),
          pltpu.SemaphoreType.DMA,
          pltpu.SemaphoreType.DMA,
          pltpu.SemaphoreType.DMA,
          pltpu.SemaphoreType.DMA,
      ],
  )
  return kern(x, epk)


BN = 1000


def _tc_root_body(x_ref, wr_ref, bl_ref, o_ref):
  o_ref[...] = jnp.dot(x_ref[...], wr_ref[...],
                       preferred_element_type=jnp.float32) + bl_ref[...]


def _tc_root(x, wr_t, b_l):
  return pl.pallas_call(
      _tc_root_body,
      grid=(N // BN,),
      in_specs=[
          pl.BlockSpec((BN, D), lambda i: (i, 0)),
          pl.BlockSpec((D, D), lambda i: (0, 0)),
          pl.BlockSpec((1, D), lambda i: (0, 0)),
      ],
      out_specs=pl.BlockSpec((BN, D), lambda i: (i, 0)),
      out_shape=jax.ShapeDtypeStruct((N, D), jnp.float32),
  )(x, wr_t, b_l)


def _tc_body(hr_ref, a0_ref, a1_ref, c0_ref, c1_ref, wl_ref, wm_ref,
             bm_ref, o_ref):
  a0 = a0_ref[0]
  a1 = a1_ref[0]
  cnt = (c0_ref[0][:, 0:1] - a0[:, 0:1]) + (c1_ref[0][:, 0:1] - a1[:, 0:1])
  inv = 1.0 / jnp.maximum(cnt, 1.0)
  a0 = a0 * inv
  a1 = a1 * inv
  h = (jnp.dot(a0, wl_ref[:HALF, :], preferred_element_type=jnp.float32)
       + jnp.dot(a1, wl_ref[HALF:, :], preferred_element_type=jnp.float32)
       + hr_ref[...])
  h = jnp.maximum(h, 0.0)
  o_ref[...] = jnp.dot(h, wm_ref[...],
                       preferred_element_type=jnp.float32) + bm_ref[...]


def _tc_head(hr, agg, cnt, wl_t, wm_t, b_mlp):
  grid = (N // BN,)
  return pl.pallas_call(
      _tc_body,
      grid=grid,
      in_specs=[
          pl.BlockSpec((BN, D), lambda i: (i, 0)),
          pl.BlockSpec((1, BN, HALF), lambda i: (0, i, 0)),
          pl.BlockSpec((1, BN, HALF), lambda i: (1, i, 0)),
          pl.BlockSpec((1, BN, HALF), lambda i: (0, i, 0)),
          pl.BlockSpec((1, BN, HALF), lambda i: (1, i, 0)),
          pl.BlockSpec((D, D), lambda i: (0, 0)),
          pl.BlockSpec((D, C), lambda i: (0, 0)),
          pl.BlockSpec((1, C), lambda i: (0, 0)),
      ],
      out_specs=pl.BlockSpec((BN, C), lambda i: (i, 0)),
      out_shape=jax.ShapeDtypeStruct((N, C), jnp.float32),
  )(hr, agg, agg, cnt, cnt, wl_t, wm_t, b_mlp)


def kernel(x, edge_index, W_l, b_l, W_r, W_mlp, b_mlp):
  src = edge_index[0]
  dst = edge_index[1]
  pad = EP - E
  ar = jnp.arange(pad, dtype=jnp.int32)
  srcp = jnp.concatenate([src, (ar * 37) % N])
  dstp = jnp.concatenate([dst, N + ar % (NP - N)])
  epk = (srcp | (dstp << 14)).reshape(NS * CH, CHUNK)

  hr = _tc_root(x, W_r.T, b_l.reshape(1, D))
  agg, cnt = _sc_aggregate(x, epk)
  agg = agg.reshape(NC, NP, HALF)
  cnt = cnt.reshape(NC, NP, HALF)
  return _tc_head(hr, agg, cnt, W_l.T, W_mlp.T, b_mlp.reshape(1, C))

# --- scband reference (transcript-rebuilt; emitter-appended) ---
"""Pipeline reference for scband-classifier-49323404427450 (READ-ONLY COPY).

The authoritative reference and input builder live on the scoring server;
editing this copy changes nothing except your own understanding.
"""

import jax, jax.numpy as jnp
import numpy as np

N, E, D, C = 10000, 160000, 256, 64

def setup_inputs(seed: int = 0) -> dict:
    key = jax.random.key(seed)
    ks = jax.random.split(key, 8)
    x = jax.random.normal(ks[0], (N, D), dtype=jnp.float32)
    edge_index = jax.random.randint(ks[1], (2, E), 0, N, dtype=jnp.int32)
    # SAGEConv params: lin_l (applied to aggregated neighbors, has bias),
    # lin_r (applied to root/self features, no bias) -- PyG convention.
    W_l = jax.random.normal(ks[2], (D, D), dtype=jnp.float32) * (1.0 / np.sqrt(D))
    b_l = jnp.zeros((D,), dtype=jnp.float32)
    W_r = jax.random.normal(ks[3], (D, D), dtype=jnp.float32) * (1.0 / np.sqrt(D))
    # mlp: Linear(nembed, nclass), weight init normal(std=0.05)
    W_mlp = jax.random.normal(ks[4], (C, D), dtype=jnp.float32) * 0.05
    b_mlp = jnp.zeros((C,), dtype=jnp.float32)
    return {"x": x, "edge_index": edge_index, "W_l": W_l, "b_l": b_l, "W_r": W_r, "W_mlp": W_mlp, "b_mlp": b_mlp}

def reference(x, edge_index, W_l, b_l, W_r, W_mlp, b_mlp):
    n = x.shape[0]
    src = edge_index[0]
    dst = edge_index[1]
    # SAGEConv with mean aggregation: gather source node features, segment-mean by dst
    msgs = jnp.take(x, src, axis=0)
    agg = jax.ops.segment_sum(msgs, dst, num_segments=n)
    cnt = jax.ops.segment_sum(jnp.ones((src.shape[0],), dtype=x.dtype), dst, num_segments=n)
    agg = agg / jnp.maximum(cnt, 1.0)[:, None]
    h = agg @ W_l.T + b_l + x @ W_r.T
    h = jax.nn.relu(h)
    # dropout is identity in eval mode (training=False)
    out = h @ W_mlp.T + b_mlp
    return out

if __name__ == "__main__":
    import jax
    _d = setup_inputs()
    print(jax.jit(kernel)(*tuple(_d.values())))

</pallas_src>

<mosaic_0001>
#map = affine_map<(d0, d1) -> (0, 0)>
module attributes {stable_mosaic.version = 14 : i64} {
  func.func @_sc_body(%arg0: i32, %arg1: i32, %arg2: memref<10000x256xf32, #tpu.memory_space<hbm>>, %arg3: memref<1280x128xi32, #tpu.memory_space<hbm>>, %arg4: memref<20480x128xf32, #tpu.memory_space<hbm>>, %arg5: memref<20480x128xf32, #tpu.memory_space<hbm>>, %arg6: memref<40x128xi32, #tpu.memory_space<vmem>>, %arg7: memref<80x128xi32, #tpu.memory_space<vmem>>, %arg8: memref<128x128xf32, #tpu.memory_space<vmem>>, %arg9: memref<128x128xf32, #tpu.memory_space<vmem>>, %arg10: memref<10240x128xf32, #tpu.memory_space<vmem_shared>>, %arg11: memref<!tpu.dma_semaphore, #tpu.memory_space<semaphore_mem>>, %arg12: memref<!tpu.dma_semaphore, #tpu.memory_space<semaphore_mem>>, %arg13: memref<!tpu.dma_semaphore, #tpu.memory_space<semaphore_mem>>, %arg14: memref<!tpu.dma_semaphore, #tpu.memory_space<semaphore_mem>>) attributes {dimension_semantics = [#tpu.dimension_semantics<core_parallel>, #tpu.dimension_semantics<subcore_parallel>], iteration_bounds = array<i64: 2, 16>, scalar_prefetch = 0 : i64, scratch_operands = 9 : i64, tpu.core_type = #tpu.core_type<sc_vector_subcore>, window_params = [{transform_indices = #map}, {transform_indices = #map}, {transform_indices = #map}, {transform_indices = #map}]} {
    %mul3A = arith.constant 640 : i32
    %mul3A_0 = arith.muli %arg1, %mul3A : i32
    %mul3A_1 = arith.constant 10240 : i32
    %mul3A_2 = arith.muli %arg0, %mul3A_1 : i32
    %add3A = arith.addi %mul3A_2, %mul3A_0 : i32
    %mul3A_3 = arith.constant 128 : i32
    %mul3A_4 = arith.muli %arg0, %mul3A_3 : i32
    %multiple_of3A = tpu.assume_multiple %mul3A_4, 128 : i32
    %broadcast_in_dim3A = arith.constant 0.000000e+00 : f32
    %broadcast_in_dim3A_5 = vector.broadcast %broadcast_in_dim3A : f32 to vector<16xf32>
    %scan3A = arith.constant 0 : i32
    %scan3A_6 = arith.constant 128 : i32
    %scan3A_7 = arith.addi %scan3A, %scan3A_6 : i32
    %scan3A_8 = arith.constant 1 : i32
    scf.for %scan3A_98 = %scan3A to %scan3A_7 step %scan3A_8  : i32 {
      %mul3A_99 = arith.constant 1 : i32
      %mul3A_100 = arith.muli %scan3A_98, %mul3A_99 : i32
      %add3A_101 = arith.constant 0 : i32
      %add3A_102 = arith.addi %add3A_101, %mul3A_100 : i32
      %scan3A_103 = arith.constant 0 : i32
      %scan3A_104 = arith.constant 8 : i32
      %scan3A_105 = arith.addi %scan3A_103, %scan3A_104 : i32
      %scan3A_106 = arith.constant 1 : i32
      scf.for %scan3A_108 = %scan3A_103 to %scan3A_105 step %scan3A_106  : i32 {
        %mul3A_109 = arith.constant 16 : i32
        %mul3A_110 = arith.muli %scan3A_108, %mul3A_109 : i32
        %add3A_111 = arith.constant 0 : i32
        %add3A_112 = arith.addi %add3A_111, %mul3A_110 : i32
        %swap3A = arith.index_cast %add3A_102 : i32 to index
        %swap3A_113 = arith.index_cast %add3A_112 : i32 to index
        %swap3A_114 = tpu.vector_load %arg8[%swap3A, %swap3A_113] {strides = array<i32>} : memref<128x128xf32, #tpu.memory_space<vmem>>, vector<1x16xf32>,
        %swap3A_115 = vector.shape_cast %swap3A_114 : vector<1x16xf32> to vector<16xf32>
        %swap3A_116 = vector.shape_cast %broadcast_in_dim3A_5 : vector<16xf32> to vector<1x16xf32>
        tpu.vector_store %arg8[%swap3A, %swap3A_113], %swap3A_116 {strides = array<i32>} : memref<128x128xf32, #tpu.memory_space<vmem>>, vector<1x16xf32>,
      }
      %scan3A_107 = arith.constant 8 : i32
    }
    %scan3A_9 = arith.constant 128 : i32
    %add3A_10 = arith.constant 0 : i32
    %add3A_11 = arith.addi %mul3A_0, %add3A_10 : i32
    "tpu.region"() ({
      %run_scoped3A = tpu.sem_alloc : memref<!tpu.dma_semaphore, #tpu.memory_space<semaphore_mem>>
      %dma_start3A_98 = arith.constant 0 : i32
      %dma_start3A_99 = tpu.memref_slice %arg10[%add3A_11, %dma_start3A_98] : memref<10240x128xf32, #tpu.memory_space<vmem_shared>> -> memref<128x128xf32, #tpu.memory_space<vmem_shared>>
      %dma_start3A_100 = arith.constant 0 : i32
      %dma_start3A_101 = tpu.memref_slice %arg10[%add3A_11, %dma_start3A_100] : memref<10240x128xf32, #tpu.memory_space<vmem_shared>> -> memref<128x128xf32, #tpu.memory_space<vmem_shared>>
      tpu.enqueue_dma source(%arg8 : memref<128x128xf32, #tpu.memory_space<vmem>>) target(%dma_start3A_101 : memref<128x128xf32, #tpu.memory_space<vmem_shared>>) target_semaphore(%run_scoped3A : memref<!tpu.dma_semaphore, #tpu.memory_space<semaphore_mem>>)
      %dma_wait3A = arith.constant 0 : i32
      %dma_wait3A_102 = tpu.memref_slice %arg10[%add3A_11, %dma_wait3A] : memref<10240x128xf32, #tpu.memory_space<vmem_shared>> -> memref<128x128xf32, #tpu.memory_space<vmem_shared>>
      %dma_wait3A_103 = arith.constant 0 : i32
      %dma_wait3A_104 = tpu.memref_slice %arg10[%add3A_11, %dma_wait3A_103] : memref<10240x128xf32, #tpu.memory_space<vmem_shared>> -> memref<128x128xf32, #tpu.memory_space<vmem_shared>>
      tpu.wait_dma2 semaphore(%run_scoped3A : memref<!tpu.dma_semaphore, #tpu.memory_space<semaphore_mem>>) src(%arg8 : memref<128x128xf32, #tpu.memory_space<vmem>>) dst(%dma_wait3A_104 : memref<128x128xf32, #tpu.memory_space<vmem_shared>>)
      tpu.yield
    }) : () -> ()
    %add3A_12 = arith.constant 128 : i32
    %add3A_13 = arith.addi %mul3A_0, %add3A_12 : i32
    "tpu.region"() ({
      %run_scoped3A = tpu.sem_alloc : memref<!tpu.dma_semaphore, #tpu.memory_space<semaphore_mem>>
      %dma_start3A_98 = arith.constant 0 : i32
      %dma_start3A_99 = tpu.memref_slice %arg10[%add3A_13, %dma_start3A_98] : memref<10240x128xf32, #tpu.memory_space<vmem_shared>> -> memref<128x128xf32, #tpu.memory_space<vmem_shared>>
      %dma_start3A_100 = arith.constant 0 : i32
      %dma_start3A_101 = tpu.memref_slice %arg10[%add3A_13, %dma_start3A_100] : memref<10240x128xf32, #tpu.memory_space<vmem_shared>> -> memref<128x128xf32, #tpu.memory_space<vmem_shared>>
      tpu.enqueue_dma source(%arg8 : memref<128x128xf32, #tpu.memory_space<vmem>>) target(%dma_start3A_101 : memref<128x128xf32, #tpu.memory_space<vmem_shared>>) target_semaphore(%run_scoped3A : memref<!tpu.dma_semaphore, #tpu.memory_space<semaphore_mem>>)
      %dma_wait3A = arith.constant 0 : i32
      %dma_wait3A_102 = tpu.memref_slice %arg10[%add3A_13, %dma_wait3A] : memref<10240x128xf32, #tpu.memory_space<vmem_shared>> -> memref<128x128xf32, #tpu.memory_space<vmem_shared>>
      %dma_wait3A_103 = arith.constant 0 : i32
      %dma_wait3A_104 = tpu.memref_slice %arg10[%add3A_13, %dma_wait3A_103] : memref<10240x128xf32, #tpu.memory_space<vmem_shared>> -> memref<128x128xf32, #tpu.memory_space<vmem_shared>>
      tpu.wait_dma2 semaphore(%run_scoped3A : memref<!tpu.dma_semaphore, #tpu.memory_space<semaphore_mem>>) src(%arg8 : memref<128x128xf32, #tpu.memory_space<vmem>>) dst(%dma_wait3A_104 : memref<128x128xf32, #tpu.memory_space<vmem_shared>>)
      tpu.yield
    }) : () -> ()
    %add3A_14 = arith.constant 256 : i32
    %add3A_15 = arith.addi %mul3A_0, %add3A_14 : i32
    "tpu.region"() ({
      %run_scoped3A = tpu.sem_alloc : memref<!tpu.dma_semaphore, #tpu.memory_space<semaphore_mem>>
      %dma_start3A_98 = arith.constant 0 : i32
      %dma_start3A_99 = tpu.memref_slice %arg10[%add3A_15, %dma_start3A_98] : memref<10240x128xf32, #tpu.memory_space<vmem_shared>> -> memref<128x128xf32, #tpu.memory_space<vmem_shared>>
      %dma_start3A_100 = arith.constant 0 : i32
      %dma_start3A_101 = tpu.memref_slice %arg10[%add3A_15, %dma_start3A_100] : memref<10240x128xf32, #tpu.memory_space<vmem_shared>> -> memref<128x128xf32, #tpu.memory_space<vmem_shared>>
      tpu.enqueue_dma source(%arg8 : memref<128x128xf32, #tpu.memory_space<vmem>>) target(%dma_start3A_101 : memref<128x128xf32, #tpu.memory_space<vmem_shared>>) target_semaphore(%run_scoped3A : memref<!tpu.dma_semaphore, #tpu.memory_space<semaphore_mem>>)
      %dma_wait3A = arith.constant 0 : i32
      %dma_wait3A_102 = tpu.memref_slice %arg10[%add3A_15, %dma_wait3A] : memref<10240x128xf32, #tpu.memory_space<vmem_shared>> -> memref<128x128xf32, #tpu.memory_space<vmem_shared>>
      %dma_wait3A_103 = arith.constant 0 : i32
      %dma_wait3A_104 = tpu.memref_slice %arg10[%add3A_15, %dma_wait3A_103] : memref<10240x128xf32, #tpu.memory_space<vmem_shared>> -> memref<128x128xf32, #tpu.memory_space<vmem_shared>>
      tpu.wait_dma2 semaphore(%run_scoped3A : memref<!tpu.dma_semaphore, #tpu.memory_space<semaphore_mem>>) src(%arg8 : memref<128x128xf32, #tpu.memory_space<vmem>>) dst(%dma_wait3A_104 : memref<128x128xf32, #tpu.memory_space<vmem_shared>>)
      tpu.yield
    }) : () -> ()
    %add3A_16 = arith.constant 384 : i32
    %add3A_17 = arith.addi %mul3A_0, %add3A_16 : i32
    "tpu.region"() ({
      %run_scoped3A = tpu.sem_alloc : memref<!tpu.dma_semaphore, #tpu.memory_space<semaphore_mem>>
      %dma_start3A_98 = arith.constant 0 : i32
      %dma_start3A_99 = tpu.memref_slice %arg10[%add3A_17, %dma_start3A_98] : memref<10240x128xf32, #tpu.memory_space<vmem_shared>> -> memref<128x128xf32, #tpu.memory_space<vmem_shared>>
      %dma_start3A_100 = arith.constant 0 : i32
      %dma_start3A_101 = tpu.memref_slice %arg10[%add3A_17, %dma_start3A_100] : memref<10240x128xf32, #tpu.memory_space<vmem_shared>> -> memref<128x128xf32, #tpu.memory_space<vmem_shared>>
      tpu.enqueue_dma source(%arg8 : memref<128x128xf32, #tpu.memory_space<vmem>>) target(%dma_start3A_101 : memref<128x128xf32, #tpu.memory_space<vmem_shared>>) target_semaphore(%run_scoped3A : memref<!tpu.dma_semaphore, #tpu.memory_space<semaphore_mem>>)
      %dma_wait3A = arith.constant 0 : i32
      %dma_wait3A_102 = tpu.memref_slice %arg10[%add3A_17, %dma_wait3A] : memref<10240x128xf32, #tpu.memory_space<vmem_shared>> -> memref<128x128xf32, #tpu.memory_space<vmem_shared>>
      %dma_wait3A_103 = arith.constant 0 : i32
      %dma_wait3A_104 = tpu.memref_slice %arg10[%add3A_17, %dma_wait3A_103] : memref<10240x128xf32, #tpu.memory_space<vmem_shared>> -> memref<128x128xf32, #tpu.memory_space<vmem_shared>>
      tpu.wait_dma2 semaphore(%run_scoped3A : memref<!tpu.dma_semaphore, #tpu.memory_space<semaphore_mem>>) src(%arg8 : memref<128x128xf32, #tpu.memory_space<vmem>>) dst(%dma_wait3A_104 : memref<128x128xf32, #tpu.memory_space<vmem_shared>>)
      tpu.yield
    }) : () -> ()
    %add3A_18 = arith.constant 512 : i32
    %add3A_19 = arith.addi %mul3A_0, %add3A_18 : i32
    "tpu.region"() ({
      %run_scoped3A = tpu.sem_alloc : memref<!tpu.dma_semaphore, #tpu.memory_space<semaphore_mem>>
      %dma_start3A_98 = arith.constant 0 : i32
      %dma_start3A_99 = tpu.memref_slice %arg10[%add3A_19, %dma_start3A_98] : memref<10240x128xf32, #tpu.memory_space<vmem_shared>> -> memref<128x128xf32, #tpu.memory_space<vmem_shared>>
      %dma_start3A_100 = arith.constant 0 : i32
      %dma_start3A_101 = tpu.memref_slice %arg10[%add3A_19, %dma_start3A_100] : memref<10240x128xf32, #tpu.memory_space<vmem_shared>> -> memref<128x128xf32, #tpu.memory_space<vmem_shared>>
      tpu.enqueue_dma source(%arg8 : memref<128x128xf32, #tpu.memory_space<vmem>>) target(%dma_start3A_101 : memref<128x128xf32, #tpu.memory_space<vmem_shared>>) target_semaphore(%run_scoped3A : memref<!tpu.dma_semaphore, #tpu.memory_space<semaphore_mem>>)
      %dma_wait3A = arith.constant 0 : i32
      %dma_wait3A_102 = tpu.memref_slice %arg10[%add3A_19, %dma_wait3A] : memref<10240x128xf32, #tpu.memory_space<vmem_shared>> -> memref<128x128xf32, #tpu.memory_space<vmem_shared>>
      %dma_wait3A_103 = arith.constant 0 : i32
      %dma_wait3A_104 = tpu.memref_slice %arg10[%add3A_19, %dma_wait3A_103] : memref<10240x128xf32, #tpu.memory_space<vmem_shared>> -> memref<128x128xf32, #tpu.memory_space<vmem_shared>>
      tpu.wait_dma2 semaphore(%run_scoped3A : memref<!tpu.dma_semaphore, #tpu.memory_space<semaphore_mem>>) src(%arg8 : memref<128x128xf32, #tpu.memory_space<vmem>>) dst(%dma_wait3A_104 : memref<128x128xf32, #tpu.memory_space<vmem_shared>>)
      tpu.yield
    }) : () -> ()
    %barrier3A = arith.constant 0 : index
    tpu.barrier barrier_id(%barrier3A)
    %mul3A_20 = arith.constant 80 : i32
    %mul3A_21 = arith.muli %arg1, %mul3A_20 : i32
    %add3A_22 = arith.constant 0 : i32
    %add3A_23 = arith.addi %mul3A_21, %add3A_22 : i32
    "tpu.region"() ({
      %run_scoped3A = tpu.sem_alloc : memref<!tpu.dma_semaphore, #tpu.memory_space<semaphore_mem>>
      %dma_start3A_98 = arith.constant 0 : i32
      %dma_start3A_99 = tpu.memref_slice %arg3[%add3A_23, %dma_start3A_98] : memref<1280x128xi32, #tpu.memory_space<hbm>> -> memref<40x128xi32, #tpu.memory_space<hbm>>
      %dma_start3A_100 = arith.constant 0 : i32
      %dma_start3A_101 = tpu.memref_slice %arg3[%add3A_23, %dma_start3A_100] : memref<1280x128xi32, #tpu.memory_space<hbm>> -> memref<40x128xi32, #tpu.memory_space<hbm>>
      tpu.enqueue_dma source(%dma_start3A_101 : memref<40x128xi32, #tpu.memory_space<hbm>>) target(%arg6 : memref<40x128xi32, #tpu.memory_space<vmem>>) target_semaphore(%run_scoped3A : memref<!tpu.dma_semaphore, #tpu.memory_space<semaphore_mem>>)
      %dma_wait3A = arith.constant 0 : i32
      %dma_wait3A_102 = tpu.memref_slice %arg3[%add3A_23, %dma_wait3A] : memref<1280x128xi32, #tpu.memory_space<hbm>> -> memref<40x128xi32, #tpu.memory_space<hbm>>
      %dma_wait3A_103 = arith.constant 0 : i32
      %dma_wait3A_104 = tpu.memref_slice %arg3[%add3A_23, %dma_wait3A_103] : memref<1280x128xi32, #tpu.memory_space<hbm>> -> memref<40x128xi32, #tpu.memory_space<hbm>>
      tpu.wait_dma2 semaphore(%run_scoped3A : memref<!tpu.dma_semaphore, #tpu.memory_space<semaphore_mem>>) src(%dma_wait3A_104 : memref<40x128xi32, #tpu.memory_space<hbm>>) dst(%arg6 : memref<40x128xi32, #tpu.memory_space<vmem>>)
      tpu.yield
    }) : () -> ()
    %scan3A_24 = arith.constant 0 : i32
    %scan3A_25 = arith.constant 40 : i32
    %scan3A_26 = arith.addi %scan3A_24, %scan3A_25 : i32
    %scan3A_27 = arith.constant 1 : i32
    scf.for %scan3A_98 = %scan3A_24 to %scan3A_26 step %scan3A_27  : i32 {
      %mul3A_99 = arith.constant 1 : i32
      %mul3A_100 = arith.muli %scan3A_98, %mul3A_99 : i32
      %add3A_101 = arith.constant 0 : i32
      %add3A_102 = arith.addi %add3A_101, %mul3A_100 : i32
      %scan3A_103 = arith.constant 0 : i32
      %scan3A_104 = arith.constant 8 : i32
      %scan3A_105 = arith.addi %scan3A_103, %scan3A_104 : i32
      %scan3A_106 = arith.constant 1 : i32
      scf.for %scan3A_108 = %scan3A_103 to %scan3A_105 step %scan3A_106  : i32 {
        %mul3A_109 = arith.constant 16 : i32
        %mul3A_110 = arith.muli %scan3A_108, %mul3A_109 : i32
        %add3A_111 = arith.constant 0 : i32
        %add3A_112 = arith.addi %add3A_111, %mul3A_110 : i32
        %get3A = arith.index_cast %add3A_102 : i32 to index
        %get3A_113 = arith.index_cast %add3A_112 : i32 to index
        %get3A_114 = tpu.vector_load %arg6[%get3A, %get3A_113] {strides = array<i32>} : memref<40x128xi32, #tpu.memory_space<vmem>>, vector<1x16xi32>,
        %get3A_115 = vector.shape_cast %get3A_114 : vector<1x16xi32> to vector<16xi32>
        %shift_right_arithmetic3A = arith.constant 14 : i32
        %shift_right_arithmetic3A_116 = vector.broadcast %shift_right_arithmetic3A : i32 to vector<16xi32>
        %shift_right_arithmetic3A_117 = arith.shrsi %get3A_115, %shift_right_arithmetic3A_116 : vector<16xi32>
        %add3A_118 = arith.constant 0 : i32
        %add3A_119 = arith.addi %add3A_118, %add3A_102 : i32
        %swap3A = arith.index_cast %add3A_119 : i32 to index
        %swap3A_120 = arith.index_cast %add3A_112 : i32 to index
        %swap3A_121 = tpu.vector_load %arg7[%swap3A, %swap3A_120] {strides = array<i32>} : memref<80x128xi32, #tpu.memory_space<vmem>>, vector<1x16xi32>,
        %swap3A_122 = vector.shape_cast %swap3A_121 : vector<1x16xi32> to vector<16xi32>
        %swap3A_123 = vector.shape_cast %shift_right_arithmetic3A_117 : vector<16xi32> to vector<1x16xi32>
        tpu.vector_store %arg7[%swap3A, %swap3A_120], %swap3A_123 {strides = array<i32>} : memref<80x128xi32, #tpu.memory_space<vmem>>, vector<1x16xi32>,
        %and3A = arith.constant 16383 : i32
        %and3A_124 = vector.broadcast %and3A : i32 to vector<16xi32>
        %and3A_125 = arith.andi %get3A_115, %and3A_124 : vector<16xi32>
        %swap3A_126 = arith.index_cast %add3A_102 : i32 to index
        %swap3A_127 = arith.index_cast %add3A_112 : i32 to index
        %swap3A_128 = tpu.vector_load %arg6[%swap3A_126, %swap3A_127] {strides = array<i32>} : memref<40x128xi32, #tpu.memory_space<vmem>>, vector<1x16xi32>,
        %swap3A_129 = vector.shape_cast %swap3A_128 : vector<1x16xi32> to vector<16xi32>
        %swap3A_130 = vector.shape_cast %and3A_125 : vector<16xi32> to vector<1x16xi32>
        tpu.vector_store %arg6[%swap3A_126, %swap3A_127], %swap3A_130 {strides = array<i32>} : memref<40x128xi32, #tpu.memory_space<vmem>>, vector<1x16xi32>,
      }
      %scan3A_107 = arith.constant 8 : i32
    }
    %scan3A_28 = arith.constant 40 : i32
    %dma_start3A = arith.constant 0 : i32
    %dma_start3A_29 = arith.constant 0 : i32
    %dma_start3A_30 = tpu.memref_slice %arg6[%dma_start3A, %dma_start3A_29] : memref<40x128xi32, #tpu.memory_space<vmem>> -> memref<1x128xi32, #tpu.memory_space<vmem>>
    %dma_start3A_31 = tpu.memref_squeeze %dma_start3A_30 : memref<1x128xi32, #tpu.memory_space<vmem>> -> memref<128xi32, #tpu.memory_space<vmem>>
    %dma_start3A_32 = arith.constant 0 : i32
    %dma_start3A_33 = tpu.memref_slice %arg2[%dma_start3A_32, %multiple_of3A] : memref<10000x256xf32, #tpu.memory_space<hbm>> -> memref<10000x128xf32, #tpu.memory_space<hbm>>
    %dma_start3A_34 = arith.constant 0 : i32
    %dma_start3A_35 = arith.constant 0 : i32
    %dma_start3A_36 = tpu.memref_slice %dma_start3A_33[%dma_start3A_34, %dma_start3A_35] : memref<10000x128xf32, #tpu.memory_space<hbm>> -> memref<10000x128xf32, #tpu.memory_space<hbm>>
    tpu.enqueue_indirect_dma source(%dma_start3A_36 : memref<10000x128xf32, #tpu.memory_space<hbm>>) target(%arg8 : memref<128x128xf32, #tpu.memory_space<vmem>>) offsets(%dma_start3A_31 : memref<128xi32, #tpu.memory_space<vmem>>) semaphore(%arg11 : memref<!tpu.dma_semaphore, #tpu.memory_space<semaphore_mem>>)
    %dma_start3A_37 = arith.constant 1 : i32
    %dma_start3A_38 = arith.constant 0 : i32
    %dma_start3A_39 = tpu.memref_slice %arg6[%dma_start3A_37, %dma_start3A_38] : memref<40x128xi32, #tpu.memory_space<vmem>> -> memref<1x128xi32, #tpu.memory_space<vmem>>
    %dma_start3A_40 = tpu.memref_squeeze %dma_start3A_39 : memref<1x128xi32, #tpu.memory_space<vmem>> -> memref<128xi32, #tpu.memory_space<vmem>>
    %dma_start3A_41 = arith.constant 0 : i32
    %dma_start3A_42 = tpu.memref_slice %arg2[%dma_start3A_41, %multiple_of3A] : memref<10000x256xf32, #tpu.memory_space<hbm>> -> memref<10000x128xf32, #tpu.memory_space<hbm>>
    %dma_start3A_43 = arith.constant 0 : i32
    %dma_start3A_44 = arith.constant 0 : i32
    %dma_start3A_45 = tpu.memref_slice %dma_start3A_42[%dma_start3A_43, %dma_start3A_44] : memref<10000x128xf32, #tpu.memory_space<hbm>> -> memref<10000x128xf32, #tpu.memory_space<hbm>>
    tpu.enqueue_indirect_dma source(%dma_start3A_45 : memref<10000x128xf32, #tpu.memory_space<hbm>>) target(%arg9 : memref<128x128xf32, #tpu.memory_space<vmem>>) offsets(%dma_start3A_40 : memref<128xi32, #tpu.memory_space<vmem>>) semaphore(%arg12 : memref<!tpu.dma_semaphore, #tpu.memory_space<semaphore_mem>>)
    %scan3A_46 = arith.constant 0 : i32
    %scan3A_47 = arith.constant 20 : i32
    %scan3A_48 = arith.addi %scan3A_46, %scan3A_47 : i32
    %scan3A_49 = arith.constant 1 : i32
    scf.for %scan3A_98 = %scan3A_46 to %scan3A_48 step %scan3A_49  : i32 {
      %mul3A_99 = arith.constant 2 : i32
      %mul3A_100 = arith.muli %scan3A_98, %mul3A_99 : i32
      %add3A_101 = arith.constant 0 : i32
      %add3A_102 = arith.addi %add3A_101, %mul3A_100 : i32
      %dma_wait3A = arith.constant 0 : i32
      %dma_wait3A_103 = tpu.memref_slice %arg6[%add3A_102, %dma_wait3A] : memref<40x128xi32, #tpu.memory_space<vmem>> -> memref<1x128xi32, #tpu.memory_space<vmem>>
      %dma_wait3A_104 = tpu.memref_squeeze %dma_wait3A_103 : memref<1x128xi32, #tpu.memory_space<vmem>> -> memref<128xi32, #tpu.memory_space<vmem>>
      %dma_wait3A_105 = arith.constant 0 : i32
      %dma_wait3A_106 = tpu.memref_slice %arg2[%dma_wait3A_105, %multiple_of3A] : memref<10000x256xf32, #tpu.memory_space<hbm>> -> memref<10000x128xf32, #tpu.memory_space<hbm>>
      %dma_wait3A_107 = arith.constant 0 : i32
      %dma_wait3A_108 = arith.constant 0 : i32
      %dma_wait3A_109 = tpu.memref_slice %dma_wait3A_106[%dma_wait3A_107, %dma_wait3A_108] : memref<10000x128xf32, #tpu.memory_space<hbm>> -> memref<10000x128xf32, #tpu.memory_space<hbm>>
      tpu.wait_indirect_dma semaphore(%arg11 : memref<!tpu.dma_semaphore, #tpu.memory_space<semaphore_mem>>) src(%dma_wait3A_109 : memref<10000x128xf32, #tpu.memory_space<hbm>>) dst(%arg8 : memref<128x128xf32, #tpu.memory_space<vmem>>)
      %add3A_110 = arith.constant 0 : i32
      %add3A_111 = arith.addi %add3A_110, %add3A_102 : i32
      "tpu.region"() ({
        %run_scoped3A = tpu.sem_alloc : memref<!tpu.dma_semaphore, #tpu.memory_space<semaphore_mem>>
        %dma_start3A_137 = arith.constant 0 : i32
        %dma_start3A_138 = tpu.memref_slice %arg7[%add3A_111, %dma_start3A_137] : memref<80x128xi32, #tpu.memory_space<vmem>> -> memref<1x128xi32, #tpu.memory_space<vmem>>
        %dma_start3A_139 = tpu.memref_squeeze %dma_start3A_138 : memref<1x128xi32, #tpu.memory_space<vmem>> -> memref<128xi32, #tpu.memory_space<vmem>>
        %dma_start3A_140 = arith.constant 0 : i32
        %dma_start3A_141 = arith.constant 0 : i32
        %dma_start3A_142 = tpu.memref_slice %arg10[%dma_start3A_140, %dma_start3A_141] : memref<10240x128xf32, #tpu.memory_space<vmem_shared>> -> memref<10240x128xf32, #tpu.memory_space<vmem_shared>>
        tpu.enqueue_indirect_dma source(%arg8 : memref<128x128xf32, #tpu.memory_space<vmem>>) target(%dma_start3A_142 : memref<10240x128xf32, #tpu.memory_space<vmem_shared>>) offsets(%dma_start3A_139 : memref<128xi32, #tpu.memory_space<vmem>>) semaphore(%run_scoped3A : memref<!tpu.dma_semaphore, #tpu.memory_space<semaphore_mem>>) {add = true}
        %dma_wait3A_143 = arith.constant 0 : i32
        %dma_wait3A_144 = tpu.memref_slice %arg7[%add3A_111, %dma_wait3A_143] : memref<80x128xi32, #tpu.memory_space<vmem>> -> memref<1x128xi32, #tpu.memory_space<vmem>>
        %dma_wait3A_145 = tpu.memref_squeeze %dma_wait3A_144 : memref<1x128xi32, #tpu.memory_space<vmem>> -> memref<128xi32, #tpu.memory_space<vmem>>
        %dma_wait3A_146 = arith.constant 0 : i32
        %dma_wait3A_147 = arith.constant 0 : i32
        %dma_wait3A_148 = tpu.memref_slice %arg10[%dma_wait3A_146, %dma_wait3A_147] : memref<10240x128xf32, #tpu.memory_space<vmem_shared>> -> memref<10240x128xf32, #tpu.memory_space<vmem_shared>>
        tpu.wait_indirect_dma semaphore(%run_scoped3A : memref<!tpu.dma_semaphore, #tpu.memory_space<semaphore_mem>>) src(%arg8 : memref<128x128xf32, #tpu.memory_space<vmem>>) dst(%dma_wait3A_148 : memref<10240x128xf32, #tpu.memory_space<vmem_shared>>)
        tpu.yield
      }) : () -> ()
      %add3A_112 = arith.constant 2 : i32
      %add3A_113 = arith.addi %add3A_102, %add3A_112 : i32
      %lt3A = arith.constant 40 : i32
      %lt3A_114 = arith.cmpi slt, %add3A_113, %lt3A : i32
      %convert_element_type3A = arith.extui %lt3A_114 : i1 to i32
      %cond3A = arith.constant 0 : i32
      %cond3A_115 = arith.cmpi ne, %convert_element_type3A, %cond3A : i32
      scf.if %cond3A_115 {
        %add3A_137 = arith.constant 2 : i32
        %add3A_138 = arith.addi %add3A_102, %add3A_137 : i32
        %dma_start3A_139 = arith.constant 0 : i32
        %dma_start3A_140 = tpu.memref_slice %arg6[%add3A_138, %dma_start3A_139] : memref<40x128xi32, #tpu.memory_space<vmem>> -> memref<1x128xi32, #tpu.memory_space<vmem>>
        %dma_start3A_141 = tpu.memref_squeeze %dma_start3A_140 : memref<1x128xi32, #tpu.memory_space<vmem>> -> memref<128xi32, #tpu.memory_space<vmem>>
        %dma_start3A_142 = arith.constant 0 : i32
        %dma_start3A_143 = tpu.memref_slice %arg2[%dma_start3A_142, %multiple_of3A] : memref<10000x256xf32, #tpu.memory_space<hbm>> -> memref<10000x128xf32, #tpu.memory_space<hbm>>
        %dma_start3A_144 = arith.constant 0 : i32
        %dma_start3A_145 = arith.constant 0 : i32
        %dma_start3A_146 = tpu.memref_slice %dma_start3A_143[%dma_start3A_144, %dma_start3A_145] : memref<10000x128xf32, #tpu.memory_space<hbm>> -> memref<10000x128xf32, #tpu.memory_space<hbm>>
        tpu.enqueue_indirect_dma source(%dma_start3A_146 : memref<10000x128xf32, #tpu.memory_space<hbm>>) target(%arg8 : memref<128x128xf32, #tpu.memory_space<vmem>>) offsets(%dma_start3A_141 : memref<128xi32, #tpu.memory_space<vmem>>) semaphore(%arg11 : memref<!tpu.dma_semaphore, #tpu.memory_space<semaphore_mem>>)
      } else {
      }
      %add3A_116 = arith.constant 1 : i32
      %add3A_117 = arith.addi %add3A_102, %add3A_116 : i32
      %dma_wait3A_118 = arith.constant 0 : i32
      %dma_wait3A_119 = tpu.memref_slice %arg6[%add3A_117, %dma_wait3A_118] : memref<40x128xi32, #tpu.memory_space<vmem>> -> memref<1x128xi32, #tpu.memory_space<vmem>>
      %dma_wait3A_120 = tpu.memref_squeeze %dma_wait3A_119 : memref<1x128xi32, #tpu.memory_space<vmem>> -> memref<128xi32, #tpu.memory_space<vmem>>
      %dma_wait3A_121 = arith.constant 0 : i32
      %dma_wait3A_122 = tpu.memref_slice %arg2[%dma_wait3A_121, %multiple_of3A] : memref<10000x256xf32, #tpu.memory_space<hbm>> -> memref<10000x128xf32, #tpu.memory_space<hbm>>
      %dma_wait3A_123 = arith.constant 0 : i32
      %dma_wait3A_124 = arith.constant 0 : i32
      %dma_wait3A_125 = tpu.memref_slice %dma_wait3A_122[%dma_wait3A_123, %dma_wait3A_124] : memref<10000x128xf32, #tpu.memory_space<hbm>> -> memref<10000x128xf32, #tpu.memory_space<hbm>>
      tpu.wait_indirect_dma semaphore(%arg12 : memref<!tpu.dma_semaphore, #tpu.memory_space<semaphore_mem>>) src(%dma_wait3A_125 : memref<10000x128xf32, #tpu.memory_space<hbm>>) dst(%arg9 : memref<128x128xf32, #tpu.memory_space<vmem>>)
      %add3A_126 = arith.constant 0 : i32
      %add3A_127 = arith.addi %add3A_126, %add3A_102 : i32
      %add3A_128 = arith.constant 1 : i32
      %add3A_129 = arith.addi %add3A_127, %add3A_128 : i32
      "tpu.region"() ({
        %run_scoped3A = tpu.sem_alloc : memref<!tpu.dma_semaphore, #tpu.memory_space<semaphore_mem>>
        %dma_start3A_137 = arith.constant 0 : i32
        %dma_start3A_138 = tpu.memref_slice %arg7[%add3A_129, %dma_start3A_137] : memref<80x128xi32, #tpu.memory_space<vmem>> -> memref<1x128xi32, #tpu.memory_space<vmem>>
        %dma_start3A_139 = tpu.memref_squeeze %dma_start3A_138 : memref<1x128xi32, #tpu.memory_space<vmem>> -> memref<128xi32, #tpu.memory_space<vmem>>
        %dma_start3A_140 = arith.constant 0 : i32
        %dma_start3A_141 = arith.constant 0 : i32
        %dma_start3A_142 = tpu.memref_slice %arg10[%dma_start3A_140, %dma_start3A_141] : memref<10240x128xf32, #tpu.memory_space<vmem_shared>> -> memref<10240x128xf32, #tpu.memory_space<vmem_shared>>
        tpu.enqueue_indirect_dma source(%arg9 : memref<128x128xf32, #tpu.memory_space<vmem>>) target(%dma_start3A_142 : memref<10240x128xf32, #tpu.memory_space<vmem_shared>>) offsets(%dma_start3A_139 : memref<128xi32, #tpu.memory_space<vmem>>) semaphore(%run_scoped3A : memref<!tpu.dma_semaphore, #tpu.memory_space<semaphore_mem>>) {add = true}
        %dma_wait3A_143 = arith.constant 0 : i32
        %dma_wait3A_144 = tpu.memref_slice %arg7[%add3A_129, %dma_wait3A_143] : memref<80x128xi32, #tpu.memory_space<vmem>> -> memref<1x128xi32, #tpu.memory_space<vmem>>
        %dma_wait3A_145 = tpu.memref_squeeze %dma_wait3A_144 : memref<1x128xi32, #tpu.memory_space<vmem>> -> memref<128xi32, #tpu.memory_space<vmem>>
        %dma_wait3A_146 = arith.constant 0 : i32
        %dma_wait3A_147 = arith.constant 0 : i32
        %dma_wait3A_148 = tpu.memref_slice %arg10[%dma_wait3A_146, %dma_wait3A_147] : memref<10240x128xf32, #tpu.memory_space<vmem_shared>> -> memref<10240x128xf32, #tpu.memory_space<vmem_shared>>
        tpu.wait_indirect_dma semaphore(%run_scoped3A : memref<!tpu.dma_semaphore, #tpu.memory_space<semaphore_mem>>) src(%arg9 : memref<128x128xf32, #tpu.memory_space<vmem>>) dst(%dma_wait3A_148 : memref<10240x128xf32, #tpu.memory_space<vmem_shared>>)
        tpu.yield
      }) : () -> ()
      %add3A_130 = arith.constant 3 : i32
      %add3A_131 = arith.addi %add3A_102, %add3A_130 : i32
      %lt3A_132 = arith.constant 40 : i32
      %lt3A_133 = arith.cmpi slt, %add3A_131, %lt3A_132 : i32
      %convert_element_type3A_134 = arith.extui %lt3A_133 : i1 to i32
      %cond3A_135 = arith.constant 0 : i32
      %cond3A_136 = arith.cmpi ne, %convert_element_type3A_134, %cond3A_135 : i32
      scf.if %cond3A_136 {
        %add3A_137 = arith.constant 3 : i32
        %add3A_138 = arith.addi %add3A_102, %add3A_137 : i32
        %dma_start3A_139 = arith.constant 0 : i32
        %dma_start3A_140 = tpu.memref_slice %arg6[%add3A_138, %dma_start3A_139] : memref<40x128xi32, #tpu.memory_space<vmem>> -> memref<1x128xi32, #tpu.memory_space<vmem>>
        %dma_start3A_141 = tpu.memref_squeeze %dma_start3A_140 : memref<1x128xi32, #tpu.memory_space<vmem>> -> memref<128xi32, #tpu.memory_space<vmem>>
        %dma_start3A_142 = arith.constant 0 : i32
        %dma_start3A_143 = tpu.memref_slice %arg2[%dma_start3A_142, %multiple_of3A] : memref<10000x256xf32, #tpu.memory_space<hbm>> -> memref<10000x128xf32, #tpu.memory_space<hbm>>
        %dma_start3A_144 = arith.constant 0 : i32
        %dma_start3A_145 = arith.constant 0 : i32
        %dma_start3A_146 = tpu.memref_slice %dma_start3A_143[%dma_start3A_144, %dma_start3A_145] : memref<10000x128xf32, #tpu.memory_space<hbm>> -> memref<10000x128xf32, #tpu.memory_space<hbm>>
        tpu.enqueue_indirect_dma source(%dma_start3A_146 : memref<10000x128xf32, #tpu.memory_space<hbm>>) target(%arg9 : memref<128x128xf32, #tpu.memory_space<vmem>>) offsets(%dma_start3A_141 : memref<128xi32, #tpu.memory_space<vmem>>) semaphore(%arg12 : memref<!tpu.dma_semaphore, #tpu.memory_space<semaphore_mem>>)
      } else {
      }
    }
    %scan3A_50 = arith.constant 20 : i32
    %mul3A_51 = arith.constant 80 : i32
    %mul3A_52 = arith.muli %arg1, %mul3A_51 : i32
    %add3A_53 = arith.constant 40 : i32
    %add3A_54 = arith.addi %mul3A_52, %add3A_53 : i32
    "tpu.region"() ({
      %run_scoped3A = tpu.sem_alloc : memref<!tpu.dma_semaphore, #tpu.memory_space<semaphore_mem>>
      %dma_start3A_98 = arith.constant 0 : i32
      %dma_start3A_99 = tpu.memref_slice %arg3[%add3A_54, %dma_start3A_98] : memref<1280x128xi32, #tpu.memory_space<hbm>> -> memref<40x128xi32, #tpu.memory_space<hbm>>
      %dma_start3A_100 = arith.constant 0 : i32
      %dma_start3A_101 = tpu.memref_slice %arg3[%add3A_54, %dma_start3A_100] : memref<1280x128xi32, #tpu.memory_space<hbm>> -> memref<40x128xi32, #tpu.memory_space<hbm>>
      tpu.enqueue_dma source(%dma_start3A_101 : memref<40x128xi32, #tpu.memory_space<hbm>>) target(%arg6 : memref<40x128xi32, #tpu.memory_space<vmem>>) target_semaphore(%run_scoped3A : memref<!tpu.dma_semaphore, #tpu.memory_space<semaphore_mem>>)
      %dma_wait3A = arith.constant 0 : i32
      %dma_wait3A_102 = tpu.memref_slice %arg3[%add3A_54, %dma_wait3A] : memref<1280x128xi32, #tpu.memory_space<hbm>> -> memref<40x128xi32, #tpu.memory_space<hbm>>
      %dma_wait3A_103 = arith.constant 0 : i32
      %dma_wait3A_104 = tpu.memref_slice %arg3[%add3A_54, %dma_wait3A_103] : memref<1280x128xi32, #tpu.memory_space<hbm>> -> memref<40x128xi32, #tpu.memory_space<hbm>>
      tpu.wait_dma2 semaphore(%run_scoped3A : memref<!tpu.dma_semaphore, #tpu.memory_space<semaphore_mem>>) src(%dma_wait3A_104 : memref<40x128xi32, #tpu.memory_space<hbm>>) dst(%arg6 : memref<40x128xi32, #tpu.memory_space<vmem>>)
      tpu.yield
    }) : () -> ()
    %scan3A_55 = arith.constant 0 : i32
    %scan3A_56 = arith.constant 40 : i32
    %scan3A_57 = arith.addi %scan3A_55, %scan3A_56 : i32
    %scan3A_58 = arith.constant 1 : i32
    scf.for %scan3A_98 = %scan3A_55 to %scan3A_57 step %scan3A_58  : i32 {
      %mul3A_99 = arith.constant 1 : i32
      %mul3A_100 = arith.muli %scan3A_98, %mul3A_99 : i32
      %add3A_101 = arith.constant 0 : i32
      %add3A_102 = arith.addi %add3A_101, %mul3A_100 : i32
      %scan3A_103 = arith.constant 0 : i32
      %scan3A_104 = arith.constant 8 : i32
      %scan3A_105 = arith.addi %scan3A_103, %scan3A_104 : i32
      %scan3A_106 = arith.constant 1 : i32
      scf.for %scan3A_108 = %scan3A_103 to %scan3A_105 step %scan3A_106  : i32 {
        %mul3A_109 = arith.constant 16 : i32
        %mul3A_110 = arith.muli %scan3A_108, %mul3A_109 : i32
        %add3A_111 = arith.constant 0 : i32
        %add3A_112 = arith.addi %add3A_111, %mul3A_110 : i32
        %get3A = arith.index_cast %add3A_102 : i32 to index
        %get3A_113 = arith.index_cast %add3A_112 : i32 to index
        %get3A_114 = tpu.vector_load %arg6[%get3A, %get3A_113] {strides = array<i32>} : memref<40x128xi32, #tpu.memory_space<vmem>>, vector<1x16xi32>,
        %get3A_115 = vector.shape_cast %get3A_114 : vector<1x16xi32> to vector<16xi32>
        %shift_right_arithmetic3A = arith.constant 14 : i32
        %shift_right_arithmetic3A_116 = vector.broadcast %shift_right_arithmetic3A : i32 to vector<16xi32>
        %shift_right_arithmetic3A_117 = arith.shrsi %get3A_115, %shift_right_arithmetic3A_116 : vector<16xi32>
        %add3A_118 = arith.constant 40 : i32
        %add3A_119 = arith.addi %add3A_118, %add3A_102 : i32
        %swap3A = arith.index_cast %add3A_119 : i32 to index
        %swap3A_120 = arith.index_cast %add3A_112 : i32 to index
        %swap3A_121 = tpu.vector_load %arg7[%swap3A, %swap3A_120] {strides = array<i32>} : memref<80x128xi32, #tpu.memory_space<vmem>>, vector<1x16xi32>,
        %swap3A_122 = vector.shape_cast %swap3A_121 : vector<1x16xi32> to vector<16xi32>
        %swap3A_123 = vector.shape_cast %shift_right_arithmetic3A_117 : vector<16xi32> to vector<1x16xi32>
        tpu.vector_store %arg7[%swap3A, %swap3A_120], %swap3A_123 {strides = array<i32>} : memref<80x128xi32, #tpu.memory_space<vmem>>, vector<1x16xi32>,
        %and3A = arith.constant 16383 : i32
        %and3A_124 = vector.broadcast %and3A : i32 to vector<16xi32>
        %and3A_125 = arith.andi %get3A_115, %and3A_124 : vector<16xi32>
        %swap3A_126 = arith.index_cast %add3A_102 : i32 to index
        %swap3A_127 = arith.index_cast %add3A_112 : i32 to index
        %swap3A_128 = tpu.vector_load %arg6[%swap3A_126, %swap3A_127] {strides = array<i32>} : memref<40x128xi32, #tpu.memory_space<vmem>>, vector<1x16xi32>,
        %swap3A_129 = vector.shape_cast %swap3A_128 : vector<1x16xi32> to vector<16xi32>
        %swap3A_130 = vector.shape_cast %and3A_125 : vector<16xi32> to vector<1x16xi32>
        tpu.vector_store %arg6[%swap3A_126, %swap3A_127], %swap3A_130 {strides = array<i32>} : memref<40x128xi32, #tpu.memory_space<vmem>>, vector<1x16xi32>,
      }
      %scan3A_107 = arith.constant 8 : i32
    }
    %scan3A_59 = arith.constant 40 : i32
    %dma_start3A_60 = arith.constant 0 : i32
    %dma_start3A_61 = arith.constant 0 : i32
    %dma_start3A_62 = tpu.memref_slice %arg6[%dma_start3A_60, %dma_start3A_61] : memref<40x128xi32, #tpu.memory_space<vmem>> -> memref<1x128xi32, #tpu.memory_space<vmem>>
    %dma_start3A_63 = tpu.memref_squeeze %dma_start3A_62 : memref<1x128xi32, #tpu.memory_space<vmem>> -> memref<128xi32, #tpu.memory_space<vmem>>
    %dma_start3A_64 = arith.constant 0 : i32
    %dma_start3A_65 = tpu.memref_slice %arg2[%dma_start3A_64, %multiple_of3A] : memref<10000x256xf32, #tpu.memory_space<hbm>> -> memref<10000x128xf32, #tpu.memory_space<hbm>>
    %dma_start3A_66 = arith.constant 0 : i32
    %dma_start3A_67 = arith.constant 0 : i32
    %dma_start3A_68 = tpu.memref_slice %dma_start3A_65[%dma_start3A_66, %dma_start3A_67] : memref<10000x128xf32, #tpu.memory_space<hbm>> -> memref<10000x128xf32, #tpu.memory_space<hbm>>
    tpu.enqueue_indirect_dma source(%dma_start3A_68 : memref<10000x128xf32, #tpu.memory_space<hbm>>) target(%arg8 : memref<128x128xf32, #tpu.memory_space<vmem>>) offsets(%dma_start3A_63 : memref<128xi32, #tpu.memory_space<vmem>>) semaphore(%arg11 : memref<!tpu.dma_semaphore, #tpu.memory_space<semaphore_mem>>)
    %dma_start3A_69 = arith.constant 1 : i32
    %dma_start3A_70 = arith.constant 0 : i32
    %dma_start3A_71 = tpu.memref_slice %arg6[%dma_start3A_69, %dma_start3A_70] : memref<40x128xi32, #tpu.memory_space<vmem>> -> memref<1x128xi32, #tpu.memory_space<vmem>>
    %dma_start3A_72 = tpu.memref_squeeze %dma_start3A_71 : memref<1x128xi32, #tpu.memory_space<vmem>> -> memref<128xi32, #tpu.memory_space<vmem>>
    %dma_start3A_73 = arith.constant 0 : i32
    %dma_start3A_74 = tpu.memref_slice %arg2[%dma_start3A_73, %multiple_of3A] : memref<10000x256xf32, #tpu.memory_space<hbm>> -> memref<10000x128xf32, #tpu.memory_space<hbm>>
    %dma_start3A_75 = arith.constant 0 : i32
    %dma_start3A_76 = arith.constant 0 : i32
    %dma_start3A_77 = tpu.memref_slice %dma_start3A_74[%dma_start3A_75, %dma_start3A_76] : memref<10000x128xf32, #tpu.memory_space<hbm>> -> memref<10000x128xf32, #tpu.memory_space<hbm>>
    tpu.enqueue_indirect_dma source(%dma_start3A_77 : memref<10000x128xf32, #tpu.memory_space<hbm>>) target(%arg9 : memref<128x128xf32, #tpu.memory_space<vmem>>) offsets(%dma_start3A_72 : memref<128xi32, #tpu.memory_space<vmem>>) semaphore(%arg12 : memref<!tpu.dma_semaphore, #tpu.memory_space<semaphore_mem>>)
    %scan3A_78 = arith.constant 0 : i32
    %scan3A_79 = arith.constant 20 : i32
    %scan3A_80 = arith.addi %scan3A_78, %scan3A_79 : i32
    %scan3A_81 = arith.constant 1 : i32
    scf.for %scan3A_98 = %scan3A_78 to %scan3A_80 step %scan3A_81  : i32 {
      %mul3A_99 = arith.constant 2 : i32
      %mul3A_100 = arith.muli %scan3A_98, %mul3A_99 : i32
      %add3A_101 = arith.constant 0 : i32
      %add3A_102 = arith.addi %add3A_101, %mul3A_100 : i32
      %dma_wait3A = arith.constant 0 : i32
      %dma_wait3A_103 = tpu.memref_slice %arg6[%add3A_102, %dma_wait3A] : memref<40x128xi32, #tpu.memory_space<vmem>> -> memref<1x128xi32, #tpu.memory_space<vmem>>
      %dma_wait3A_104 = tpu.memref_squeeze %dma_wait3A_103 : memref<1x128xi32, #tpu.memory_space<vmem>> -> memref<128xi32, #tpu.memory_space<vmem>>
      %dma_wait3A_105 = arith.constant 0 : i32
      %dma_wait3A_106 = tpu.memref_slice %arg2[%dma_wait3A_105, %multiple_of3A] : memref<10000x256xf32, #tpu.memory_space<hbm>> -> memref<10000x128xf32, #tpu.memory_space<hbm>>
      %dma_wait3A_107 = arith.constant 0 : i32
      %dma_wait3A_108 = arith.constant 0 : i32
      %dma_wait3A_109 = tpu.memref_slice %dma_wait3A_106[%dma_wait3A_107, %dma_wait3A_108] : memref<10000x128xf32, #tpu.memory_space<hbm>> -> memref<10000x128xf32, #tpu.memory_space<hbm>>
      tpu.wait_indirect_dma semaphore(%arg11 : memref<!tpu.dma_semaphore, #tpu.memory_space<semaphore_mem>>) src(%dma_wait3A_109 : memref<10000x128xf32, #tpu.memory_space<hbm>>) dst(%arg8 : memref<128x128xf32, #tpu.memory_space<vmem>>)
      %add3A_110 = arith.constant 40 : i32
      %add3A_111 = arith.addi %add3A_110, %add3A_102 : i32
      "tpu.region"() ({
        %run_scoped3A = tpu.sem_alloc : memref<!tpu.dma_semaphore, #tpu.memory_space<semaphore_mem>>
        %dma_start3A_137 = arith.constant 0 : i32
        %dma_start3A_138 = tpu.memref_slice %arg7[%add3A_111, %dma_start3A_137] : memref<80x128xi32, #tpu.memory_space<vmem>> -> memref<1x128xi32, #tpu.memory_space<vmem>>
        %dma_start3A_139 = tpu.memref_squeeze %dma_start3A_138 : memref<1x128xi32, #tpu.memory_space<vmem>> -> memref<128xi32, #tpu.memory_space<vmem>>
        %dma_start3A_140 = arith.constant 0 : i32
        %dma_start3A_141 = arith.constant 0 : i32
        %dma_start3A_142 = tpu.memref_slice %arg10[%dma_start3A_140, %dma_start3A_141] : memref<10240x128xf32, #tpu.memory_space<vmem_shared>> -> memref<10240x128xf32, #tpu.memory_space<vmem_shared>>
        tpu.enqueue_indirect_dma source(%arg8 : memref<128x128xf32, #tpu.memory_space<vmem>>) target(%dma_start3A_142 : memref<10240x128xf32, #tpu.memory_space<vmem_shared>>) offsets(%dma_start3A_139 : memref<128xi32, #tpu.memory_space<vmem>>) semaphore(%run_scoped3A : memref<!tpu.dma_semaphore, #tpu.memory_space<semaphore_mem>>) {add = true}
        %dma_wait3A_143 = arith.constant 0 : i32
        %dma_wait3A_144 = tpu.memref_slice %arg7[%add3A_111, %dma_wait3A_143] : memref<80x128xi32, #tpu.memory_space<vmem>> -> memref<1x128xi32, #tpu.memory_space<vmem>>
        %dma_wait3A_145 = tpu.memref_squeeze %dma_wait3A_144 : memref<1x128xi32, #tpu.memory_space<vmem>> -> memref<128xi32, #tpu.memory_space<vmem>>
        %dma_wait3A_146 = arith.constant 0 : i32
        %dma_wait3A_147 = arith.constant 0 : i32
        %dma_wait3A_148 = tpu.memref_slice %arg10[%dma_wait3A_146, %dma_wait3A_147] : memref<10240x128xf32, #tpu.memory_space<vmem_shared>> -> memref<10240x128xf32, #tpu.memory_space<vmem_shared>>
        tpu.wait_indirect_dma semaphore(%run_scoped3A : memref<!tpu.dma_semaphore, #tpu.memory_space<semaphore_mem>>) src(%arg8 : memref<128x128xf32, #tpu.memory_space<vmem>>) dst(%dma_wait3A_148 : memref<10240x128xf32, #tpu.memory_space<vmem_shared>>)
        tpu.yield
      }) : () -> ()
      %add3A_112 = arith.constant 2 : i32
      %add3A_113 = arith.addi %add3A_102, %add3A_112 : i32
      %lt3A = arith.constant 40 : i32
      %lt3A_114 = arith.cmpi slt, %add3A_113, %lt3A : i32
      %convert_element_type3A = arith.extui %lt3A_114 : i1 to i32
      %cond3A = arith.constant 0 : i32
      %cond3A_115 = arith.cmpi ne, %convert_element_type3A, %cond3A : i32
      scf.if %cond3A_115 {
        %add3A_137 = arith.constant 2 : i32
        %add3A_138 = arith.addi %add3A_102, %add3A_137 : i32
        %dma_start3A_139 = arith.constant 0 : i32
        %dma_start3A_140 = tpu.memref_slice %arg6[%add3A_138, %dma_start3A_139] : memref<40x128xi32, #tpu.memory_space<vmem>> -> memref<1x128xi32, #tpu.memory_space<vmem>>
        %dma_start3A_141 = tpu.memref_squeeze %dma_start3A_140 : memref<1x128xi32, #tpu.memory_space<vmem>> -> memref<128xi32, #tpu.memory_space<vmem>>
        %dma_start3A_142 = arith.constant 0 : i32
        %dma_start3A_143 = tpu.memref_slice %arg2[%dma_start3A_142, %multiple_of3A] : memref<10000x256xf32, #tpu.memory_space<hbm>> -> memref<10000x128xf32, #tpu.memory_space<hbm>>
        %dma_start3A_144 = arith.constant 0 : i32
        %dma_start3A_145 = arith.constant 0 : i32
        %dma_start3A_146 = tpu.memref_slice %dma_start3A_143[%dma_start3A_144, %dma_start3A_145] : memref<10000x128xf32, #tpu.memory_space<hbm>> -> memref<10000x128xf32, #tpu.memory_space<hbm>>
        tpu.enqueue_indirect_dma source(%dma_start3A_146 : memref<10000x128xf32, #tpu.memory_space<hbm>>) target(%arg8 : memref<128x128xf32, #tpu.memory_space<vmem>>) offsets(%dma_start3A_141 : memref<128xi32, #tpu.memory_space<vmem>>) semaphore(%arg11 : memref<!tpu.dma_semaphore, #tpu.memory_space<semaphore_mem>>)
      } else {
      }
      %add3A_116 = arith.constant 1 : i32
      %add3A_117 = arith.addi %add3A_102, %add3A_116 : i32
      %dma_wait3A_118 = arith.constant 0 : i32
      %dma_wait3A_119 = tpu.memref_slice %arg6[%add3A_117, %dma_wait3A_118] : memref<40x128xi32, #tpu.memory_space<vmem>> -> memref<1x128xi32, #tpu.memory_space<vmem>>
      %dma_wait3A_120 = tpu.memref_squeeze %dma_wait3A_119 : memref<1x128xi32, #tpu.memory_space<vmem>> -> memref<128xi32, #tpu.memory_space<vmem>>
      %dma_wait3A_121 = arith.constant 0 : i32
      %dma_wait3A_122 = tpu.memref_slice %arg2[%dma_wait3A_121, %multiple_of3A] : memref<10000x256xf32, #tpu.memory_space<hbm>> -> memref<10000x128xf32, #tpu.memory_space<hbm>>
      %dma_wait3A_123 = arith.constant 0 : i32
      %dma_wait3A_124 = arith.constant 0 : i32
      %dma_wait3A_125 = tpu.memref_slice %dma_wait3A_122[%dma_wait3A_123, %dma_wait3A_124] : memref<10000x128xf32, #tpu.memory_space<hbm>> -> memref<10000x128xf32, #tpu.memory_space<hbm>>
      tpu.wait_indirect_dma semaphore(%arg12 : memref<!tpu.dma_semaphore, #tpu.memory_space<semaphore_mem>>) src(%dma_wait3A_125 : memref<10000x128xf32, #tpu.memory_space<hbm>>) dst(%arg9 : memref<128x128xf32, #tpu.memory_space<vmem>>)
      %add3A_126 = arith.constant 40 : i32
      %add3A_127 = arith.addi %add3A_126, %add3A_102 : i32
      %add3A_128 = arith.constant 1 : i32
      %add3A_129 = arith.addi %add3A_127, %add3A_128 : i32
      "tpu.region"() ({
        %run_scoped3A = tpu.sem_alloc : memref<!tpu.dma_semaphore, #tpu.memory_space<semaphore_mem>>
        %dma_start3A_137 = arith.constant 0 : i32
        %dma_start3A_138 = tpu.memref_slice %arg7[%add3A_129, %dma_start3A_137] : memref<80x128xi32, #tpu.memory_space<vmem>> -> memref<1x128xi32, #tpu.memory_space<vmem>>
        %dma_start3A_139 = tpu.memref_squeeze %dma_start3A_138 : memref<1x128xi32, #tpu.memory_space<vmem>> -> memref<128xi32, #tpu.memory_space<vmem>>
        %dma_start3A_140 = arith.constant 0 : i32
        %dma_start3A_141 = arith.constant 0 : i32
        %dma_start3A_142 = tpu.memref_slice %arg10[%dma_start3A_140, %dma_start3A_141] : memref<10240x128xf32, #tpu.memory_space<vmem_shared>> -> memref<10240x128xf32, #tpu.memory_space<vmem_shared>>
        tpu.enqueue_indirect_dma source(%arg9 : memref<128x128xf32, #tpu.memory_space<vmem>>) target(%dma_start3A_142 : memref<10240x128xf32, #tpu.memory_space<vmem_shared>>) offsets(%dma_start3A_139 : memref<128xi32, #tpu.memory_space<vmem>>) semaphore(%run_scoped3A : memref<!tpu.dma_semaphore, #tpu.memory_space<semaphore_mem>>) {add = true}
        %dma_wait3A_143 = arith.constant 0 : i32
        %dma_wait3A_144 = tpu.memref_slice %arg7[%add3A_129, %dma_wait3A_143] : memref<80x128xi32, #tpu.memory_space<vmem>> -> memref<1x128xi32, #tpu.memory_space<vmem>>
        %dma_wait3A_145 = tpu.memref_squeeze %dma_wait3A_144 : memref<1x128xi32, #tpu.memory_space<vmem>> -> memref<128xi32, #tpu.memory_space<vmem>>
        %dma_wait3A_146 = arith.constant 0 : i32
        %dma_wait3A_147 = arith.constant 0 : i32
        %dma_wait3A_148 = tpu.memref_slice %arg10[%dma_wait3A_146, %dma_wait3A_147] : memref<10240x128xf32, #tpu.memory_space<vmem_shared>> -> memref<10240x128xf32, #tpu.memory_space<vmem_shared>>
        tpu.wait_indirect_dma semaphore(%run_scoped3A : memref<!tpu.dma_semaphore, #tpu.memory_space<semaphore_mem>>) src(%arg9 : memref<128x128xf32, #tpu.memory_space<vmem>>) dst(%dma_wait3A_148 : memref<10240x128xf32, #tpu.memory_space<vmem_shared>>)
        tpu.yield
      }) : () -> ()
      %add3A_130 = arith.constant 3 : i32
      %add3A_131 = arith.addi %add3A_102, %add3A_130 : i32
      %lt3A_132 = arith.constant 40 : i32
      %lt3A_133 = arith.cmpi slt, %add3A_131, %lt3A_132 : i32
      %convert_element_type3A_134 = arith.extui %lt3A_133 : i1 to i32
      %cond3A_135 = arith.constant 0 : i32
      %cond3A_136 = arith.cmpi ne, %convert_element_type3A_134, %cond3A_135 : i32
      scf.if %cond3A_136 {
        %add3A_137 = arith.constant 3 : i32
        %add3A_138 = arith.addi %add3A_102, %add3A_137 : i32
        %dma_start3A_139 = arith.constant 0 : i32
        %dma_start3A_140 = tpu.memref_slice %arg6[%add3A_138, %dma_start3A_139] : memref<40x128xi32, #tpu.memory_space<vmem>> -> memref<1x128xi32, #tpu.memory_space<vmem>>
        %dma_start3A_141 = tpu.memref_squeeze %dma_start3A_140 : memref<1x128xi32, #tpu.memory_space<vmem>> -> memref<128xi32, #tpu.memory_space<vmem>>
        %dma_start3A_142 = arith.constant 0 : i32
        %dma_start3A_143 = tpu.memref_slice %arg2[%dma_start3A_142, %multiple_of3A] : memref<10000x256xf32, #tpu.memory_space<hbm>> -> memref<10000x128xf32, #tpu.memory_space<hbm>>
        %dma_start3A_144 = arith.constant 0 : i32
        %dma_start3A_145 = arith.constant 0 : i32
        %dma_start3A_146 = tpu.memref_slice %dma_start3A_143[%dma_start3A_144, %dma_start3A_145] : memref<10000x128xf32, #tpu.memory_space<hbm>> -> memref<10000x128xf32, #tpu.memory_space<hbm>>
        tpu.enqueue_indirect_dma source(%dma_start3A_146 : memref<10000x128xf32, #tpu.memory_space<hbm>>) target(%arg9 : memref<128x128xf32, #tpu.memory_space<vmem>>) offsets(%dma_start3A_141 : memref<128xi32, #tpu.memory_space<vmem>>) semaphore(%arg12 : memref<!tpu.dma_semaphore, #tpu.memory_space<semaphore_mem>>)
      } else {
      }
    }
    %scan3A_82 = arith.constant 20 : i32
    %barrier3A_83 = arith.constant 0 : index
    tpu.barrier barrier_id(%barrier3A_83)
    "tpu.region"() ({
      %run_scoped3A = tpu.sem_alloc : memref<!tpu.dma_semaphore, #tpu.memory_space<semaphore_mem>>
      %dma_start3A_98 = arith.constant 0 : i32
      %dma_start3A_99 = tpu.memref_slice %arg4[%add3A, %dma_start3A_98] : memref<20480x128xf32, #tpu.memory_space<hbm>> -> memref<640x128xf32, #tpu.memory_space<hbm>>
      %dma_start3A_100 = arith.constant 0 : i32
      %dma_start3A_101 = tpu.memref_slice %arg10[%mul3A_0, %dma_start3A_100] : memref<10240x128xf32, #tpu.memory_space<vmem_shared>> -> memref<640x128xf32, #tpu.memory_space<vmem_shared>>
      tpu.enqueue_dma source(%dma_start3A_101 : memref<640x128xf32, #tpu.memory_space<vmem_shared>>) target(%dma_start3A_99 : memref<640x128xf32, #tpu.memory_space<hbm>>) target_semaphore(%run_scoped3A : memref<!tpu.dma_semaphore, #tpu.memory_space<semaphore_mem>>)
      %dma_wait3A = arith.constant 0 : i32
      %dma_wait3A_102 = tpu.memref_slice %arg4[%add3A, %dma_wait3A] : memref<20480x128xf32, #tpu.memory_space<hbm>> -> memref<640x128xf32, #tpu.memory_space<hbm>>
      %dma_wait3A_103 = arith.constant 0 : i32
      %dma_wait3A_104 = tpu.memref_slice %arg10[%mul3A_0, %dma_wait3A_103] : memref<10240x128xf32, #tpu.memory_space<vmem_shared>> -> memref<640x128xf32, #tpu.memory_space<vmem_shared>>
      tpu.wait_dma2 semaphore(%run_scoped3A : memref<!tpu.dma_semaphore, #tpu.memory_space<semaphore_mem>>) src(%dma_wait3A_104 : memref<640x128xf32, #tpu.memory_space<vmem_shared>>) dst(%dma_wait3A_102 : memref<640x128xf32, #tpu.memory_space<hbm>>)
      tpu.yield
    }) : () -> ()
    %barrier3A_84 = arith.constant 0 : index
    tpu.barrier barrier_id(%barrier3A_84)
    %broadcast_in_dim3A_85 = arith.constant 1.000000e+00 : f32
    %broadcast_in_dim3A_86 = vector.broadcast %broadcast_in_dim3A_85 : f32 to vector<16xf32>
    %scan3A_87 = arith.constant 0 : i32
    %scan3A_88 = arith.constant 128 : i32
    %scan3A_89 = arith.addi %scan3A_87, %scan3A_88 : i32
    %scan3A_90 = arith.constant 1 : i32
    scf.for %scan3A_98 = %scan3A_87 to %scan3A_89 step %scan3A_90  : i32 {
      %mul3A_99 = arith.constant 1 : i32
      %mul3A_100 = arith.muli %scan3A_98, %mul3A_99 : i32
      %add3A_101 = arith.constant 0 : i32
      %add3A_102 = arith.addi %add3A_101, %mul3A_100 : i32
      %scan3A_103 = arith.constant 0 : i32
      %scan3A_104 = arith.constant 8 : i32
      %scan3A_105 = arith.addi %scan3A_103, %scan3A_104 : i32
      %scan3A_106 = arith.constant 1 : i32
      scf.for %scan3A_108 = %scan3A_103 to %scan3A_105 step %scan3A_106  : i32 {
        %mul3A_109 = arith.constant 16 : i32
        %mul3A_110 = arith.muli %scan3A_108, %mul3A_109 : i32
        %add3A_111 = arith.constant 0 : i32
        %add3A_112 = arith.addi %add3A_111, %mul3A_110 : i32
        %swap3A = arith.index_cast %add3A_102 : i32 to index
        %swap3A_113 = arith.index_cast %add3A_112 : i32 to index
        %swap3A_114 = tpu.vector_load %arg9[%swap3A, %swap3A_113] {strides = array<i32>} : memref<128x128xf32, #tpu.memory_space<vmem>>, vector<1x16xf32>,
        %swap3A_115 = vector.shape_cast %swap3A_114 : vector<1x16xf32> to vector<16xf32>
        %swap3A_116 = vector.shape_cast %broadcast_in_dim3A_86 : vector<16xf32> to vector<1x16xf32>
        tpu.vector_store %arg9[%swap3A, %swap3A_113], %swap3A_116 {strides = array<i32>} : memref<128x128xf32, #tpu.memory_space<vmem>>, vector<1x16xf32>,
      }
      %scan3A_107 = arith.constant 8 : i32
    }
    %scan3A_91 = arith.constant 128 : i32
    %scan3A_92 = arith.constant 0 : i32
    %scan3A_93 = arith.constant 10 : i32
    %scan3A_94 = arith.addi %scan3A_92, %scan3A_93 : i32
    %scan3A_95 = arith.constant 1 : i32
    scf.for %scan3A_98 = %scan3A_92 to %scan3A_94 step %scan3A_95  : i32 {
      %mul3A_99 = arith.constant 8 : i32
      %mul3A_100 = arith.muli %scan3A_98, %mul3A_99 : i32
      %add3A_101 = arith.constant 0 : i32
      %add3A_102 = arith.addi %add3A_101, %mul3A_100 : i32
      %add3A_103 = arith.constant 0 : i32
      %add3A_104 = arith.addi %add3A_102, %add3A_103 : i32
      %add3A_105 = arith.addi %add3A_104, %arg0 : i32
      %dma_start3A_106 = arith.constant 0 : i32
      %dma_start3A_107 = tpu.memref_slice %arg7[%add3A_105, %dma_start3A_106] : memref<80x128xi32, #tpu.memory_space<vmem>> -> memref<1x128xi32, #tpu.memory_space<vmem>>
      %dma_start3A_108 = tpu.memref_squeeze %dma_start3A_107 : memref<1x128xi32, #tpu.memory_space<vmem>> -> memref<128xi32, #tpu.memory_space<vmem>>
      %dma_start3A_109 = arith.constant 0 : i32
      %dma_start3A_110 = arith.constant 0 : i32
      %dma_start3A_111 = tpu.memref_slice %arg10[%dma_start3A_109, %dma_start3A_110] : memref<10240x128xf32, #tpu.memory_space<vmem_shared>> -> memref<10240x128xf32, #tpu.memory_space<vmem_shared>>
      tpu.enqueue_indirect_dma source(%arg9 : memref<128x128xf32, #tpu.memory_space<vmem>>) target(%dma_start3A_111 : memref<10240x128xf32, #tpu.memory_space<vmem_shared>>) offsets(%dma_start3A_108 : memref<128xi32, #tpu.memory_space<vmem>>) semaphore(%arg13 : memref<!tpu.dma_semaphore, #tpu.memory_space<semaphore_mem>>) {add = true}
      %add3A_112 = arith.constant 2 : i32
      %add3A_113 = arith.addi %add3A_102, %add3A_112 : i32
      %add3A_114 = arith.addi %add3A_113, %arg0 : i32
      %dma_start3A_115 = arith.constant 0 : i32
      %dma_start3A_116 = tpu.memref_slice %arg7[%add3A_114, %dma_start3A_115] : memref<80x128xi32, #tpu.memory_space<vmem>> -> memref<1x128xi32, #tpu.memory_space<vmem>>
      %dma_start3A_117 = tpu.memref_squeeze %dma_start3A_116 : memref<1x128xi32, #tpu.memory_space<vmem>> -> memref<128xi32, #tpu.memory_space<vmem>>
      %dma_start3A_118 = arith.constant 0 : i32
      %dma_start3A_119 = arith.constant 0 : i32
      %dma_start3A_120 = tpu.memref_slice %arg10[%dma_start3A_118, %dma_start3A_119] : memref<10240x128xf32, #tpu.memory_space<vmem_shared>> -> memref<10240x128xf32, #tpu.memory_space<vmem_shared>>
      tpu.enqueue_indirect_dma source(%arg9 : memref<128x128xf32, #tpu.memory_space<vmem>>) target(%dma_start3A_120 : memref<10240x128xf32, #tpu.memory_space<vmem_shared>>) offsets(%dma_start3A_117 : memref<128xi32, #tpu.memory_space<vmem>>) semaphore(%arg13 : memref<!tpu.dma_semaphore, #tpu.memory_space<semaphore_mem>>) {add = true}
      %add3A_121 = arith.constant 4 : i32
      %add3A_122 = arith.addi %add3A_102, %add3A_121 : i32
      %add3A_123 = arith.addi %add3A_122, %arg0 : i32
      %dma_start3A_124 = arith.constant 0 : i32
      %dma_start3A_125 = tpu.memref_slice %arg7[%add3A_123, %dma_start3A_124] : memref<80x128xi32, #tpu.memory_space<vmem>> -> memref<1x128xi32, #tpu.memory_space<vmem>>
      %dma_start3A_126 = tpu.memref_squeeze %dma_start3A_125 : memref<1x128xi32, #tpu.memory_space<vmem>> -> memref<128xi32, #tpu.memory_space<vmem>>
      %dma_start3A_127 = arith.constant 0 : i32
      %dma_start3A_128 = arith.constant 0 : i32
      %dma_start3A_129 = tpu.memref_slice %arg10[%dma_start3A_127, %dma_start3A_128] : memref<10240x128xf32, #tpu.memory_space<vmem_shared>> -> memref<10240x128xf32, #tpu.memory_space<vmem_shared>>
      tpu.enqueue_indirect_dma source(%arg9 : memref<128x128xf32, #tpu.memory_space<vmem>>) target(%dma_start3A_129 : memref<10240x128xf32, #tpu.memory_space<vmem_shared>>) offsets(%dma_start3A_126 : memref<128xi32, #tpu.memory_space<vmem>>) semaphore(%arg13 : memref<!tpu.dma_semaphore, #tpu.memory_space<semaphore_mem>>) {add = true}
      %add3A_130 = arith.constant 6 : i32
      %add3A_131 = arith.addi %add3A_102, %add3A_130 : i32
      %add3A_132 = arith.addi %add3A_131, %arg0 : i32
      %dma_start3A_133 = arith.constant 0 : i32
      %dma_start3A_134 = tpu.memref_slice %arg7[%add3A_132, %dma_start3A_133] : memref<80x128xi32, #tpu.memory_space<vmem>> -> memref<1x128xi32, #tpu.memory_space<vmem>>
      %dma_start3A_135 = tpu.memref_squeeze %dma_start3A_134 : memref<1x128xi32, #tpu.memory_space<vmem>> -> memref<128xi32, #tpu.memory_space<vmem>>
      %dma_start3A_136 = arith.constant 0 : i32
      %dma_start3A_137 = arith.constant 0 : i32
      %dma_start3A_138 = tpu.memref_slice %arg10[%dma_start3A_136, %dma_start3A_137] : memref<10240x128xf32, #tpu.memory_space<vmem_shared>> -> memref<10240x128xf32, #tpu.memory_space<vmem_shared>>
      tpu.enqueue_indirect_dma source(%arg9 : memref<128x128xf32, #tpu.memory_space<vmem>>) target(%dma_start3A_138 : memref<10240x128xf32, #tpu.memory_space<vmem_shared>>) offsets(%dma_start3A_135 : memref<128xi32, #tpu.memory_space<vmem>>) semaphore(%arg13 : memref<!tpu.dma_semaphore, #tpu.memory_space<semaphore_mem>>) {add = true}
      %add3A_139 = arith.constant 0 : i32
      %add3A_140 = arith.addi %add3A_102, %add3A_139 : i32
      %add3A_141 = arith.addi %add3A_140, %arg0 : i32
      %dma_wait3A = arith.constant 0 : i32
      %dma_wait3A_142 = tpu.memref_slice %arg7[%add3A_141, %dma_wait3A] : memref<80x128xi32, #tpu.memory_space<vmem>> -> memref<1x128xi32, #tpu.memory_space<vmem>>
      %dma_wait3A_143 = tpu.memref_squeeze %dma_wait3A_142 : memref<1x128xi32, #tpu.memory_space<vmem>> -> memref<128xi32, #tpu.memory_space<vmem>>
      %dma_wait3A_144 = arith.constant 0 : i32
      %dma_wait3A_145 = arith.constant 0 : i32
      %dma_wait3A_146 = tpu.memref_slice %arg10[%dma_wait3A_144, %dma_wait3A_145] : memref<10240x128xf32, #tpu.memory_space<vmem_shared>> -> memref<10240x128xf32, #tpu.memory_space<vmem_shared>>
      tpu.wait_indirect_dma semaphore(%arg13 : memref<!tpu.dma_semaphore, #tpu.memory_space<semaphore_mem>>) src(%arg9 : memref<128x128xf32, #tpu.memory_space<vmem>>) dst(%dma_wait3A_146 : memref<10240x128xf32, #tpu.memory_space<vmem_shared>>)
      %add3A_147 = arith.constant 2 : i32
      %add3A_148 = arith.addi %add3A_102, %add3A_147 : i32
      %add3A_149 = arith.addi %add3A_148, %arg0 : i32
      %dma_wait3A_150 = arith.constant 0 : i32
      %dma_wait3A_151 = tpu.memref_slice %arg7[%add3A_149, %dma_wait3A_150] : memref<80x128xi32, #tpu.memory_space<vmem>> -> memref<1x128xi32, #tpu.memory_space<vmem>>
      %dma_wait3A_152 = tpu.memref_squeeze %dma_wait3A_151 : memref<1x128xi32, #tpu.memory_space<vmem>> -> memref<128xi32, #tpu.memory_space<vmem>>
      %dma_wait3A_153 = arith.constant 0 : i32
      %dma_wait3A_154 = arith.constant 0 : i32
      %dma_wait3A_155 = tpu.memref_slice %arg10[%dma_wait3A_153, %dma_wait3A_154] : memref<10240x128xf32, #tpu.memory_space<vmem_shared>> -> memref<10240x128xf32, #tpu.memory_space<vmem_shared>>
      tpu.wait_indirect_dma semaphore(%arg13 : memref<!tpu.dma_semaphore, #tpu.memory_space<semaphore_mem>>) src(%arg9 : memref<128x128xf32, #tpu.memory_space<vmem>>) dst(%dma_wait3A_155 : memref<10240x128xf32, #tpu.memory_space<vmem_shared>>)
      %add3A_156 = arith.constant 4 : i32
      %add3A_157 = arith.addi %add3A_102, %add3A_156 : i32
      %add3A_158 = arith.addi %add3A_157, %arg0 : i32
      %dma_wait3A_159 = arith.constant 0 : i32
      %dma_wait3A_160 = tpu.memref_slice %arg7[%add3A_158, %dma_wait3A_159] : memref<80x128xi32, #tpu.memory_space<vmem>> -> memref<1x128xi32, #tpu.memory_space<vmem>>
      %dma_wait3A_161 = tpu.memref_squeeze %dma_wait3A_160 : memref<1x128xi32, #tpu.memory_space<vmem>> -> memref<128xi32, #tpu.memory_space<vmem>>
      %dma_wait3A_162 = arith.constant 0 : i32
      %dma_wait3A_163 = arith.constant 0 : i32
      %dma_wait3A_164 = tpu.memref_slice %arg10[%dma_wait3A_162, %dma_wait3A_163] : memref<10240x128xf32, #tpu.memory_space<vmem_shared>> -> memref<10240x128xf32, #tpu.memory_space<vmem_shared>>
      tpu.wait_indirect_dma semaphore(%arg13 : memref<!tpu.dma_semaphore, #tpu.memory_space<semaphore_mem>>) src(%arg9 : memref<128x128xf32, #tpu.memory_space<vmem>>) dst(%dma_wait3A_164 : memref<10240x128xf32, #tpu.memory_space<vmem_shared>>)
      %add3A_165 = arith.constant 6 : i32
      %add3A_166 = arith.addi %add3A_102, %add3A_165 : i32
      %add3A_167 = arith.addi %add3A_166, %arg0 : i32
      %dma_wait3A_168 = arith.constant 0 : i32
      %dma_wait3A_169 = tpu.memref_slice %arg7[%add3A_167, %dma_wait3A_168] : memref<80x128xi32, #tpu.memory_space<vmem>> -> memref<1x128xi32, #tpu.memory_space<vmem>>
      %dma_wait3A_170 = tpu.memref_squeeze %dma_wait3A_169 : memref<1x128xi32, #tpu.memory_space<vmem>> -> memref<128xi32, #tpu.memory_space<vmem>>
      %dma_wait3A_171 = arith.constant 0 : i32
      %dma_wait3A_172 = arith.constant 0 : i32
      %dma_wait3A_173 = tpu.memref_slice %arg10[%dma_wait3A_171, %dma_wait3A_172] : memref<10240x128xf32, #tpu.memory_space<vmem_shared>> -> memref<10240x128xf32, #tpu.memory_space<vmem_shared>>
      tpu.wait_indirect_dma semaphore(%arg13 : memref<!tpu.dma_semaphore, #tpu.memory_space<semaphore_mem>>) src(%arg9 : memref<128x128xf32, #tpu.memory_space<vmem>>) dst(%dma_wait3A_173 : memref<10240x128xf32, #tpu.memory_space<vmem_shared>>)
    }
    %scan3A_96 = arith.constant 10 : i32
    %barrier3A_97 = arith.constant 0 : index
    tpu.barrier barrier_id(%barrier3A_97)
    "tpu.region"() ({
      %run_scoped3A = tpu.sem_alloc : memref<!tpu.dma_semaphore, #tpu.memory_space<semaphore_mem>>
      %dma_start3A_98 = arith.constant 0 : i32
      %dma_start3A_99 = tpu.memref_slice %arg5[%add3A, %dma_start3A_98] : memref<20480x128xf32, #tpu.memory_space<hbm>> -> memref<640x128xf32, #tpu.memory_space<hbm>>
      %dma_start3A_100 = arith.constant 0 : i32
      %dma_start3A_101 = tpu.memref_slice %arg10[%mul3A_0, %dma_start3A_100] : memref<10240x128xf32, #tpu.memory_space<vmem_shared>> -> memref<640x128xf32, #tpu.memory_space<vmem_shared>>
      tpu.enqueue_dma source(%dma_start3A_101 : memref<640x128xf32, #tpu.memory_space<vmem_shared>>) target(%dma_start3A_99 : memref<640x128xf32, #tpu.memory_space<hbm>>) target_semaphore(%run_scoped3A : memref<!tpu.dma_semaphore, #tpu.memory_space<semaphore_mem>>)
      %dma_wait3A = arith.constant 0 : i32
      %dma_wait3A_102 = tpu.memref_slice %arg5[%add3A, %dma_wait3A] : memref<20480x128xf32, #tpu.memory_space<hbm>> -> memref<640x128xf32, #tpu.memory_space<hbm>>
      %dma_wait3A_103 = arith.constant 0 : i32
      %dma_wait3A_104 = tpu.memref_slice %arg10[%mul3A_0, %dma_wait3A_103] : memref<10240x128xf32, #tpu.memory_space<vmem_shared>> -> memref<640x128xf32, #tpu.memory_space<vmem_shared>>
      tpu.wait_dma2 semaphore(%run_scoped3A : memref<!tpu.dma_semaphore, #tpu.memory_space<semaphore_mem>>) src(%dma_wait3A_104 : memref<640x128xf32, #tpu.memory_space<vmem_shared>>) dst(%dma_wait3A_102 : memref<640x128xf32, #tpu.memory_space<hbm>>)
      tpu.yield
    }) : () -> ()
    return
  }
}

module attributes {stable_mosaic.version = 14 : i64} {
  func.func @_tc_root_body(%arg0: i32, %arg1: memref<1000x256xf32, #tpu.memory_space<vmem>>, %arg2: memref<256x256xf32, #tpu.memory_space<vmem>>, %arg3: memref<1x256xf32, #tpu.memory_space<vmem>>, %arg4: memref<1000x256xf32, #tpu.memory_space<vmem>>) attributes {dimension_semantics = [#tpu.dimension_semantics<arbitrary>], iteration_bounds = array<i64: 10>, scalar_prefetch = 0 : i64, scratch_operands = 0 : i64, tpu.core_type = #tpu.core_type<tc>, window_params = [{transform_indices = @transform_0, window_bounds = array<i64: 1000, 256>}, {pipeline_mode = #tpu.pipeline_mode<synchronous>, transform_indices = @transform_1, window_bounds = array<i64: 256, 256>}, {pipeline_mode = #tpu.pipeline_mode<synchronous>, transform_indices = @transform_2, window_bounds = array<i64: 1, 256>}, {transform_indices = @transform_3, window_bounds = array<i64: 1000, 256>}]} {
    %get3A = arith.constant 0 : index
    %get3A_0 = arith.constant 0 : index
    %get3A_1 = vector.load %arg1[%get3A, %get3A_0] : memref<1000x256xf32, #tpu.memory_space<vmem>>, vector<1000x256xf32>
    %get3A_2 = arith.constant 0 : index
    %get3A_3 = arith.constant 0 : index
    %get3A_4 = vector.load %arg2[%get3A_2, %get3A_3] : memref<256x256xf32, #tpu.memory_space<vmem>>, vector<256x256xf32>
    %dot_general3A = arith.constant dense<0.000000e+00> : vector<1000x256xf32>
    %dot_general3A_5 = tpu.matmul %get3A_1, %get3A_4, %dot_general3A {dimension_numbers = #tpu.dot_dimension_numbers<[1], [0], [0], [1], [0, 0, 1, 1], [], []>, transpose_lhs_hint = false} : vector<1000x256xf32>, vector<256x256xf32>, vector<1000x256xf32> -> vector<1000x256xf32>
    %get3A_6 = arith.constant 0 : index
    %get3A_7 = arith.constant 0 : index
    %get3A_8 = vector.load %arg3[%get3A_6, %get3A_7] : memref<1x256xf32, #tpu.memory_space<vmem>>, vector<1x256xf32>
    %add3A = vector.broadcast %get3A_8 : vector<1x256xf32> to vector<1000x256xf32>
    %add3A_9 = arith.addf %dot_general3A_5, %add3A : vector<1000x256xf32>
    %swap3A = arith.constant 0 : index
    %swap3A_10 = arith.constant 0 : index
    %swap3A_11 = vector.load %arg4[%swap3A, %swap3A_10] : memref<1000x256xf32, #tpu.memory_space<vmem>>, vector<1000x256xf32>
    tpu.vector_store %arg4[%swap3A, %swap3A_10], %add3A_9 {strides = array<i32>} : memref<1000x256xf32, #tpu.memory_space<vmem>>, vector<1000x256xf32>,
    return
  }
  func.func @transform_0(%arg0: i32) -> (i32, i32) {
    %c0_i32 = arith.constant 0 : i32
    %c0_i32_0 = arith.constant 0 : i32
    return %arg0, %c0_i32 : i32, i32
  }
  func.func @transform_1(%arg0: i32) -> (i32, i32) {
    %c0_i32 = arith.constant 0 : i32
    %c0_i32_0 = arith.constant 0 : i32
    %c0_i32_1 = arith.constant 0 : i32
    return %c0_i32, %c0_i32_0 : i32, i32
  }
  func.func @transform_2(%arg0: i32) -> (i32, i32) {
    %c0_i32 = arith.constant 0 : i32
    %c0_i32_0 = arith.constant 0 : i32
    %c0_i32_1 = arith.constant 0 : i32
    return %c0_i32, %c0_i32_0 : i32, i32
  }
  func.func @transform_3(%arg0: i32) -> (i32, i32) {
    %c0_i32 = arith.constant 0 : i32
    %c0_i32_0 = arith.constant 0 : i32
    return %arg0, %c0_i32 : i32, i32
  }
}

module attributes {stable_mosaic.version = 14 : i64} {
  func.func @_tc_body(%arg0: i32, %arg1: memref<1000x256xf32, #tpu.memory_space<vmem>>, %arg2: memref<1x1000x128xf32, #tpu.memory_space<vmem>>, %arg3: memref<1x1000x128xf32, #tpu.memory_space<vmem>>, %arg4: memref<1x1000x128xf32, #tpu.memory_space<vmem>>, %arg5: memref<1x1000x128xf32, #tpu.memory_space<vmem>>, %arg6: memref<256x256xf32, #tpu.memory_space<vmem>>, %arg7: memref<256x64xf32, #tpu.memory_space<vmem>>, %arg8: memref<1x64xf32, #tpu.memory_space<vmem>>, %arg9: memref<1000x64xf32, #tpu.memory_space<vmem>>) attributes {dimension_semantics = [#tpu.dimension_semantics<arbitrary>], iteration_bounds = array<i64: 10>, scalar_prefetch = 0 : i64, scratch_operands = 0 : i64, tpu.core_type = #tpu.core_type<tc>, window_params = [{transform_indices = @transform_0, window_bounds = array<i64: 1000, 256>}, {transform_indices = @transform_1, window_bounds = array<i64: 1, 1000, 128>}, {transform_indices = @transform_2, window_bounds = array<i64: 1, 1000, 128>}, {transform_indices = @transform_3, window_bounds = array<i64: 1, 1000, 128>}, {transform_indices = @transform_4, window_bounds = array<i64: 1, 1000, 128>}, {pipeline_mode = #tpu.pipeline_mode<synchronous>, transform_indices = @transform_5, window_bounds = array<i64: 256, 256>}, {pipeline_mode = #tpu.pipeline_mode<synchronous>, transform_indices = @transform_6, window_bounds = array<i64: 256, 64>}, {pipeline_mode = #tpu.pipeline_mode<synchronous>, transform_indices = @transform_7, window_bounds = array<i64: 1, 64>}, {transform_indices = @transform_8, window_bounds = array<i64: 1000, 64>}]} {
    %get3A = arith.constant 0 : index
    %get3A_0 = arith.constant 0 : index
    %get3A_1 = arith.constant 0 : index
    %get3A_2 = vector.load %arg2[%get3A, %get3A_0, %get3A_1] : memref<1x1000x128xf32, #tpu.memory_space<vmem>>, vector<1x1000x128xf32>
    %get3A_3 = vector.shape_cast %get3A_2 : vector<1x1000x128xf32> to vector<1000x128xf32>
    %get3A_4 = arith.constant 0 : index
    %get3A_5 = arith.constant 0 : index
    %get3A_6 = arith.constant 0 : index
    %get3A_7 = vector.load %arg3[%get3A_4, %get3A_5, %get3A_6] : memref<1x1000x128xf32, #tpu.memory_space<vmem>>, vector<1x1000x128xf32>
    %get3A_8 = vector.shape_cast %get3A_7 : vector<1x1000x128xf32> to vector<1000x128xf32>
    %get3A_9 = arith.constant 0 : index
    %get3A_10 = arith.constant 0 : index
    %get3A_11 = arith.constant 0 : index
    %get3A_12 = vector.load %arg4[%get3A_9, %get3A_10, %get3A_11] : memref<1x1000x128xf32, #tpu.memory_space<vmem>>, vector<1x1000x128xf32>
    %get3A_13 = vector.shape_cast %get3A_12 : vector<1x1000x128xf32> to vector<1000x128xf32>
    %slice3A = vector.extract_strided_slice %get3A_13 {offsets = [0, 0], sizes = [1000, 1], strides = [1, 1]} : vector<1000x128xf32> to vector<1000x1xf32>
    %slice3A_14 = vector.extract_strided_slice %get3A_3 {offsets = [0, 0], sizes = [1000, 1], strides = [1, 1]} : vector<1000x128xf32> to vector<1000x1xf32>
    %sub3A = arith.subf %slice3A, %slice3A_14 : vector<1000x1xf32>
    %get3A_15 = arith.constant 0 : index
    %get3A_16 = arith.constant 0 : index
    %get3A_17 = arith.constant 0 : index
    %get3A_18 = vector.load %arg5[%get3A_15, %get3A_16, %get3A_17] : memref<1x1000x128xf32, #tpu.memory_space<vmem>>, vector<1x1000x128xf32>
    %get3A_19 = vector.shape_cast %get3A_18 : vector<1x1000x128xf32> to vector<1000x128xf32>
    %slice3A_20 = vector.extract_strided_slice %get3A_19 {offsets = [0, 0], sizes = [1000, 1], strides = [1, 1]} : vector<1000x128xf32> to vector<1000x1xf32>
    %slice3A_21 = vector.extract_strided_slice %get3A_8 {offsets = [0, 0], sizes = [1000, 1], strides = [1, 1]} : vector<1000x128xf32> to vector<1000x1xf32>
    %sub3A_22 = arith.subf %slice3A_20, %slice3A_21 : vector<1000x1xf32>
    %add3A = arith.addf %sub3A, %sub3A_22 : vector<1000x1xf32>
    %max3A = arith.constant 1.000000e+00 : f32
    %max3A_23 = vector.broadcast %max3A : f32 to vector<1000x1xf32>
    %max3A_24 = arith.maximumf %add3A, %max3A_23 : vector<1000x1xf32>
    %div3A = arith.constant 1.000000e+00 : f32
    %div3A_25 = vector.broadcast %div3A : f32 to vector<1000x1xf32>
    %div3A_26 = arith.divf %div3A_25, %max3A_24 : vector<1000x1xf32>
    %mul3A = vector.broadcast %div3A_26 : vector<1000x1xf32> to vector<1000x128xf32>
    %mul3A_27 = arith.mulf %get3A_3, %mul3A : vector<1000x128xf32>
    %mul3A_28 = vector.broadcast %div3A_26 : vector<1000x1xf32> to vector<1000x128xf32>
    %mul3A_29 = arith.mulf %get3A_8, %mul3A_28 : vector<1000x128xf32>
    %get3A_30 = arith.constant 0 : index
    %get3A_31 = arith.constant 0 : index
    %get3A_32 = vector.load %arg6[%get3A_30, %get3A_31] : memref<256x256xf32, #tpu.memory_space<vmem>>, vector<128x256xf32>
    %dot_general3A = arith.constant dense<0.000000e+00> : vector<1000x256xf32>
    %dot_general3A_33 = tpu.matmul %mul3A_27, %get3A_32, %dot_general3A {dimension_numbers = #tpu.dot_dimension_numbers<[1], [0], [0], [1], [0, 0, 1, 1], [], []>, transpose_lhs_hint = false} : vector<1000x128xf32>, vector<128x256xf32>, vector<1000x256xf32> -> vector<1000x256xf32>
    %get3A_34 = arith.constant 128 : index
    %get3A_35 = arith.constant 0 : index
    %get3A_36 = vector.load %arg6[%get3A_34, %get3A_35] : memref<256x256xf32, #tpu.memory_space<vmem>>, vector<128x256xf32>
    %dot_general3A_37 = arith.constant dense<0.000000e+00> : vector<1000x256xf32>
    %dot_general3A_38 = tpu.matmul %mul3A_29, %get3A_36, %dot_general3A_37 {dimension_numbers = #tpu.dot_dimension_numbers<[1], [0], [0], [1], [0, 0, 1, 1], [], []>, transpose_lhs_hint = false} : vector<1000x128xf32>, vector<128x256xf32>, vector<1000x256xf32> -> vector<1000x256xf32>
    %add3A_39 = arith.addf %dot_general3A_33, %dot_general3A_38 : vector<1000x256xf32>
    %get3A_40 = arith.constant 0 : index
    %get3A_41 = arith.constant 0 : index
    %get3A_42 = vector.load %arg1[%get3A_40, %get3A_41] : memref<1000x256xf32, #tpu.memory_space<vmem>>, vector<1000x256xf32>
    %add3A_43 = arith.addf %add3A_39, %get3A_42 : vector<1000x256xf32>
    %max3A_44 = arith.constant 0.000000e+00 : f32
    %max3A_45 = vector.broadcast %max3A_44 : f32 to vector<1000x256xf32>
    %max3A_46 = arith.maximumf %add3A_43, %max3A_45 : vector<1000x256xf32>
    %get3A_47 = arith.constant 0 : index
    %get3A_48 = arith.constant 0 : index
    %get3A_49 = vector.load %arg7[%get3A_47, %get3A_48] : memref<256x64xf32, #tpu.memory_space<vmem>>, vector<256x64xf32>
    %dot_general3A_50 = arith.constant dense<0.000000e+00> : vector<1000x64xf32>
    %dot_general3A_51 = tpu.matmul %max3A_46, %get3A_49, %dot_general3A_50 {dimension_numbers = #tpu.dot_dimension_numbers<[1], [0], [0], [1], [0, 0, 1, 1], [], []>, transpose_lhs_hint = false} : vector<1000x256xf32>, vector<256x64xf32>, vector<1000x64xf32> -> vector<1000x64xf32>
    %get3A_52 = arith.constant 0 : index
    %get3A_53 = arith.constant 0 : index
    %get3A_54 = vector.load %arg8[%get3A_52, %get3A_53] : memref<1x64xf32, #tpu.memory_space<vmem>>, vector<1x64xf32>
    %add3A_55 = vector.broadcast %get3A_54 : vector<1x64xf32> to vector<1000x64xf32>
    %add3A_56 = arith.addf %dot_general3A_51, %add3A_55 : vector<1000x64xf32>
    %swap3A = arith.constant 0 : index
    %swap3A_57 = arith.constant 0 : index
    %swap3A_58 = vector.load %arg9[%swap3A, %swap3A_57] : memref<1000x64xf32, #tpu.memory_space<vmem>>, vector<1000x64xf32>
    tpu.vector_store %arg9[%swap3A, %swap3A_57], %add3A_56 {strides = array<i32>} : memref<1000x64xf32, #tpu.memory_space<vmem>>, vector<1000x64xf32>,
    return
  }
  func.func @transform_0(%arg0: i32) -> (i32, i32) {
    %c0_i32 = arith.constant 0 : i32
    %c0_i32_0 = arith.constant 0 : i32
    return %arg0, %c0_i32 : i32, i32
  }
  func.func @transform_1(%arg0: i32) -> (i32, i32, i32) {
    %c0_i32 = arith.constant 0 : i32
    %c0_i32_0 = arith.constant 0 : i32
    %c0_i32_1 = arith.constant 0 : i32
    return %c0_i32, %arg0, %c0_i32_0 : i32, i32, i32
  }
  func.func @transform_2(%arg0: i32) -> (i32, i32, i32) {
    %c1_i32 = arith.constant 1 : i32
    %c0_i32 = arith.constant 0 : i32
    %c0_i32_0 = arith.constant 0 : i32
    return %c1_i32, %arg0, %c0_i32 : i32, i32, i32
  }
  func.func @transform_3(%arg0: i32) -> (i32, i32, i32) {
    %c0_i32 = arith.constant 0 : i32
    %c0_i32_0 = arith.constant 0 : i32
    %c0_i32_1 = arith.constant 0 : i32
    return %c0_i32, %arg0, %c0_i32_0 : i32, i32, i32
  }
  func.func @transform_4(%arg0: i32) -> (i32, i32, i32) {
    %c1_i32 = arith.constant 1 : i32
    %c0_i32 = arith.constant 0 : i32
    %c0_i32_0 = arith.constant 0 : i32
    return %c1_i32, %arg0, %c0_i32 : i32, i32, i32
  }
  func.func @transform_5(%arg0: i32) -> (i32, i32) {
    %c0_i32 = arith.constant 0 : i32
    %c0_i32_0 = arith.constant 0 : i32
    %c0_i32_1 = arith.constant 0 : i32
    return %c0_i32, %c0_i32_0 : i32, i32
  }
  func.func @transform_6(%arg0: i32) -> (i32, i32) {
    %c0_i32 = arith.constant 0 : i32
    %c0_i32_0 = arith.constant 0 : i32
    %c0_i32_1 = arith.constant 0 : i32
    return %c0_i32, %c0_i32_0 : i32, i32
  }
  func.func @transform_7(%arg0: i32) -> (i32, i32) {
    %c0_i32 = arith.constant 0 : i32
    %c0_i32_0 = arith.constant 0 : i32
    %c0_i32_1 = arith.constant 0 : i32
    return %c0_i32, %c0_i32_0 : i32, i32
  }
  func.func @transform_8(%arg0: i32) -> (i32, i32) {
    %c0_i32 = arith.constant 0 : i32
    %c0_i32_0 = arith.constant 0 : i32
    return %arg0, %c0_i32 : i32, i32
  }
}

</mosaic_0001>

<sc_bundles>
// kernel: kernel.5.cloned.1.call-start
scs
__scs_entry_jumppad:
0x0: {  	(pc) =	sbr.rel $0x88, $3  }
0x1: {  	(tag) =	ssettag $0x0;
	lr =	simm.s32 $0x1  }
0x2: {  	[smem:$0x3F9A] =	sst lr;
	_ =	strace $0xD0000000  }
0x3: {  	_ = 	snop  }
0x4: {  	_ = 	snop  }
0x5: {  	_ = 	snop  }
0x6: {  	_ = 	snop  }
0x7: {  	_ = 	snop  }
__scs_overlays_trampoline_lowered:
0x8: {  	[smem:$0x3FA9] =	sst s0  }
0x9: {  	[smem:$0x3FAA] =	sst s1  }
0xa: {  	[smem:$0x3FAB] =	sst s2  }
0xb: {  	[smem:$0x3FAC] =	sst s3  }
0xc: {  	[smem:$0x3FAD] =	sst s4  }
0xd: {  	[smem:$0x3FAE] =	sst s5  }
0xe: {  	[smem:$0x3FAF] =	sst s6  }
0xf: {  	[smem:$0x3FB0] =	sst s7  }
0x10: {  	[smem:$0x3FB1] =	sst s8  }
0x11: {  	[smem:$0x3FB2] =	sst s9;
	s0 =	simm.s32 @!p0 $0x0  }
0x12: {  	s1 =	sld [smem:$0x3F98];
	s0 =	simm.s32 @p0 $0x1  }
0x13: {  	[smem:$0x3FB3] =	sst s0;
	s0 =	simm.s32 @!p1 $0x0  }
0x14: {  	s2 =	sld [smem:$0x3F97];
	s0 =	simm.s32 @p1 $0x1  }
0x15: {  	[smem:$0x3FB4] =	sst s0;
	s0 =	simm.s32 @!p2 $0x0  }
0x16: {  	s3 =	sld [smem:$0x3FDB];
	s0 =	simm.s32 @p2 $0x1  }
0x17: {  	s4 =	simm.s32 $0x1BF5;
	[smem:$0x3FB6] =	sst s0  }
0x18: {  	s0 =	sld [smem:$0x3F99];
	_ =	swait.ge [sflag:s4], $0x0  }
0x19: {  	s7 =	sld [smem:$0x3F9A]  }
0x1a: {  	s8 =	sadd.s32 $0xFFFFE003, lr  }
0x1b: {  	s9 =	sadd.s32 $0xFFFFFEF7, lr;
	s5 =	simm.s32 $0xFFFFFFFF;
	p2 =	slt.u32 s8, $0xFFFFF086  }
0x1c: {  	p1 =	slt.u32 s9, $0xF7A;
	s5 =	simm.s32 @!p2 $0x0  }
0x1d: {  	s5 =	simm.s32 @p1 $0x1;
	p0 =	seq.s32 s7, s2  }
0x1e: {  	s7 =	smul.u32 @!p0 $0xF7A, s2;
	p2 =	seq.s32 @!p0 s5, $0x0  }
0x1f: {  	s9 =	smul.u32 $0xF7A, s1;
	s8 =	simm.s32 @!p0 $0x1BF5;
	p2 =	por !p2, p0  }
0x20: {  	[sflag:s8] =	ssyncset.s32 @!p0 $0xFFFFF086;
	s6 =	sadd.s32 @!p0 s3, s7;
	s7 =	simm.s32 @!p0 $0x108  }
0x21: {  	s3 =	sadd.s32 s3, s9;
	s6 =	sadd.s32 @!p0 $0x88, s6;
	s7 =	simm.s32 @p2 $0x1082  }
0x22: {  	[simem:s7], [sflag:s8] =	dma.local @!p0 [hbm:s6], $0xF7A  }
0x23: {  	s9 =	sor.u32 $0xD0000000, s2;
	s6 =	simm.s32 $0x108;
	_ =	swait.ge @!p0 [sflag:s8], $0x0  }
0x24: {  	s3 =	sadd.s32 $0x88, s3;
	s6 =	simm.s32 @!p1 $0x1082;
	[sflag:s4] =	ssyncset.s32 $0xFFFFF086  }
0x25: {  	[simem:s6], [sflag:s4] =	dma.local [hbm:s3], $0xF7A  }
0x26: {  	[smem:$0x3F9A] =	sst s1;
	(tag) =	ssettag s2;
	_ =	strace s9  }
0x27: {  	s1 =	sld [smem:$0x3FAA]  }
0x28: {  	s2 =	sld [smem:$0x3FAB]  }
0x29: {  	s4 =	sld [smem:$0x3FAD]  }
0x2a: {  	p0 =	seq.s32 s5, $0x0;
	s5 =	sld [smem:$0x3FAE]  }
0x2b: {  	s6 =	sld [smem:$0x3FAF]  }
0x2c: {  	s7 =	sld [smem:$0x3FB0]  }
0x2d: {  	s3 =	simm.s32 $0x108;
	s8 =	sld [smem:$0x3FB1]  }
0x2e: {  	s3 =	simm.s32 @!p0 $0x1082;
	s9 =	sld [smem:$0x3FB2]  }
0x2f: {  	lr =	sadd.s32 s0, s3;
	s0 =	sld [smem:$0x3FA9]  }
0x30: {  	s3 =	sld [smem:$0x3FAC]  }
0x31: {  	[smem:$0x3FB5] =	sst s10  }
0x32: {  	s10 =	sld [smem:$0x3FB3];
	_ =	sdelay $0x3  }
0x33: {  	p0 =	seq.s32 s10, $0x1;
	s10 =	sld [smem:$0x3FB5];
	_ =	sdelay $0x3  }
0x34: {  	[smem:$0x3FB5] =	sst s10  }
0x35: {  	s10 =	sld [smem:$0x3FB4];
	_ =	sdelay $0x3  }
0x36: {  	p1 =	seq.s32 s10, $0x1;
	s10 =	sld [smem:$0x3FB5];
	_ =	sdelay $0x3  }
0x37: {  	[smem:$0x3FB5] =	sst s10  }
0x38: {  	s10 =	sld [smem:$0x3FB6]  }
0x39: {  	_ = 	snop;
	(pc) =	sbr.ind lr, $3  }
0x3a: {  	_ = 	snop  }
0x3b: {  	_ = 	snop  }
0x3c: {  	p2 =	seq.s32 s10, $0x1;
	s10 =	sld [smem:$0x3FB5]  }
0x3d: {  	_ =	shalt  }
0x3e: {  	_ =	shalt  }
0x3f: {  	_ =	shalt  }
0x40: {  	_ =	shalt  }
0x41: {  	_ =	shalt  }
0x42: {  	_ =	shalt  }
0x43: {  	_ =	shalt  }
0x44: {  	_ =	shalt  }
0x45: {  	_ =	shalt  }
0x46: {  	_ =	shalt  }
0x47: {  	_ =	shalt  }
0x48: {  	_ =	shalt  }
0x49: {  	_ =	shalt  }
0x4a: {  	_ =	shalt  }
0x4b: {  	_ =	shalt  }
0x4c: {  	_ =	shalt  }
0x4d: {  	_ =	shalt  }
0x4e: {  	_ =	shalt  }
0x4f: {  	_ =	shalt  }
0x50: {  	_ =	shalt  }
0x51: {  	_ =	shalt  }
0x52: {  	_ =	shalt  }
0x53: {  	_ =	shalt  }
0x54: {  	_ =	shalt  }
0x55: {  	_ =	shalt  }
0x56: {  	_ =	shalt  }
0x57: {  	_ =	shalt  }
0x58: {  	_ =	shalt  }
0x59: {  	_ =	shalt  }
0x5a: {  	_ =	shalt  }
0x5b: {  	_ =	shalt  }
0x5c: {  	_ =	shalt  }
0x5d: {  	_ =	shalt  }
0x5e: {  	_ =	shalt  }
0x5f: {  	_ =	shalt  }
0x60: {  	_ =	shalt  }
0x61: {  	_ =	shalt  }
0x62: {  	_ =	shalt  }
0x63: {  	_ =	shalt  }
0x64: {  	_ =	shalt  }
0x65: {  	_ =	shalt  }
0x66: {  	_ =	shalt  }
0x67: {  	_ =	shalt  }
0x68: {  	_ =	shalt  }
0x69: {  	_ =	shalt  }
0x6a: {  	_ =	shalt  }
0x6b: {  	_ =	shalt  }
0x6c: {  	_ =	shalt  }
0x6d: {  	_ =	shalt  }
0x6e: {  	_ =	shalt  }
0x6f: {  	_ =	shalt  }
0x70: {  	_ =	shalt  }
0x71: {  	_ =	shalt  }
0x72: {  	_ =	shalt  }
0x73: {  	_ =	shalt  }
0x74: {  	_ =	shalt  }
0x75: {  	_ =	shalt  }
0x76: {  	_ =	shalt  }
0x77: {  	_ =	shalt  }
0x78: {  	_ =	shalt  }
0x79: {  	_ =	shalt  }
0x7a: {  	_ =	shalt  }
0x7b: {  	_ =	shalt  }
0x7c: {  	_ =	shalt  }
0x7d: {  	_ =	shalt  }
0x7e: {  	_ =	shalt  }
0x7f: {  	_ =	shalt  }
0x80: {  	_ =	shalt  }
0x81: {  	_ =	shalt  }
0x82: {  	_ =	shalt  }
0x83: {  	_ =	shalt  }
0x84: {  	_ =	shalt  }
0x85: {  	_ =	shalt  }
0x86: {  	_ =	shalt  }
0x87: {  	_ =	shalt  }
.Lfunc_end0:
.L_simem_size_0:
called_computation_lowered:
.L_overlay_start_0:
0x88: {  	s2 =	sld [smem:$0x3FD9]  }
0x89: {  	s3 =	sld [smem:$0x3FFE];
	_ =	sdelay $0x1  }
0x8a: {  	s1 =	srdreg.scid  }
0x8b: {  	s0 =	sand.u32 $0x1, s1  }
0x8c: {  	s17 =	sshll.u32 s0, $0xA;
	s2 =	sadd.s32 s3, s2  }
0x8d: {  	s2 =	sadd.s32 s2, s17  }
0x8e: {  	[smem:$0x3FC1] =	sst s2  }
0x8f: {  	_ = 	snop  }
0x90: {  	s2 =	sld [smem:$0x3FC9]  }
0x91: {  	s18 =	sld [smem:$0x3FD0];
	(tm) =	ssettm $0x1  }
0x92: {  	s4 =	sld [smem:$0x3FFB];
	_ =	sdelay $0x3  }
0x93: {  	_ =	strace s4  }
0x94: {  	s4 =	sld [smem:$0x3FFC];
	_ =	sdelay $0x3  }
0x95: {  	_ =	strace s4  }
0x96: {  	s4 =	sld [smem:$0x3FFD];
	_ =	sdelay $0x3  }
0x97: {  	_ =	strace s4  }
0x98: {  	_ =	strace $0x8FFFFFFF  }
0x99: {  	s19 =	sld [smem:$0x3FDB];
	_ =	sdelay $0x1  }
0x9a: {  	s5 =	simm.s32 $_scs_section_size  }
0x9b: {  	s6 =	simm.s32 $_size__tile_overlayer_lowered;
	s7 =	simm.s32 $_tile_overlayer_lowered  }
0x9c: {  	s22 =	simm.s32 $0x1BFF;
	s21 =	sshll.u32 s7, $0x1;
	s4 =	sadd.s32 s5, s19  }
0x9d: {  	s8 =	simm.s32 $0x0;
	s20 =	sshll.u32 s6, $0x1;
	s6 =	sadd.s32 s21, s4  }
0x9e: {  	[timem:s8], [sflag:s22] =	dma.local [hbm:s6], s20  }
0x9f: {  	_ =	swait.ge [sflag:s22], s20  }
0xa0: {  	s5 =	ssub.s32 $0x0, s20;
	[sflag:s22] =	ssyncset.done $0x0  }
0xa1: {  	[sflag:s22] =	ssyncadd.s32 s5;
	_ =	sdelay $0x1  }
0xa2: {  	s23 =	simm.s32 $0x1B8B  }
0xa3: {  	_ =	swait.ge [sflag:s23], $0x1  }
0xa4: {  	[sflag:s23] =	ssyncset.done $0x0  }
0xa5: {  	s25 =	simm.s32 $0x1B8E;
	s24 =	sld [smem:$0x3FFE];
	[sflag:s23] =	ssyncadd.s32 $0xFFFFFFFF  }
0xa6: {  	s26 =	simm.s32 $execute0_lowered;
	[smem:$0x3FD2] =	sst s25  }
0xa7: {  	s6 =	sshll.u32 s26, $0x1;
	_ =	strace $0x80000046;
	[dreg:$0x1] =	wrdreg $0xFFFFFFFF  }
0xa8: {  	s28 =	simm.s32 $_size_execute0_lowered;
	s4 =	sadd.s32 s4, s6;
	[dreg:$0x0] =	wrdreg $0x0  }
0xa9: {  	s6 =	sshll.u32 s28, $0x1;
	[dreg:$0x2] =	wrdreg s4  }
0xaa: {  	[dreg:$0x3] =	wrdreg s6  }
0xab: {  	[dreg:$0x4] =	wrdreg $0xC0  }
0xac: {  	_ =	task [dreg:s8], $0x5FFFF  }
0xad: {  	[dreg:$0x1] =	wrdreg $0xFFFFFFFF  }
0xae: {  	[dreg:$0x0] =	wrdreg $0x60  }
0xaf: {  	[dreg:$0x2] =	wrdreg s2  }
0xb0: {  	[dreg:$0x3] =	wrdreg s18  }
0xb1: {  	[dreg:$0x4] =	wrdreg s24  }
0xb2: {  	[dreg:$0x5] =	wrdreg $0xBC000  }
0xb3: {  	[dreg:$0x6] =	wrdreg $0x9  }
0xb4: {  	_ =	task.clear_ibuf [dreg:s8], $0x7FFFF;
	_ =	strace $0x90000046  }
0xb5: {  	s29 =	simm.s32 $0x9;
	_ =	strace $0x80000048  }
0xb6: {  	_ =	swait.ge [sflag:s29], $0x1  }
0xb7: {  	[sflag:s29] =	ssyncadd.s32 $0xFFFFFFFF  }
0xb8: {  	_ =	strace $0x90000048  }
0xb9: {  	_ =	sfence  }
0xba: {  	s30 =	sld [smem:$0x0];
	_ =	sdelay $0x2  }
0xbb: {  	s31 =	sshll.u32 s1, $0xD;
	s1 =	sshrl.u32 s1, $0x2  }
0xbc: {  	s3 =	sand.u32 $0x4000, s31;
	s1 =	sadd.s32 s1, s30  }
0xbd: {  	s0 =	sor.u32 s3, s0;
	s1 =	sshll.u32 s1, $0x11  }
0xbe: {  	s0 =	sor.u32 s1, s0  }
0xbf: {  	s0 =	sadd.s32 $0x8F2B, s0  }
0xc0: {  	[sflag:s0] =	ssyncadd.remote.s32 $0x1  }
0xc1: {  	_ =	sfence.sel $0xFFFF  }
0xc2: {  	[dreg:$0x0] =	wrdreg $0xFFFFFFFF;
	(pc) =	sbr.abs _section_cstart, $3  }
0xc3: {  	[dreg:$0x1] =	wrdreg $0xFFFFFFFF  }
0xc4: {  	_ =	task.clear_ibuf [dreg:s8], $0x2FFFF;
	_ =	strace $0x9FFFFFFF  }
0xc5: {  	(tm) =	ssettm $0x7FFFFFFF  }
tec
execute0_lowered:
.L_overlay_start_1:
0x0: {  	(tag) =	ssettag $0x1  }
0x1: {  	s0 =	rddreg [dreg:$0x0]  }
0x2: {  	s1 =	rddreg [dreg:$0x1]  }
0x3: {  	s4 =	rddreg [dreg:$0x2]  }
0x4: {  	s3 =	srdreg.scid;
	s10 =	stileid.u32  }
0x5: {  	s2 =	rddreg [dreg:$0x3];
	s8 =	smul.u32 $0x50000, s10  }
0x6: {  	s5 =	sand.u32 $0x1, s3;
	s3 =	simm.s32 $0x0;
	s19 =	smul.u32 $0x500, s10  }
0x7: {  	s7 =	smul.u32 $0x2800, s5;
	[smem:$0x7FF] =	sst s3  }
0x8: {  	s16 =	ssub.s32 $0x2, s5;
	s5 =	sshll.u32 s5, $0x7;
	s20 =	sadd.s32 s1, s19  }
0x9: {  	_ =	strace $0x80000047;
	s23 =	sor.u32 $0x1400, s5;
	[dreg:$0x5] =	wrdreg s20  }
0xa: {  	s6 =	smul.u32 $0x280, s10;
	s26 =	sor.u32 $0x1500, s5;
	[dreg:$0x8] =	wrdreg s23  }
0xb: {  	s18 =	sshrl.u32 s8, $0x2;
	s8 =	sor.u32 $0x1900, s5;
	[dreg:$0xb] =	wrdreg s26  }
0xc: {  	s9 =	smul.u32 $0x2800, s10;
	s10 =	sor.u32 $0x1B00, s5;
	[dreg:$0xf] =	wrdreg s8  }
0xd: {  	s12 =	sor.u32 $0x1C00, s5;
	[dreg:$0x11] =	wrdreg s10  }
0xe: {  	s13 =	sor.u32 $0x1D00, s5;
	[dreg:$0x12] =	wrdreg s12  }
0xf: {  	s14 =	sor.u32 $0x1E00, s5;
	[dreg:$0x13] =	wrdreg s13  }
0x10: {  	s17 =	sshrl.u32 s16, $0x1;
	s15 =	sor.u32 $0x1F00, s5;
	[dreg:$0x14] =	wrdreg s14  }
0x11: {  	s9 =	sshrl.u32 s9, $0x3;
	s19 =	sor.u32 $0x2300, s5;
	[dreg:$0x15] =	wrdreg s15  }
0x12: {  	s21 =	sadd.s32 s1, s9;
	s1 =	sor.u32 $0x1600, s5;
	[dreg:$0x19] =	wrdreg s19  }
0x13: {  	s6 =	sadd.s32 s6, s7;
	s9 =	sor.u32 $0x1A00, s5;
	[dreg:$0xc] =	wrdreg s1  }
0x14: {  	s7 =	ssub.s32 s16, s17;
	s16 =	sor.u32 $0x2000, s5;
	[dreg:$0x10] =	wrdreg s9  }
0x15: {  	s17 =	sor.u32 $0x2100, s5;
	[dreg:$0x16] =	wrdreg s16  }
0x16: {  	s11 =	sadd.s32 s18, s2;
	s18 =	sor.u32 $0x2200, s5;
	[dreg:$0x17] =	wrdreg s17  }
0x17: {  	s20 =	sor.u32 $0x2400, s5;
	[dreg:$0x18] =	wrdreg s18  }
0x18: {  	s23 =	sor.u32 $0x2700, s5;
	[dreg:$0x1a] =	wrdreg s20  }
0x19: {  	s26 =	sor.u32 $0x2A00, s5;
	[dreg:$0x1d] =	wrdreg s23  }
0x1a: {  	s8 =	sor.u32 $0x2E00, s5;
	[smem:$0x7E7] =	sst s26  }
0x1b: {  	s10 =	sor.u32 $0x3000, s5;
	[smem:$0x7EB] =	sst s8  }
0x1c: {  	s12 =	sor.u32 $0x3100, s5;
	[smem:$0x7ED] =	sst s10  }
0x1d: {  	s13 =	sor.u32 $0x3200, s5;
	[smem:$0x7EE] =	sst s12  }
0x1e: {  	s14 =	sor.u32 $0x3300, s5;
	[smem:$0x7EF] =	sst s13  }
0x1f: {  	s15 =	sor.u32 $0x3400, s5;
	[smem:$0x7F0] =	sst s14  }
0x20: {  	s29 =	simm.s32 $0x3C00;
	s19 =	sor.u32 $0x3800, s5;
	[smem:$0x7F1] =	sst s15  }
0x21: {  	s30 =	simm.s32 $0x4;
	s28 =	simm.s32 $0xB700;
	[smem:$0x7F5] =	sst s19  }
0x22: {  	s31 =	simm.s32 $0xB680;
	s25 =	smax.u32 s7, $0x1;
	[smem:$0x7FD] =	sst s11  }
0x23: {  	s6 =	sshll.u32 s6, $0x4;
	s7 =	sor.u32 $0x1800, s5;
	[dreg:$0xa] =	wrdreg s25  }
0x24: {  	s1 =	sor.u32 $0x2B00, s5;
	s9 =	sor.u32 $0x2F00, s5;
	[dreg:$0xe] =	wrdreg s7  }
0x25: {  	s16 =	sor.u32 $0x3500, s5;
	s17 =	sor.u32 $0x3600, s5;
	[smem:$0x7E8] =	sst s1  }
0x26: {  	s18 =	sor.u32 $0x3700, s5;
	s20 =	sor.u32 $0x3900, s5;
	[smem:$0x7EC] =	sst s9  }
0x27: {  	s23 =	sadd.s32 $0x4000, s11;
	s26 =	sadd.s32 $0x10000, s11;
	[smem:$0x7F2] =	sst s16  }
0x28: {  	s13 =	simm.s32 $0x3C80;
	s12 =	simm.s32 $0xA380;
	[smem:$0x7F3] =	sst s17  }
0x29: {  	s14 =	simm.s32 $0xA400;
	s15 =	simm.s32 $0xBA80;
	[smem:$0x7F4] =	sst s18  }
0x2a: {  	s19 =	simm.s32 $0xB980;
	s8 =	simm.s32 $0xB800;
	[smem:$0x7F6] =	sst s20  }
0x2b: {  	s10 =	simm.s32 $0x0;
	s4 =	sadd.s32 s6, s4;
	[smem:$0x7F9] =	sst s23  }
0x2c: {  	s6 =	sadd.s32 s0, s5;
	s0 =	sadd.s32 $0x280, s21;
	[smem:$0x7FC] =	sst s26  }
0x2d: {  	s21 =	sor.u32 $0x2500, s5;
	s25 =	sor.u32 $0x2900, s5;
	[dreg:$0x6] =	wrdreg s0  }
0x2e: {  	s7 =	sor.u32 $0x2D00, s5;
	s26 =	simm.s32 $0x7C00;
	[dreg:$0x1b] =	wrdreg s21  }
0x2f: {  	s1 =	simm.s32 $0xA300;
	s16 =	simm.s32 $0xA480;
	[dreg:$0x1f] =	wrdreg s25  }
0x30: {  	s17 =	simm.s32 $0xBA00;
	s22 =	sadd.s32 $0x1800, s4;
	[smem:$0x7EA] =	sst s7  }
0x31: {  	s18 =	simm.s32 $0xA500;
	s24 =	sadd.s32 $0x51800, s4;
	[dreg:$0x7] =	wrdreg s22  }
0x32: {  	s20 =	simm.s32 $0xA580;
	s4 =	sor.u32 $0x1700, s5;
	[dreg:$0x9] =	wrdreg s24  }
0x33: {  	s23 =	simm.s32 $0xB880;
	s21 =	sor.u32 $0x3A00, s5;
	[dreg:$0xd] =	wrdreg s4  }
0x34: {  	v0 =	vimm.f32 $0.0e+00;
	v1 =	vimm.s32 $0x7;
	v4 =	vlaneseq.u32;
	s25 =	sadd.s32 $0xC000, s11;
	s0 =	simm.s32 $0xBB00;
	[smem:$0x7F7] =	sst s21  }
0x35: {  	v2 =	vimm.s32 $0x1;
	v3 =	vimm.s32 $0x0;
	vm0 =	vmmov $0x1;
	s7 =	simm.s32 $0x2;
	s22 =	sor.u32 $0x2600, s5;
	[smem:$0x7FB] =	sst s25  }
0x36: {  	v5 =	vimm.s32 $0x2;
	v6 =	vimm.s32 $0x3;
	v7 =	vimm.s32 $0x4;
	s24 =	sor.u32 $0x2800, s5;
	s4 =	sor.u32 $0x2C00, s5;
	[dreg:$0x1c] =	wrdreg s22  }
0x37: {  	v8 =	vimm.s32 $0x5;
	v9 =	vimm.s32 $0x6;
	v10 =	vimm.s32 $0x8;
	s21 =	simm.s32 $0xB900;
	s25 =	simm.s32 $0xB780;
	[dreg:$0x1e] =	wrdreg s24  }
0x38: {  	v11 =	vimm.s32 $0x9;
	v12 =	vimm.s32 $0xA;
	v13 =	vimm.s32 $0xB;
	[smem:$0x7E9] =	sst s4;
	s22 =	sor.u32 $0x3B00, s5;
	s24 =	sadd.s32 $0x8000, s11  }
0x39: {  	v14 =	vimm.s32 $0xC;
	v15 =	vimm.s32 $0xD;
	v16 =	vimm.s32 $0xE;
	s4 =	simm.s32 $0x1;
	s5 =	simm.s32 $0x80;
	[smem:$0x7F8] =	sst s22  }
0x3a: {  	v17 =	vimm.s32 $0xF;
	v18 =	vimm.f32 $1.000000000e+00;
	v4 =	vmul.u32 $0x8, v4;
	[smem:$0x7FA] =	sst s24;
	s22 =	simm.s32 $0xA600;
	s24 =	simm.s32 $0xA680  }
.LBB2_1:
0x3b: {  	[smem:$0x7E6] =	sst s10;
	s9 =	simm.s32 $0x0;
	s10 =	simm.s32 $0x200  }
.LBB2_2:
0x3c: {  	p0 =	sne.s32 s10, $0xFE00;
	[tilespmem:s9+$0x3C70] =	vst v0  }
0x3d: {  	[tilespmem:s9+$0x3C00] =	vst v0  }
0x3e: {  	[tilespmem:s9+$0x3C10] =	vst v0  }
.Ltmp0:
0x3f: {  	[tilespmem:s9+$0x3C20] =	vst v0;
	(pc) =	sbr.rel @p0 .LBB2_2-.Ltmp0, $4  }
0x40: {  	[tilespmem:s9+$0x3C30] =	vst v0  }
0x41: {  	[tilespmem:s9+$0x3C40] =	vst v0  }
0x42: {  	[tilespmem:s9+$0x3C50] =	vst v0  }
0x43: {  	[tilespmem:s9+$0x3C60] =	vst v0;
	s9 =	sshra.s32 s10, $0x2;
	s10 =	sadd.s32 $0x200, s10  }
0x44: {  	[tilespmem:s9+$0x3C70] =	vst v0  }
0x45: {  	[tilespmem:s9+$0x3C00] =	vst v0  }
0x46: {  	[tilespmem:s9+$0x3C10] =	vst v0  }
0x47: {  	[tilespmem:s9+$0x3C20] =	vst v0  }
0x48: {  	[tilespmem:s9+$0x3C30] =	vst v0  }
0x49: {  	[tilespmem:s9+$0x3C40] =	vst v0  }
0x4a: {  	[tilespmem:s9+$0x3C50] =	vst v0  }
0x4b: {  	[tilespmem:s9+$0x3C60] =	vst v0  }
0x4c: {  	[spmem:s11] =	stream.linear.scatter [tilespmem:s29], [sflag:$0x4], $0x4000, $0x38;
	[tilespmem:$0x1FC00] =	vst v63  }
0x4d: {  	_ =	swait.ge [sflag:s30], $0x4000  }
0x4e: {  	s11 =	sld [smem:$0x7F9]  }
0x4f: {  	[sflag:s30] =	ssyncset.done $0x0  }
0x50: {  	[sflag:s30] =	ssyncadd.s32 $0xFFFFC000  }
0x51: {  	[spmem:s11] =	stream.linear.scatter [tilespmem:s29], [sflag:$0x4], $0x4000, $0x38;
	[tilespmem:$0x1FC00] =	vst v63  }
0x52: {  	_ =	swait.ge [sflag:s30], $0x4000  }
0x53: {  	s10 =	sld [smem:$0x7FA]  }
0x54: {  	[sflag:s30] =	ssyncset.done $0x0  }
0x55: {  	[sflag:s30] =	ssyncadd.s32 $0xFFFFC000  }
0x56: {  	[spmem:s10] =	stream.linear.scatter [tilespmem:s29], [sflag:$0x4], $0x4000, $0x38;
	[tilespmem:$0x1FC00] =	vst v63  }
0x57: {  	_ =	swait.ge [sflag:s30], $0x4000  }
0x58: {  	s11 =	sld [smem:$0x7FB]  }
0x59: {  	[sflag:s30] =	ssyncset.done $0x0  }
0x5a: {  	[sflag:s30] =	ssyncadd.s32 $0xFFFFC000  }
0x5b: {  	[spmem:s11] =	stream.linear.scatter [tilespmem:s29], [sflag:$0x4], $0x4000, $0x38;
	[tilespmem:$0x1FC00] =	vst v63  }
0x5c: {  	_ =	swait.ge [sflag:s30], $0x4000  }
0x5d: {  	s10 =	sld [smem:$0x7FC]  }
0x5e: {  	[sflag:s30] =	ssyncset.done $0x0  }
0x5f: {  	[sflag:s30] =	ssyncadd.s32 $0xFFFFC000  }
0x60: {  	[spmem:s10] =	stream.linear.scatter [tilespmem:s29], [sflag:$0x4], $0x4000, $0x38;
	[tilespmem:$0x1FC00] =	vst v63  }
0x61: {  	_ =	swait.ge [sflag:s30], $0x4000  }
0x62: {  	[sflag:s30] =	ssyncset.done $0x0  }
0x63: {  	[sflag:s30] =	ssyncadd.s32 $0xFFFFC000  }
0x64: {  	[bflag:$0x0] =	sbarrier.arrive $0xFFFF  }
0x65: {  	s11 =	simm.s32 $0x0;
	s10 =	rddreg [dreg:$0x5]  }
0x66: {  	[tilespmem:s11], [sflag:$0x4] =	stream.linear.gather [hbm4b:s10+s11], $0x1400, $0x38;
	[tilespmem:$0x1FC00] =	vst v63  }
0x67: {  	_ =	swait.ge [sflag:s30], $0x1400  }
0x68: {  	[sflag:s30] =	ssyncset.done $0x0  }
0x69: {  	s9 =	simm.s32 $0x0;
	[sflag:s30] =	ssyncadd.s32 $0xFFFFEC00  }
0x6a: {  	v19 =	vld [tilespmem:s9+$0x0]  }
0x6b: {  	v25 =	vld [tilespmem:s9+$0x10]  }
0x6c: {  	v24 =	vld [tilespmem:s9+$0x20]  }
0x6d: {  	v23 =	vld [tilespmem:s9+$0x30]  }
0x6e: {  	v21 =	vld [tilespmem:s9+$0x40]  }
0x6f: {  	v22 =	vld [tilespmem:s9+$0x50];
	v20 =	vand.u32 $0x3FFF, v19  }
0x70: {  	s10 =	simm.s32 $0x200;
	v19 =	vshra.s32 v19, $0xE;
	v26 =	vand.u32 $0x3FFF, v25;
	[tilespmem:s9+$0x0] =	vst v20;
	v20 =	vshra.s32 v25, $0xE;
	v25 =	vld [tilespmem:s9+$0x60]  }
.LBB2_4:
0x71: {  	p0 =	sne.s32 s10, $0x4E00;
	[tilespmem:s9+$0x10] =	vst v26;
	v26 =	vshra.s32 v24, $0xE;
	v24 =	vand.u32 $0x3FFF, v24;
	v27 =	vld [tilespmem:s9+$0x70]  }
0x72: {  	[tilespmem:s9+$0x20] =	vst v24;
	v24 =	vshra.s32 v23, $0xE;
	v23 =	vand.u32 $0x3FFF, v23  }
0x73: {  	[tilespmem:s9+$0x30] =	vst v23;
	v23 =	vshra.s32 v21, $0xE;
	v21 =	vand.u32 $0x3FFF, v21  }
0x74: {  	[tilespmem:s9+$0x40] =	vst v21;
	v21 =	vshra.s32 v22, $0xE;
	v22 =	vand.u32 $0x3FFF, v22  }
0x75: {  	[tilespmem:s9+$0x50] =	vst v22;
	v22 =	vshra.s32 v25, $0xE;
	v25 =	vand.u32 $0x3FFF, v25  }
0x76: {  	[tilespmem:s9+$0x60] =	vst v25;
	v25 =	vshra.s32 v27, $0xE;
	v27 =	vand.u32 $0x3FFF, v27  }
0x77: {  	[tilespmem:s9+$0x70] =	vst v27  }
0x78: {  	[tilespmem:s9+$0x1400] =	vst v19  }
0x79: {  	s11 =	sshra.s32 s10, $0x2;
	[tilespmem:s9+$0x1410] =	vst v20  }
0x7a: {  	v20 =	vld [tilespmem:s11+$0x0];
	[tilespmem:s9+$0x1420] =	vst v26  }
0x7b: {  	v26 =	vld [tilespmem:s11+$0x10];
	[tilespmem:s9+$0x1430] =	vst v24  }
.Ltmp1:
0x7c: {  	v24 =	vld [tilespmem:s11+$0x20];
	[tilespmem:s9+$0x1440] =	vst v23;
	(pc) =	sbr.rel @p0 .LBB2_4-.Ltmp1, $4  }
0x7d: {  	v23 =	vld [tilespmem:s11+$0x30];
	[tilespmem:s9+$0x1450] =	vst v21  }
0x7e: {  	v21 =	vld [tilespmem:s11+$0x40];
	[tilespmem:s9+$0x1460] =	vst v22  }
0x7f: {  	v19 =	vshra.s32 v20, $0xE;
	v20 =	vand.u32 $0x3FFF, v20;
	v22 =	vld [tilespmem:s11+$0x50];
	[tilespmem:s9+$0x1470] =	vst v25;
	s9 =	smov.u32 s11  }
0x80: {  	s10 =	sadd.s32 $0x200, s10;
	[tilespmem:s9+$0x0] =	vst v20;
	v20 =	vshra.s32 v26, $0xE;
	v26 =	vand.u32 $0x3FFF, v26;
	v25 =	vld [tilespmem:s9+$0x60]  }
0x81: {  	[tilespmem:s9+$0x10] =	vst v26  }
0x82: {  	[tilespmem:s9+$0x1400] =	vst v19  }
0x83: {  	v62 =	vand.u32 $0x3FFF, v24;
	[tilespmem:s9+$0x1410] =	vst v20  }
0x84: {  	v19 =	vshra.s32 v24, $0xE;
	[tilespmem:s9+$0x20] =	vst v62  }
0x85: {  	v63 =	vand.u32 $0x3FFF, v23;
	[tilespmem:s9+$0x1420] =	vst v19  }
0x86: {  	v20 =	vshra.s32 v23, $0xE;
	[tilespmem:s9+$0x30] =	vst v63  }
0x87: {  	v27 =	vld [tilespmem:s9+$0x70];
	v19 =	vshra.s32 v21, $0xE;
	[tilespmem:s9+$0x1430] =	vst v20  }
0x88: {  	v29 =	vand.u32 $0x3FFF, v22;
	[tilespmem:s9+$0x1440] =	vst v19  }
0x89: {  	v20 =	vshra.s32 v22, $0xE;
	[tilespmem:s9+$0x50] =	vst v29  }
0x8a: {  	v30 =	vand.u32 $0x3FFF, v25;
	[tilespmem:s9+$0x1450] =	vst v20  }
0x8b: {  	v19 =	vshra.s32 v25, $0xE;
	[tilespmem:s9+$0x60] =	vst v30  }
0x8c: {  	v31 =	vand.u32 $0x3FFF, v27;
	[tilespmem:s9+$0x1460] =	vst v19  }
0x8d: {  	v20 =	vshra.s32 v27, $0xE;
	[tilespmem:s9+$0x70] =	vst v31  }
0x8e: {  	[tilespmem:s9+$0x1470] =	vst v20  }
0x8f: {  	v19 =	vld [tilespmem:$0x0];
	_ =	sdelay $0x4  }
0x90: {  	v20 =	vshll.u32 v19, $0x1  }
0x91: {  	v19 =	vand.u32 $0x7, v19;
	v20 =	vand.u32 $0xFFFFFFF0, v20  }
0x92: {  	v19 =	vor.u32 v19, v20  }
0x93: {  	v20 =	vperm.xlane v19, v3;
	_ =	sdelay $0x1  }
0x94: {  	v32 =	vperm.xlane v19, v2;
	v20 =	vadd.s32 v4, v20;
	_ =	sdelay $0x1  }
0x95: {  	v28 =	vand.u32 $0x3FFF, v21;
	v33 =	vperm.xlane v19, v5;
	v21 =	vadd.s32 v4, v32;
	_ =	sdelay $0x1  }
0x96: {  	[tilespmem:s9+$0x40] =	vst v28;
	s9 =	simm.s32 $0x0;
	v34 =	vperm.xlane v19, v6;
	v22 =	vadd.s32 v4, v33  }
0x97: {  	[tilespmem:s29], [sflag:$0x1] =	stream.indirect_vreg.gather [hbm4b:s6+s9], $0x80, v20, vm0, $0xb8;
	[tilespmem:$0x1FC00] =	vst v63  }
0x98: {  	v35 =	vperm.xlane v19, v7;
	v20 =	vadd.s32 v4, v34  }
0x99: {  	[tilespmem:s13], [sflag:$0x1] =	stream.indirect_vreg.gather [hbm4b:s6+s9], $0x80, v21, vm0, $0xb8;
	[tilespmem:$0x1FC00] =	vst v63  }
0x9a: {  	s10 =	simm.s32 $0x3D00;
	v37 =	vperm.xlane v19, v8;
	v36 =	vadd.s32 v4, v35  }
0x9b: {  	[tilespmem:s10], [sflag:$0x1] =	stream.indirect_vreg.gather [hbm4b:s6+s9], $0x80, v22, vm0, $0xb8;
	[tilespmem:$0x1FC00] =	vst v63  }
0x9c: {  	s11 =	simm.s32 $0x3D80;
	v39 =	vperm.xlane v19, v9;
	v38 =	vadd.s32 v4, v37  }
0x9d: {  	[tilespmem:s11], [sflag:$0x1] =	stream.indirect_vreg.gather [hbm4b:s6+s9], $0x80, v20, vm0, $0xb8;
	[tilespmem:$0x1FC00] =	vst v63  }
0x9e: {  	v40 =	vperm.xlane v19, v1;
	s13 =	simm.s32 $0x3E00;
	v20 =	vadd.s32 v4, v39  }
0x9f: {  	[tilespmem:s13], [sflag:$0x1] =	stream.indirect_vreg.gather [hbm4b:s6+s9], $0x80, v36, vm0, $0xb8;
	[tilespmem:$0x1FC00] =	vst v63  }
0xa0: {  	v42 =	vperm.xlane v19, v10;
	v41 =	vadd.s32 v4, v40;
	s11 =	simm.s32 $0x3E80  }
0xa1: {  	[tilespmem:s11], [sflag:$0x1] =	stream.indirect_vreg.gather [hbm4b:s6+s9], $0x80, v38, vm0, $0xb8;
	[tilespmem:$0x1FC00] =	vst v63  }
0xa2: {  	v44 =	vperm.xlane v19, v11;
	v43 =	vadd.s32 v4, v42;
	s13 =	simm.s32 $0x3F00  }
0xa3: {  	[tilespmem:s13], [sflag:$0x1] =	stream.indirect_vreg.gather [hbm4b:s6+s9], $0x80, v20, vm0, $0xb8;
	[tilespmem:$0x1FC00] =	vst v63  }
0xa4: {  	v45 =	vperm.xlane v19, v12;
	s11 =	simm.s32 $0x3F80;
	v20 =	vadd.s32 v4, v44  }
0xa5: {  	[tilespmem:s11], [sflag:$0x1] =	stream.indirect_vreg.gather [hbm4b:s6+s9], $0x80, v41, vm0, $0xb8;
	[tilespmem:$0x1FC00] =	vst v63  }
0xa6: {  	v47 =	vperm.xlane v19, v13;
	v46 =	vadd.s32 v4, v45;
	s13 =	simm.s32 $0x4000  }
0xa7: {  	[tilespmem:s13], [sflag:$0x1] =	stream.indirect_vreg.gather [hbm4b:s6+s9], $0x80, v43, vm0, $0xb8;
	[tilespmem:$0x1FC00] =	vst v63  }
0xa8: {  	v49 =	vperm.xlane v19, v14;
	v48 =	vadd.s32 v4, v47;
	s11 =	simm.s32 $0x4080  }
0xa9: {  	[tilespmem:s11], [sflag:$0x1] =	stream.indirect_vreg.gather [hbm4b:s6+s9], $0x80, v20, vm0, $0xb8;
	[tilespmem:$0x1FC00] =	vst v63  }
0xaa: {  	v50 =	vperm.xlane v19, v15;
	s13 =	simm.s32 $0x4100;
	v20 =	vadd.s32 v4, v49  }
0xab: {  	[tilespmem:s13], [sflag:$0x1] =	stream.indirect_vreg.gather [hbm4b:s6+s9], $0x80, v46, vm0, $0xb8;
	[tilespmem:$0x1FC00] =	vst v63  }
0xac: {  	v52 =	vperm.xlane v19, v16;
	v51 =	vadd.s32 v4, v50;
	s11 =	simm.s32 $0x4180  }
0xad: {  	[tilespmem:s11], [sflag:$0x1] =	stream.indirect_vreg.gather [hbm4b:s6+s9], $0x80, v48, vm0, $0xb8;
	[tilespmem:$0x1FC00] =	vst v63  }
0xae: {  	v19 =	vperm.xlane v19, v17;
	v53 =	vadd.s32 v4, v52;
	s13 =	simm.s32 $0x4200  }
0xaf: {  	[tilespmem:s13], [sflag:$0x1] =	stream.indirect_vreg.gather [hbm4b:s6+s9], $0x80, v20, vm0, $0xb8;
	[tilespmem:$0x1FC00] =	vst v63  }
0xb0: {  	v19 =	vadd.s32 v4, v19;
	s11 =	simm.s32 $0x4280  }
0xb1: {  	[tilespmem:s11], [sflag:$0x1] =	stream.indirect_vreg.gather [hbm4b:s6+s9], $0x80, v51, vm0, $0xb8;
	[tilespmem:$0x1FC00] =	vst v63  }
0xb2: {  	s13 =	simm.s32 $0x4300  }
0xb3: {  	[tilespmem:s13], [sflag:$0x1] =	stream.indirect_vreg.gather [hbm4b:s6+s9], $0x80, v53, vm0, $0xb8;
	[tilespmem:$0x1FC00] =	vst v63  }
0xb4: {  	s11 =	simm.s32 $0x4380  }
0xb5: {  	[tilespmem:s11], [sflag:$0x1] =	stream.indirect_vreg.gather [hbm4b:s6+s9], $0x80, v19, vm0, $0xb8;
	[tilespmem:$0x1FC00] =	vst v63  }
0xb6: {  	v19 =	vld [tilespmem:$0x10];
	_ =	sdelay $0x4  }
0xb7: {  	v20 =	vshll.u32 v19, $0x1  }
0xb8: {  	v19 =	vand.u32 $0x7, v19;
	v20 =	vand.u32 $0xFFFFFFF0, v20  }
0xb9: {  	v19 =	vor.u32 v19, v20  }
0xba: {  	v20 =	vperm.xlane v19, v3;
	_ =	sdelay $0x1  }
0xbb: {  	v54 =	vperm.xlane v19, v2;
	v20 =	vadd.s32 v4, v20;
	_ =	sdelay $0x1  }
0xbc: {  	v55 =	vperm.xlane v19, v5;
	v21 =	vadd.s32 v4, v54;
	_ =	sdelay $0x1  }
0xbd: {  	s13 =	simm.s32 $0x4400;
	v56 =	vperm.xlane v19, v6;
	v22 =	vadd.s32 v4, v55  }
0xbe: {  	[tilespmem:s13], [sflag:$0x1] =	stream.indirect_vreg.gather [hbm4b:s6+s9], $0x80, v20, vm0, $0xb8;
	[tilespmem:$0x1FC00] =	vst v63  }
0xbf: {  	s11 =	simm.s32 $0x4480;
	v57 =	vperm.xlane v19, v7;
	v20 =	vadd.s32 v4, v56  }
0xc0: {  	[tilespmem:s11], [sflag:$0x1] =	stream.indirect_vreg.gather [hbm4b:s6+s9], $0x80, v21, vm0, $0xb8;
	[tilespmem:$0x1FC00] =	vst v63  }
0xc1: {  	v59 =	vperm.xlane v19, v8;
	v58 =	vadd.s32 v4, v57;
	s13 =	simm.s32 $0x4500  }
0xc2: {  	[tilespmem:s13], [sflag:$0x1] =	stream.indirect_vreg.gather [hbm4b:s6+s9], $0x80, v22, vm0, $0xb8;
	[tilespmem:$0x1FC00] =	vst v63  }
0xc3: {  	v61 =	vperm.xlane v19, v9;
	v60 =	vadd.s32 v4, v59;
	s11 =	simm.s32 $0x4580  }
0xc4: {  	[tilespmem:s11], [sflag:$0x1] =	stream.indirect_vreg.gather [hbm4b:s6+s9], $0x80, v20, vm0, $0xb8;
	[tilespmem:$0x1FC00] =	vst v63  }
0xc5: {  	v62 =	vperm.xlane v19, v1;
	s13 =	simm.s32 $0x4600;
	v20 =	vadd.s32 v4, v61  }
0xc6: {  	[tilespmem:s13], [sflag:$0x1] =	stream.indirect_vreg.gather [hbm4b:s6+s9], $0x80, v58, vm0, $0xb8;
	[tilespmem:$0x1FC00] =	vst v63  }
0xc7: {  	v24 =	vperm.xlane v19, v10;
	v63 =	vadd.s32 v4, v62;
	s11 =	simm.s32 $0x4680  }
0xc8: {  	[tilespmem:s11], [sflag:$0x1] =	stream.indirect_vreg.gather [hbm4b:s6+s9], $0x80, v60, vm0, $0xb8;
	[tilespmem:$0x1FC00] =	vst v63  }
0xc9: {  	v26 =	vperm.xlane v19, v11;
	v25 =	vadd.s32 v4, v24;
	s13 =	simm.s32 $0x4700  }
0xca: {  	[tilespmem:s13], [sflag:$0x1] =	stream.indirect_vreg.gather [hbm4b:s6+s9], $0x80, v20, vm0, $0xb8;
	[tilespmem:$0x1FC00] =	vst v63  }
0xcb: {  	v27 =	vperm.xlane v19, v12;
	s11 =	simm.s32 $0x4780;
	v20 =	vadd.s32 v4, v26  }
0xcc: {  	[tilespmem:s11], [sflag:$0x1] =	stream.indirect_vreg.gather [hbm4b:s6+s9], $0x80, v63, vm0, $0xb8;
	[tilespmem:$0x1FC00] =	vst v63  }
0xcd: {  	v29 =	vperm.xlane v19, v13;
	v28 =	vadd.s32 v4, v27;
	s13 =	simm.s32 $0x4800  }
0xce: {  	[tilespmem:s13], [sflag:$0x1] =	stream.indirect_vreg.gather [hbm4b:s6+s9], $0x80, v25, vm0, $0xb8;
	[tilespmem:$0x1FC00] =	vst v63  }
0xcf: {  	v31 =	vperm.xlane v19, v14;
	v30 =	vadd.s32 v4, v29;
	s11 =	simm.s32 $0x4880  }
0xd0: {  	[tilespmem:s11], [sflag:$0x1] =	stream.indirect_vreg.gather [hbm4b:s6+s9], $0x80, v20, vm0, $0xb8;
	[tilespmem:$0x1FC00] =	vst v63  }
0xd1: {  	v32 =	vperm.xlane v19, v15;
	s13 =	simm.s32 $0x4900;
	v20 =	vadd.s32 v4, v31  }
0xd2: {  	[tilespmem:s13], [sflag:$0x1] =	stream.indirect_vreg.gather [hbm4b:s6+s9], $0x80, v28, vm0, $0xb8;
	[tilespmem:$0x1FC00] =	vst v63  }
0xd3: {  	v34 =	vperm.xlane v19, v16;
	v33 =	vadd.s32 v4, v32;
	s11 =	simm.s32 $0x4980  }
0xd4: {  	[tilespmem:s11], [sflag:$0x1] =	stream.indirect_vreg.gather [hbm4b:s6+s9], $0x80, v30, vm0, $0xb8;
	[tilespmem:$0x1FC00] =	vst v63  }
0xd5: {  	v19 =	vperm.xlane v19, v17;
	v35 =	vadd.s32 v4, v34;
	s13 =	simm.s32 $0x4A00  }
0xd6: {  	[tilespmem:s13], [sflag:$0x1] =	stream.indirect_vreg.gather [hbm4b:s6+s9], $0x80, v20, vm0, $0xb8;
	[tilespmem:$0x1FC00] =	vst v63  }
0xd7: {  	v19 =	vadd.s32 v4, v19;
	s11 =	simm.s32 $0x4A80  }
0xd8: {  	[tilespmem:s11], [sflag:$0x1] =	stream.indirect_vreg.gather [hbm4b:s6+s9], $0x80, v33, vm0, $0xb8;
	[tilespmem:$0x1FC00] =	vst v63  }
0xd9: {  	s13 =	simm.s32 $0x4B00  }
0xda: {  	[tilespmem:s13], [sflag:$0x1] =	stream.indirect_vreg.gather [hbm4b:s6+s9], $0x80, v35, vm0, $0xb8;
	[tilespmem:$0x1FC00] =	vst v63  }
0xdb: {  	s11 =	simm.s32 $0x4B80  }
0xdc: {  	[tilespmem:s11], [sflag:$0x1] =	stream.indirect_vreg.gather [hbm4b:s6+s9], $0x80, v19, vm0, $0xb8;
	[tilespmem:$0x1FC00] =	vst v63  }
0xdd: {  	v19 =	vld [tilespmem:$0x20];
	_ =	sdelay $0x4  }
0xde: {  	v20 =	vshll.u32 v19, $0x1  }
0xdf: {  	v19 =	vand.u32 $0x7, v19;
	v20 =	vand.u32 $0xFFFFFFF0, v20  }
0xe0: {  	v19 =	vor.u32 v19, v20  }
0xe1: {  	v20 =	vperm.xlane v19, v3;
	_ =	sdelay $0x1  }
0xe2: {  	v36 =	vperm.xlane v19, v2;
	v20 =	vadd.s32 v4, v20;
	_ =	sdelay $0x1  }
0xe3: {  	v37 =	vperm.xlane v19, v5;
	v21 =	vadd.s32 v4, v36;
	_ =	sdelay $0x1  }
0xe4: {  	s13 =	simm.s32 $0x4C00;
	v38 =	vperm.xlane v19, v6;
	v22 =	vadd.s32 v4, v37  }
0xe5: {  	[tilespmem:s13], [sflag:$0x1] =	stream.indirect_vreg.gather [hbm4b:s6+s9], $0x80, v20, vm0, $0xb8;
	[tilespmem:$0x1FC00] =	vst v63  }
0xe6: {  	s11 =	simm.s32 $0x4C80;
	v39 =	vperm.xlane v19, v7;
	v20 =	vadd.s32 v4, v38  }
0xe7: {  	[tilespmem:s11], [sflag:$0x1] =	stream.indirect_vreg.gather [hbm4b:s6+s9], $0x80, v21, vm0, $0xb8;
	[tilespmem:$0x1FC00] =	vst v63  }
0xe8: {  	v41 =	vperm.xlane v19, v8;
	v40 =	vadd.s32 v4, v39;
	s13 =	simm.s32 $0x4D00  }
0xe9: {  	[tilespmem:s13], [sflag:$0x1] =	stream.indirect_vreg.gather [hbm4b:s6+s9], $0x80, v22, vm0, $0xb8;
	[tilespmem:$0x1FC00] =	vst v63  }
0xea: {  	v43 =	vperm.xlane v19, v9;
	v42 =	vadd.s32 v4, v41;
	s11 =	simm.s32 $0x4D80  }
0xeb: {  	[tilespmem:s11], [sflag:$0x1] =	stream.indirect_vreg.gather [hbm4b:s6+s9], $0x80, v20, vm0, $0xb8;
	[tilespmem:$0x1FC00] =	vst v63  }
0xec: {  	v44 =	vperm.xlane v19, v1;
	s13 =	simm.s32 $0x4E00;
	v20 =	vadd.s32 v4, v43  }
0xed: {  	[tilespmem:s13], [sflag:$0x1] =	stream.indirect_vreg.gather [hbm4b:s6+s9], $0x80, v40, vm0, $0xb8;
	[tilespmem:$0x1FC00] =	vst v63  }
0xee: {  	v46 =	vperm.xlane v19, v10;
	v45 =	vadd.s32 v4, v44;
	s11 =	simm.s32 $0x4E80  }
0xef: {  	[tilespmem:s11], [sflag:$0x1] =	stream.indirect_vreg.gather [hbm4b:s6+s9], $0x80, v42, vm0, $0xb8;
	[tilespmem:$0x1FC00] =	vst v63  }
0xf0: {  	v48 =	vperm.xlane v19, v11;
	v47 =	vadd.s32 v4, v46;
	s13 =	simm.s32 $0x4F00  }
0xf1: {  	[tilespmem:s13], [sflag:$0x1] =	stream.indirect_vreg.gather [hbm4b:s6+s9], $0x80, v20, vm0, $0xb8;
	[tilespmem:$0x1FC00] =	vst v63  }
0xf2: {  	v49 =	vperm.xlane v19, v12;
	s11 =	simm.s32 $0x4F80;
	v20 =	vadd.s32 v4, v48  }
0xf3: {  	[tilespmem:s11], [sflag:$0x1] =	stream.indirect_vreg.gather [hbm4b:s6+s9], $0x80, v45, vm0, $0xb8;
	[tilespmem:$0x1FC00] =	vst v63  }
0xf4: {  	v51 =	vperm.xlane v19, v13;
	v50 =	vadd.s32 v4, v49;
	s13 =	simm.s32 $0x5000  }
0xf5: {  	[tilespmem:s13], [sflag:$0x1] =	stream.indirect_vreg.gather [hbm4b:s6+s9], $0x80, v47, vm0, $0xb8;
	[tilespmem:$0x1FC00] =	vst v63  }
0xf6: {  	v53 =	vperm.xlane v19, v14;
	v52 =	vadd.s32 v4, v51;
	s11 =	simm.s32 $0x5080  }
0xf7: {  	[tilespmem:s11], [sflag:$0x1] =	stream.indirect_vreg.gather [hbm4b:s6+s9], $0x80, v20, vm0, $0xb8;
	[tilespmem:$0x1FC00] =	vst v63  }
0xf8: {  	v54 =	vperm.xlane v19, v15;
	s13 =	simm.s32 $0x5100;
	v20 =	vadd.s32 v4, v53  }
0xf9: {  	[tilespmem:s13], [sflag:$0x1] =	stream.indirect_vreg.gather [hbm4b:s6+s9], $0x80, v50, vm0, $0xb8;
	[tilespmem:$0x1FC00] =	vst v63  }
0xfa: {  	v56 =	vperm.xlane v19, v16;
	v55 =	vadd.s32 v4, v54;
	s11 =	simm.s32 $0x5180  }
0xfb: {  	[tilespmem:s11], [sflag:$0x1] =	stream.indirect_vreg.gather [hbm4b:s6+s9], $0x80, v52, vm0, $0xb8;
	[tilespmem:$0x1FC00] =	vst v63  }
0xfc: {  	v19 =	vperm.xlane v19, v17;
	v57 =	vadd.s32 v4, v56;
	s13 =	simm.s32 $0x5200  }
0xfd: {  	[tilespmem:s13], [sflag:$0x1] =	stream.indirect_vreg.gather [hbm4b:s6+s9], $0x80, v20, vm0, $0xb8;
	[tilespmem:$0x1FC00] =	vst v63  }
0xfe: {  	v19 =	vadd.s32 v4, v19;
	s11 =	simm.s32 $0x5280  }
0xff: {  	[tilespmem:s11], [sflag:$0x1] =	stream.indirect_vreg.gather [hbm4b:s6+s9], $0x80, v55, vm0, $0xb8;
	[tilespmem:$0x1FC00] =	vst v63  }
0x100: {  	s13 =	simm.s32 $0x5300  }
0x101: {  	[tilespmem:s13], [sflag:$0x1] =	stream.indirect_vreg.gather [hbm4b:s6+s9], $0x80, v57, vm0, $0xb8;
	[tilespmem:$0x1FC00] =	vst v63  }
0x102: {  	s11 =	simm.s32 $0x5380  }
0x103: {  	[tilespmem:s11], [sflag:$0x1] =	stream.indirect_vreg.gather [hbm4b:s6+s9], $0x80, v19, vm0, $0xb8;
	[tilespmem:$0x1FC00] =	vst v63  }
0x104: {  	v19 =	vld [tilespmem:$0x30];
	_ =	sdelay $0x4  }
0x105: {  	v20 =	vshll.u32 v19, $0x1  }
0x106: {  	v19 =	vand.u32 $0x7, v19;
	v20 =	vand.u32 $0xFFFFFFF0, v20  }
0x107: {  	v19 =	vor.u32 v19, v20  }
0x108: {  	v20 =	vperm.xlane v19, v3;
	_ =	sdelay $0x1  }
0x109: {  	v58 =	vperm.xlane v19, v2;
	v20 =	vadd.s32 v4, v20;
	_ =	sdelay $0x1  }
0x10a: {  	v59 =	vperm.xlane v19, v5;
	v21 =	vadd.s32 v4, v58;
	_ =	sdelay $0x1  }
0x10b: {  	s13 =	simm.s32 $0x5400;
	v60 =	vperm.xlane v19, v6;
	v22 =	vadd.s32 v4, v59  }
0x10c: {  	[tilespmem:s13], [sflag:$0x1] =	stream.indirect_vreg.gather [hbm4b:s6+s9], $0x80, v20, vm0, $0xb8;
	[tilespmem:$0x1FC00] =	vst v63  }
0x10d: {  	s11 =	simm.s32 $0x5480;
	v61 =	vperm.xlane v19, v7;
	v20 =	vadd.s32 v4, v60  }
0x10e: {  	[tilespmem:s11], [sflag:$0x1] =	stream.indirect_vreg.gather [hbm4b:s6+s9], $0x80, v21, vm0, $0xb8;
	[tilespmem:$0x1FC00] =	vst v63  }
0x10f: {  	v63 =	vperm.xlane v19, v8;
	v62 =	vadd.s32 v4, v61;
	s13 =	simm.s32 $0x5500  }
0x110: {  	[tilespmem:s13], [sflag:$0x1] =	stream.indirect_vreg.gather [hbm4b:s6+s9], $0x80, v22, vm0, $0xb8;
	[tilespmem:$0x1FC00] =	vst v63  }
0x111: {  	v25 =	vperm.xlane v19, v9;
	v24 =	vadd.s32 v4, v63;
	s11 =	simm.s32 $0x5580  }
0x112: {  	[tilespmem:s11], [sflag:$0x1] =	stream.indirect_vreg.gather [hbm4b:s6+s9], $0x80, v20, vm0, $0xb8;
	[tilespmem:$0x1FC00] =	vst v63  }
0x113: {  	v26 =	vperm.xlane v19, v1;
	s13 =	simm.s32 $0x5600;
	v20 =	vadd.s32 v4, v25  }
0x114: {  	[tilespmem:s13], [sflag:$0x1] =	stream.indirect_vreg.gather [hbm4b:s6+s9], $0x80, v62, vm0, $0xb8;
	[tilespmem:$0x1FC00] =	vst v63  }
0x115: {  	v28 =	vperm.xlane v19, v10;
	v27 =	vadd.s32 v4, v26;
	s11 =	simm.s32 $0x5680  }
0x116: {  	[tilespmem:s11], [sflag:$0x1] =	stream.indirect_vreg.gather [hbm4b:s6+s9], $0x80, v24, vm0, $0xb8;
	[tilespmem:$0x1FC00] =	vst v63  }
0x117: {  	v30 =	vperm.xlane v19, v11;
	v29 =	vadd.s32 v4, v28;
	s13 =	simm.s32 $0x5700  }
0x118: {  	[tilespmem:s13], [sflag:$0x1] =	stream.indirect_vreg.gather [hbm4b:s6+s9], $0x80, v20, vm0, $0xb8;
	[tilespmem:$0x1FC00] =	vst v63  }
0x119: {  	v31 =	vperm.xlane v19, v12;
	s11 =	simm.s32 $0x5780;
	v20 =	vadd.s32 v4, v30  }
0x11a: {  	[tilespmem:s11], [sflag:$0x1] =	stream.indirect_vreg.gather [hbm4b:s6+s9], $0x80, v27, vm0, $0xb8;
	[tilespmem:$0x1FC00] =	vst v63  }
0x11b: {  	v33 =	vperm.xlane v19, v13;
	v32 =	vadd.s32 v4, v31;
	s13 =	simm.s32 $0x5800  }
0x11c: {  	[tilespmem:s13], [sflag:$0x1] =	stream.indirect_vreg.gather [hbm4b:s6+s9], $0x80, v29, vm0, $0xb8;
	[tilespmem:$0x1FC00] =	vst v63  }
0x11d: {  	v35 =	vperm.xlane v19, v14;
	v34 =	vadd.s32 v4, v33;
	s11 =	simm.s32 $0x5880  }
0x11e: {  	[tilespmem:s11], [sflag:$0x1] =	stream.indirect_vreg.gather [hbm4b:s6+s9], $0x80, v20, vm0, $0xb8;
	[tilespmem:$0x1FC00] =	vst v63  }
0x11f: {  	v36 =	vperm.xlane v19, v15;
	s13 =	simm.s32 $0x5900;
	v20 =	vadd.s32 v4, v35  }
0x120: {  	[tilespmem:s13], [sflag:$0x1] =	stream.indirect_vreg.gather [hbm4b:s6+s9], $0x80, v32, vm0, $0xb8;
	[tilespmem:$0x1FC00] =	vst v63  }
0x121: {  	v38 =	vperm.xlane v19, v16;
	v37 =	vadd.s32 v4, v36;
	s11 =	simm.s32 $0x5980  }
0x122: {  	[tilespmem:s11], [sflag:$0x1] =	stream.indirect_vreg.gather [hbm4b:s6+s9], $0x80, v34, vm0, $0xb8;
	[tilespmem:$0x1FC00] =	vst v63  }
0x123: {  	v19 =	vperm.xlane v19, v17;
	v39 =	vadd.s32 v4, v38;
	s13 =	simm.s32 $0x5A00  }
0x124: {  	[tilespmem:s13], [sflag:$0x1] =	stream.indirect_vreg.gather [hbm4b:s6+s9], $0x80, v20, vm0, $0xb8;
	[tilespmem:$0x1FC00] =	vst v63  }
0x125: {  	v19 =	vadd.s32 v4, v19;
	s11 =	simm.s32 $0x5A80  }
0x126: {  	[tilespmem:s11], [sflag:$0x1] =	stream.indirect_vreg.gather [hbm4b:s6+s9], $0x80, v37, vm0, $0xb8;
	[tilespmem:$0x1FC00] =	vst v63  }
0x127: {  	s13 =	simm.s32 $0x5B00  }
0x128: {  	[tilespmem:s13], [sflag:$0x1] =	stream.indirect_vreg.gather [hbm4b:s6+s9], $0x80, v39, vm0, $0xb8;
	[tilespmem:$0x1FC00] =	vst v63  }
0x129: {  	s11 =	simm.s32 $0x5B80  }
0x12a: {  	[tilespmem:s11], [sflag:$0x1] =	stream.indirect_vreg.gather [hbm4b:s6+s9], $0x80, v19, vm0, $0xb8;
	[tilespmem:$0x1FC00] =	vst v63  }
0x12b: {  	v19 =	vld [tilespmem:$0x40];
	_ =	sdelay $0x4  }
0x12c: {  	v20 =	vshll.u32 v19, $0x1  }
0x12d: {  	v19 =	vand.u32 $0x7, v19;
	v20 =	vand.u32 $0xFFFFFFF0, v20  }
0x12e: {  	v19 =	vor.u32 v19, v20  }
0x12f: {  	v20 =	vperm.xlane v19, v3;
	_ =	sdelay $0x1  }
0x130: {  	v40 =	vperm.xlane v19, v2;
	v20 =	vadd.s32 v4, v20;
	_ =	sdelay $0x1  }
0x131: {  	v41 =	vperm.xlane v19, v5;
	v21 =	vadd.s32 v4, v40;
	_ =	sdelay $0x1  }
0x132: {  	s13 =	simm.s32 $0x5C00;
	v42 =	vperm.xlane v19, v6;
	v22 =	vadd.s32 v4, v41  }
0x133: {  	[tilespmem:s13], [sflag:$0x1] =	stream.indirect_vreg.gather [hbm4b:s6+s9], $0x80, v20, vm0, $0xb8;
	[tilespmem:$0x1FC00] =	vst v63  }
0x134: {  	s11 =	simm.s32 $0x5C80;
	v43 =	vperm.xlane v19, v7;
	v20 =	vadd.s32 v4, v42  }
0x135: {  	[tilespmem:s11], [sflag:$0x1] =	stream.indirect_vreg.gather [hbm4b:s6+s9], $0x80, v21, vm0, $0xb8;
	[tilespmem:$0x1FC00] =	vst v63  }
0x136: {  	v45 =	vperm.xlane v19, v8;
	v44 =	vadd.s32 v4, v43;
	s13 =	simm.s32 $0x5D00  }
0x137: {  	[tilespmem:s13], [sflag:$0x1] =	stream.indirect_vreg.gather [hbm4b:s6+s9], $0x80, v22, vm0, $0xb8;
	[tilespmem:$0x1FC00] =	vst v63  }
0x138: {  	v47 =	vperm.xlane v19, v9;
	v46 =	vadd.s32 v4, v45;
	s11 =	simm.s32 $0x5D80  }
0x139: {  	[tilespmem:s11], [sflag:$0x1] =	stream.indirect_vreg.gather [hbm4b:s6+s9], $0x80, v20, vm0, $0xb8;
	[tilespmem:$0x1FC00] =	vst v63  }
0x13a: {  	v48 =	vperm.xlane v19, v1;
	s13 =	simm.s32 $0x5E00;
	v20 =	vadd.s32 v4, v47  }
0x13b: {  	[tilespmem:s13], [sflag:$0x1] =	stream.indirect_vreg.gather [hbm4b:s6+s9], $0x80, v44, vm0, $0xb8;
	[tilespmem:$0x1FC00] =	vst v63  }
0x13c: {  	v50 =	vperm.xlane v19, v10;
	v49 =	vadd.s32 v4, v48;
	s11 =	simm.s32 $0x5E80  }
0x13d: {  	[tilespmem:s11], [sflag:$0x1] =	stream.indirect_vreg.gather [hbm4b:s6+s9], $0x80, v46, vm0, $0xb8;
	[tilespmem:$0x1FC00] =	vst v63  }
0x13e: {  	v52 =	vperm.xlane v19, v11;
	v51 =	vadd.s32 v4, v50;
	s13 =	simm.s32 $0x5F00  }
0x13f: {  	[tilespmem:s13], [sflag:$0x1] =	stream.indirect_vreg.gather [hbm4b:s6+s9], $0x80, v20, vm0, $0xb8;
	[tilespmem:$0x1FC00] =	vst v63  }
0x140: {  	v53 =	vperm.xlane v19, v12;
	s11 =	simm.s32 $0x5F80;
	v20 =	vadd.s32 v4, v52  }
0x141: {  	[tilespmem:s11], [sflag:$0x1] =	stream.indirect_vreg.gather [hbm4b:s6+s9], $0x80, v49, vm0, $0xb8;
	[tilespmem:$0x1FC00] =	vst v63  }
0x142: {  	v55 =	vperm.xlane v19, v13;
	v54 =	vadd.s32 v4, v53;
	s13 =	simm.s32 $0x6000  }
0x143: {  	[tilespmem:s13], [sflag:$0x1] =	stream.indirect_vreg.gather [hbm4b:s6+s9], $0x80, v51, vm0, $0xb8;
	[tilespmem:$0x1FC00] =	vst v63  }
0x144: {  	v57 =	vperm.xlane v19, v14;
	v56 =	vadd.s32 v4, v55;
	s11 =	simm.s32 $0x6080  }
0x145: {  	[tilespmem:s11], [sflag:$0x1] =	stream.indirect_vreg.gather [hbm4b:s6+s9], $0x80, v20, vm0, $0xb8;
	[tilespmem:$0x1FC00] =	vst v63  }
0x146: {  	v58 =	vperm.xlane v19, v15;
	s13 =	simm.s32 $0x6100;
	v20 =	vadd.s32 v4, v57  }
0x147: {  	[tilespmem:s13], [sflag:$0x1] =	stream.indirect_vreg.gather [hbm4b:s6+s9], $0x80, v54, vm0, $0xb8;
	[tilespmem:$0x1FC00] =	vst v63  }
0x148: {  	v60 =	vperm.xlane v19, v16;
	v59 =	vadd.s32 v4, v58;
	s11 =	simm.s32 $0x6180  }
0x149: {  	[tilespmem:s11], [sflag:$0x1] =	stream.indirect_vreg.gather [hbm4b:s6+s9], $0x80, v56, vm0, $0xb8;
	[tilespmem:$0x1FC00] =	vst v63  }
0x14a: {  	v19 =	vperm.xlane v19, v17;
	v61 =	vadd.s32 v4, v60;
	s13 =	simm.s32 $0x6200  }
0x14b: {  	[tilespmem:s13], [sflag:$0x1] =	stream.indirect_vreg.gather [hbm4b:s6+s9], $0x80, v20, vm0, $0xb8;
	[tilespmem:$0x1FC00] =	vst v63  }
0x14c: {  	v19 =	vadd.s32 v4, v19;
	s11 =	simm.s32 $0x6280  }
0x14d: {  	[tilespmem:s11], [sflag:$0x1] =	stream.indirect_vreg.gather [hbm4b:s6+s9], $0x80, v59, vm0, $0xb8;
	[tilespmem:$0x1FC00] =	vst v63  }
0x14e: {  	s13 =	simm.s32 $0x6300  }
0x14f: {  	[tilespmem:s13], [sflag:$0x1] =	stream.indirect_vreg.gather [hbm4b:s6+s9], $0x80, v61, vm0, $0xb8;
	[tilespmem:$0x1FC00] =	vst v63  }
0x150: {  	s11 =	simm.s32 $0x6380  }
0x151: {  	[tilespmem:s11], [sflag:$0x1] =	stream.indirect_vreg.gather [hbm4b:s6+s9], $0x80, v19, vm0, $0xb8;
	[tilespmem:$0x1FC00] =	vst v63  }
0x152: {  	v19 =	vld [tilespmem:$0x50];
	_ =	sdelay $0x4  }
0x153: {  	v20 =	vshll.u32 v19, $0x1  }
0x154: {  	v19 =	vand.u32 $0x7, v19;
	v20 =	vand.u32 $0xFFFFFFF0, v20  }
0x155: {  	v19 =	vor.u32 v19, v20  }
0x156: {  	v20 =	vperm.xlane v19, v3;
	_ =	sdelay $0x1  }
0x157: {  	v62 =	vperm.xlane v19, v2;
	v20 =	vadd.s32 v4, v20;
	_ =	sdelay $0x1  }
0x158: {  	v63 =	vperm.xlane v19, v5;
	v21 =	vadd.s32 v4, v62;
	_ =	sdelay $0x1  }
0x159: {  	s13 =	simm.s32 $0x6400;
	v24 =	vperm.xlane v19, v6;
	v22 =	vadd.s32 v4, v63  }
0x15a: {  	[tilespmem:s13], [sflag:$0x1] =	stream.indirect_vreg.gather [hbm4b:s6+s9], $0x80, v20, vm0, $0xb8;
	[tilespmem:$0x1FC00] =	vst v63  }
0x15b: {  	s11 =	simm.s32 $0x6480;
	v25 =	vperm.xlane v19, v7;
	v20 =	vadd.s32 v4, v24  }
0x15c: {  	[tilespmem:s11], [sflag:$0x1] =	stream.indirect_vreg.gather [hbm4b:s6+s9], $0x80, v21, vm0, $0xb8;
	[tilespmem:$0x1FC00] =	vst v63  }
0x15d: {  	v27 =	vperm.xlane v19, v8;
	v26 =	vadd.s32 v4, v25;
	s13 =	simm.s32 $0x6500  }
0x15e: {  	[tilespmem:s13], [sflag:$0x1] =	stream.indirect_vreg.gather [hbm4b:s6+s9], $0x80, v22, vm0, $0xb8;
	[tilespmem:$0x1FC00] =	vst v63  }
0x15f: {  	v29 =	vperm.xlane v19, v9;
	v28 =	vadd.s32 v4, v27;
	s11 =	simm.s32 $0x6580  }
0x160: {  	[tilespmem:s11], [sflag:$0x1] =	stream.indirect_vreg.gather [hbm4b:s6+s9], $0x80, v20, vm0, $0xb8;
	[tilespmem:$0x1FC00] =	vst v63  }
0x161: {  	v30 =	vperm.xlane v19, v1;
	s13 =	simm.s32 $0x6600;
	v20 =	vadd.s32 v4, v29  }
0x162: {  	[tilespmem:s13], [sflag:$0x1] =	stream.indirect_vreg.gather [hbm4b:s6+s9], $0x80, v26, vm0, $0xb8;
	[tilespmem:$0x1FC00] =	vst v63  }
0x163: {  	v32 =	vperm.xlane v19, v10;
	v31 =	vadd.s32 v4, v30;
	s11 =	simm.s32 $0x6680  }
0x164: {  	[tilespmem:s11], [sflag:$0x1] =	stream.indirect_vreg.gather [hbm4b:s6+s9], $0x80, v28, vm0, $0xb8;
	[tilespmem:$0x1FC00] =	vst v63  }
0x165: {  	v34 =	vperm.xlane v19, v11;
	v33 =	vadd.s32 v4, v32;
	s13 =	simm.s32 $0x6700  }
0x166: {  	[tilespmem:s13], [sflag:$0x1] =	stream.indirect_vreg.gather [hbm4b:s6+s9], $0x80, v20, vm0, $0xb8;
	[tilespmem:$0x1FC00] =	vst v63  }
0x167: {  	v35 =	vperm.xlane v19, v12;
	s11 =	simm.s32 $0x6780;
	v20 =	vadd.s32 v4, v34  }
0x168: {  	[tilespmem:s11], [sflag:$0x1] =	stream.indirect_vreg.gather [hbm4b:s6+s9], $0x80, v31, vm0, $0xb8;
	[tilespmem:$0x1FC00] =	vst v63  }
0x169: {  	v37 =	vperm.xlane v19, v13;
	v36 =	vadd.s32 v4, v35;
	s13 =	simm.s32 $0x6800  }
0x16a: {  	[tilespmem:s13], [sflag:$0x1] =	stream.indirect_vreg.gather [hbm4b:s6+s9], $0x80, v33, vm0, $0xb8;
	[tilespmem:$0x1FC00] =	vst v63  }
0x16b: {  	v39 =	vperm.xlane v19, v14;
	v38 =	vadd.s32 v4, v37;
	s11 =	simm.s32 $0x6880  }
0x16c: {  	[tilespmem:s11], [sflag:$0x1] =	stream.indirect_vreg.gather [hbm4b:s6+s9], $0x80, v20, vm0, $0xb8;
	[tilespmem:$0x1FC00] =	vst v63  }
0x16d: {  	v40 =	vperm.xlane v19, v15;
	s13 =	simm.s32 $0x6900;
	v20 =	vadd.s32 v4, v39  }
0x16e: {  	[tilespmem:s13], [sflag:$0x1] =	stream.indirect_vreg.gather [hbm4b:s6+s9], $0x80, v36, vm0, $0xb8;
	[tilespmem:$0x1FC00] =	vst v63  }
0x16f: {  	v42 =	vperm.xlane v19, v16;
	v41 =	vadd.s32 v4, v40;
	s11 =	simm.s32 $0x6980  }
0x170: {  	[tilespmem:s11], [sflag:$0x1] =	stream.indirect_vreg.gather [hbm4b:s6+s9], $0x80, v38, vm0, $0xb8;
	[tilespmem:$0x1FC00] =	vst v63  }
0x171: {  	v19 =	vperm.xlane v19, v17;
	v43 =	vadd.s32 v4, v42;
	s13 =	simm.s32 $0x6A00  }
0x172: {  	[tilespmem:s13], [sflag:$0x1] =	stream.indirect_vreg.gather [hbm4b:s6+s9], $0x80, v20, vm0, $0xb8;
	[tilespmem:$0x1FC00] =	vst v63  }
0x173: {  	v19 =	vadd.s32 v4, v19;
	s11 =	simm.s32 $0x6A80  }
0x174: {  	[tilespmem:s11], [sflag:$0x1] =	stream.indirect_vreg.gather [hbm4b:s6+s9], $0x80, v41, vm0, $0xb8;
	[tilespmem:$0x1FC00] =	vst v63  }
0x175: {  	s13 =	simm.s32 $0x6B00  }
0x176: {  	[tilespmem:s13], [sflag:$0x1] =	stream.indirect_vreg.gather [hbm4b:s6+s9], $0x80, v43, vm0, $0xb8;
	[tilespmem:$0x1FC00] =	vst v63  }
0x177: {  	s11 =	simm.s32 $0x6B80  }
0x178: {  	[tilespmem:s11], [sflag:$0x1] =	stream.indirect_vreg.gather [hbm4b:s6+s9], $0x80, v19, vm0, $0xb8;
	[tilespmem:$0x1FC00] =	vst v63  }
0x179: {  	v19 =	vld [tilespmem:$0x60];
	_ =	sdelay $0x4  }
0x17a: {  	v20 =	vshll.u32 v19, $0x1  }
0x17b: {  	v19 =	vand.u32 $0x7, v19;
	v20 =	vand.u32 $0xFFFFFFF0, v20  }
0x17c: {  	v19 =	vor.u32 v19, v20  }
0x17d: {  	v20 =	vperm.xlane v19, v3;
	_ =	sdelay $0x1  }
0x17e: {  	v44 =	vperm.xlane v19, v2;
	v20 =	vadd.s32 v4, v20;
	_ =	sdelay $0x1  }
0x17f: {  	v45 =	vperm.xlane v19, v5;
	v21 =	vadd.s32 v4, v44;
	_ =	sdelay $0x1  }
0x180: {  	s13 =	simm.s32 $0x6C00;
	v46 =	vperm.xlane v19, v6;
	v22 =	vadd.s32 v4, v45  }
0x181: {  	[tilespmem:s13], [sflag:$0x1] =	stream.indirect_vreg.gather [hbm4b:s6+s9], $0x80, v20, vm0, $0xb8;
	[tilespmem:$0x1FC00] =	vst v63  }
0x182: {  	s11 =	simm.s32 $0x6C80;
	v47 =	vperm.xlane v19, v7;
	v20 =	vadd.s32 v4, v46  }
0x183: {  	[tilespmem:s11], [sflag:$0x1] =	stream.indirect_vreg.gather [hbm4b:s6+s9], $0x80, v21, vm0, $0xb8;
	[tilespmem:$0x1FC00] =	vst v63  }
0x184: {  	v49 =	vperm.xlane v19, v8;
	v48 =	vadd.s32 v4, v47;
	s13 =	simm.s32 $0x6D00  }
0x185: {  	[tilespmem:s13], [sflag:$0x1] =	stream.indirect_vreg.gather [hbm4b:s6+s9], $0x80, v22, vm0, $0xb8;
	[tilespmem:$0x1FC00] =	vst v63  }
0x186: {  	v51 =	vperm.xlane v19, v9;
	v50 =	vadd.s32 v4, v49;
	s11 =	simm.s32 $0x6D80  }
0x187: {  	[tilespmem:s11], [sflag:$0x1] =	stream.indirect_vreg.gather [hbm4b:s6+s9], $0x80, v20, vm0, $0xb8;
	[tilespmem:$0x1FC00] =	vst v63  }
0x188: {  	v52 =	vperm.xlane v19, v1;
	s13 =	simm.s32 $0x6E00;
	v20 =	vadd.s32 v4, v51  }
0x189: {  	[tilespmem:s13], [sflag:$0x1] =	stream.indirect_vreg.gather [hbm4b:s6+s9], $0x80, v48, vm0, $0xb8;
	[tilespmem:$0x1FC00] =	vst v63  }
0x18a: {  	v54 =	vperm.xlane v19, v10;
	v53 =	vadd.s32 v4, v52;
	s11 =	simm.s32 $0x6E80  }
0x18b: {  	[tilespmem:s11], [sflag:$0x1] =	stream.indirect_vreg.gather [hbm4b:s6+s9], $0x80, v50, vm0, $0xb8;
	[tilespmem:$0x1FC00] =	vst v63  }
0x18c: {  	v56 =	vperm.xlane v19, v11;
	v55 =	vadd.s32 v4, v54;
	s13 =	simm.s32 $0x6F00  }
0x18d: {  	[tilespmem:s13], [sflag:$0x1] =	stream.indirect_vreg.gather [hbm4b:s6+s9], $0x80, v20, vm0, $0xb8;
	[tilespmem:$0x1FC00] =	vst v63  }
0x18e: {  	v57 =	vperm.xlane v19, v12;
	s11 =	simm.s32 $0x6F80;
	v20 =	vadd.s32 v4, v56  }
0x18f: {  	[tilespmem:s11], [sflag:$0x1] =	stream.indirect_vreg.gather [hbm4b:s6+s9], $0x80, v53, vm0, $0xb8;
	[tilespmem:$0x1FC00] =	vst v63  }
0x190: {  	v59 =	vperm.xlane v19, v13;
	v58 =	vadd.s32 v4, v57;
	s13 =	simm.s32 $0x7000  }
0x191: {  	[tilespmem:s13], [sflag:$0x1] =	stream.indirect_vreg.gather [hbm4b:s6+s9], $0x80, v55, vm0, $0xb8;
	[tilespmem:$0x1FC00] =	vst v63  }
0x192: {  	v61 =	vperm.xlane v19, v14;
	v60 =	vadd.s32 v4, v59;
	s11 =	simm.s32 $0x7080  }
0x193: {  	[tilespmem:s11], [sflag:$0x1] =	stream.indirect_vreg.gather [hbm4b:s6+s9], $0x80, v20, vm0, $0xb8;
	[tilespmem:$0x1FC00] =	vst v63  }
0x194: {  	v62 =	vperm.xlane v19, v15;
	s13 =	simm.s32 $0x7100;
	v20 =	vadd.s32 v4, v61  }
0x195: {  	[tilespmem:s13], [sflag:$0x1] =	stream.indirect_vreg.gather [hbm4b:s6+s9], $0x80, v58, vm0, $0xb8;
	[tilespmem:$0x1FC00] =	vst v63  }
0x196: {  	v24 =	vperm.xlane v19, v16;
	v63 =	vadd.s32 v4, v62;
	s11 =	simm.s32 $0x7180  }
0x197: {  	[tilespmem:s11], [sflag:$0x1] =	stream.indirect_vreg.gather [hbm4b:s6+s9], $0x80, v60, vm0, $0xb8;
	[tilespmem:$0x1FC00] =	vst v63  }
0x198: {  	v19 =	vperm.xlane v19, v17;
	v25 =	vadd.s32 v4, v24;
	s13 =	simm.s32 $0x7200  }
0x199: {  	[tilespmem:s13], [sflag:$0x1] =	stream.indirect_vreg.gather [hbm4b:s6+s9], $0x80, v20, vm0, $0xb8;
	[tilespmem:$0x1FC00] =	vst v63  }
0x19a: {  	v19 =	vadd.s32 v4, v19;
	s11 =	simm.s32 $0x7280  }
0x19b: {  	[tilespmem:s11], [sflag:$0x1] =	stream.indirect_vreg.gather [hbm4b:s6+s9], $0x80, v63, vm0, $0xb8;
	[tilespmem:$0x1FC00] =	vst v63  }
0x19c: {  	s13 =	simm.s32 $0x7300  }
0x19d: {  	[tilespmem:s13], [sflag:$0x1] =	stream.indirect_vreg.gather [hbm4b:s6+s9], $0x80, v25, vm0, $0xb8;
	[tilespmem:$0x1FC00] =	vst v63  }
0x19e: {  	s11 =	simm.s32 $0x7380  }
0x19f: {  	[tilespmem:s11], [sflag:$0x1] =	stream.indirect_vreg.gather [hbm4b:s6+s9], $0x80, v19, vm0, $0xb8;
	[tilespmem:$0x1FC00] =	vst v63  }
0x1a0: {  	v19 =	vld [tilespmem:$0x70];
	_ =	sdelay $0x4  }
0x1a1: {  	v20 =	vshll.u32 v19, $0x1  }
0x1a2: {  	v19 =	vand.u32 $0x7, v19;
	v20 =	vand.u32 $0xFFFFFFF0, v20  }
0x1a3: {  	v19 =	vor.u32 v19, v20  }
0x1a4: {  	v20 =	vperm.xlane v19, v3;
	_ =	sdelay $0x1  }
0x1a5: {  	v26 =	vperm.xlane v19, v2;
	v20 =	vadd.s32 v4, v20;
	_ =	sdelay $0x1  }
0x1a6: {  	v27 =	vperm.xlane v19, v5;
	v21 =	vadd.s32 v4, v26;
	_ =	sdelay $0x1  }
0x1a7: {  	s13 =	simm.s32 $0x7400;
	v28 =	vperm.xlane v19, v6;
	v22 =	vadd.s32 v4, v27  }
0x1a8: {  	[tilespmem:s13], [sflag:$0x1] =	stream.indirect_vreg.gather [hbm4b:s6+s9], $0x80, v20, vm0, $0xb8;
	[tilespmem:$0x1FC00] =	vst v63  }
0x1a9: {  	s11 =	simm.s32 $0x7480;
	v29 =	vperm.xlane v19, v7;
	v20 =	vadd.s32 v4, v28  }
0x1aa: {  	[tilespmem:s11], [sflag:$0x1] =	stream.indirect_vreg.gather [hbm4b:s6+s9], $0x80, v21, vm0, $0xb8;
	[tilespmem:$0x1FC00] =	vst v63  }
0x1ab: {  	v31 =	vperm.xlane v19, v8;
	v30 =	vadd.s32 v4, v29;
	s13 =	simm.s32 $0x7500  }
0x1ac: {  	[tilespmem:s13], [sflag:$0x1] =	stream.indirect_vreg.gather [hbm4b:s6+s9], $0x80, v22, vm0, $0xb8;
	[tilespmem:$0x1FC00] =	vst v63  }
0x1ad: {  	v33 =	vperm.xlane v19, v9;
	v32 =	vadd.s32 v4, v31;
	s11 =	simm.s32 $0x7580  }
0x1ae: {  	[tilespmem:s11], [sflag:$0x1] =	stream.indirect_vreg.gather [hbm4b:s6+s9], $0x80, v20, vm0, $0xb8;
	[tilespmem:$0x1FC00] =	vst v63  }
0x1af: {  	v34 =	vperm.xlane v19, v1;
	s13 =	simm.s32 $0x7600;
	v20 =	vadd.s32 v4, v33  }
0x1b0: {  	[tilespmem:s13], [sflag:$0x1] =	stream.indirect_vreg.gather [hbm4b:s6+s9], $0x80, v30, vm0, $0xb8;
	[tilespmem:$0x1FC00] =	vst v63  }
0x1b1: {  	v36 =	vperm.xlane v19, v10;
	v35 =	vadd.s32 v4, v34;
	s11 =	simm.s32 $0x7680  }
0x1b2: {  	[tilespmem:s11], [sflag:$0x1] =	stream.indirect_vreg.gather [hbm4b:s6+s9], $0x80, v32, vm0, $0xb8;
	[tilespmem:$0x1FC00] =	vst v63  }
0x1b3: {  	v38 =	vperm.xlane v19, v11;
	v37 =	vadd.s32 v4, v36;
	s13 =	simm.s32 $0x7700  }
0x1b4: {  	[tilespmem:s13], [sflag:$0x1] =	stream.indirect_vreg.gather [hbm4b:s6+s9], $0x80, v20, vm0, $0xb8;
	[tilespmem:$0x1FC00] =	vst v63  }
0x1b5: {  	v39 =	vperm.xlane v19, v12;
	s11 =	simm.s32 $0x7780;
	v20 =	vadd.s32 v4, v38  }
0x1b6: {  	[tilespmem:s11], [sflag:$0x1] =	stream.indirect_vreg.gather [hbm4b:s6+s9], $0x80, v35, vm0, $0xb8;
	[tilespmem:$0x1FC00] =	vst v63  }
0x1b7: {  	v41 =	vperm.xlane v19, v13;
	v40 =	vadd.s32 v4, v39;
	s13 =	simm.s32 $0x7800  }
0x1b8: {  	[tilespmem:s13], [sflag:$0x1] =	stream.indirect_vreg.gather [hbm4b:s6+s9], $0x80, v37, vm0, $0xb8;
	[tilespmem:$0x1FC00] =	vst v63  }
0x1b9: {  	v43 =	vperm.xlane v19, v14;
	v42 =	vadd.s32 v4, v41;
	s11 =	simm.s32 $0x7880  }
0x1ba: {  	[tilespmem:s11], [sflag:$0x1] =	stream.indirect_vreg.gather [hbm4b:s6+s9], $0x80, v20, vm0, $0xb8;
	[tilespmem:$0x1FC00] =	vst v63  }
0x1bb: {  	v44 =	vperm.xlane v19, v15;
	s13 =	simm.s32 $0x7900;
	v20 =	vadd.s32 v4, v43  }
0x1bc: {  	[tilespmem:s13], [sflag:$0x1] =	stream.indirect_vreg.gather [hbm4b:s6+s9], $0x80, v40, vm0, $0xb8;
	[tilespmem:$0x1FC00] =	vst v63  }
0x1bd: {  	v46 =	vperm.xlane v19, v16;
	v45 =	vadd.s32 v4, v44;
	s11 =	simm.s32 $0x7980  }
0x1be: {  	[tilespmem:s11], [sflag:$0x1] =	stream.indirect_vreg.gather [hbm4b:s6+s9], $0x80, v42, vm0, $0xb8;
	[tilespmem:$0x1FC00] =	vst v63  }
0x1bf: {  	v19 =	vperm.xlane v19, v17;
	v47 =	vadd.s32 v4, v46;
	s13 =	simm.s32 $0x7A00  }
0x1c0: {  	[tilespmem:s13], [sflag:$0x1] =	stream.indirect_vreg.gather [hbm4b:s6+s9], $0x80, v20, vm0, $0xb8;
	[tilespmem:$0x1FC00] =	vst v63  }
0x1c1: {  	v19 =	vadd.s32 v4, v19;
	s11 =	simm.s32 $0x7A80  }
0x1c2: {  	[tilespmem:s11], [sflag:$0x1] =	stream.indirect_vreg.gather [hbm4b:s6+s9], $0x80, v45, vm0, $0xb8;
	[tilespmem:$0x1FC00] =	vst v63  }
0x1c3: {  	s13 =	simm.s32 $0x7B00  }
0x1c4: {  	[tilespmem:s13], [sflag:$0x1] =	stream.indirect_vreg.gather [hbm4b:s6+s9], $0x80, v47, vm0, $0xb8;
	[tilespmem:$0x1FC00] =	vst v63  }
0x1c5: {  	s11 =	simm.s32 $0x7B80  }
0x1c6: {  	[tilespmem:s11], [sflag:$0x1] =	stream.indirect_vreg.gather [hbm4b:s6+s9], $0x80, v19, vm0, $0xb8;
	[tilespmem:$0x1FC00] =	vst v63  }
0x1c7: {  	v19 =	vld [tilespmem:$0x80];
	_ =	sdelay $0x4  }
0x1c8: {  	v20 =	vshll.u32 v19, $0x1  }
0x1c9: {  	v19 =	vand.u32 $0x7, v19;
	v20 =	vand.u32 $0xFFFFFFF0, v20  }
0x1ca: {  	v19 =	vor.u32 v19, v20  }
0x1cb: {  	v20 =	vperm.xlane v19, v3;
	_ =	sdelay $0x1  }
0x1cc: {  	v48 =	vperm.xlane v19, v2;
	v20 =	vadd.s32 v4, v20;
	_ =	sdelay $0x1  }
0x1cd: {  	v49 =	vperm.xlane v19, v5;
	v21 =	vadd.s32 v4, v48;
	_ =	sdelay $0x1  }
0x1ce: {  	v50 =	vperm.xlane v19, v6;
	v22 =	vadd.s32 v4, v49  }
0x1cf: {  	[tilespmem:s26], [sflag:$0x2] =	stream.indirect_vreg.gather [hbm4b:s6+s9], $0x80, v20, vm0, $0xb8;
	[tilespmem:$0x1FC00] =	vst v63  }
0x1d0: {  	s13 =	simm.s32 $0x7C80;
	v51 =	vperm.xlane v19, v7;
	v20 =	vadd.s32 v4, v50  }
0x1d1: {  	[tilespmem:s13], [sflag:$0x2] =	stream.indirect_vreg.gather [hbm4b:s6+s9], $0x80, v21, vm0, $0xb8;
	[tilespmem:$0x1FC00] =	vst v63  }
0x1d2: {  	s11 =	simm.s32 $0x7D00;
	v53 =	vperm.xlane v19, v8;
	v52 =	vadd.s32 v4, v51  }
0x1d3: {  	[tilespmem:s11], [sflag:$0x2] =	stream.indirect_vreg.gather [hbm4b:s6+s9], $0x80, v22, vm0, $0xb8;
	[tilespmem:$0x1FC00] =	vst v63  }
0x1d4: {  	v55 =	vperm.xlane v19, v9;
	v54 =	vadd.s32 v4, v53;
	s13 =	simm.s32 $0x7D80  }
0x1d5: {  	[tilespmem:s13], [sflag:$0x2] =	stream.indirect_vreg.gather [hbm4b:s6+s9], $0x80, v20, vm0, $0xb8;
	[tilespmem:$0x1FC00] =	vst v63  }
0x1d6: {  	v56 =	vperm.xlane v19, v1;
	s11 =	simm.s32 $0x7E00;
	v20 =	vadd.s32 v4, v55  }
0x1d7: {  	[tilespmem:s11], [sflag:$0x2] =	stream.indirect_vreg.gather [hbm4b:s6+s9], $0x80, v52, vm0, $0xb8;
	[tilespmem:$0x1FC00] =	vst v63  }
0x1d8: {  	v58 =	vperm.xlane v19, v10;
	v57 =	vadd.s32 v4, v56;
	s13 =	simm.s32 $0x7E80  }
0x1d9: {  	[tilespmem:s13], [sflag:$0x2] =	stream.indirect_vreg.gather [hbm4b:s6+s9], $0x80, v54, vm0, $0xb8;
	[tilespmem:$0x1FC00] =	vst v63  }
0x1da: {  	v60 =	vperm.xlane v19, v11;
	v59 =	vadd.s32 v4, v58;
	s11 =	simm.s32 $0x7F00  }
0x1db: {  	[tilespmem:s11], [sflag:$0x2] =	stream.indirect_vreg.gather [hbm4b:s6+s9], $0x80, v20, vm0, $0xb8;
	[tilespmem:$0x1FC00] =	vst v63  }
0x1dc: {  	v61 =	vperm.xlane v19, v12;
	s13 =	simm.s32 $0x7F80;
	v20 =	vadd.s32 v4, v60  }
0x1dd: {  	[tilespmem:s13], [sflag:$0x2] =	stream.indirect_vreg.gather [hbm4b:s6+s9], $0x80, v57, vm0, $0xb8;
	[tilespmem:$0x1FC00] =	vst v63  }
0x1de: {  	v63 =	vperm.xlane v19, v13;
	v62 =	vadd.s32 v4, v61;
	s11 =	simm.s32 $0x8000  }
0x1df: {  	[tilespmem:s11], [sflag:$0x2] =	stream.indirect_vreg.gather [hbm4b:s6+s9], $0x80, v59, vm0, $0xb8;
	[tilespmem:$0x1FC00] =	vst v63  }
0x1e0: {  	v25 =	vperm.xlane v19, v14;
	v24 =	vadd.s32 v4, v63;
	s13 =	simm.s32 $0x8080  }
0x1e1: {  	[tilespmem:s13], [sflag:$0x2] =	stream.indirect_vreg.gather [hbm4b:s6+s9], $0x80, v20, vm0, $0xb8;
	[tilespmem:$0x1FC00] =	vst v63  }
0x1e2: {  	v26 =	vperm.xlane v19, v15;
	s11 =	simm.s32 $0x8100;
	v20 =	vadd.s32 v4, v25  }
0x1e3: {  	[tilespmem:s11], [sflag:$0x2] =	stream.indirect_vreg.gather [hbm4b:s6+s9], $0x80, v62, vm0, $0xb8;
	[tilespmem:$0x1FC00] =	vst v63  }
0x1e4: {  	v28 =	vperm.xlane v19, v16;
	v27 =	vadd.s32 v4, v26;
	s13 =	simm.s32 $0x8180  }
0x1e5: {  	[tilespmem:s13], [sflag:$0x2] =	stream.indirect_vreg.gather [hbm4b:s6+s9], $0x80, v24, vm0, $0xb8;
	[tilespmem:$0x1FC00] =	vst v63  }
0x1e6: {  	v19 =	vperm.xlane v19, v17;
	v29 =	vadd.s32 v4, v28;
	s11 =	simm.s32 $0x8200  }
0x1e7: {  	[tilespmem:s11], [sflag:$0x2] =	stream.indirect_vreg.gather [hbm4b:s6+s9], $0x80, v20, vm0, $0xb8;
	[tilespmem:$0x1FC00] =	vst v63  }
0x1e8: {  	v19 =	vadd.s32 v4, v19;
	s13 =	simm.s32 $0x8280  }
0x1e9: {  	[tilespmem:s13], [sflag:$0x2] =	stream.indirect_vreg.gather [hbm4b:s6+s9], $0x80, v27, vm0, $0xb8;
	[tilespmem:$0x1FC00] =	vst v63  }
0x1ea: {  	s11 =	simm.s32 $0x8300  }
0x1eb: {  	[tilespmem:s11], [sflag:$0x2] =	stream.indirect_vreg.gather [hbm4b:s6+s9], $0x80, v29, vm0, $0xb8;
	[tilespmem:$0x1FC00] =	vst v63  }
0x1ec: {  	s13 =	simm.s32 $0x8380  }
0x1ed: {  	[tilespmem:s13], [sflag:$0x2] =	stream.indirect_vreg.gather [hbm4b:s6+s9], $0x80, v19, vm0, $0xb8;
	[tilespmem:$0x1FC00] =	vst v63  }
0x1ee: {  	v19 =	vld [tilespmem:$0x90];
	_ =	sdelay $0x4  }
0x1ef: {  	v20 =	vshll.u32 v19, $0x1  }
0x1f0: {  	v19 =	vand.u32 $0x7, v19;
	v20 =	vand.u32 $0xFFFFFFF0, v20  }
0x1f1: {  	v19 =	vor.u32 v19, v20  }
0x1f2: {  	v20 =	vperm.xlane v19, v3;
	_ =	sdelay $0x1  }
0x1f3: {  	v30 =	vperm.xlane v19, v2;
	v20 =	vadd.s32 v4, v20;
	_ =	sdelay $0x1  }
0x1f4: {  	v31 =	vperm.xlane v19, v5;
	v21 =	vadd.s32 v4, v30;
	_ =	sdelay $0x1  }
0x1f5: {  	s11 =	simm.s32 $0x8400;
	v32 =	vperm.xlane v19, v6;
	v22 =	vadd.s32 v4, v31  }
0x1f6: {  	[tilespmem:s11], [sflag:$0x2] =	stream.indirect_vreg.gather [hbm4b:s6+s9], $0x80, v20, vm0, $0xb8;
	[tilespmem:$0x1FC00] =	vst v63  }
0x1f7: {  	s13 =	simm.s32 $0x8480;
	v33 =	vperm.xlane v19, v7;
	v20 =	vadd.s32 v4, v32  }
0x1f8: {  	[tilespmem:s13], [sflag:$0x2] =	stream.indirect_vreg.gather [hbm4b:s6+s9], $0x80, v21, vm0, $0xb8;
	[tilespmem:$0x1FC00] =	vst v63  }
0x1f9: {  	v35 =	vperm.xlane v19, v8;
	v34 =	vadd.s32 v4, v33;
	s11 =	simm.s32 $0x8500  }
0x1fa: {  	[tilespmem:s11], [sflag:$0x2] =	stream.indirect_vreg.gather [hbm4b:s6+s9], $0x80, v22, vm0, $0xb8;
	[tilespmem:$0x1FC00] =	vst v63  }
0x1fb: {  	v37 =	vperm.xlane v19, v9;
	v36 =	vadd.s32 v4, v35;
	s13 =	simm.s32 $0x8580  }
0x1fc: {  	[tilespmem:s13], [sflag:$0x2] =	stream.indirect_vreg.gather [hbm4b:s6+s9], $0x80, v20, vm0, $0xb8;
	[tilespmem:$0x1FC00] =	vst v63  }
0x1fd: {  	v38 =	vperm.xlane v19, v1;
	s11 =	simm.s32 $0x8600;
	v20 =	vadd.s32 v4, v37  }
0x1fe: {  	[tilespmem:s11], [sflag:$0x2] =	stream.indirect_vreg.gather [hbm4b:s6+s9], $0x80, v34, vm0, $0xb8;
	[tilespmem:$0x1FC00] =	vst v63  }
0x1ff: {  	v40 =	vperm.xlane v19, v10;
	v39 =	vadd.s32 v4, v38;
	s13 =	simm.s32 $0x8680  }
0x200: {  	[tilespmem:s13], [sflag:$0x2] =	stream.indirect_vreg.gather [hbm4b:s6+s9], $0x80, v36, vm0, $0xb8;
	[tilespmem:$0x1FC00] =	vst v63  }
0x201: {  	v42 =	vperm.xlane v19, v11;
	v41 =	vadd.s32 v4, v40;
	s11 =	simm.s32 $0x8700  }
0x202: {  	[tilespmem:s11], [sflag:$0x2] =	stream.indirect_vreg.gather [hbm4b:s6+s9], $0x80, v20, vm0, $0xb8;
	[tilespmem:$0x1FC00] =	vst v63  }
0x203: {  	v43 =	vperm.xlane v19, v12;
	s13 =	simm.s32 $0x8780;
	v20 =	vadd.s32 v4, v42  }
0x204: {  	[tilespmem:s13], [sflag:$0x2] =	stream.indirect_vreg.gather [hbm4b:s6+s9], $0x80, v39, vm0, $0xb8;
	[tilespmem:$0x1FC00] =	vst v63  }
0x205: {  	v45 =	vperm.xlane v19, v13;
	v44 =	vadd.s32 v4, v43;
	s11 =	simm.s32 $0x8800  }
0x206: {  	[tilespmem:s11], [sflag:$0x2] =	stream.indirect_vreg.gather [hbm4b:s6+s9], $0x80, v41, vm0, $0xb8;
	[tilespmem:$0x1FC00] =	vst v63  }
0x207: {  	v47 =	vperm.xlane v19, v14;
	v46 =	vadd.s32 v4, v45;
	s13 =	simm.s32 $0x8880  }
0x208: {  	[tilespmem:s13], [sflag:$0x2] =	stream.indirect_vreg.gather [hbm4b:s6+s9], $0x80, v20, vm0, $0xb8;
	[tilespmem:$0x1FC00] =	vst v63  }
0x209: {  	v48 =	vperm.xlane v19, v15;
	s11 =	simm.s32 $0x8900;
	v20 =	vadd.s32 v4, v47  }
0x20a: {  	[tilespmem:s11], [sflag:$0x2] =	stream.indirect_vreg.gather [hbm4b:s6+s9], $0x80, v44, vm0, $0xb8;
	[tilespmem:$0x1FC00] =	vst v63  }
0x20b: {  	v50 =	vperm.xlane v19, v16;
	v49 =	vadd.s32 v4, v48;
	s13 =	simm.s32 $0x8980  }
0x20c: {  	[tilespmem:s13], [sflag:$0x2] =	stream.indirect_vreg.gather [hbm4b:s6+s9], $0x80, v46, vm0, $0xb8;
	[tilespmem:$0x1FC00] =	vst v63  }
0x20d: {  	v19 =	vperm.xlane v19, v17;
	v51 =	vadd.s32 v4, v50;
	s11 =	simm.s32 $0x8A00  }
0x20e: {  	[tilespmem:s11], [sflag:$0x2] =	stream.indirect_vreg.gather [hbm4b:s6+s9], $0x80, v20, vm0, $0xb8;
	[tilespmem:$0x1FC00] =	vst v63  }
0x20f: {  	v19 =	vadd.s32 v4, v19;
	s13 =	simm.s32 $0x8A80  }
0x210: {  	[tilespmem:s13], [sflag:$0x2] =	stream.indirect_vreg.gather [hbm4b:s6+s9], $0x80, v49, vm0, $0xb8;
	[tilespmem:$0x1FC00] =	vst v63  }
0x211: {  	s11 =	simm.s32 $0x8B00  }
0x212: {  	[tilespmem:s11], [sflag:$0x2] =	stream.indirect_vreg.gather [hbm4b:s6+s9], $0x80, v51, vm0, $0xb8;
	[tilespmem:$0x1FC00] =	vst v63  }
0x213: {  	s13 =	simm.s32 $0x8B80  }
0x214: {  	[tilespmem:s13], [sflag:$0x2] =	stream.indirect_vreg.gather [hbm4b:s6+s9], $0x80, v19, vm0, $0xb8;
	[tilespmem:$0x1FC00] =	vst v63  }
0x215: {  	v19 =	vld [tilespmem:$0xA0];
	_ =	sdelay $0x4  }
0x216: {  	v20 =	vshll.u32 v19, $0x1  }
0x217: {  	v19 =	vand.u32 $0x7, v19;
	v20 =	vand.u32 $0xFFFFFFF0, v20  }
0x218: {  	v19 =	vor.u32 v19, v20  }
0x219: {  	v20 =	vperm.xlane v19, v3;
	_ =	sdelay $0x1  }
0x21a: {  	v52 =	vperm.xlane v19, v2;
	v20 =	vadd.s32 v4, v20;
	_ =	sdelay $0x1  }
0x21b: {  	v53 =	vperm.xlane v19, v5;
	v21 =	vadd.s32 v4, v52;
	_ =	sdelay $0x1  }
0x21c: {  	s11 =	simm.s32 $0x8C00;
	v54 =	vperm.xlane v19, v6;
	v22 =	vadd.s32 v4, v53  }
0x21d: {  	[tilespmem:s11], [sflag:$0x2] =	stream.indirect_vreg.gather [hbm4b:s6+s9], $0x80, v20, vm0, $0xb8;
	[tilespmem:$0x1FC00] =	vst v63  }
0x21e: {  	s13 =	simm.s32 $0x8C80;
	v55 =	vperm.xlane v19, v7;
	v20 =	vadd.s32 v4, v54  }
0x21f: {  	[tilespmem:s13], [sflag:$0x2] =	stream.indirect_vreg.gather [hbm4b:s6+s9], $0x80, v21, vm0, $0xb8;
	[tilespmem:$0x1FC00] =	vst v63  }
0x220: {  	v57 =	vperm.xlane v19, v8;
	v56 =	vadd.s32 v4, v55;
	s11 =	simm.s32 $0x8D00  }
0x221: {  	[tilespmem:s11], [sflag:$0x2] =	stream.indirect_vreg.gather [hbm4b:s6+s9], $0x80, v22, vm0, $0xb8;
	[tilespmem:$0x1FC00] =	vst v63  }
0x222: {  	v59 =	vperm.xlane v19, v9;
	v58 =	vadd.s32 v4, v57;
	s13 =	simm.s32 $0x8D80  }
0x223: {  	[tilespmem:s13], [sflag:$0x2] =	stream.indirect_vreg.gather [hbm4b:s6+s9], $0x80, v20, vm0, $0xb8;
	[tilespmem:$0x1FC00] =	vst v63  }
0x224: {  	v60 =	vperm.xlane v19, v1;
	s11 =	simm.s32 $0x8E00;
	v20 =	vadd.s32 v4, v59  }
0x225: {  	[tilespmem:s11], [sflag:$0x2] =	stream.indirect_vreg.gather [hbm4b:s6+s9], $0x80, v56, vm0, $0xb8;
	[tilespmem:$0x1FC00] =	vst v63  }
0x226: {  	v62 =	vperm.xlane v19, v10;
	v61 =	vadd.s32 v4, v60;
	s13 =	simm.s32 $0x8E80  }
0x227: {  	[tilespmem:s13], [sflag:$0x2] =	stream.indirect_vreg.gather [hbm4b:s6+s9], $0x80, v58, vm0, $0xb8;
	[tilespmem:$0x1FC00] =	vst v63  }
0x228: {  	v24 =	vperm.xlane v19, v11;
	v63 =	vadd.s32 v4, v62;
	s11 =	simm.s32 $0x8F00  }
0x229: {  	[tilespmem:s11], [sflag:$0x2] =	stream.indirect_vreg.gather [hbm4b:s6+s9], $0x80, v20, vm0, $0xb8;
	[tilespmem:$0x1FC00] =	vst v63  }
0x22a: {  	v25 =	vperm.xlane v19, v12;
	s13 =	simm.s32 $0x8F80;
	v20 =	vadd.s32 v4, v24  }
0x22b: {  	[tilespmem:s13], [sflag:$0x2] =	stream.indirect_vreg.gather [hbm4b:s6+s9], $0x80, v61, vm0, $0xb8;
	[tilespmem:$0x1FC00] =	vst v63  }
0x22c: {  	v27 =	vperm.xlane v19, v13;
	v26 =	vadd.s32 v4, v25;
	s11 =	simm.s32 $0x9000  }
0x22d: {  	[tilespmem:s11], [sflag:$0x2] =	stream.indirect_vreg.gather [hbm4b:s6+s9], $0x80, v63, vm0, $0xb8;
	[tilespmem:$0x1FC00] =	vst v63  }
0x22e: {  	v29 =	vperm.xlane v19, v14;
	v28 =	vadd.s32 v4, v27;
	s13 =	simm.s32 $0x9080  }
0x22f: {  	[tilespmem:s13], [sflag:$0x2] =	stream.indirect_vreg.gather [hbm4b:s6+s9], $0x80, v20, vm0, $0xb8;
	[tilespmem:$0x1FC00] =	vst v63  }
0x230: {  	v30 =	vperm.xlane v19, v15;
	s11 =	simm.s32 $0x9100;
	v20 =	vadd.s32 v4, v29  }
0x231: {  	[tilespmem:s11], [sflag:$0x2] =	stream.indirect_vreg.gather [hbm4b:s6+s9], $0x80, v26, vm0, $0xb8;
	[tilespmem:$0x1FC00] =	vst v63  }
0x232: {  	v32 =	vperm.xlane v19, v16;
	v31 =	vadd.s32 v4, v30;
	s13 =	simm.s32 $0x9180  }
0x233: {  	[tilespmem:s13], [sflag:$0x2] =	stream.indirect_vreg.gather [hbm4b:s6+s9], $0x80, v28, vm0, $0xb8;
	[tilespmem:$0x1FC00] =	vst v63  }
0x234: {  	v19 =	vperm.xlane v19, v17;
	v33 =	vadd.s32 v4, v32;
	s11 =	simm.s32 $0x9200  }
0x235: {  	[tilespmem:s11], [sflag:$0x2] =	stream.indirect_vreg.gather [hbm4b:s6+s9], $0x80, v20, vm0, $0xb8;
	[tilespmem:$0x1FC00] =	vst v63  }
0x236: {  	v19 =	vadd.s32 v4, v19;
	s13 =	simm.s32 $0x9280  }
0x237: {  	[tilespmem:s13], [sflag:$0x2] =	stream.indirect_vreg.gather [hbm4b:s6+s9], $0x80, v31, vm0, $0xb8;
	[tilespmem:$0x1FC00] =	vst v63  }
0x238: {  	s11 =	simm.s32 $0x9300  }
0x239: {  	[tilespmem:s11], [sflag:$0x2] =	stream.indirect_vreg.gather [hbm4b:s6+s9], $0x80, v33, vm0, $0xb8;
	[tilespmem:$0x1FC00] =	vst v63  }
0x23a: {  	s13 =	simm.s32 $0x9380  }
0x23b: {  	[tilespmem:s13], [sflag:$0x2] =	stream.indirect_vreg.gather [hbm4b:s6+s9], $0x80, v19, vm0, $0xb8;
	[tilespmem:$0x1FC00] =	vst v63  }
0x23c: {  	v19 =	vld [tilespmem:$0xB0];
	_ =	sdelay $0x4  }
0x23d: {  	v20 =	vshll.u32 v19, $0x1  }
0x23e: {  	v19 =	vand.u32 $0x7, v19;
	v20 =	vand.u32 $0xFFFFFFF0, v20  }
0x23f: {  	v19 =	vor.u32 v19, v20  }
0x240: {  	v20 =	vperm.xlane v19, v3;
	_ =	sdelay $0x1  }
0x241: {  	v34 =	vperm.xlane v19, v2;
	v20 =	vadd.s32 v4, v20;
	_ =	sdelay $0x1  }
0x242: {  	v35 =	vperm.xlane v19, v5;
	v21 =	vadd.s32 v4, v34;
	_ =	sdelay $0x1  }
0x243: {  	s11 =	simm.s32 $0x9400;
	v36 =	vperm.xlane v19, v6;
	v22 =	vadd.s32 v4, v35  }
0x244: {  	[tilespmem:s11], [sflag:$0x2] =	stream.indirect_vreg.gather [hbm4b:s6+s9], $0x80, v20, vm0, $0xb8;
	[tilespmem:$0x1FC00] =	vst v63  }
0x245: {  	s13 =	simm.s32 $0x9480;
	v37 =	vperm.xlane v19, v7;
	v20 =	vadd.s32 v4, v36  }
0x246: {  	[tilespmem:s13], [sflag:$0x2] =	stream.indirect_vreg.gather [hbm4b:s6+s9], $0x80, v21, vm0, $0xb8;
	[tilespmem:$0x1FC00] =	vst v63  }
0x247: {  	v39 =	vperm.xlane v19, v8;
	v38 =	vadd.s32 v4, v37;
	s11 =	simm.s32 $0x9500  }
0x248: {  	[tilespmem:s11], [sflag:$0x2] =	stream.indirect_vreg.gather [hbm4b:s6+s9], $0x80, v22, vm0, $0xb8;
	[tilespmem:$0x1FC00] =	vst v63  }
0x249: {  	v41 =	vperm.xlane v19, v9;
	v40 =	vadd.s32 v4, v39;
	s13 =	simm.s32 $0x9580  }
0x24a: {  	[tilespmem:s13], [sflag:$0x2] =	stream.indirect_vreg.gather [hbm4b:s6+s9], $0x80, v20, vm0, $0xb8;
	[tilespmem:$0x1FC00] =	vst v63  }
0x24b: {  	v42 =	vperm.xlane v19, v1;
	s11 =	simm.s32 $0x9600;
	v20 =	vadd.s32 v4, v41  }
0x24c: {  	[tilespmem:s11], [sflag:$0x2] =	stream.indirect_vreg.gather [hbm4b:s6+s9], $0x80, v38, vm0, $0xb8;
	[tilespmem:$0x1FC00] =	vst v63  }
0x24d: {  	v44 =	vperm.xlane v19, v10;
	v43 =	vadd.s32 v4, v42;
	s13 =	simm.s32 $0x9680  }
0x24e: {  	[tilespmem:s13], [sflag:$0x2] =	stream.indirect_vreg.gather [hbm4b:s6+s9], $0x80, v40, vm0, $0xb8;
	[tilespmem:$0x1FC00] =	vst v63  }
0x24f: {  	v46 =	vperm.xlane v19, v11;
	v45 =	vadd.s32 v4, v44;
	s11 =	simm.s32 $0x9700  }
0x250: {  	[tilespmem:s11], [sflag:$0x2] =	stream.indirect_vreg.gather [hbm4b:s6+s9], $0x80, v20, vm0, $0xb8;
	[tilespmem:$0x1FC00] =	vst v63  }
0x251: {  	v47 =	vperm.xlane v19, v12;
	s13 =	simm.s32 $0x9780;
	v20 =	vadd.s32 v4, v46  }
0x252: {  	[tilespmem:s13], [sflag:$0x2] =	stream.indirect_vreg.gather [hbm4b:s6+s9], $0x80, v43, vm0, $0xb8;
	[tilespmem:$0x1FC00] =	vst v63  }
0x253: {  	v49 =	vperm.xlane v19, v13;
	v48 =	vadd.s32 v4, v47;
	s11 =	simm.s32 $0x9800  }
0x254: {  	[tilespmem:s11], [sflag:$0x2] =	stream.indirect_vreg.gather [hbm4b:s6+s9], $0x80, v45, vm0, $0xb8;
	[tilespmem:$0x1FC00] =	vst v63  }
0x255: {  	v51 =	vperm.xlane v19, v14;
	v50 =	vadd.s32 v4, v49;
	s13 =	simm.s32 $0x9880  }
0x256: {  	[tilespmem:s13], [sflag:$0x2] =	stream.indirect_vreg.gather [hbm4b:s6+s9], $0x80, v20, vm0, $0xb8;
	[tilespmem:$0x1FC00] =	vst v63  }
0x257: {  	v52 =	vperm.xlane v19, v15;
	s11 =	simm.s32 $0x9900;
	v20 =	vadd.s32 v4, v51  }
0x258: {  	[tilespmem:s11], [sflag:$0x2] =	stream.indirect_vreg.gather [hbm4b:s6+s9], $0x80, v48, vm0, $0xb8;
	[tilespmem:$0x1FC00] =	vst v63  }
0x259: {  	v54 =	vperm.xlane v19, v16;
	v53 =	vadd.s32 v4, v52;
	s13 =	simm.s32 $0x9980  }
0x25a: {  	[tilespmem:s13], [sflag:$0x2] =	stream.indirect_vreg.gather [hbm4b:s6+s9], $0x80, v50, vm0, $0xb8;
	[tilespmem:$0x1FC00] =	vst v63  }
0x25b: {  	v19 =	vperm.xlane v19, v17;
	v55 =	vadd.s32 v4, v54;
	s11 =	simm.s32 $0x9A00  }
0x25c: {  	[tilespmem:s11], [sflag:$0x2] =	stream.indirect_vreg.gather [hbm4b:s6+s9], $0x80, v20, vm0, $0xb8;
	[tilespmem:$0x1FC00] =	vst v63  }
0x25d: {  	v19 =	vadd.s32 v4, v19;
	s13 =	simm.s32 $0x9A80  }
0x25e: {  	[tilespmem:s13], [sflag:$0x2] =	stream.indirect_vreg.gather [hbm4b:s6+s9], $0x80, v53, vm0, $0xb8;
	[tilespmem:$0x1FC00] =	vst v63  }
0x25f: {  	s11 =	simm.s32 $0x9B00  }
0x260: {  	[tilespmem:s11], [sflag:$0x2] =	stream.indirect_vreg.gather [hbm4b:s6+s9], $0x80, v55, vm0, $0xb8;
	[tilespmem:$0x1FC00] =	vst v63  }
0x261: {  	s13 =	simm.s32 $0x9B80  }
0x262: {  	[tilespmem:s13], [sflag:$0x2] =	stream.indirect_vreg.gather [hbm4b:s6+s9], $0x80, v19, vm0, $0xb8;
	[tilespmem:$0x1FC00] =	vst v63  }
0x263: {  	v19 =	vld [tilespmem:$0xC0];
	_ =	sdelay $0x4  }
0x264: {  	v20 =	vshll.u32 v19, $0x1  }
0x265: {  	v19 =	vand.u32 $0x7, v19;
	v20 =	vand.u32 $0xFFFFFFF0, v20  }
0x266: {  	v19 =	vor.u32 v19, v20  }
0x267: {  	v20 =	vperm.xlane v19, v3;
	_ =	sdelay $0x1  }
0x268: {  	v56 =	vperm.xlane v19, v2;
	v20 =	vadd.s32 v4, v20;
	_ =	sdelay $0x1  }
0x269: {  	v57 =	vperm.xlane v19, v5;
	v21 =	vadd.s32 v4, v56;
	_ =	sdelay $0x1  }
0x26a: {  	s11 =	simm.s32 $0x9C00;
	v58 =	vperm.xlane v19, v6;
	v22 =	vadd.s32 v4, v57  }
0x26b: {  	[tilespmem:s11], [sflag:$0x2] =	stream.indirect_vreg.gather [hbm4b:s6+s9], $0x80, v20, vm0, $0xb8;
	[tilespmem:$0x1FC00] =	vst v63  }
0x26c: {  	s13 =	simm.s32 $0x9C80;
	v59 =	vperm.xlane v19, v7;
	v20 =	vadd.s32 v4, v58  }
0x26d: {  	[tilespmem:s13], [sflag:$0x2] =	stream.indirect_vreg.gather [hbm4b:s6+s9], $0x80, v21, vm0, $0xb8;
	[tilespmem:$0x1FC00] =	vst v63  }
0x26e: {  	v61 =	vperm.xlane v19, v8;
	v60 =	vadd.s32 v4, v59;
	s11 =	simm.s32 $0x9D00  }
0x26f: {  	[tilespmem:s11], [sflag:$0x2] =	stream.indirect_vreg.gather [hbm4b:s6+s9], $0x80, v22, vm0, $0xb8;
	[tilespmem:$0x1FC00] =	vst v63  }
0x270: {  	v63 =	vperm.xlane v19, v9;
	v62 =	vadd.s32 v4, v61;
	s13 =	simm.s32 $0x9D80  }
0x271: {  	[tilespmem:s13], [sflag:$0x2] =	stream.indirect_vreg.gather [hbm4b:s6+s9], $0x80, v20, vm0, $0xb8;
	[tilespmem:$0x1FC00] =	vst v63  }
0x272: {  	v24 =	vperm.xlane v19, v1;
	s11 =	simm.s32 $0x9E00;
	v20 =	vadd.s32 v4, v63  }
0x273: {  	[tilespmem:s11], [sflag:$0x2] =	stream.indirect_vreg.gather [hbm4b:s6+s9], $0x80, v60, vm0, $0xb8;
	[tilespmem:$0x1FC00] =	vst v63  }
0x274: {  	v26 =	vperm.xlane v19, v10;
	v25 =	vadd.s32 v4, v24;
	s13 =	simm.s32 $0x9E80  }
0x275: {  	[tilespmem:s13], [sflag:$0x2] =	stream.indirect_vreg.gather [hbm4b:s6+s9], $0x80, v62, vm0, $0xb8;
	[tilespmem:$0x1FC00] =	vst v63  }
0x276: {  	v28 =	vperm.xlane v19, v11;
	v27 =	vadd.s32 v4, v26;
	s11 =	simm.s32 $0x9F00  }
0x277: {  	[tilespmem:s11], [sflag:$0x2] =	stream.indirect_vreg.gather [hbm4b:s6+s9], $0x80, v20, vm0, $0xb8;
	[tilespmem:$0x1FC00] =	vst v63  }
0x278: {  	v29 =	vperm.xlane v19, v12;
	s13 =	simm.s32 $0x9F80;
	v20 =	vadd.s32 v4, v28  }
0x279: {  	[tilespmem:s13], [sflag:$0x2] =	stream.indirect_vreg.gather [hbm4b:s6+s9], $0x80, v25, vm0, $0xb8;
	[tilespmem:$0x1FC00] =	vst v63  }
0x27a: {  	v31 =	vperm.xlane v19, v13;
	v30 =	vadd.s32 v4, v29;
	s11 =	simm.s32 $0xA000  }
0x27b: {  	[tilespmem:s11], [sflag:$0x2] =	stream.indirect_vreg.gather [hbm4b:s6+s9], $0x80, v27, vm0, $0xb8;
	[tilespmem:$0x1FC00] =	vst v63  }
0x27c: {  	v33 =	vperm.xlane v19, v14;
	v32 =	vadd.s32 v4, v31;
	s13 =	simm.s32 $0xA080  }
0x27d: {  	[tilespmem:s13], [sflag:$0x2] =	stream.indirect_vreg.gather [hbm4b:s6+s9], $0x80, v20, vm0, $0xb8;
	[tilespmem:$0x1FC00] =	vst v63  }
0x27e: {  	v34 =	vperm.xlane v19, v15;
	s11 =	simm.s32 $0xA100;
	v20 =	vadd.s32 v4, v33  }
0x27f: {  	[tilespmem:s11], [sflag:$0x2] =	stream.indirect_vreg.gather [hbm4b:s6+s9], $0x80, v30, vm0, $0xb8;
	[tilespmem:$0x1FC00] =	vst v63  }
0x280: {  	v36 =	vperm.xlane v19, v16;
	v35 =	vadd.s32 v4, v34;
	s13 =	simm.s32 $0xA180  }
0x281: {  	[tilespmem:s13], [sflag:$0x2] =	stream.indirect_vreg.gather [hbm4b:s6+s9], $0x80, v32, vm0, $0xb8;
	[tilespmem:$0x1FC00] =	vst v63  }
0x282: {  	v19 =	vperm.xlane v19, v17;
	v37 =	vadd.s32 v4, v36;
	s11 =	simm.s32 $0xA200  }
0x283: {  	[tilespmem:s11], [sflag:$0x2] =	stream.indirect_vreg.gather [hbm4b:s6+s9], $0x80, v20, vm0, $0xb8;
	[tilespmem:$0x1FC00] =	vst v63  }
0x284: {  	v19 =	vadd.s32 v4, v19;
	s13 =	simm.s32 $0xA280  }
0x285: {  	[tilespmem:s13], [sflag:$0x2] =	stream.indirect_vreg.gather [hbm4b:s6+s9], $0x80, v35, vm0, $0xb8;
	[tilespmem:$0x1FC00] =	vst v63  }
0x286: {  	_ = 	snop  }
0x287: {  	[tilespmem:s1], [sflag:$0x2] =	stream.indirect_vreg.gather [hbm4b:s6+s9], $0x80, v37, vm0, $0xb8;
	[tilespmem:$0x1FC00] =	vst v63  }
0x288: {  	_ = 	snop  }
0x289: {  	[tilespmem:s12], [sflag:$0x2] =	stream.indirect_vreg.gather [hbm4b:s6+s9], $0x80, v19, vm0, $0xb8;
	[tilespmem:$0x1FC00] =	vst v63  }
0x28a: {  	v19 =	vld [tilespmem:$0xD0];
	_ =	sdelay $0x4  }
0x28b: {  	v20 =	vshll.u32 v19, $0x1  }
0x28c: {  	v19 =	vand.u32 $0x7, v19;
	v20 =	vand.u32 $0xFFFFFFF0, v20  }
0x28d: {  	v19 =	vor.u32 v19, v20  }
0x28e: {  	v20 =	vperm.xlane v19, v3;
	_ =	sdelay $0x1  }
0x28f: {  	v38 =	vperm.xlane v19, v2;
	v20 =	vadd.s32 v4, v20;
	_ =	sdelay $0x1  }
0x290: {  	v39 =	vperm.xlane v19, v5;
	v21 =	vadd.s32 v4, v38;
	_ =	sdelay $0x1  }
0x291: {  	v40 =	vperm.xlane v19, v6;
	v22 =	vadd.s32 v4, v39  }
0x292: {  	[tilespmem:s14], [sflag:$0x2] =	stream.indirect_vreg.gather [hbm4b:s6+s9], $0x80, v20, vm0, $0xb8;
	[tilespmem:$0x1FC00] =	vst v63  }
0x293: {  	v41 =	vperm.xlane v19, v7;
	v20 =	vadd.s32 v4, v40  }
0x294: {  	[tilespmem:s16], [sflag:$0x2] =	stream.indirect_vreg.gather [hbm4b:s6+s9], $0x80, v21, vm0, $0xb8;
	[tilespmem:$0x1FC00] =	vst v63  }
0x295: {  	v43 =	vperm.xlane v19, v8;
	v42 =	vadd.s32 v4, v41  }
0x296: {  	[tilespmem:s18], [sflag:$0x2] =	stream.indirect_vreg.gather [hbm4b:s6+s9], $0x80, v22, vm0, $0xb8;
	[tilespmem:$0x1FC00] =	vst v63  }
0x297: {  	v45 =	vperm.xlane v19, v9;
	v44 =	vadd.s32 v4, v43  }
0x298: {  	[tilespmem:s20], [sflag:$0x2] =	stream.indirect_vreg.gather [hbm4b:s6+s9], $0x80, v20, vm0, $0xb8;
	[tilespmem:$0x1FC00] =	vst v63  }
0x299: {  	v46 =	vperm.xlane v19, v1;
	v20 =	vadd.s32 v4, v45  }
0x29a: {  	[tilespmem:s22], [sflag:$0x2] =	stream.indirect_vreg.gather [hbm4b:s6+s9], $0x80, v42, vm0, $0xb8;
	[tilespmem:$0x1FC00] =	vst v63  }
0x29b: {  	v48 =	vperm.xlane v19, v10;
	v47 =	vadd.s32 v4, v46  }
0x29c: {  	[tilespmem:s24], [sflag:$0x2] =	stream.indirect_vreg.gather [hbm4b:s6+s9], $0x80, v44, vm0, $0xb8;
	[tilespmem:$0x1FC00] =	vst v63  }
0x29d: {  	s10 =	simm.s32 $0xA700;
	v50 =	vperm.xlane v19, v11;
	v49 =	vadd.s32 v4, v48  }
0x29e: {  	[tilespmem:s10], [sflag:$0x2] =	stream.indirect_vreg.gather [hbm4b:s6+s9], $0x80, v20, vm0, $0xb8;
	[tilespmem:$0x1FC00] =	vst v63  }
0x29f: {  	s11 =	simm.s32 $0xA780;
	v51 =	vperm.xlane v19, v12;
	v20 =	vadd.s32 v4, v50  }
0x2a0: {  	[tilespmem:s11], [sflag:$0x2] =	stream.indirect_vreg.gather [hbm4b:s6+s9], $0x80, v47, vm0, $0xb8;
	[tilespmem:$0x1FC00] =	vst v63  }
0x2a1: {  	s12 =	simm.s32 $0xA800;
	v53 =	vperm.xlane v19, v13;
	v52 =	vadd.s32 v4, v51  }
0x2a2: {  	[tilespmem:s12], [sflag:$0x2] =	stream.indirect_vreg.gather [hbm4b:s6+s9], $0x80, v49, vm0, $0xb8;
	[tilespmem:$0x1FC00] =	vst v63  }
0x2a3: {  	s13 =	simm.s32 $0xA880;
	v55 =	vperm.xlane v19, v14;
	v54 =	vadd.s32 v4, v53  }
0x2a4: {  	[tilespmem:s13], [sflag:$0x2] =	stream.indirect_vreg.gather [hbm4b:s6+s9], $0x80, v20, vm0, $0xb8;
	[tilespmem:$0x1FC00] =	vst v63  }
0x2a5: {  	v56 =	vperm.xlane v19, v15;
	s14 =	simm.s32 $0xA900;
	v20 =	vadd.s32 v4, v55  }
0x2a6: {  	[tilespmem:s14], [sflag:$0x2] =	stream.indirect_vreg.gather [hbm4b:s6+s9], $0x80, v52, vm0, $0xb8;
	[tilespmem:$0x1FC00] =	vst v63  }
0x2a7: {  	v58 =	vperm.xlane v19, v16;
	v57 =	vadd.s32 v4, v56;
	s16 =	simm.s32 $0xA980  }
0x2a8: {  	[tilespmem:s16], [sflag:$0x2] =	stream.indirect_vreg.gather [hbm4b:s6+s9], $0x80, v54, vm0, $0xb8;
	[tilespmem:$0x1FC00] =	vst v63  }
0x2a9: {  	v19 =	vperm.xlane v19, v17;
	v59 =	vadd.s32 v4, v58;
	s18 =	simm.s32 $0xAA00  }
0x2aa: {  	[tilespmem:s18], [sflag:$0x2] =	stream.indirect_vreg.gather [hbm4b:s6+s9], $0x80, v20, vm0, $0xb8;
	[tilespmem:$0x1FC00] =	vst v63  }
0x2ab: {  	v19 =	vadd.s32 v4, v19;
	s20 =	simm.s32 $0xAA80  }
0x2ac: {  	[tilespmem:s20], [sflag:$0x2] =	stream.indirect_vreg.gather [hbm4b:s6+s9], $0x80, v57, vm0, $0xb8;
	[tilespmem:$0x1FC00] =	vst v63  }
0x2ad: {  	s22 =	simm.s32 $0xAB00  }
0x2ae: {  	[tilespmem:s22], [sflag:$0x2] =	stream.indirect_vreg.gather [hbm4b:s6+s9], $0x80, v59, vm0, $0xb8;
	[tilespmem:$0x1FC00] =	vst v63  }
0x2af: {  	s24 =	simm.s32 $0xAB80  }
0x2b0: {  	[tilespmem:s24], [sflag:$0x2] =	stream.indirect_vreg.gather [hbm4b:s6+s9], $0x80, v19, vm0, $0xb8;
	[tilespmem:$0x1FC00] =	vst v63  }
0x2b1: {  	v19 =	vld [tilespmem:$0xE0];
	_ =	sdelay $0x4  }
0x2b2: {  	v20 =	vshll.u32 v19, $0x1  }
0x2b3: {  	v19 =	vand.u32 $0x7, v19;
	v20 =	vand.u32 $0xFFFFFFF0, v20  }
0x2b4: {  	v19 =	vor.u32 v19, v20  }
0x2b5: {  	v20 =	vperm.xlane v19, v3;
	_ =	sdelay $0x1  }
0x2b6: {  	v60 =	vperm.xlane v19, v2;
	v20 =	vadd.s32 v4, v20;
	_ =	sdelay $0x1  }
0x2b7: {  	v61 =	vperm.xlane v19, v5;
	v21 =	vadd.s32 v4, v60;
	_ =	sdelay $0x1  }
0x2b8: {  	s10 =	simm.s32 $0xAC00;
	v62 =	vperm.xlane v19, v6;
	v22 =	vadd.s32 v4, v61  }
0x2b9: {  	[tilespmem:s10], [sflag:$0x2] =	stream.indirect_vreg.gather [hbm4b:s6+s9], $0x80, v20, vm0, $0xb8;
	[tilespmem:$0x1FC00] =	vst v63  }
0x2ba: {  	s11 =	simm.s32 $0xAC80;
	v63 =	vperm.xlane v19, v7;
	v20 =	vadd.s32 v4, v62  }
0x2bb: {  	[tilespmem:s11], [sflag:$0x2] =	stream.indirect_vreg.gather [hbm4b:s6+s9], $0x80, v21, vm0, $0xb8;
	[tilespmem:$0x1FC00] =	vst v63  }
0x2bc: {  	s12 =	simm.s32 $0xAD00;
	v25 =	vperm.xlane v19, v8;
	v24 =	vadd.s32 v4, v63  }
0x2bd: {  	[tilespmem:s12], [sflag:$0x2] =	stream.indirect_vreg.gather [hbm4b:s6+s9], $0x80, v22, vm0, $0xb8;
	[tilespmem:$0x1FC00] =	vst v63  }
0x2be: {  	s13 =	simm.s32 $0xAD80;
	v27 =	vperm.xlane v19, v9;
	v26 =	vadd.s32 v4, v25  }
0x2bf: {  	[tilespmem:s13], [sflag:$0x2] =	stream.indirect_vreg.gather [hbm4b:s6+s9], $0x80, v20, vm0, $0xb8;
	[tilespmem:$0x1FC00] =	vst v63  }
0x2c0: {  	s14 =	simm.s32 $0xAE00;
	v28 =	vperm.xlane v19, v1;
	v20 =	vadd.s32 v4, v27  }
0x2c1: {  	[tilespmem:s14], [sflag:$0x2] =	stream.indirect_vreg.gather [hbm4b:s6+s9], $0x80, v24, vm0, $0xb8;
	[tilespmem:$0x1FC00] =	vst v63  }
0x2c2: {  	s16 =	simm.s32 $0xAE80;
	v30 =	vperm.xlane v19, v10;
	v29 =	vadd.s32 v4, v28  }
0x2c3: {  	[tilespmem:s16], [sflag:$0x2] =	stream.indirect_vreg.gather [hbm4b:s6+s9], $0x80, v26, vm0, $0xb8;
	[tilespmem:$0x1FC00] =	vst v63  }
0x2c4: {  	s18 =	simm.s32 $0xAF00;
	v32 =	vperm.xlane v19, v11;
	v31 =	vadd.s32 v4, v30  }
0x2c5: {  	[tilespmem:s18], [sflag:$0x2] =	stream.indirect_vreg.gather [hbm4b:s6+s9], $0x80, v20, vm0, $0xb8;
	[tilespmem:$0x1FC00] =	vst v63  }
0x2c6: {  	s20 =	simm.s32 $0xAF80;
	v33 =	vperm.xlane v19, v12;
	v20 =	vadd.s32 v4, v32  }
0x2c7: {  	[tilespmem:s20], [sflag:$0x2] =	stream.indirect_vreg.gather [hbm4b:s6+s9], $0x80, v29, vm0, $0xb8;
	[tilespmem:$0x1FC00] =	vst v63  }
0x2c8: {  	s22 =	simm.s32 $0xB000;
	v35 =	vperm.xlane v19, v13;
	v34 =	vadd.s32 v4, v33  }
0x2c9: {  	[tilespmem:s22], [sflag:$0x2] =	stream.indirect_vreg.gather [hbm4b:s6+s9], $0x80, v31, vm0, $0xb8;
	[tilespmem:$0x1FC00] =	vst v63  }
0x2ca: {  	s24 =	simm.s32 $0xB080;
	v37 =	vperm.xlane v19, v14;
	v36 =	vadd.s32 v4, v35  }
0x2cb: {  	[tilespmem:s24], [sflag:$0x2] =	stream.indirect_vreg.gather [hbm4b:s6+s9], $0x80, v20, vm0, $0xb8;
	[tilespmem:$0x1FC00] =	vst v63  }
0x2cc: {  	v38 =	vperm.xlane v19, v15;
	s10 =	simm.s32 $0xB100;
	v20 =	vadd.s32 v4, v37  }
0x2cd: {  	[tilespmem:s10], [sflag:$0x2] =	stream.indirect_vreg.gather [hbm4b:s6+s9], $0x80, v34, vm0, $0xb8;
	[tilespmem:$0x1FC00] =	vst v63  }
0x2ce: {  	v40 =	vperm.xlane v19, v16;
	v39 =	vadd.s32 v4, v38;
	s11 =	simm.s32 $0xB180  }
0x2cf: {  	[tilespmem:s11], [sflag:$0x2] =	stream.indirect_vreg.gather [hbm4b:s6+s9], $0x80, v36, vm0, $0xb8;
	[tilespmem:$0x1FC00] =	vst v63  }
0x2d0: {  	v19 =	vperm.xlane v19, v17;
	v41 =	vadd.s32 v4, v40;
	s12 =	simm.s32 $0xB200  }
0x2d1: {  	[tilespmem:s12], [sflag:$0x2] =	stream.indirect_vreg.gather [hbm4b:s6+s9], $0x80, v20, vm0, $0xb8;
	[tilespmem:$0x1FC00] =	vst v63  }
0x2d2: {  	v19 =	vadd.s32 v4, v19;
	s13 =	simm.s32 $0xB280  }
0x2d3: {  	[tilespmem:s13], [sflag:$0x2] =	stream.indirect_vreg.gather [hbm4b:s6+s9], $0x80, v39, vm0, $0xb8;
	[tilespmem:$0x1FC00] =	vst v63  }
0x2d4: {  	s14 =	simm.s32 $0xB300  }
0x2d5: {  	[tilespmem:s14], [sflag:$0x2] =	stream.indirect_vreg.gather [hbm4b:s6+s9], $0x80, v41, vm0, $0xb8;
	[tilespmem:$0x1FC00] =	vst v63  }
0x2d6: {  	s16 =	simm.s32 $0xB380  }
0x2d7: {  	[tilespmem:s16], [sflag:$0x2] =	stream.indirect_vreg.gather [hbm4b:s6+s9], $0x80, v19, vm0, $0xb8;
	[tilespmem:$0x1FC00] =	vst v63  }
0x2d8: {  	v19 =	vld [tilespmem:$0xF0];
	_ =	sdelay $0x4  }
0x2d9: {  	v20 =	vshll.u32 v19, $0x1  }
0x2da: {  	v19 =	vand.u32 $0x7, v19;
	v20 =	vand.u32 $0xFFFFFFF0, v20  }
0x2db: {  	v19 =	vor.u32 v19, v20  }
0x2dc: {  	v20 =	vperm.xlane v19, v3;
	_ =	sdelay $0x1  }
0x2dd: {  	v42 =	vperm.xlane v19, v2;
	v20 =	vadd.s32 v4, v20;
	_ =	sdelay $0x1  }
0x2de: {  	v43 =	vperm.xlane v19, v5;
	v21 =	vadd.s32 v4, v42;
	_ =	sdelay $0x1  }
0x2df: {  	s18 =	simm.s32 $0xB400;
	v44 =	vperm.xlane v19, v6;
	v22 =	vadd.s32 v4, v43  }
0x2e0: {  	[tilespmem:s18], [sflag:$0x2] =	stream.indirect_vreg.gather [hbm4b:s6+s9], $0x80, v20, vm0, $0xb8;
	[tilespmem:$0x1FC00] =	vst v63  }
0x2e1: {  	s20 =	simm.s32 $0xB480;
	v45 =	vperm.xlane v19, v7;
	v20 =	vadd.s32 v4, v44  }
0x2e2: {  	[tilespmem:s20], [sflag:$0x2] =	stream.indirect_vreg.gather [hbm4b:s6+s9], $0x80, v21, vm0, $0xb8;
	[tilespmem:$0x1FC00] =	vst v63  }
0x2e3: {  	s22 =	simm.s32 $0xB500;
	v47 =	vperm.xlane v19, v8;
	v46 =	vadd.s32 v4, v45  }
0x2e4: {  	[tilespmem:s22], [sflag:$0x2] =	stream.indirect_vreg.gather [hbm4b:s6+s9], $0x80, v22, vm0, $0xb8;
	[tilespmem:$0x1FC00] =	vst v63  }
0x2e5: {  	s24 =	simm.s32 $0xB580;
	v49 =	vperm.xlane v19, v9;
	v48 =	vadd.s32 v4, v47  }
0x2e6: {  	[tilespmem:s24], [sflag:$0x2] =	stream.indirect_vreg.gather [hbm4b:s6+s9], $0x80, v20, vm0, $0xb8;
	[tilespmem:$0x1FC00] =	vst v63  }
0x2e7: {  	s10 =	simm.s32 $0xB600;
	v50 =	vperm.xlane v19, v1;
	v20 =	vadd.s32 v4, v49  }
0x2e8: {  	[tilespmem:s10], [sflag:$0x2] =	stream.indirect_vreg.gather [hbm4b:s6+s9], $0x80, v46, vm0, $0xb8;
	[tilespmem:$0x1FC00] =	vst v63  }
0x2e9: {  	v52 =	vperm.xlane v19, v10;
	v51 =	vadd.s32 v4, v50  }
0x2ea: {  	[tilespmem:s31], [sflag:$0x2] =	stream.indirect_vreg.gather [hbm4b:s6+s9], $0x80, v48, vm0, $0xb8;
	[tilespmem:$0x1FC00] =	vst v63  }
0x2eb: {  	v54 =	vperm.xlane v19, v11;
	v53 =	vadd.s32 v4, v52  }
0x2ec: {  	[tilespmem:s28], [sflag:$0x2] =	stream.indirect_vreg.gather [hbm4b:s6+s9], $0x80, v20, vm0, $0xb8;
	[tilespmem:$0x1FC00] =	vst v63  }
0x2ed: {  	v55 =	vperm.xlane v19, v12;
	v20 =	vadd.s32 v4, v54  }
0x2ee: {  	[tilespmem:s25], [sflag:$0x2] =	stream.indirect_vreg.gather [hbm4b:s6+s9], $0x80, v51, vm0, $0xb8;
	[tilespmem:$0x1FC00] =	vst v63  }
0x2ef: {  	v57 =	vperm.xlane v19, v13;
	v56 =	vadd.s32 v4, v55  }
0x2f0: {  	[tilespmem:s8], [sflag:$0x2] =	stream.indirect_vreg.gather [hbm4b:s6+s9], $0x80, v53, vm0, $0xb8;
	[tilespmem:$0x1FC00] =	vst v63  }
0x2f1: {  	v59 =	vperm.xlane v19, v14;
	v58 =	vadd.s32 v4, v57  }
0x2f2: {  	[tilespmem:s23], [sflag:$0x2] =	stream.indirect_vreg.gather [hbm4b:s6+s9], $0x80, v20, vm0, $0xb8;
	[tilespmem:$0x1FC00] =	vst v63  }
0x2f3: {  	v60 =	vperm.xlane v19, v15;
	v20 =	vadd.s32 v4, v59  }
0x2f4: {  	[tilespmem:s21], [sflag:$0x2] =	stream.indirect_vreg.gather [hbm4b:s6+s9], $0x80, v56, vm0, $0xb8;
	[tilespmem:$0x1FC00] =	vst v63  }
0x2f5: {  	v62 =	vperm.xlane v19, v16;
	v61 =	vadd.s32 v4, v60  }
0x2f6: {  	[tilespmem:s19], [sflag:$0x2] =	stream.indirect_vreg.gather [hbm4b:s6+s9], $0x80, v58, vm0, $0xb8;
	[tilespmem:$0x1FC00] =	vst v63  }
0x2f7: {  	v19 =	vperm.xlane v19, v17;
	v63 =	vadd.s32 v4, v62  }
0x2f8: {  	[tilespmem:s17], [sflag:$0x2] =	stream.indirect_vreg.gather [hbm4b:s6+s9], $0x80, v20, vm0, $0xb8;
	[tilespmem:$0x1FC00] =	vst v63  }
0x2f9: {  	s29 =	simm.s32 $0xB680;
	s1 =	simm.s32 $0xBB80;
	s11 =	simm.s32 $0x1400;
	v19 =	vadd.s32 v4, v19  }
0x2fa: {  	[tilespmem:s15], [sflag:$0x2] =	stream.indirect_vreg.gather [hbm4b:s6+s9], $0x80, v61, vm0, $0xb8;
	[tilespmem:$0x1FC00] =	vst v63  }
0x2fb: {  	s12 =	simm.s32 $0xBB00;
	s13 =	simm.s32 $0x3C00;
	s14 =	simm.s32 $0xA380  }
0x2fc: {  	[tilespmem:s0], [sflag:$0x2] =	stream.indirect_vreg.gather [hbm4b:s6+s9], $0x80, v63, vm0, $0xb8;
	[tilespmem:$0x1FC00] =	vst v63  }
0x2fd: {  	s16 =	simm.s32 $0xBA80;
	s18 =	simm.s32 $0xBA00;
	s20 =	simm.s32 $0xB980  }
0x2fe: {  	[tilespmem:s1], [sflag:$0x2] =	stream.indirect_vreg.gather [hbm4b:s6+s9], $0x80, v19, vm0, $0xb8;
	[tilespmem:$0x1FC00] =	vst v63  }
0x2ff: {  	s22 =	simm.s32 $0xB900;
	s24 =	simm.s32 $0xB880;
	_ =	swait.ge [sflag:s4], $0x4000  }
0x300: {  	s31 =	simm.s32 $0xB700;
	s28 =	simm.s32 $0xB780;
	[sflag:s4] =	ssyncset.done $0x0  }
0x301: {  	s25 =	simm.s32 $0xB800;
	s8 =	simm.s32 $0xA680;
	[sflag:s4] =	ssyncadd.s32 $0xFFFFC000  }
0x302: {  	[spmem:s2] =	stream.indirect.scatter.add.f32 [tilespmem:s13], [sflag:$0x4], $0x80, s11, s5, $0xb8;
	[tilespmem:$0x1FC00] =	vst v63  }
0x303: {  	s23 =	simm.s32 $0xA600;
	s21 =	simm.s32 $0xA580;
	_ =	swait.ge [sflag:s30], $0x4000  }
0x304: {  	s19 =	simm.s32 $0xA500;
	s17 =	simm.s32 $0xA480;
	[sflag:s30] =	ssyncset.done $0x0  }
0x305: {  	s15 =	simm.s32 $0xA400;
	s0 =	simm.s32 $0x3C80;
	[sflag:s30] =	ssyncadd.s32 $0xFFFFC000  }
.LBB2_6:
0x306: {  	s10 =	sshra.s32 s9, $0x2  }
0x307: {  	v19 =	vld [tilespmem:s10+$0x100];
	_ =	sdelay $0x4  }
0x308: {  	v20 =	vshll.u32 v19, $0x1  }
0x309: {  	v19 =	vand.u32 $0x7, v19;
	v20 =	vand.u32 $0xFFFFFFF0, v20  }
0x30a: {  	v19 =	vor.u32 v19, v20  }
0x30b: {  	v20 =	vperm.xlane v19, v3;
	_ =	sdelay $0x1  }
0x30c: {  	v21 =	vperm.xlane v19, v2;
	v20 =	vadd.s32 v4, v20;
	_ =	sdelay $0x1  }
0x30d: {  	v22 =	vperm.xlane v19, v5;
	v21 =	vadd.s32 v4, v21;
	_ =	sdelay $0x1  }
0x30e: {  	v23 =	vperm.xlane v19, v6;
	v22 =	vadd.s32 v4, v22  }
0x30f: {  	[tilespmem:s13], [sflag:$0x1] =	stream.indirect_vreg.gather [hbm4b:s6+s3], $0x80, v20, vm0, $0xb8;
	[tilespmem:$0x1FC00] =	vst v63  }
0x310: {  	v35 =	vperm.xlane v19, v7;
	v20 =	vadd.s32 v4, v23  }
0x311: {  	[tilespmem:s0], [sflag:$0x1] =	stream.indirect_vreg.gather [hbm4b:s6+s3], $0x80, v21, vm0, $0xb8;
	[tilespmem:$0x1FC00] =	vst v63  }
0x312: {  	s11 =	simm.s32 $0x3D00;
	v37 =	vperm.xlane v19, v8;
	v36 =	vadd.s32 v4, v35  }
0x313: {  	[tilespmem:s11], [sflag:$0x1] =	stream.indirect_vreg.gather [hbm4b:s6+s3], $0x80, v22, vm0, $0xb8;
	[tilespmem:$0x1FC00] =	vst v63  }
0x314: {  	v39 =	vperm.xlane v19, v9;
	v38 =	vadd.s32 v4, v37;
	s11 =	simm.s32 $0x3D80  }
0x315: {  	[tilespmem:s11], [sflag:$0x1] =	stream.indirect_vreg.gather [hbm4b:s6+s3], $0x80, v20, vm0, $0xb8;
	[tilespmem:$0x1FC00] =	vst v63  }
0x316: {  	v40 =	vperm.xlane v19, v1;
	v20 =	vadd.s32 v4, v39;
	s11 =	simm.s32 $0x3E00  }
0x317: {  	[tilespmem:s11], [sflag:$0x1] =	stream.indirect_vreg.gather [hbm4b:s6+s3], $0x80, v36, vm0, $0xb8;
	[tilespmem:$0x1FC00] =	vst v63  }
0x318: {  	v42 =	vperm.xlane v19, v10;
	v41 =	vadd.s32 v4, v40;
	s11 =	simm.s32 $0x3E80  }
0x319: {  	[tilespmem:s11], [sflag:$0x1] =	stream.indirect_vreg.gather [hbm4b:s6+s3], $0x80, v38, vm0, $0xb8;
	[tilespmem:$0x1FC00] =	vst v63  }
0x31a: {  	v44 =	vperm.xlane v19, v11;
	v43 =	vadd.s32 v4, v42;
	s11 =	simm.s32 $0x3F00  }
0x31b: {  	[tilespmem:s11], [sflag:$0x1] =	stream.indirect_vreg.gather [hbm4b:s6+s3], $0x80, v20, vm0, $0xb8;
	[tilespmem:$0x1FC00] =	vst v63  }
0x31c: {  	v45 =	vperm.xlane v19, v12;
	v20 =	vadd.s32 v4, v44;
	s11 =	simm.s32 $0x3F80  }
0x31d: {  	[tilespmem:s11], [sflag:$0x1] =	stream.indirect_vreg.gather [hbm4b:s6+s3], $0x80, v41, vm0, $0xb8;
	[tilespmem:$0x1FC00] =	vst v63  }
0x31e: {  	v47 =	vperm.xlane v19, v13;
	v46 =	vadd.s32 v4, v45;
	s11 =	simm.s32 $0x4000  }
0x31f: {  	[tilespmem:s11], [sflag:$0x1] =	stream.indirect_vreg.gather [hbm4b:s6+s3], $0x80, v43, vm0, $0xb8;
	[tilespmem:$0x1FC00] =	vst v63  }
0x320: {  	v49 =	vperm.xlane v19, v14;
	v48 =	vadd.s32 v4, v47;
	s11 =	simm.s32 $0x4080  }
0x321: {  	[tilespmem:s11], [sflag:$0x1] =	stream.indirect_vreg.gather [hbm4b:s6+s3], $0x80, v20, vm0, $0xb8;
	[tilespmem:$0x1FC00] =	vst v63  }
0x322: {  	v50 =	vperm.xlane v19, v15;
	v20 =	vadd.s32 v4, v49;
	s11 =	simm.s32 $0x4100  }
0x323: {  	[tilespmem:s11], [sflag:$0x1] =	stream.indirect_vreg.gather [hbm4b:s6+s3], $0x80, v46, vm0, $0xb8;
	[tilespmem:$0x1FC00] =	vst v63  }
0x324: {  	v52 =	vperm.xlane v19, v16;
	v51 =	vadd.s32 v4, v50;
	s11 =	simm.s32 $0x4180  }
0x325: {  	[tilespmem:s11], [sflag:$0x1] =	stream.indirect_vreg.gather [hbm4b:s6+s3], $0x80, v48, vm0, $0xb8;
	[tilespmem:$0x1FC00] =	vst v63  }
0x326: {  	v19 =	vperm.xlane v19, v17;
	v53 =	vadd.s32 v4, v52;
	s11 =	simm.s32 $0x4200  }
0x327: {  	[tilespmem:s11], [sflag:$0x1] =	stream.indirect_vreg.gather [hbm4b:s6+s3], $0x80, v20, vm0, $0xb8;
	[tilespmem:$0x1FC00] =	vst v63  }
0x328: {  	v19 =	vadd.s32 v4, v19;
	s11 =	simm.s32 $0x4280  }
0x329: {  	[tilespmem:s11], [sflag:$0x1] =	stream.indirect_vreg.gather [hbm4b:s6+s3], $0x80, v51, vm0, $0xb8;
	[tilespmem:$0x1FC00] =	vst v63  }
0x32a: {  	s11 =	simm.s32 $0x4300  }
0x32b: {  	[tilespmem:s11], [sflag:$0x1] =	stream.indirect_vreg.gather [hbm4b:s6+s3], $0x80, v53, vm0, $0xb8;
	[tilespmem:$0x1FC00] =	vst v63  }
0x32c: {  	s11 =	simm.s32 $0x4380  }
0x32d: {  	[tilespmem:s11], [sflag:$0x1] =	stream.indirect_vreg.gather [hbm4b:s6+s3], $0x80, v19, vm0, $0xb8;
	[tilespmem:$0x1FC00] =	vst v63  }
0x32e: {  	v19 =	vld [tilespmem:s10+$0x110];
	_ =	sdelay $0x4  }
0x32f: {  	v20 =	vshll.u32 v19, $0x1  }
0x330: {  	v19 =	vand.u32 $0x7, v19;
	v20 =	vand.u32 $0xFFFFFFF0, v20  }
0x331: {  	v19 =	vor.u32 v19, v20  }
0x332: {  	v20 =	vperm.xlane v19, v3;
	_ =	sdelay $0x1  }
0x333: {  	v54 =	vperm.xlane v19, v2;
	v20 =	vadd.s32 v4, v20;
	_ =	sdelay $0x1  }
0x334: {  	v55 =	vperm.xlane v19, v5;
	v21 =	vadd.s32 v4, v54;
	_ =	sdelay $0x1  }
0x335: {  	s11 =	simm.s32 $0x4400;
	v56 =	vperm.xlane v19, v6;
	v22 =	vadd.s32 v4, v55  }
0x336: {  	[tilespmem:s11], [sflag:$0x1] =	stream.indirect_vreg.gather [hbm4b:s6+s3], $0x80, v20, vm0, $0xb8;
	[tilespmem:$0x1FC00] =	vst v63  }
0x337: {  	v57 =	vperm.xlane v19, v7;
	v20 =	vadd.s32 v4, v56;
	s11 =	simm.s32 $0x4480  }
0x338: {  	[tilespmem:s11], [sflag:$0x1] =	stream.indirect_vreg.gather [hbm4b:s6+s3], $0x80, v21, vm0, $0xb8;
	[tilespmem:$0x1FC00] =	vst v63  }
0x339: {  	v59 =	vperm.xlane v19, v8;
	v58 =	vadd.s32 v4, v57;
	s11 =	simm.s32 $0x4500  }
0x33a: {  	[tilespmem:s11], [sflag:$0x1] =	stream.indirect_vreg.gather [hbm4b:s6+s3], $0x80, v22, vm0, $0xb8;
	[tilespmem:$0x1FC00] =	vst v63  }
0x33b: {  	v61 =	vperm.xlane v19, v9;
	v60 =	vadd.s32 v4, v59;
	s11 =	simm.s32 $0x4580  }
0x33c: {  	[tilespmem:s11], [sflag:$0x1] =	stream.indirect_vreg.gather [hbm4b:s6+s3], $0x80, v20, vm0, $0xb8;
	[tilespmem:$0x1FC00] =	vst v63  }
0x33d: {  	v62 =	vperm.xlane v19, v1;
	v20 =	vadd.s32 v4, v61;
	s11 =	simm.s32 $0x4600  }
0x33e: {  	[tilespmem:s11], [sflag:$0x1] =	stream.indirect_vreg.gather [hbm4b:s6+s3], $0x80, v58, vm0, $0xb8;
	[tilespmem:$0x1FC00] =	vst v63  }
0x33f: {  	v24 =	vperm.xlane v19, v10;
	v63 =	vadd.s32 v4, v62;
	s11 =	simm.s32 $0x4680  }
0x340: {  	[tilespmem:s11], [sflag:$0x1] =	stream.indirect_vreg.gather [hbm4b:s6+s3], $0x80, v60, vm0, $0xb8;
	[tilespmem:$0x1FC00] =	vst v63  }
0x341: {  	v26 =	vperm.xlane v19, v11;
	v25 =	vadd.s32 v4, v24;
	s11 =	simm.s32 $0x4700  }
0x342: {  	[tilespmem:s11], [sflag:$0x1] =	stream.indirect_vreg.gather [hbm4b:s6+s3], $0x80, v20, vm0, $0xb8;
	[tilespmem:$0x1FC00] =	vst v63  }
0x343: {  	v27 =	vperm.xlane v19, v12;
	v20 =	vadd.s32 v4, v26;
	s11 =	simm.s32 $0x4780  }
0x344: {  	[tilespmem:s11], [sflag:$0x1] =	stream.indirect_vreg.gather [hbm4b:s6+s3], $0x80, v63, vm0, $0xb8;
	[tilespmem:$0x1FC00] =	vst v63  }
0x345: {  	v29 =	vperm.xlane v19, v13;
	v28 =	vadd.s32 v4, v27;
	s11 =	simm.s32 $0x4800  }
0x346: {  	[tilespmem:s11], [sflag:$0x1] =	stream.indirect_vreg.gather [hbm4b:s6+s3], $0x80, v25, vm0, $0xb8;
	[tilespmem:$0x1FC00] =	vst v63  }
0x347: {  	v31 =	vperm.xlane v19, v14;
	v30 =	vadd.s32 v4, v29;
	s11 =	simm.s32 $0x4880  }
0x348: {  	[tilespmem:s11], [sflag:$0x1] =	stream.indirect_vreg.gather [hbm4b:s6+s3], $0x80, v20, vm0, $0xb8;
	[tilespmem:$0x1FC00] =	vst v63  }
0x349: {  	v32 =	vperm.xlane v19, v15;
	v20 =	vadd.s32 v4, v31;
	s11 =	simm.s32 $0x4900  }
0x34a: {  	[tilespmem:s11], [sflag:$0x1] =	stream.indirect_vreg.gather [hbm4b:s6+s3], $0x80, v28, vm0, $0xb8;
	[tilespmem:$0x1FC00] =	vst v63  }
0x34b: {  	v34 =	vperm.xlane v19, v16;
	v33 =	vadd.s32 v4, v32;
	s11 =	simm.s32 $0x4980  }
0x34c: {  	[tilespmem:s11], [sflag:$0x1] =	stream.indirect_vreg.gather [hbm4b:s6+s3], $0x80, v30, vm0, $0xb8;
	[tilespmem:$0x1FC00] =	vst v63  }
0x34d: {  	v19 =	vperm.xlane v19, v17;
	v35 =	vadd.s32 v4, v34;
	s11 =	simm.s32 $0x4A00  }
0x34e: {  	[tilespmem:s11], [sflag:$0x1] =	stream.indirect_vreg.gather [hbm4b:s6+s3], $0x80, v20, vm0, $0xb8;
	[tilespmem:$0x1FC00] =	vst v63  }
0x34f: {  	v19 =	vadd.s32 v4, v19;
	s11 =	simm.s32 $0x4A80  }
0x350: {  	[tilespmem:s11], [sflag:$0x1] =	stream.indirect_vreg.gather [hbm4b:s6+s3], $0x80, v33, vm0, $0xb8;
	[tilespmem:$0x1FC00] =	vst v63  }
0x351: {  	s11 =	simm.s32 $0x4B00  }
0x352: {  	[tilespmem:s11], [sflag:$0x1] =	stream.indirect_vreg.gather [hbm4b:s6+s3], $0x80, v35, vm0, $0xb8;
	[tilespmem:$0x1FC00] =	vst v63  }
0x353: {  	s11 =	simm.s32 $0x4B80  }
0x354: {  	[tilespmem:s11], [sflag:$0x1] =	stream.indirect_vreg.gather [hbm4b:s6+s3], $0x80, v19, vm0, $0xb8;
	[tilespmem:$0x1FC00] =	vst v63  }
0x355: {  	v19 =	vld [tilespmem:s10+$0x120];
	_ =	sdelay $0x4  }
0x356: {  	v20 =	vshll.u32 v19, $0x1  }
0x357: {  	v19 =	vand.u32 $0x7, v19;
	v20 =	vand.u32 $0xFFFFFFF0, v20  }
0x358: {  	v19 =	vor.u32 v19, v20  }
0x359: {  	v20 =	vperm.xlane v19, v3;
	_ =	sdelay $0x1  }
0x35a: {  	v36 =	vperm.xlane v19, v2;
	v20 =	vadd.s32 v4, v20;
	_ =	sdelay $0x1  }
0x35b: {  	v37 =	vperm.xlane v19, v5;
	v21 =	vadd.s32 v4, v36;
	_ =	sdelay $0x1  }
0x35c: {  	s11 =	simm.s32 $0x4C00;
	v38 =	vperm.xlane v19, v6;
	v22 =	vadd.s32 v4, v37  }
0x35d: {  	[tilespmem:s11], [sflag:$0x1] =	stream.indirect_vreg.gather [hbm4b:s6+s3], $0x80, v20, vm0, $0xb8;
	[tilespmem:$0x1FC00] =	vst v63  }
0x35e: {  	v39 =	vperm.xlane v19, v7;
	v20 =	vadd.s32 v4, v38;
	s11 =	simm.s32 $0x4C80  }
0x35f: {  	[tilespmem:s11], [sflag:$0x1] =	stream.indirect_vreg.gather [hbm4b:s6+s3], $0x80, v21, vm0, $0xb8;
	[tilespmem:$0x1FC00] =	vst v63  }
0x360: {  	v41 =	vperm.xlane v19, v8;
	v40 =	vadd.s32 v4, v39;
	s11 =	simm.s32 $0x4D00  }
0x361: {  	[tilespmem:s11], [sflag:$0x1] =	stream.indirect_vreg.gather [hbm4b:s6+s3], $0x80, v22, vm0, $0xb8;
	[tilespmem:$0x1FC00] =	vst v63  }
0x362: {  	v43 =	vperm.xlane v19, v9;
	v42 =	vadd.s32 v4, v41;
	s11 =	simm.s32 $0x4D80  }
0x363: {  	[tilespmem:s11], [sflag:$0x1] =	stream.indirect_vreg.gather [hbm4b:s6+s3], $0x80, v20, vm0, $0xb8;
	[tilespmem:$0x1FC00] =	vst v63  }
0x364: {  	v44 =	vperm.xlane v19, v1;
	v20 =	vadd.s32 v4, v43;
	s11 =	simm.s32 $0x4E00  }
0x365: {  	[tilespmem:s11], [sflag:$0x1] =	stream.indirect_vreg.gather [hbm4b:s6+s3], $0x80, v40, vm0, $0xb8;
	[tilespmem:$0x1FC00] =	vst v63  }
0x366: {  	v46 =	vperm.xlane v19, v10;
	v45 =	vadd.s32 v4, v44;
	s11 =	simm.s32 $0x4E80  }
0x367: {  	[tilespmem:s11], [sflag:$0x1] =	stream.indirect_vreg.gather [hbm4b:s6+s3], $0x80, v42, vm0, $0xb8;
	[tilespmem:$0x1FC00] =	vst v63  }
0x368: {  	v48 =	vperm.xlane v19, v11;
	v47 =	vadd.s32 v4, v46;
	s11 =	simm.s32 $0x4F00  }
0x369: {  	[tilespmem:s11], [sflag:$0x1] =	stream.indirect_vreg.gather [hbm4b:s6+s3], $0x80, v20, vm0, $0xb8;
	[tilespmem:$0x1FC00] =	vst v63  }
0x36a: {  	v49 =	vperm.xlane v19, v12;
	v20 =	vadd.s32 v4, v48;
	s11 =	simm.s32 $0x4F80  }
0x36b: {  	[tilespmem:s11], [sflag:$0x1] =	stream.indirect_vreg.gather [hbm4b:s6+s3], $0x80, v45, vm0, $0xb8;
	[tilespmem:$0x1FC00] =	vst v63  }
0x36c: {  	v51 =	vperm.xlane v19, v13;
	v50 =	vadd.s32 v4, v49;
	s11 =	simm.s32 $0x5000  }
0x36d: {  	[tilespmem:s11], [sflag:$0x1] =	stream.indirect_vreg.gather [hbm4b:s6+s3], $0x80, v47, vm0, $0xb8;
	[tilespmem:$0x1FC00] =	vst v63  }
0x36e: {  	v53 =	vperm.xlane v19, v14;
	v52 =	vadd.s32 v4, v51;
	s11 =	simm.s32 $0x5080  }
0x36f: {  	[tilespmem:s11], [sflag:$0x1] =	stream.indirect_vreg.gather [hbm4b:s6+s3], $0x80, v20, vm0, $0xb8;
	[tilespmem:$0x1FC00] =	vst v63  }
0x370: {  	v54 =	vperm.xlane v19, v15;
	v20 =	vadd.s32 v4, v53;
	s11 =	simm.s32 $0x5100  }
0x371: {  	[tilespmem:s11], [sflag:$0x1] =	stream.indirect_vreg.gather [hbm4b:s6+s3], $0x80, v50, vm0, $0xb8;
	[tilespmem:$0x1FC00] =	vst v63  }
0x372: {  	v56 =	vperm.xlane v19, v16;
	v55 =	vadd.s32 v4, v54;
	s11 =	simm.s32 $0x5180  }
0x373: {  	[tilespmem:s11], [sflag:$0x1] =	stream.indirect_vreg.gather [hbm4b:s6+s3], $0x80, v52, vm0, $0xb8;
	[tilespmem:$0x1FC00] =	vst v63  }
0x374: {  	v19 =	vperm.xlane v19, v17;
	v57 =	vadd.s32 v4, v56;
	s11 =	simm.s32 $0x5200  }
0x375: {  	[tilespmem:s11], [sflag:$0x1] =	stream.indirect_vreg.gather [hbm4b:s6+s3], $0x80, v20, vm0, $0xb8;
	[tilespmem:$0x1FC00] =	vst v63  }
0x376: {  	v19 =	vadd.s32 v4, v19;
	s11 =	simm.s32 $0x5280  }
0x377: {  	[tilespmem:s11], [sflag:$0x1] =	stream.indirect_vreg.gather [hbm4b:s6+s3], $0x80, v55, vm0, $0xb8;
	[tilespmem:$0x1FC00] =	vst v63  }
0x378: {  	s11 =	simm.s32 $0x5300  }
0x379: {  	[tilespmem:s11], [sflag:$0x1] =	stream.indirect_vreg.gather [hbm4b:s6+s3], $0x80, v57, vm0, $0xb8;
	[tilespmem:$0x1FC00] =	vst v63  }
0x37a: {  	s11 =	simm.s32 $0x5380  }
0x37b: {  	[tilespmem:s11], [sflag:$0x1] =	stream.indirect_vreg.gather [hbm4b:s6+s3], $0x80, v19, vm0, $0xb8;
	[tilespmem:$0x1FC00] =	vst v63  }
0x37c: {  	v19 =	vld [tilespmem:s10+$0x130];
	_ =	sdelay $0x4  }
0x37d: {  	v20 =	vshll.u32 v19, $0x1  }
0x37e: {  	v19 =	vand.u32 $0x7, v19;
	v20 =	vand.u32 $0xFFFFFFF0, v20  }
0x37f: {  	v19 =	vor.u32 v19, v20  }
0x380: {  	v20 =	vperm.xlane v19, v3;
	_ =	sdelay $0x1  }
0x381: {  	v58 =	vperm.xlane v19, v2;
	v20 =	vadd.s32 v4, v20;
	_ =	sdelay $0x1  }
0x382: {  	v59 =	vperm.xlane v19, v5;
	v21 =	vadd.s32 v4, v58;
	_ =	sdelay $0x1  }
0x383: {  	s11 =	simm.s32 $0x5400;
	v60 =	vperm.xlane v19, v6;
	v22 =	vadd.s32 v4, v59  }
0x384: {  	[tilespmem:s11], [sflag:$0x1] =	stream.indirect_vreg.gather [hbm4b:s6+s3], $0x80, v20, vm0, $0xb8;
	[tilespmem:$0x1FC00] =	vst v63  }
0x385: {  	v61 =	vperm.xlane v19, v7;
	v20 =	vadd.s32 v4, v60;
	s11 =	simm.s32 $0x5480  }
0x386: {  	[tilespmem:s11], [sflag:$0x1] =	stream.indirect_vreg.gather [hbm4b:s6+s3], $0x80, v21, vm0, $0xb8;
	[tilespmem:$0x1FC00] =	vst v63  }
0x387: {  	v63 =	vperm.xlane v19, v8;
	v62 =	vadd.s32 v4, v61;
	s11 =	simm.s32 $0x5500  }
0x388: {  	[tilespmem:s11], [sflag:$0x1] =	stream.indirect_vreg.gather [hbm4b:s6+s3], $0x80, v22, vm0, $0xb8;
	[tilespmem:$0x1FC00] =	vst v63  }
0x389: {  	v25 =	vperm.xlane v19, v9;
	v24 =	vadd.s32 v4, v63;
	s11 =	simm.s32 $0x5580  }
0x38a: {  	[tilespmem:s11], [sflag:$0x1] =	stream.indirect_vreg.gather [hbm4b:s6+s3], $0x80, v20, vm0, $0xb8;
	[tilespmem:$0x1FC00] =	vst v63  }
0x38b: {  	v26 =	vperm.xlane v19, v1;
	v20 =	vadd.s32 v4, v25;
	s11 =	simm.s32 $0x5600  }
0x38c: {  	[tilespmem:s11], [sflag:$0x1] =	stream.indirect_vreg.gather [hbm4b:s6+s3], $0x80, v62, vm0, $0xb8;
	[tilespmem:$0x1FC00] =	vst v63  }
0x38d: {  	v28 =	vperm.xlane v19, v10;
	v27 =	vadd.s32 v4, v26;
	s11 =	simm.s32 $0x5680  }
0x38e: {  	[tilespmem:s11], [sflag:$0x1] =	stream.indirect_vreg.gather [hbm4b:s6+s3], $0x80, v24, vm0, $0xb8;
	[tilespmem:$0x1FC00] =	vst v63  }
0x38f: {  	v30 =	vperm.xlane v19, v11;
	v29 =	vadd.s32 v4, v28;
	s11 =	simm.s32 $0x5700  }
0x390: {  	[tilespmem:s11], [sflag:$0x1] =	stream.indirect_vreg.gather [hbm4b:s6+s3], $0x80, v20, vm0, $0xb8;
	[tilespmem:$0x1FC00] =	vst v63  }
0x391: {  	v31 =	vperm.xlane v19, v12;
	v20 =	vadd.s32 v4, v30;
	s11 =	simm.s32 $0x5780  }
0x392: {  	[tilespmem:s11], [sflag:$0x1] =	stream.indirect_vreg.gather [hbm4b:s6+s3], $0x80, v27, vm0, $0xb8;
	[tilespmem:$0x1FC00] =	vst v63  }
0x393: {  	v33 =	vperm.xlane v19, v13;
	v32 =	vadd.s32 v4, v31;
	s11 =	simm.s32 $0x5800  }
0x394: {  	[tilespmem:s11], [sflag:$0x1] =	stream.indirect_vreg.gather [hbm4b:s6+s3], $0x80, v29, vm0, $0xb8;
	[tilespmem:$0x1FC00] =	vst v63  }
0x395: {  	v35 =	vperm.xlane v19, v14;
	v34 =	vadd.s32 v4, v33;
	s11 =	simm.s32 $0x5880  }
0x396: {  	[tilespmem:s11], [sflag:$0x1] =	stream.indirect_vreg.gather [hbm4b:s6+s3], $0x80, v20, vm0, $0xb8;
	[tilespmem:$0x1FC00] =	vst v63  }
0x397: {  	v36 =	vperm.xlane v19, v15;
	v20 =	vadd.s32 v4, v35;
	s11 =	simm.s32 $0x5900  }
0x398: {  	[tilespmem:s11], [sflag:$0x1] =	stream.indirect_vreg.gather [hbm4b:s6+s3], $0x80, v32, vm0, $0xb8;
	[tilespmem:$0x1FC00] =	vst v63  }
0x399: {  	v38 =	vperm.xlane v19, v16;
	v37 =	vadd.s32 v4, v36;
	s11 =	simm.s32 $0x5980  }
0x39a: {  	[tilespmem:s11], [sflag:$0x1] =	stream.indirect_vreg.gather [hbm4b:s6+s3], $0x80, v34, vm0, $0xb8;
	[tilespmem:$0x1FC00] =	vst v63  }
0x39b: {  	v19 =	vperm.xlane v19, v17;
	v39 =	vadd.s32 v4, v38;
	s11 =	simm.s32 $0x5A00  }
0x39c: {  	[tilespmem:s11], [sflag:$0x1] =	stream.indirect_vreg.gather [hbm4b:s6+s3], $0x80, v20, vm0, $0xb8;
	[tilespmem:$0x1FC00] =	vst v63  }
0x39d: {  	v19 =	vadd.s32 v4, v19;
	s11 =	simm.s32 $0x5A80  }
0x39e: {  	[tilespmem:s11], [sflag:$0x1] =	stream.indirect_vreg.gather [hbm4b:s6+s3], $0x80, v37, vm0, $0xb8;
	[tilespmem:$0x1FC00] =	vst v63  }
0x39f: {  	s11 =	simm.s32 $0x5B00  }
0x3a0: {  	[tilespmem:s11], [sflag:$0x1] =	stream.indirect_vreg.gather [hbm4b:s6+s3], $0x80, v39, vm0, $0xb8;
	[tilespmem:$0x1FC00] =	vst v63  }
0x3a1: {  	s11 =	simm.s32 $0x5B80  }
0x3a2: {  	[tilespmem:s11], [sflag:$0x1] =	stream.indirect_vreg.gather [hbm4b:s6+s3], $0x80, v19, vm0, $0xb8;
	[tilespmem:$0x1FC00] =	vst v63  }
0x3a3: {  	v19 =	vld [tilespmem:s10+$0x140];
	_ =	sdelay $0x4  }
0x3a4: {  	v20 =	vshll.u32 v19, $0x1  }
0x3a5: {  	v19 =	vand.u32 $0x7, v19;
	v20 =	vand.u32 $0xFFFFFFF0, v20  }
0x3a6: {  	v19 =	vor.u32 v19, v20  }
0x3a7: {  	v20 =	vperm.xlane v19, v3;
	_ =	sdelay $0x1  }
0x3a8: {  	v40 =	vperm.xlane v19, v2;
	v20 =	vadd.s32 v4, v20;
	_ =	sdelay $0x1  }
0x3a9: {  	v41 =	vperm.xlane v19, v5;
	v21 =	vadd.s32 v4, v40;
	_ =	sdelay $0x1  }
0x3aa: {  	s11 =	simm.s32 $0x5C00;
	v42 =	vperm.xlane v19, v6;
	v22 =	vadd.s32 v4, v41  }
0x3ab: {  	[tilespmem:s11], [sflag:$0x1] =	stream.indirect_vreg.gather [hbm4b:s6+s3], $0x80, v20, vm0, $0xb8;
	[tilespmem:$0x1FC00] =	vst v63  }
0x3ac: {  	v43 =	vperm.xlane v19, v7;
	v20 =	vadd.s32 v4, v42;
	s11 =	simm.s32 $0x5C80  }
0x3ad: {  	[tilespmem:s11], [sflag:$0x1] =	stream.indirect_vreg.gather [hbm4b:s6+s3], $0x80, v21, vm0, $0xb8;
	[tilespmem:$0x1FC00] =	vst v63  }
0x3ae: {  	v45 =	vperm.xlane v19, v8;
	v44 =	vadd.s32 v4, v43;
	s11 =	simm.s32 $0x5D00  }
0x3af: {  	[tilespmem:s11], [sflag:$0x1] =	stream.indirect_vreg.gather [hbm4b:s6+s3], $0x80, v22, vm0, $0xb8;
	[tilespmem:$0x1FC00] =	vst v63  }
0x3b0: {  	v47 =	vperm.xlane v19, v9;
	v46 =	vadd.s32 v4, v45;
	s11 =	simm.s32 $0x5D80  }
0x3b1: {  	[tilespmem:s11], [sflag:$0x1] =	stream.indirect_vreg.gather [hbm4b:s6+s3], $0x80, v20, vm0, $0xb8;
	[tilespmem:$0x1FC00] =	vst v63  }
0x3b2: {  	v48 =	vperm.xlane v19, v1;
	v20 =	vadd.s32 v4, v47;
	s11 =	simm.s32 $0x5E00  }
0x3b3: {  	[tilespmem:s11], [sflag:$0x1] =	stream.indirect_vreg.gather [hbm4b:s6+s3], $0x80, v44, vm0, $0xb8;
	[tilespmem:$0x1FC00] =	vst v63  }
0x3b4: {  	v50 =	vperm.xlane v19, v10;
	v49 =	vadd.s32 v4, v48;
	s11 =	simm.s32 $0x5E80  }
0x3b5: {  	[tilespmem:s11], [sflag:$0x1] =	stream.indirect_vreg.gather [hbm4b:s6+s3], $0x80, v46, vm0, $0xb8;
	[tilespmem:$0x1FC00] =	vst v63  }
0x3b6: {  	v52 =	vperm.xlane v19, v11;
	v51 =	vadd.s32 v4, v50;
	s11 =	simm.s32 $0x5F00  }
0x3b7: {  	[tilespmem:s11], [sflag:$0x1] =	stream.indirect_vreg.gather [hbm4b:s6+s3], $0x80, v20, vm0, $0xb8;
	[tilespmem:$0x1FC00] =	vst v63  }
0x3b8: {  	v53 =	vperm.xlane v19, v12;
	v20 =	vadd.s32 v4, v52;
	s11 =	simm.s32 $0x5F80  }
0x3b9: {  	[tilespmem:s11], [sflag:$0x1] =	stream.indirect_vreg.gather [hbm4b:s6+s3], $0x80, v49, vm0, $0xb8;
	[tilespmem:$0x1FC00] =	vst v63  }
0x3ba: {  	v55 =	vperm.xlane v19, v13;
	v54 =	vadd.s32 v4, v53;
	s11 =	simm.s32 $0x6000  }
0x3bb: {  	[tilespmem:s11], [sflag:$0x1] =	stream.indirect_vreg.gather [hbm4b:s6+s3], $0x80, v51, vm0, $0xb8;
	[tilespmem:$0x1FC00] =	vst v63  }
0x3bc: {  	v57 =	vperm.xlane v19, v14;
	v56 =	vadd.s32 v4, v55;
	s11 =	simm.s32 $0x6080  }
0x3bd: {  	[tilespmem:s11], [sflag:$0x1] =	stream.indirect_vreg.gather [hbm4b:s6+s3], $0x80, v20, vm0, $0xb8;
	[tilespmem:$0x1FC00] =	vst v63  }
0x3be: {  	v58 =	vperm.xlane v19, v15;
	v20 =	vadd.s32 v4, v57;
	s11 =	simm.s32 $0x6100  }
0x3bf: {  	[tilespmem:s11], [sflag:$0x1] =	stream.indirect_vreg.gather [hbm4b:s6+s3], $0x80, v54, vm0, $0xb8;
	[tilespmem:$0x1FC00] =	vst v63  }
0x3c0: {  	v60 =	vperm.xlane v19, v16;
	v59 =	vadd.s32 v4, v58;
	s11 =	simm.s32 $0x6180  }
0x3c1: {  	[tilespmem:s11], [sflag:$0x1] =	stream.indirect_vreg.gather [hbm4b:s6+s3], $0x80, v56, vm0, $0xb8;
	[tilespmem:$0x1FC00] =	vst v63  }
0x3c2: {  	v19 =	vperm.xlane v19, v17;
	v61 =	vadd.s32 v4, v60;
	s11 =	simm.s32 $0x6200  }
0x3c3: {  	[tilespmem:s11], [sflag:$0x1] =	stream.indirect_vreg.gather [hbm4b:s6+s3], $0x80, v20, vm0, $0xb8;
	[tilespmem:$0x1FC00] =	vst v63  }
0x3c4: {  	v19 =	vadd.s32 v4, v19;
	s11 =	simm.s32 $0x6280  }
0x3c5: {  	[tilespmem:s11], [sflag:$0x1] =	stream.indirect_vreg.gather [hbm4b:s6+s3], $0x80, v59, vm0, $0xb8;
	[tilespmem:$0x1FC00] =	vst v63  }
0x3c6: {  	s11 =	simm.s32 $0x6300  }
0x3c7: {  	[tilespmem:s11], [sflag:$0x1] =	stream.indirect_vreg.gather [hbm4b:s6+s3], $0x80, v61, vm0, $0xb8;
	[tilespmem:$0x1FC00] =	vst v63  }
0x3c8: {  	s11 =	simm.s32 $0x6380  }
0x3c9: {  	[tilespmem:s11], [sflag:$0x1] =	stream.indirect_vreg.gather [hbm4b:s6+s3], $0x80, v19, vm0, $0xb8;
	[tilespmem:$0x1FC00] =	vst v63  }
0x3ca: {  	v19 =	vld [tilespmem:s10+$0x150];
	_ =	sdelay $0x4  }
0x3cb: {  	v20 =	vshll.u32 v19, $0x1  }
0x3cc: {  	v19 =	vand.u32 $0x7, v19;
	v20 =	vand.u32 $0xFFFFFFF0, v20  }
0x3cd: {  	v19 =	vor.u32 v19, v20  }
0x3ce: {  	v20 =	vperm.xlane v19, v3;
	_ =	sdelay $0x1  }
0x3cf: {  	v62 =	vperm.xlane v19, v2;
	v20 =	vadd.s32 v4, v20;
	_ =	sdelay $0x1  }
0x3d0: {  	v63 =	vperm.xlane v19, v5;
	v21 =	vadd.s32 v4, v62;
	_ =	sdelay $0x1  }
0x3d1: {  	s11 =	simm.s32 $0x6400;
	v24 =	vperm.xlane v19, v6;
	v22 =	vadd.s32 v4, v63  }
0x3d2: {  	[tilespmem:s11], [sflag:$0x1] =	stream.indirect_vreg.gather [hbm4b:s6+s3], $0x80, v20, vm0, $0xb8;
	[tilespmem:$0x1FC00] =	vst v63  }
0x3d3: {  	v25 =	vperm.xlane v19, v7;
	v20 =	vadd.s32 v4, v24;
	s11 =	simm.s32 $0x6480  }
0x3d4: {  	[tilespmem:s11], [sflag:$0x1] =	stream.indirect_vreg.gather [hbm4b:s6+s3], $0x80, v21, vm0, $0xb8;
	[tilespmem:$0x1FC00] =	vst v63  }
0x3d5: {  	v27 =	vperm.xlane v19, v8;
	v26 =	vadd.s32 v4, v25;
	s11 =	simm.s32 $0x6500  }
0x3d6: {  	[tilespmem:s11], [sflag:$0x1] =	stream.indirect_vreg.gather [hbm4b:s6+s3], $0x80, v22, vm0, $0xb8;
	[tilespmem:$0x1FC00] =	vst v63  }
0x3d7: {  	v29 =	vperm.xlane v19, v9;
	v28 =	vadd.s32 v4, v27;
	s11 =	simm.s32 $0x6580  }
0x3d8: {  	[tilespmem:s11], [sflag:$0x1] =	stream.indirect_vreg.gather [hbm4b:s6+s3], $0x80, v20, vm0, $0xb8;
	[tilespmem:$0x1FC00] =	vst v63  }
0x3d9: {  	v30 =	vperm.xlane v19, v1;
	v20 =	vadd.s32 v4, v29;
	s11 =	simm.s32 $0x6600  }
0x3da: {  	[tilespmem:s11], [sflag:$0x1] =	stream.indirect_vreg.gather [hbm4b:s6+s3], $0x80, v26, vm0, $0xb8;
	[tilespmem:$0x1FC00] =	vst v63  }
0x3db: {  	v32 =	vperm.xlane v19, v10;
	v31 =	vadd.s32 v4, v30;
	s11 =	simm.s32 $0x6680  }
0x3dc: {  	[tilespmem:s11], [sflag:$0x1] =	stream.indirect_vreg.gather [hbm4b:s6+s3], $0x80, v28, vm0, $0xb8;
	[tilespmem:$0x1FC00] =	vst v63  }
0x3dd: {  	v34 =	vperm.xlane v19, v11;
	v33 =	vadd.s32 v4, v32;
	s11 =	simm.s32 $0x6700  }
0x3de: {  	[tilespmem:s11], [sflag:$0x1] =	stream.indirect_vreg.gather [hbm4b:s6+s3], $0x80, v20, vm0, $0xb8;
	[tilespmem:$0x1FC00] =	vst v63  }
0x3df: {  	v35 =	vperm.xlane v19, v12;
	v20 =	vadd.s32 v4, v34;
	s11 =	simm.s32 $0x6780  }
0x3e0: {  	[tilespmem:s11], [sflag:$0x1] =	stream.indirect_vreg.gather [hbm4b:s6+s3], $0x80, v31, vm0, $0xb8;
	[tilespmem:$0x1FC00] =	vst v63  }
0x3e1: {  	v37 =	vperm.xlane v19, v13;
	v36 =	vadd.s32 v4, v35;
	s11 =	simm.s32 $0x6800  }
0x3e2: {  	[tilespmem:s11], [sflag:$0x1] =	stream.indirect_vreg.gather [hbm4b:s6+s3], $0x80, v33, vm0, $0xb8;
	[tilespmem:$0x1FC00] =	vst v63  }
0x3e3: {  	v39 =	vperm.xlane v19, v14;
	v38 =	vadd.s32 v4, v37;
	s11 =	simm.s32 $0x6880  }
0x3e4: {  	[tilespmem:s11], [sflag:$0x1] =	stream.indirect_vreg.gather [hbm4b:s6+s3], $0x80, v20, vm0, $0xb8;
	[tilespmem:$0x1FC00] =	vst v63  }
0x3e5: {  	v40 =	vperm.xlane v19, v15;
	v20 =	vadd.s32 v4, v39;
	s11 =	simm.s32 $0x6900  }
0x3e6: {  	[tilespmem:s11], [sflag:$0x1] =	stream.indirect_vreg.gather [hbm4b:s6+s3], $0x80, v36, vm0, $0xb8;
	[tilespmem:$0x1FC00] =	vst v63  }
0x3e7: {  	v42 =	vperm.xlane v19, v16;
	v41 =	vadd.s32 v4, v40;
	s11 =	simm.s32 $0x6980  }
0x3e8: {  	[tilespmem:s11], [sflag:$0x1] =	stream.indirect_vreg.gather [hbm4b:s6+s3], $0x80, v38, vm0, $0xb8;
	[tilespmem:$0x1FC00] =	vst v63  }
0x3e9: {  	v19 =	vperm.xlane v19, v17;
	v43 =	vadd.s32 v4, v42;
	s11 =	simm.s32 $0x6A00  }
0x3ea: {  	[tilespmem:s11], [sflag:$0x1] =	stream.indirect_vreg.gather [hbm4b:s6+s3], $0x80, v20, vm0, $0xb8;
	[tilespmem:$0x1FC00] =	vst v63  }
0x3eb: {  	v19 =	vadd.s32 v4, v19;
	s11 =	simm.s32 $0x6A80  }
0x3ec: {  	[tilespmem:s11], [sflag:$0x1] =	stream.indirect_vreg.gather [hbm4b:s6+s3], $0x80, v41, vm0, $0xb8;
	[tilespmem:$0x1FC00] =	vst v63  }
0x3ed: {  	s11 =	simm.s32 $0x6B00  }
0x3ee: {  	[tilespmem:s11], [sflag:$0x1] =	stream.indirect_vreg.gather [hbm4b:s6+s3], $0x80, v43, vm0, $0xb8;
	[tilespmem:$0x1FC00] =	vst v63  }
0x3ef: {  	s11 =	simm.s32 $0x6B80  }
0x3f0: {  	[tilespmem:s11], [sflag:$0x1] =	stream.indirect_vreg.gather [hbm4b:s6+s3], $0x80, v19, vm0, $0xb8;
	[tilespmem:$0x1FC00] =	vst v63  }
0x3f1: {  	v19 =	vld [tilespmem:s10+$0x160];
	_ =	sdelay $0x4  }
0x3f2: {  	v20 =	vshll.u32 v19, $0x1  }
0x3f3: {  	v19 =	vand.u32 $0x7, v19;
	v20 =	vand.u32 $0xFFFFFFF0, v20  }
0x3f4: {  	v19 =	vor.u32 v19, v20  }
0x3f5: {  	v20 =	vperm.xlane v19, v3;
	_ =	sdelay $0x1  }
0x3f6: {  	v44 =	vperm.xlane v19, v2;
	v20 =	vadd.s32 v4, v20;
	_ =	sdelay $0x1  }
0x3f7: {  	v45 =	vperm.xlane v19, v5;
	v21 =	vadd.s32 v4, v44;
	_ =	sdelay $0x1  }
0x3f8: {  	s11 =	simm.s32 $0x6C00;
	v46 =	vperm.xlane v19, v6;
	v22 =	vadd.s32 v4, v45  }
0x3f9: {  	[tilespmem:s11], [sflag:$0x1] =	stream.indirect_vreg.gather [hbm4b:s6+s3], $0x80, v20, vm0, $0xb8;
	[tilespmem:$0x1FC00] =	vst v63  }
0x3fa: {  	v47 =	vperm.xlane v19, v7;
	v20 =	vadd.s32 v4, v46;
	s11 =	simm.s32 $0x6C80  }
0x3fb: {  	[tilespmem:s11], [sflag:$0x1] =	stream.indirect_vreg.gather [hbm4b:s6+s3], $0x80, v21, vm0, $0xb8;
	[tilespmem:$0x1FC00] =	vst v63  }
0x3fc: {  	v49 =	vperm.xlane v19, v8;
	v48 =	vadd.s32 v4, v47;
	s11 =	simm.s32 $0x6D00  }
0x3fd: {  	[tilespmem:s11], [sflag:$0x1] =	stream.indirect_vreg.gather [hbm4b:s6+s3], $0x80, v22, vm0, $0xb8;
	[tilespmem:$0x1FC00] =	vst v63  }
0x3fe: {  	v51 =	vperm.xlane v19, v9;
	v50 =	vadd.s32 v4, v49;
	s11 =	simm.s32 $0x6D80  }
0x3ff: {  	[tilespmem:s11], [sflag:$0x1] =	stream.indirect_vreg.gather [hbm4b:s6+s3], $0x80, v20, vm0, $0xb8;
	[tilespmem:$0x1FC00] =	vst v63  }
0x400: {  	v52 =	vperm.xlane v19, v1;
	v20 =	vadd.s32 v4, v51;
	s11 =	simm.s32 $0x6E00  }
0x401: {  	[tilespmem:s11], [sflag:$0x1] =	stream.indirect_vreg.gather [hbm4b:s6+s3], $0x80, v48, vm0, $0xb8;
	[tilespmem:$0x1FC00] =	vst v63  }
0x402: {  	v54 =	vperm.xlane v19, v10;
	v53 =	vadd.s32 v4, v52;
	s11 =	simm.s32 $0x6E80  }
0x403: {  	[tilespmem:s11], [sflag:$0x1] =	stream.indirect_vreg.gather [hbm4b:s6+s3], $0x80, v50, vm0, $0xb8;
	[tilespmem:$0x1FC00] =	vst v63  }
0x404: {  	v56 =	vperm.xlane v19, v11;
	v55 =	vadd.s32 v4, v54;
	s11 =	simm.s32 $0x6F00  }
0x405: {  	[tilespmem:s11], [sflag:$0x1] =	stream.indirect_vreg.gather [hbm4b:s6+s3], $0x80, v20, vm0, $0xb8;
	[tilespmem:$0x1FC00] =	vst v63  }
0x406: {  	v57 =	vperm.xlane v19, v12;
	v20 =	vadd.s32 v4, v56;
	s11 =	simm.s32 $0x6F80  }
0x407: {  	[tilespmem:s11], [sflag:$0x1] =	stream.indirect_vreg.gather [hbm4b:s6+s3], $0x80, v53, vm0, $0xb8;
	[tilespmem:$0x1FC00] =	vst v63  }
0x408: {  	v59 =	vperm.xlane v19, v13;
	v58 =	vadd.s32 v4, v57;
	s11 =	simm.s32 $0x7000  }
0x409: {  	[tilespmem:s11], [sflag:$0x1] =	stream.indirect_vreg.gather [hbm4b:s6+s3], $0x80, v55, vm0, $0xb8;
	[tilespmem:$0x1FC00] =	vst v63  }
0x40a: {  	v61 =	vperm.xlane v19, v14;
	v60 =	vadd.s32 v4, v59;
	s11 =	simm.s32 $0x7080  }
0x40b: {  	[tilespmem:s11], [sflag:$0x1] =	stream.indirect_vreg.gather [hbm4b:s6+s3], $0x80, v20, vm0, $0xb8;
	[tilespmem:$0x1FC00] =	vst v63  }
0x40c: {  	v62 =	vperm.xlane v19, v15;
	v20 =	vadd.s32 v4, v61;
	s11 =	simm.s32 $0x7100  }
0x40d: {  	[tilespmem:s11], [sflag:$0x1] =	stream.indirect_vreg.gather [hbm4b:s6+s3], $0x80, v58, vm0, $0xb8;
	[tilespmem:$0x1FC00] =	vst v63  }
0x40e: {  	v24 =	vperm.xlane v19, v16;
	v63 =	vadd.s32 v4, v62;
	s11 =	simm.s32 $0x7180  }
0x40f: {  	[tilespmem:s11], [sflag:$0x1] =	stream.indirect_vreg.gather [hbm4b:s6+s3], $0x80, v60, vm0, $0xb8;
	[tilespmem:$0x1FC00] =	vst v63  }
0x410: {  	v19 =	vperm.xlane v19, v17;
	v25 =	vadd.s32 v4, v24;
	s11 =	simm.s32 $0x7200  }
0x411: {  	[tilespmem:s11], [sflag:$0x1] =	stream.indirect_vreg.gather [hbm4b:s6+s3], $0x80, v20, vm0, $0xb8;
	[tilespmem:$0x1FC00] =	vst v63  }
0x412: {  	v19 =	vadd.s32 v4, v19;
	s11 =	simm.s32 $0x7280  }
0x413: {  	[tilespmem:s11], [sflag:$0x1] =	stream.indirect_vreg.gather [hbm4b:s6+s3], $0x80, v63, vm0, $0xb8;
	[tilespmem:$0x1FC00] =	vst v63  }
0x414: {  	s11 =	simm.s32 $0x7300  }
0x415: {  	[tilespmem:s11], [sflag:$0x1] =	stream.indirect_vreg.gather [hbm4b:s6+s3], $0x80, v25, vm0, $0xb8;
	[tilespmem:$0x1FC00] =	vst v63  }
0x416: {  	s11 =	simm.s32 $0x7380  }
0x417: {  	[tilespmem:s11], [sflag:$0x1] =	stream.indirect_vreg.gather [hbm4b:s6+s3], $0x80, v19, vm0, $0xb8;
	[tilespmem:$0x1FC00] =	vst v63  }
0x418: {  	v19 =	vld [tilespmem:s10+$0x170];
	_ =	sdelay $0x4  }
0x419: {  	v20 =	vshll.u32 v19, $0x1  }
0x41a: {  	v19 =	vand.u32 $0x7, v19;
	v20 =	vand.u32 $0xFFFFFFF0, v20  }
0x41b: {  	v19 =	vor.u32 v19, v20  }
0x41c: {  	v20 =	vperm.xlane v19, v3;
	_ =	sdelay $0x1  }
0x41d: {  	v26 =	vperm.xlane v19, v2;
	v20 =	vadd.s32 v4, v20;
	_ =	sdelay $0x1  }
0x41e: {  	v27 =	vperm.xlane v19, v5;
	v21 =	vadd.s32 v4, v26;
	_ =	sdelay $0x1  }
0x41f: {  	s11 =	simm.s32 $0x7400;
	v28 =	vperm.xlane v19, v6;
	v22 =	vadd.s32 v4, v27  }
0x420: {  	[tilespmem:s11], [sflag:$0x1] =	stream.indirect_vreg.gather [hbm4b:s6+s3], $0x80, v20, vm0, $0xb8;
	[tilespmem:$0x1FC00] =	vst v63  }
0x421: {  	v29 =	vperm.xlane v19, v7;
	v20 =	vadd.s32 v4, v28;
	s11 =	simm.s32 $0x7480  }
0x422: {  	[tilespmem:s11], [sflag:$0x1] =	stream.indirect_vreg.gather [hbm4b:s6+s3], $0x80, v21, vm0, $0xb8;
	[tilespmem:$0x1FC00] =	vst v63  }
0x423: {  	v31 =	vperm.xlane v19, v8;
	v30 =	vadd.s32 v4, v29;
	s11 =	simm.s32 $0x7500  }
0x424: {  	[tilespmem:s11], [sflag:$0x1] =	stream.indirect_vreg.gather [hbm4b:s6+s3], $0x80, v22, vm0, $0xb8;
	[tilespmem:$0x1FC00] =	vst v63  }
0x425: {  	v33 =	vperm.xlane v19, v9;
	v32 =	vadd.s32 v4, v31;
	s11 =	simm.s32 $0x7580  }
0x426: {  	[tilespmem:s11], [sflag:$0x1] =	stream.indirect_vreg.gather [hbm4b:s6+s3], $0x80, v20, vm0, $0xb8;
	[tilespmem:$0x1FC00] =	vst v63  }
0x427: {  	v34 =	vperm.xlane v19, v1;
	v20 =	vadd.s32 v4, v33;
	s11 =	simm.s32 $0x7600  }
0x428: {  	[tilespmem:s11], [sflag:$0x1] =	stream.indirect_vreg.gather [hbm4b:s6+s3], $0x80, v30, vm0, $0xb8;
	[tilespmem:$0x1FC00] =	vst v63  }
0x429: {  	v36 =	vperm.xlane v19, v10;
	v35 =	vadd.s32 v4, v34;
	s11 =	simm.s32 $0x7680  }
0x42a: {  	[tilespmem:s11], [sflag:$0x1] =	stream.indirect_vreg.gather [hbm4b:s6+s3], $0x80, v32, vm0, $0xb8;
	[tilespmem:$0x1FC00] =	vst v63  }
0x42b: {  	v38 =	vperm.xlane v19, v11;
	v37 =	vadd.s32 v4, v36;
	s11 =	simm.s32 $0x7700  }
0x42c: {  	[tilespmem:s11], [sflag:$0x1] =	stream.indirect_vreg.gather [hbm4b:s6+s3], $0x80, v20, vm0, $0xb8;
	[tilespmem:$0x1FC00] =	vst v63  }
0x42d: {  	v39 =	vperm.xlane v19, v12;
	v20 =	vadd.s32 v4, v38;
	s11 =	simm.s32 $0x7780  }
0x42e: {  	[tilespmem:s11], [sflag:$0x1] =	stream.indirect_vreg.gather [hbm4b:s6+s3], $0x80, v35, vm0, $0xb8;
	[tilespmem:$0x1FC00] =	vst v63  }
0x42f: {  	v41 =	vperm.xlane v19, v13;
	v40 =	vadd.s32 v4, v39;
	s11 =	simm.s32 $0x7800  }
0x430: {  	[tilespmem:s11], [sflag:$0x1] =	stream.indirect_vreg.gather [hbm4b:s6+s3], $0x80, v37, vm0, $0xb8;
	[tilespmem:$0x1FC00] =	vst v63  }
0x431: {  	v43 =	vperm.xlane v19, v14;
	v42 =	vadd.s32 v4, v41;
	s11 =	simm.s32 $0x7880  }
0x432: {  	[tilespmem:s11], [sflag:$0x1] =	stream.indirect_vreg.gather [hbm4b:s6+s3], $0x80, v20, vm0, $0xb8;
	[tilespmem:$0x1FC00] =	vst v63  }
0x433: {  	v44 =	vperm.xlane v19, v15;
	v20 =	vadd.s32 v4, v43;
	s11 =	simm.s32 $0x7900  }
0x434: {  	[tilespmem:s11], [sflag:$0x1] =	stream.indirect_vreg.gather [hbm4b:s6+s3], $0x80, v40, vm0, $0xb8;
	[tilespmem:$0x1FC00] =	vst v63  }
0x435: {  	v46 =	vperm.xlane v19, v16;
	v45 =	vadd.s32 v4, v44;
	s11 =	simm.s32 $0x7980  }
0x436: {  	[tilespmem:s11], [sflag:$0x1] =	stream.indirect_vreg.gather [hbm4b:s6+s3], $0x80, v42, vm0, $0xb8;
	[tilespmem:$0x1FC00] =	vst v63  }
0x437: {  	v19 =	vperm.xlane v19, v17;
	v47 =	vadd.s32 v4, v46;
	s11 =	simm.s32 $0x7A00  }
0x438: {  	[tilespmem:s11], [sflag:$0x1] =	stream.indirect_vreg.gather [hbm4b:s6+s3], $0x80, v20, vm0, $0xb8;
	[tilespmem:$0x1FC00] =	vst v63  }
0x439: {  	v19 =	vadd.s32 v4, v19;
	s11 =	simm.s32 $0x7A80  }
0x43a: {  	[tilespmem:s11], [sflag:$0x1] =	stream.indirect_vreg.gather [hbm4b:s6+s3], $0x80, v45, vm0, $0xb8;
	[tilespmem:$0x1FC00] =	vst v63  }
0x43b: {  	s11 =	simm.s32 $0x7B00  }
0x43c: {  	[tilespmem:s11], [sflag:$0x1] =	stream.indirect_vreg.gather [hbm4b:s6+s3], $0x80, v47, vm0, $0xb8;
	[tilespmem:$0x1FC00] =	vst v63  }
0x43d: {  	s11 =	simm.s32 $0x7B80  }
0x43e: {  	[tilespmem:s11], [sflag:$0x1] =	stream.indirect_vreg.gather [hbm4b:s6+s3], $0x80, v19, vm0, $0xb8;
	[tilespmem:$0x1FC00] =	vst v63  }
0x43f: {  	_ =	swait.ge [sflag:s7], $0x4000  }
0x440: {  	[sflag:s7] =	ssyncset.done $0x0  }
0x441: {  	s11 =	sadd.s32 $0x1480, s10;
	[sflag:s7] =	ssyncadd.s32 $0xFFFFC000  }
0x442: {  	[spmem:s2] =	stream.indirect.scatter.add.f32 [tilespmem:s26], [sflag:$0x4], $0x80, s11, s5, $0xb8;
	[tilespmem:$0x1FC00] =	vst v63  }
0x443: {  	_ =	swait.ge [sflag:s30], $0x4000  }
0x444: {  	[sflag:s30] =	ssyncset.done $0x0  }
0x445: {  	[sflag:s30] =	ssyncadd.s32 $0xFFFFC000  }
0x446: {  	v19 =	vld [tilespmem:s10+$0x180];
	_ =	sdelay $0x4  }
0x447: {  	v20 =	vshll.u32 v19, $0x1  }
0x448: {  	v19 =	vand.u32 $0x7, v19;
	v20 =	vand.u32 $0xFFFFFFF0, v20  }
0x449: {  	v19 =	vor.u32 v19, v20  }
0x44a: {  	v20 =	vperm.xlane v19, v3;
	_ =	sdelay $0x1  }
0x44b: {  	v48 =	vperm.xlane v19, v2;
	v20 =	vadd.s32 v4, v20;
	_ =	sdelay $0x1  }
0x44c: {  	v49 =	vperm.xlane v19, v5;
	v21 =	vadd.s32 v4, v48;
	_ =	sdelay $0x1  }
0x44d: {  	v50 =	vperm.xlane v19, v6;
	v22 =	vadd.s32 v4, v49  }
0x44e: {  	[tilespmem:s26], [sflag:$0x2] =	stream.indirect_vreg.gather [hbm4b:s6+s3], $0x80, v20, vm0, $0xb8;
	[tilespmem:$0x1FC00] =	vst v63  }
0x44f: {  	s11 =	simm.s32 $0x7C80;
	v51 =	vperm.xlane v19, v7;
	v20 =	vadd.s32 v4, v50  }
0x450: {  	[tilespmem:s11], [sflag:$0x2] =	stream.indirect_vreg.gather [hbm4b:s6+s3], $0x80, v21, vm0, $0xb8;
	[tilespmem:$0x1FC00] =	vst v63  }
0x451: {  	v53 =	vperm.xlane v19, v8;
	v52 =	vadd.s32 v4, v51;
	s11 =	simm.s32 $0x7D00  }
0x452: {  	[tilespmem:s11], [sflag:$0x2] =	stream.indirect_vreg.gather [hbm4b:s6+s3], $0x80, v22, vm0, $0xb8;
	[tilespmem:$0x1FC00] =	vst v63  }
0x453: {  	v55 =	vperm.xlane v19, v9;
	v54 =	vadd.s32 v4, v53;
	s11 =	simm.s32 $0x7D80  }
0x454: {  	[tilespmem:s11], [sflag:$0x2] =	stream.indirect_vreg.gather [hbm4b:s6+s3], $0x80, v20, vm0, $0xb8;
	[tilespmem:$0x1FC00] =	vst v63  }
0x455: {  	v56 =	vperm.xlane v19, v1;
	v20 =	vadd.s32 v4, v55;
	s11 =	simm.s32 $0x7E00  }
0x456: {  	[tilespmem:s11], [sflag:$0x2] =	stream.indirect_vreg.gather [hbm4b:s6+s3], $0x80, v52, vm0, $0xb8;
	[tilespmem:$0x1FC00] =	vst v63  }
0x457: {  	v58 =	vperm.xlane v19, v10;
	v57 =	vadd.s32 v4, v56;
	s11 =	simm.s32 $0x7E80  }
0x458: {  	[tilespmem:s11], [sflag:$0x2] =	stream.indirect_vreg.gather [hbm4b:s6+s3], $0x80, v54, vm0, $0xb8;
	[tilespmem:$0x1FC00] =	vst v63  }
0x459: {  	v60 =	vperm.xlane v19, v11;
	v59 =	vadd.s32 v4, v58;
	s11 =	simm.s32 $0x7F00  }
0x45a: {  	[tilespmem:s11], [sflag:$0x2] =	stream.indirect_vreg.gather [hbm4b:s6+s3], $0x80, v20, vm0, $0xb8;
	[tilespmem:$0x1FC00] =	vst v63  }
0x45b: {  	v61 =	vperm.xlane v19, v12;
	v20 =	vadd.s32 v4, v60;
	s11 =	simm.s32 $0x7F80  }
0x45c: {  	[tilespmem:s11], [sflag:$0x2] =	stream.indirect_vreg.gather [hbm4b:s6+s3], $0x80, v57, vm0, $0xb8;
	[tilespmem:$0x1FC00] =	vst v63  }
0x45d: {  	v63 =	vperm.xlane v19, v13;
	v62 =	vadd.s32 v4, v61;
	s11 =	simm.s32 $0x8000  }
0x45e: {  	[tilespmem:s11], [sflag:$0x2] =	stream.indirect_vreg.gather [hbm4b:s6+s3], $0x80, v59, vm0, $0xb8;
	[tilespmem:$0x1FC00] =	vst v63  }
0x45f: {  	v25 =	vperm.xlane v19, v14;
	v24 =	vadd.s32 v4, v63;
	s11 =	simm.s32 $0x8080  }
0x460: {  	[tilespmem:s11], [sflag:$0x2] =	stream.indirect_vreg.gather [hbm4b:s6+s3], $0x80, v20, vm0, $0xb8;
	[tilespmem:$0x1FC00] =	vst v63  }
0x461: {  	v26 =	vperm.xlane v19, v15;
	v20 =	vadd.s32 v4, v25;
	s11 =	simm.s32 $0x8100  }
0x462: {  	[tilespmem:s11], [sflag:$0x2] =	stream.indirect_vreg.gather [hbm4b:s6+s3], $0x80, v62, vm0, $0xb8;
	[tilespmem:$0x1FC00] =	vst v63  }
0x463: {  	v28 =	vperm.xlane v19, v16;
	v27 =	vadd.s32 v4, v26;
	s11 =	simm.s32 $0x8180  }
0x464: {  	[tilespmem:s11], [sflag:$0x2] =	stream.indirect_vreg.gather [hbm4b:s6+s3], $0x80, v24, vm0, $0xb8;
	[tilespmem:$0x1FC00] =	vst v63  }
0x465: {  	v19 =	vperm.xlane v19, v17;
	v29 =	vadd.s32 v4, v28;
	s11 =	simm.s32 $0x8200  }
0x466: {  	[tilespmem:s11], [sflag:$0x2] =	stream.indirect_vreg.gather [hbm4b:s6+s3], $0x80, v20, vm0, $0xb8;
	[tilespmem:$0x1FC00] =	vst v63  }
0x467: {  	v19 =	vadd.s32 v4, v19;
	s11 =	simm.s32 $0x8280  }
0x468: {  	[tilespmem:s11], [sflag:$0x2] =	stream.indirect_vreg.gather [hbm4b:s6+s3], $0x80, v27, vm0, $0xb8;
	[tilespmem:$0x1FC00] =	vst v63  }
0x469: {  	s11 =	simm.s32 $0x8300  }
0x46a: {  	[tilespmem:s11], [sflag:$0x2] =	stream.indirect_vreg.gather [hbm4b:s6+s3], $0x80, v29, vm0, $0xb8;
	[tilespmem:$0x1FC00] =	vst v63  }
0x46b: {  	s11 =	simm.s32 $0x8380  }
0x46c: {  	[tilespmem:s11], [sflag:$0x2] =	stream.indirect_vreg.gather [hbm4b:s6+s3], $0x80, v19, vm0, $0xb8;
	[tilespmem:$0x1FC00] =	vst v63  }
0x46d: {  	v19 =	vld [tilespmem:s10+$0x190];
	_ =	sdelay $0x4  }
0x46e: {  	v20 =	vshll.u32 v19, $0x1  }
0x46f: {  	v19 =	vand.u32 $0x7, v19;
	v20 =	vand.u32 $0xFFFFFFF0, v20  }
0x470: {  	v19 =	vor.u32 v19, v20  }
0x471: {  	v20 =	vperm.xlane v19, v3;
	_ =	sdelay $0x1  }
0x472: {  	v30 =	vperm.xlane v19, v2;
	v20 =	vadd.s32 v4, v20;
	_ =	sdelay $0x1  }
0x473: {  	v31 =	vperm.xlane v19, v5;
	v21 =	vadd.s32 v4, v30;
	_ =	sdelay $0x1  }
0x474: {  	s11 =	simm.s32 $0x8400;
	v32 =	vperm.xlane v19, v6;
	v22 =	vadd.s32 v4, v31  }
0x475: {  	[tilespmem:s11], [sflag:$0x2] =	stream.indirect_vreg.gather [hbm4b:s6+s3], $0x80, v20, vm0, $0xb8;
	[tilespmem:$0x1FC00] =	vst v63  }
0x476: {  	v33 =	vperm.xlane v19, v7;
	v20 =	vadd.s32 v4, v32;
	s11 =	simm.s32 $0x8480  }
0x477: {  	[tilespmem:s11], [sflag:$0x2] =	stream.indirect_vreg.gather [hbm4b:s6+s3], $0x80, v21, vm0, $0xb8;
	[tilespmem:$0x1FC00] =	vst v63  }
0x478: {  	v35 =	vperm.xlane v19, v8;
	v34 =	vadd.s32 v4, v33;
	s11 =	simm.s32 $0x8500  }
0x479: {  	[tilespmem:s11], [sflag:$0x2] =	stream.indirect_vreg.gather [hbm4b:s6+s3], $0x80, v22, vm0, $0xb8;
	[tilespmem:$0x1FC00] =	vst v63  }
0x47a: {  	v37 =	vperm.xlane v19, v9;
	v36 =	vadd.s32 v4, v35;
	s11 =	simm.s32 $0x8580  }
0x47b: {  	[tilespmem:s11], [sflag:$0x2] =	stream.indirect_vreg.gather [hbm4b:s6+s3], $0x80, v20, vm0, $0xb8;
	[tilespmem:$0x1FC00] =	vst v63  }
0x47c: {  	v38 =	vperm.xlane v19, v1;
	v20 =	vadd.s32 v4, v37;
	s11 =	simm.s32 $0x8600  }
0x47d: {  	[tilespmem:s11], [sflag:$0x2] =	stream.indirect_vreg.gather [hbm4b:s6+s3], $0x80, v34, vm0, $0xb8;
	[tilespmem:$0x1FC00] =	vst v63  }
0x47e: {  	v40 =	vperm.xlane v19, v10;
	v39 =	vadd.s32 v4, v38;
	s11 =	simm.s32 $0x8680  }
0x47f: {  	[tilespmem:s11], [sflag:$0x2] =	stream.indirect_vreg.gather [hbm4b:s6+s3], $0x80, v36, vm0, $0xb8;
	[tilespmem:$0x1FC00] =	vst v63  }
0x480: {  	v42 =	vperm.xlane v19, v11;
	v41 =	vadd.s32 v4, v40;
	s11 =	simm.s32 $0x8700  }
0x481: {  	[tilespmem:s11], [sflag:$0x2] =	stream.indirect_vreg.gather [hbm4b:s6+s3], $0x80, v20, vm0, $0xb8;
	[tilespmem:$0x1FC00] =	vst v63  }
0x482: {  	v43 =	vperm.xlane v19, v12;
	v20 =	vadd.s32 v4, v42;
	s11 =	simm.s32 $0x8780  }
0x483: {  	[tilespmem:s11], [sflag:$0x2] =	stream.indirect_vreg.gather [hbm4b:s6+s3], $0x80, v39, vm0, $0xb8;
	[tilespmem:$0x1FC00] =	vst v63  }
0x484: {  	v45 =	vperm.xlane v19, v13;
	v44 =	vadd.s32 v4, v43;
	s11 =	simm.s32 $0x8800  }
0x485: {  	[tilespmem:s11], [sflag:$0x2] =	stream.indirect_vreg.gather [hbm4b:s6+s3], $0x80, v41, vm0, $0xb8;
	[tilespmem:$0x1FC00] =	vst v63  }
0x486: {  	v47 =	vperm.xlane v19, v14;
	v46 =	vadd.s32 v4, v45;
	s11 =	simm.s32 $0x8880  }
0x487: {  	[tilespmem:s11], [sflag:$0x2] =	stream.indirect_vreg.gather [hbm4b:s6+s3], $0x80, v20, vm0, $0xb8;
	[tilespmem:$0x1FC00] =	vst v63  }
0x488: {  	v48 =	vperm.xlane v19, v15;
	v20 =	vadd.s32 v4, v47;
	s11 =	simm.s32 $0x8900  }
0x489: {  	[tilespmem:s11], [sflag:$0x2] =	stream.indirect_vreg.gather [hbm4b:s6+s3], $0x80, v44, vm0, $0xb8;
	[tilespmem:$0x1FC00] =	vst v63  }
0x48a: {  	v50 =	vperm.xlane v19, v16;
	v49 =	vadd.s32 v4, v48;
	s11 =	simm.s32 $0x8980  }
0x48b: {  	[tilespmem:s11], [sflag:$0x2] =	stream.indirect_vreg.gather [hbm4b:s6+s3], $0x80, v46, vm0, $0xb8;
	[tilespmem:$0x1FC00] =	vst v63  }
0x48c: {  	v19 =	vperm.xlane v19, v17;
	v51 =	vadd.s32 v4, v50;
	s11 =	simm.s32 $0x8A00  }
0x48d: {  	[tilespmem:s11], [sflag:$0x2] =	stream.indirect_vreg.gather [hbm4b:s6+s3], $0x80, v20, vm0, $0xb8;
	[tilespmem:$0x1FC00] =	vst v63  }
0x48e: {  	v19 =	vadd.s32 v4, v19;
	s11 =	simm.s32 $0x8A80  }
0x48f: {  	[tilespmem:s11], [sflag:$0x2] =	stream.indirect_vreg.gather [hbm4b:s6+s3], $0x80, v49, vm0, $0xb8;
	[tilespmem:$0x1FC00] =	vst v63  }
0x490: {  	s11 =	simm.s32 $0x8B00  }
0x491: {  	[tilespmem:s11], [sflag:$0x2] =	stream.indirect_vreg.gather [hbm4b:s6+s3], $0x80, v51, vm0, $0xb8;
	[tilespmem:$0x1FC00] =	vst v63  }
0x492: {  	s11 =	simm.s32 $0x8B80  }
0x493: {  	[tilespmem:s11], [sflag:$0x2] =	stream.indirect_vreg.gather [hbm4b:s6+s3], $0x80, v19, vm0, $0xb8;
	[tilespmem:$0x1FC00] =	vst v63  }
0x494: {  	v19 =	vld [tilespmem:s10+$0x1A0];
	_ =	sdelay $0x4  }
0x495: {  	v20 =	vshll.u32 v19, $0x1  }
0x496: {  	v19 =	vand.u32 $0x7, v19;
	v20 =	vand.u32 $0xFFFFFFF0, v20  }
0x497: {  	v19 =	vor.u32 v19, v20  }
0x498: {  	v20 =	vperm.xlane v19, v3;
	_ =	sdelay $0x1  }
0x499: {  	v52 =	vperm.xlane v19, v2;
	v20 =	vadd.s32 v4, v20;
	_ =	sdelay $0x1  }
0x49a: {  	v53 =	vperm.xlane v19, v5;
	v21 =	vadd.s32 v4, v52;
	_ =	sdelay $0x1  }
0x49b: {  	s11 =	simm.s32 $0x8C00;
	v54 =	vperm.xlane v19, v6;
	v22 =	vadd.s32 v4, v53  }
0x49c: {  	[tilespmem:s11], [sflag:$0x2] =	stream.indirect_vreg.gather [hbm4b:s6+s3], $0x80, v20, vm0, $0xb8;
	[tilespmem:$0x1FC00] =	vst v63  }
0x49d: {  	v55 =	vperm.xlane v19, v7;
	v20 =	vadd.s32 v4, v54;
	s11 =	simm.s32 $0x8C80  }
0x49e: {  	[tilespmem:s11], [sflag:$0x2] =	stream.indirect_vreg.gather [hbm4b:s6+s3], $0x80, v21, vm0, $0xb8;
	[tilespmem:$0x1FC00] =	vst v63  }
0x49f: {  	v57 =	vperm.xlane v19, v8;
	v56 =	vadd.s32 v4, v55;
	s11 =	simm.s32 $0x8D00  }
0x4a0: {  	[tilespmem:s11], [sflag:$0x2] =	stream.indirect_vreg.gather [hbm4b:s6+s3], $0x80, v22, vm0, $0xb8;
	[tilespmem:$0x1FC00] =	vst v63  }
0x4a1: {  	v59 =	vperm.xlane v19, v9;
	v58 =	vadd.s32 v4, v57;
	s11 =	simm.s32 $0x8D80  }
0x4a2: {  	[tilespmem:s11], [sflag:$0x2] =	stream.indirect_vreg.gather [hbm4b:s6+s3], $0x80, v20, vm0, $0xb8;
	[tilespmem:$0x1FC00] =	vst v63  }
0x4a3: {  	v60 =	vperm.xlane v19, v1;
	v20 =	vadd.s32 v4, v59;
	s11 =	simm.s32 $0x8E00  }
0x4a4: {  	[tilespmem:s11], [sflag:$0x2] =	stream.indirect_vreg.gather [hbm4b:s6+s3], $0x80, v56, vm0, $0xb8;
	[tilespmem:$0x1FC00] =	vst v63  }
0x4a5: {  	v62 =	vperm.xlane v19, v10;
	v61 =	vadd.s32 v4, v60;
	s11 =	simm.s32 $0x8E80  }
0x4a6: {  	[tilespmem:s11], [sflag:$0x2] =	stream.indirect_vreg.gather [hbm4b:s6+s3], $0x80, v58, vm0, $0xb8;
	[tilespmem:$0x1FC00] =	vst v63  }
0x4a7: {  	v24 =	vperm.xlane v19, v11;
	v63 =	vadd.s32 v4, v62;
	s11 =	simm.s32 $0x8F00  }
0x4a8: {  	[tilespmem:s11], [sflag:$0x2] =	stream.indirect_vreg.gather [hbm4b:s6+s3], $0x80, v20, vm0, $0xb8;
	[tilespmem:$0x1FC00] =	vst v63  }
0x4a9: {  	v25 =	vperm.xlane v19, v12;
	v20 =	vadd.s32 v4, v24;
	s11 =	simm.s32 $0x8F80  }
0x4aa: {  	[tilespmem:s11], [sflag:$0x2] =	stream.indirect_vreg.gather [hbm4b:s6+s3], $0x80, v61, vm0, $0xb8;
	[tilespmem:$0x1FC00] =	vst v63  }
0x4ab: {  	v27 =	vperm.xlane v19, v13;
	v26 =	vadd.s32 v4, v25;
	s11 =	simm.s32 $0x9000  }
0x4ac: {  	[tilespmem:s11], [sflag:$0x2] =	stream.indirect_vreg.gather [hbm4b:s6+s3], $0x80, v63, vm0, $0xb8;
	[tilespmem:$0x1FC00] =	vst v63  }
0x4ad: {  	v29 =	vperm.xlane v19, v14;
	v28 =	vadd.s32 v4, v27;
	s11 =	simm.s32 $0x9080  }
0x4ae: {  	[tilespmem:s11], [sflag:$0x2] =	stream.indirect_vreg.gather [hbm4b:s6+s3], $0x80, v20, vm0, $0xb8;
	[tilespmem:$0x1FC00] =	vst v63  }
0x4af: {  	v30 =	vperm.xlane v19, v15;
	v20 =	vadd.s32 v4, v29;
	s11 =	simm.s32 $0x9100  }
0x4b0: {  	[tilespmem:s11], [sflag:$0x2] =	stream.indirect_vreg.gather [hbm4b:s6+s3], $0x80, v26, vm0, $0xb8;
	[tilespmem:$0x1FC00] =	vst v63  }
0x4b1: {  	v32 =	vperm.xlane v19, v16;
	v31 =	vadd.s32 v4, v30;
	s11 =	simm.s32 $0x9180  }
0x4b2: {  	[tilespmem:s11], [sflag:$0x2] =	stream.indirect_vreg.gather [hbm4b:s6+s3], $0x80, v28, vm0, $0xb8;
	[tilespmem:$0x1FC00] =	vst v63  }
0x4b3: {  	v19 =	vperm.xlane v19, v17;
	v33 =	vadd.s32 v4, v32;
	s11 =	simm.s32 $0x9200  }
0x4b4: {  	[tilespmem:s11], [sflag:$0x2] =	stream.indirect_vreg.gather [hbm4b:s6+s3], $0x80, v20, vm0, $0xb8;
	[tilespmem:$0x1FC00] =	vst v63  }
0x4b5: {  	v19 =	vadd.s32 v4, v19;
	s11 =	simm.s32 $0x9280  }
0x4b6: {  	[tilespmem:s11], [sflag:$0x2] =	stream.indirect_vreg.gather [hbm4b:s6+s3], $0x80, v31, vm0, $0xb8;
	[tilespmem:$0x1FC00] =	vst v63  }
0x4b7: {  	s11 =	simm.s32 $0x9300  }
0x4b8: {  	[tilespmem:s11], [sflag:$0x2] =	stream.indirect_vreg.gather [hbm4b:s6+s3], $0x80, v33, vm0, $0xb8;
	[tilespmem:$0x1FC00] =	vst v63  }
0x4b9: {  	s11 =	simm.s32 $0x9380  }
0x4ba: {  	[tilespmem:s11], [sflag:$0x2] =	stream.indirect_vreg.gather [hbm4b:s6+s3], $0x80, v19, vm0, $0xb8;
	[tilespmem:$0x1FC00] =	vst v63  }
0x4bb: {  	v19 =	vld [tilespmem:s10+$0x1B0];
	_ =	sdelay $0x4  }
0x4bc: {  	v20 =	vshll.u32 v19, $0x1  }
0x4bd: {  	v19 =	vand.u32 $0x7, v19;
	v20 =	vand.u32 $0xFFFFFFF0, v20  }
0x4be: {  	v19 =	vor.u32 v19, v20  }
0x4bf: {  	v20 =	vperm.xlane v19, v3;
	_ =	sdelay $0x1  }
0x4c0: {  	v34 =	vperm.xlane v19, v2;
	v20 =	vadd.s32 v4, v20;
	_ =	sdelay $0x1  }
0x4c1: {  	v35 =	vperm.xlane v19, v5;
	v21 =	vadd.s32 v4, v34;
	_ =	sdelay $0x1  }
0x4c2: {  	s11 =	simm.s32 $0x9400;
	v36 =	vperm.xlane v19, v6;
	v22 =	vadd.s32 v4, v35  }
0x4c3: {  	[tilespmem:s11], [sflag:$0x2] =	stream.indirect_vreg.gather [hbm4b:s6+s3], $0x80, v20, vm0, $0xb8;
	[tilespmem:$0x1FC00] =	vst v63  }
0x4c4: {  	v37 =	vperm.xlane v19, v7;
	v20 =	vadd.s32 v4, v36;
	s11 =	simm.s32 $0x9480  }
0x4c5: {  	[tilespmem:s11], [sflag:$0x2] =	stream.indirect_vreg.gather [hbm4b:s6+s3], $0x80, v21, vm0, $0xb8;
	[tilespmem:$0x1FC00] =	vst v63  }
0x4c6: {  	v39 =	vperm.xlane v19, v8;
	v38 =	vadd.s32 v4, v37;
	s11 =	simm.s32 $0x9500  }
0x4c7: {  	[tilespmem:s11], [sflag:$0x2] =	stream.indirect_vreg.gather [hbm4b:s6+s3], $0x80, v22, vm0, $0xb8;
	[tilespmem:$0x1FC00] =	vst v63  }
0x4c8: {  	v41 =	vperm.xlane v19, v9;
	v40 =	vadd.s32 v4, v39;
	s11 =	simm.s32 $0x9580  }
0x4c9: {  	[tilespmem:s11], [sflag:$0x2] =	stream.indirect_vreg.gather [hbm4b:s6+s3], $0x80, v20, vm0, $0xb8;
	[tilespmem:$0x1FC00] =	vst v63  }
0x4ca: {  	v42 =	vperm.xlane v19, v1;
	v20 =	vadd.s32 v4, v41;
	s11 =	simm.s32 $0x9600  }
0x4cb: {  	[tilespmem:s11], [sflag:$0x2] =	stream.indirect_vreg.gather [hbm4b:s6+s3], $0x80, v38, vm0, $0xb8;
	[tilespmem:$0x1FC00] =	vst v63  }
0x4cc: {  	v44 =	vperm.xlane v19, v10;
	v43 =	vadd.s32 v4, v42;
	s11 =	simm.s32 $0x9680  }
0x4cd: {  	[tilespmem:s11], [sflag:$0x2] =	stream.indirect_vreg.gather [hbm4b:s6+s3], $0x80, v40, vm0, $0xb8;
	[tilespmem:$0x1FC00] =	vst v63  }
0x4ce: {  	v46 =	vperm.xlane v19, v11;
	v45 =	vadd.s32 v4, v44;
	s11 =	simm.s32 $0x9700  }
0x4cf: {  	[tilespmem:s11], [sflag:$0x2] =	stream.indirect_vreg.gather [hbm4b:s6+s3], $0x80, v20, vm0, $0xb8;
	[tilespmem:$0x1FC00] =	vst v63  }
0x4d0: {  	v47 =	vperm.xlane v19, v12;
	v20 =	vadd.s32 v4, v46;
	s11 =	simm.s32 $0x9780  }
0x4d1: {  	[tilespmem:s11], [sflag:$0x2] =	stream.indirect_vreg.gather [hbm4b:s6+s3], $0x80, v43, vm0, $0xb8;
	[tilespmem:$0x1FC00] =	vst v63  }
0x4d2: {  	v49 =	vperm.xlane v19, v13;
	v48 =	vadd.s32 v4, v47;
	s11 =	simm.s32 $0x9800  }
0x4d3: {  	[tilespmem:s11], [sflag:$0x2] =	stream.indirect_vreg.gather [hbm4b:s6+s3], $0x80, v45, vm0, $0xb8;
	[tilespmem:$0x1FC00] =	vst v63  }
0x4d4: {  	v51 =	vperm.xlane v19, v14;
	v50 =	vadd.s32 v4, v49;
	s11 =	simm.s32 $0x9880  }
0x4d5: {  	[tilespmem:s11], [sflag:$0x2] =	stream.indirect_vreg.gather [hbm4b:s6+s3], $0x80, v20, vm0, $0xb8;
	[tilespmem:$0x1FC00] =	vst v63  }
0x4d6: {  	v52 =	vperm.xlane v19, v15;
	v20 =	vadd.s32 v4, v51;
	s11 =	simm.s32 $0x9900  }
0x4d7: {  	[tilespmem:s11], [sflag:$0x2] =	stream.indirect_vreg.gather [hbm4b:s6+s3], $0x80, v48, vm0, $0xb8;
	[tilespmem:$0x1FC00] =	vst v63  }
0x4d8: {  	v54 =	vperm.xlane v19, v16;
	v53 =	vadd.s32 v4, v52;
	s11 =	simm.s32 $0x9980  }
0x4d9: {  	[tilespmem:s11], [sflag:$0x2] =	stream.indirect_vreg.gather [hbm4b:s6+s3], $0x80, v50, vm0, $0xb8;
	[tilespmem:$0x1FC00] =	vst v63  }
0x4da: {  	v19 =	vperm.xlane v19, v17;
	v55 =	vadd.s32 v4, v54;
	s11 =	simm.s32 $0x9A00  }
0x4db: {  	[tilespmem:s11], [sflag:$0x2] =	stream.indirect_vreg.gather [hbm4b:s6+s3], $0x80, v20, vm0, $0xb8;
	[tilespmem:$0x1FC00] =	vst v63  }
0x4dc: {  	v19 =	vadd.s32 v4, v19;
	s11 =	simm.s32 $0x9A80  }
0x4dd: {  	[tilespmem:s11], [sflag:$0x2] =	stream.indirect_vreg.gather [hbm4b:s6+s3], $0x80, v53, vm0, $0xb8;
	[tilespmem:$0x1FC00] =	vst v63  }
0x4de: {  	s11 =	simm.s32 $0x9B00  }
0x4df: {  	[tilespmem:s11], [sflag:$0x2] =	stream.indirect_vreg.gather [hbm4b:s6+s3], $0x80, v55, vm0, $0xb8;
	[tilespmem:$0x1FC00] =	vst v63  }
0x4e0: {  	s11 =	simm.s32 $0x9B80  }
0x4e1: {  	[tilespmem:s11], [sflag:$0x2] =	stream.indirect_vreg.gather [hbm4b:s6+s3], $0x80, v19, vm0, $0xb8;
	[tilespmem:$0x1FC00] =	vst v63  }
0x4e2: {  	v19 =	vld [tilespmem:s10+$0x1C0];
	_ =	sdelay $0x4  }
0x4e3: {  	v20 =	vshll.u32 v19, $0x1  }
0x4e4: {  	v19 =	vand.u32 $0x7, v19;
	v20 =	vand.u32 $0xFFFFFFF0, v20  }
0x4e5: {  	v19 =	vor.u32 v19, v20  }
0x4e6: {  	v20 =	vperm.xlane v19, v3;
	_ =	sdelay $0x1  }
0x4e7: {  	v56 =	vperm.xlane v19, v2;
	v20 =	vadd.s32 v4, v20;
	_ =	sdelay $0x1  }
0x4e8: {  	v57 =	vperm.xlane v19, v5;
	v21 =	vadd.s32 v4, v56;
	_ =	sdelay $0x1  }
0x4e9: {  	s11 =	simm.s32 $0x9C00;
	v58 =	vperm.xlane v19, v6;
	v22 =	vadd.s32 v4, v57  }
0x4ea: {  	[tilespmem:s11], [sflag:$0x2] =	stream.indirect_vreg.gather [hbm4b:s6+s3], $0x80, v20, vm0, $0xb8;
	[tilespmem:$0x1FC00] =	vst v63  }
0x4eb: {  	v59 =	vperm.xlane v19, v7;
	v20 =	vadd.s32 v4, v58;
	s11 =	simm.s32 $0x9C80  }
0x4ec: {  	[tilespmem:s11], [sflag:$0x2] =	stream.indirect_vreg.gather [hbm4b:s6+s3], $0x80, v21, vm0, $0xb8;
	[tilespmem:$0x1FC00] =	vst v63  }
0x4ed: {  	v61 =	vperm.xlane v19, v8;
	v60 =	vadd.s32 v4, v59;
	s11 =	simm.s32 $0x9D00  }
0x4ee: {  	[tilespmem:s11], [sflag:$0x2] =	stream.indirect_vreg.gather [hbm4b:s6+s3], $0x80, v22, vm0, $0xb8;
	[tilespmem:$0x1FC00] =	vst v63  }
0x4ef: {  	v63 =	vperm.xlane v19, v9;
	v62 =	vadd.s32 v4, v61;
	s11 =	simm.s32 $0x9D80  }
0x4f0: {  	[tilespmem:s11], [sflag:$0x2] =	stream.indirect_vreg.gather [hbm4b:s6+s3], $0x80, v20, vm0, $0xb8;
	[tilespmem:$0x1FC00] =	vst v63  }
0x4f1: {  	v24 =	vperm.xlane v19, v1;
	v20 =	vadd.s32 v4, v63;
	s11 =	simm.s32 $0x9E00  }
0x4f2: {  	[tilespmem:s11], [sflag:$0x2] =	stream.indirect_vreg.gather [hbm4b:s6+s3], $0x80, v60, vm0, $0xb8;
	[tilespmem:$0x1FC00] =	vst v63  }
0x4f3: {  	v26 =	vperm.xlane v19, v10;
	v25 =	vadd.s32 v4, v24;
	s11 =	simm.s32 $0x9E80  }
0x4f4: {  	[tilespmem:s11], [sflag:$0x2] =	stream.indirect_vreg.gather [hbm4b:s6+s3], $0x80, v62, vm0, $0xb8;
	[tilespmem:$0x1FC00] =	vst v63  }
0x4f5: {  	v28 =	vperm.xlane v19, v11;
	v27 =	vadd.s32 v4, v26;
	s11 =	simm.s32 $0x9F00  }
0x4f6: {  	[tilespmem:s11], [sflag:$0x2] =	stream.indirect_vreg.gather [hbm4b:s6+s3], $0x80, v20, vm0, $0xb8;
	[tilespmem:$0x1FC00] =	vst v63  }
0x4f7: {  	v29 =	vperm.xlane v19, v12;
	v20 =	vadd.s32 v4, v28;
	s11 =	simm.s32 $0x9F80  }
0x4f8: {  	[tilespmem:s11], [sflag:$0x2] =	stream.indirect_vreg.gather [hbm4b:s6+s3], $0x80, v25, vm0, $0xb8;
	[tilespmem:$0x1FC00] =	vst v63  }
0x4f9: {  	v31 =	vperm.xlane v19, v13;
	v30 =	vadd.s32 v4, v29;
	s11 =	simm.s32 $0xA000  }
0x4fa: {  	[tilespmem:s11], [sflag:$0x2] =	stream.indirect_vreg.gather [hbm4b:s6+s3], $0x80, v27, vm0, $0xb8;
	[tilespmem:$0x1FC00] =	vst v63  }
0x4fb: {  	v33 =	vperm.xlane v19, v14;
	v32 =	vadd.s32 v4, v31;
	s11 =	simm.s32 $0xA080  }
0x4fc: {  	[tilespmem:s11], [sflag:$0x2] =	stream.indirect_vreg.gather [hbm4b:s6+s3], $0x80, v20, vm0, $0xb8;
	[tilespmem:$0x1FC00] =	vst v63  }
0x4fd: {  	v34 =	vperm.xlane v19, v15;
	v20 =	vadd.s32 v4, v33;
	s11 =	simm.s32 $0xA100  }
0x4fe: {  	[tilespmem:s11], [sflag:$0x2] =	stream.indirect_vreg.gather [hbm4b:s6+s3], $0x80, v30, vm0, $0xb8;
	[tilespmem:$0x1FC00] =	vst v63  }
0x4ff: {  	v36 =	vperm.xlane v19, v16;
	v35 =	vadd.s32 v4, v34;
	s11 =	simm.s32 $0xA180  }
0x500: {  	[tilespmem:s11], [sflag:$0x2] =	stream.indirect_vreg.gather [hbm4b:s6+s3], $0x80, v32, vm0, $0xb8;
	[tilespmem:$0x1FC00] =	vst v63  }
0x501: {  	v19 =	vperm.xlane v19, v17;
	v37 =	vadd.s32 v4, v36;
	s11 =	simm.s32 $0xA200  }
0x502: {  	[tilespmem:s11], [sflag:$0x2] =	stream.indirect_vreg.gather [hbm4b:s6+s3], $0x80, v20, vm0, $0xb8;
	[tilespmem:$0x1FC00] =	vst v63  }
0x503: {  	v19 =	vadd.s32 v4, v19;
	s11 =	simm.s32 $0xA280  }
0x504: {  	[tilespmem:s11], [sflag:$0x2] =	stream.indirect_vreg.gather [hbm4b:s6+s3], $0x80, v35, vm0, $0xb8;
	[tilespmem:$0x1FC00] =	vst v63  }
0x505: {  	s11 =	simm.s32 $0xA300  }
0x506: {  	[tilespmem:s11], [sflag:$0x2] =	stream.indirect_vreg.gather [hbm4b:s6+s3], $0x80, v37, vm0, $0xb8;
	[tilespmem:$0x1FC00] =	vst v63  }
0x507: {  	_ = 	snop  }
0x508: {  	[tilespmem:s14], [sflag:$0x2] =	stream.indirect_vreg.gather [hbm4b:s6+s3], $0x80, v19, vm0, $0xb8;
	[tilespmem:$0x1FC00] =	vst v63  }
0x509: {  	v19 =	vld [tilespmem:s10+$0x1D0];
	_ =	sdelay $0x4  }
0x50a: {  	v20 =	vshll.u32 v19, $0x1  }
0x50b: {  	v19 =	vand.u32 $0x7, v19;
	v20 =	vand.u32 $0xFFFFFFF0, v20  }
0x50c: {  	v19 =	vor.u32 v19, v20  }
0x50d: {  	v20 =	vperm.xlane v19, v3;
	_ =	sdelay $0x1  }
0x50e: {  	v38 =	vperm.xlane v19, v2;
	v20 =	vadd.s32 v4, v20;
	_ =	sdelay $0x1  }
0x50f: {  	v39 =	vperm.xlane v19, v5;
	v21 =	vadd.s32 v4, v38;
	_ =	sdelay $0x1  }
0x510: {  	v40 =	vperm.xlane v19, v6;
	v22 =	vadd.s32 v4, v39  }
0x511: {  	[tilespmem:s15], [sflag:$0x2] =	stream.indirect_vreg.gather [hbm4b:s6+s3], $0x80, v20, vm0, $0xb8;
	[tilespmem:$0x1FC00] =	vst v63  }
0x512: {  	v41 =	vperm.xlane v19, v7;
	v20 =	vadd.s32 v4, v40  }
0x513: {  	[tilespmem:s17], [sflag:$0x2] =	stream.indirect_vreg.gather [hbm4b:s6+s3], $0x80, v21, vm0, $0xb8;
	[tilespmem:$0x1FC00] =	vst v63  }
0x514: {  	v43 =	vperm.xlane v19, v8;
	v42 =	vadd.s32 v4, v41  }
0x515: {  	[tilespmem:s19], [sflag:$0x2] =	stream.indirect_vreg.gather [hbm4b:s6+s3], $0x80, v22, vm0, $0xb8;
	[tilespmem:$0x1FC00] =	vst v63  }
0x516: {  	v45 =	vperm.xlane v19, v9;
	v44 =	vadd.s32 v4, v43  }
0x517: {  	[tilespmem:s21], [sflag:$0x2] =	stream.indirect_vreg.gather [hbm4b:s6+s3], $0x80, v20, vm0, $0xb8;
	[tilespmem:$0x1FC00] =	vst v63  }
0x518: {  	v46 =	vperm.xlane v19, v1;
	v20 =	vadd.s32 v4, v45  }
0x519: {  	[tilespmem:s23], [sflag:$0x2] =	stream.indirect_vreg.gather [hbm4b:s6+s3], $0x80, v42, vm0, $0xb8;
	[tilespmem:$0x1FC00] =	vst v63  }
0x51a: {  	v48 =	vperm.xlane v19, v10;
	v47 =	vadd.s32 v4, v46  }
0x51b: {  	[tilespmem:s8], [sflag:$0x2] =	stream.indirect_vreg.gather [hbm4b:s6+s3], $0x80, v44, vm0, $0xb8;
	[tilespmem:$0x1FC00] =	vst v63  }
0x51c: {  	s11 =	simm.s32 $0xA700;
	v50 =	vperm.xlane v19, v11;
	v49 =	vadd.s32 v4, v48  }
0x51d: {  	[tilespmem:s11], [sflag:$0x2] =	stream.indirect_vreg.gather [hbm4b:s6+s3], $0x80, v20, vm0, $0xb8;
	[tilespmem:$0x1FC00] =	vst v63  }
0x51e: {  	v51 =	vperm.xlane v19, v12;
	v20 =	vadd.s32 v4, v50;
	s11 =	simm.s32 $0xA780  }
0x51f: {  	[tilespmem:s11], [sflag:$0x2] =	stream.indirect_vreg.gather [hbm4b:s6+s3], $0x80, v47, vm0, $0xb8;
	[tilespmem:$0x1FC00] =	vst v63  }
0x520: {  	v53 =	vperm.xlane v19, v13;
	v52 =	vadd.s32 v4, v51;
	s11 =	simm.s32 $0xA800  }
0x521: {  	[tilespmem:s11], [sflag:$0x2] =	stream.indirect_vreg.gather [hbm4b:s6+s3], $0x80, v49, vm0, $0xb8;
	[tilespmem:$0x1FC00] =	vst v63  }
0x522: {  	v55 =	vperm.xlane v19, v14;
	v54 =	vadd.s32 v4, v53;
	s11 =	simm.s32 $0xA880  }
0x523: {  	[tilespmem:s11], [sflag:$0x2] =	stream.indirect_vreg.gather [hbm4b:s6+s3], $0x80, v20, vm0, $0xb8;
	[tilespmem:$0x1FC00] =	vst v63  }
0x524: {  	v56 =	vperm.xlane v19, v15;
	v20 =	vadd.s32 v4, v55;
	s11 =	simm.s32 $0xA900  }
0x525: {  	[tilespmem:s11], [sflag:$0x2] =	stream.indirect_vreg.gather [hbm4b:s6+s3], $0x80, v52, vm0, $0xb8;
	[tilespmem:$0x1FC00] =	vst v63  }
0x526: {  	v58 =	vperm.xlane v19, v16;
	v57 =	vadd.s32 v4, v56;
	s11 =	simm.s32 $0xA980  }
0x527: {  	[tilespmem:s11], [sflag:$0x2] =	stream.indirect_vreg.gather [hbm4b:s6+s3], $0x80, v54, vm0, $0xb8;
	[tilespmem:$0x1FC00] =	vst v63  }
0x528: {  	v19 =	vperm.xlane v19, v17;
	v59 =	vadd.s32 v4, v58;
	s11 =	simm.s32 $0xAA00  }
0x529: {  	[tilespmem:s11], [sflag:$0x2] =	stream.indirect_vreg.gather [hbm4b:s6+s3], $0x80, v20, vm0, $0xb8;
	[tilespmem:$0x1FC00] =	vst v63  }
0x52a: {  	v19 =	vadd.s32 v4, v19;
	s11 =	simm.s32 $0xAA80  }
0x52b: {  	[tilespmem:s11], [sflag:$0x2] =	stream.indirect_vreg.gather [hbm4b:s6+s3], $0x80, v57, vm0, $0xb8;
	[tilespmem:$0x1FC00] =	vst v63  }
0x52c: {  	s11 =	simm.s32 $0xAB00  }
0x52d: {  	[tilespmem:s11], [sflag:$0x2] =	stream.indirect_vreg.gather [hbm4b:s6+s3], $0x80, v59, vm0, $0xb8;
	[tilespmem:$0x1FC00] =	vst v63  }
0x52e: {  	s11 =	simm.s32 $0xAB80  }
0x52f: {  	[tilespmem:s11], [sflag:$0x2] =	stream.indirect_vreg.gather [hbm4b:s6+s3], $0x80, v19, vm0, $0xb8;
	[tilespmem:$0x1FC00] =	vst v63  }
0x530: {  	v19 =	vld [tilespmem:s10+$0x1E0];
	_ =	sdelay $0x4  }
0x531: {  	v20 =	vshll.u32 v19, $0x1  }
0x532: {  	v19 =	vand.u32 $0x7, v19;
	v20 =	vand.u32 $0xFFFFFFF0, v20  }
0x533: {  	v19 =	vor.u32 v19, v20  }
0x534: {  	v20 =	vperm.xlane v19, v3;
	_ =	sdelay $0x1  }
0x535: {  	v60 =	vperm.xlane v19, v2;
	v20 =	vadd.s32 v4, v20;
	_ =	sdelay $0x1  }
0x536: {  	v61 =	vperm.xlane v19, v5;
	v21 =	vadd.s32 v4, v60;
	_ =	sdelay $0x1  }
0x537: {  	s11 =	simm.s32 $0xAC00;
	v62 =	vperm.xlane v19, v6;
	v22 =	vadd.s32 v4, v61  }
0x538: {  	[tilespmem:s11], [sflag:$0x2] =	stream.indirect_vreg.gather [hbm4b:s6+s3], $0x80, v20, vm0, $0xb8;
	[tilespmem:$0x1FC00] =	vst v63  }
0x539: {  	v63 =	vperm.xlane v19, v7;
	v20 =	vadd.s32 v4, v62;
	s11 =	simm.s32 $0xAC80  }
0x53a: {  	[tilespmem:s11], [sflag:$0x2] =	stream.indirect_vreg.gather [hbm4b:s6+s3], $0x80, v21, vm0, $0xb8;
	[tilespmem:$0x1FC00] =	vst v63  }
0x53b: {  	v25 =	vperm.xlane v19, v8;
	v24 =	vadd.s32 v4, v63;
	s11 =	simm.s32 $0xAD00  }
0x53c: {  	[tilespmem:s11], [sflag:$0x2] =	stream.indirect_vreg.gather [hbm4b:s6+s3], $0x80, v22, vm0, $0xb8;
	[tilespmem:$0x1FC00] =	vst v63  }
0x53d: {  	v27 =	vperm.xlane v19, v9;
	v26 =	vadd.s32 v4, v25;
	s11 =	simm.s32 $0xAD80  }
0x53e: {  	[tilespmem:s11], [sflag:$0x2] =	stream.indirect_vreg.gather [hbm4b:s6+s3], $0x80, v20, vm0, $0xb8;
	[tilespmem:$0x1FC00] =	vst v63  }
0x53f: {  	v28 =	vperm.xlane v19, v1;
	v20 =	vadd.s32 v4, v27;
	s11 =	simm.s32 $0xAE00  }
0x540: {  	[tilespmem:s11], [sflag:$0x2] =	stream.indirect_vreg.gather [hbm4b:s6+s3], $0x80, v24, vm0, $0xb8;
	[tilespmem:$0x1FC00] =	vst v63  }
0x541: {  	v30 =	vperm.xlane v19, v10;
	v29 =	vadd.s32 v4, v28;
	s11 =	simm.s32 $0xAE80  }
0x542: {  	[tilespmem:s11], [sflag:$0x2] =	stream.indirect_vreg.gather [hbm4b:s6+s3], $0x80, v26, vm0, $0xb8;
	[tilespmem:$0x1FC00] =	vst v63  }
0x543: {  	v32 =	vperm.xlane v19, v11;
	v31 =	vadd.s32 v4, v30;
	s11 =	simm.s32 $0xAF00  }
0x544: {  	[tilespmem:s11], [sflag:$0x2] =	stream.indirect_vreg.gather [hbm4b:s6+s3], $0x80, v20, vm0, $0xb8;
	[tilespmem:$0x1FC00] =	vst v63  }
0x545: {  	v33 =	vperm.xlane v19, v12;
	v20 =	vadd.s32 v4, v32;
	s11 =	simm.s32 $0xAF80  }
0x546: {  	[tilespmem:s11], [sflag:$0x2] =	stream.indirect_vreg.gather [hbm4b:s6+s3], $0x80, v29, vm0, $0xb8;
	[tilespmem:$0x1FC00] =	vst v63  }
0x547: {  	v35 =	vperm.xlane v19, v13;
	v34 =	vadd.s32 v4, v33;
	s11 =	simm.s32 $0xB000  }
0x548: {  	[tilespmem:s11], [sflag:$0x2] =	stream.indirect_vreg.gather [hbm4b:s6+s3], $0x80, v31, vm0, $0xb8;
	[tilespmem:$0x1FC00] =	vst v63  }
0x549: {  	v37 =	vperm.xlane v19, v14;
	v36 =	vadd.s32 v4, v35;
	s11 =	simm.s32 $0xB080  }
0x54a: {  	[tilespmem:s11], [sflag:$0x2] =	stream.indirect_vreg.gather [hbm4b:s6+s3], $0x80, v20, vm0, $0xb8;
	[tilespmem:$0x1FC00] =	vst v63  }
0x54b: {  	v38 =	vperm.xlane v19, v15;
	v20 =	vadd.s32 v4, v37;
	s11 =	simm.s32 $0xB100  }
0x54c: {  	[tilespmem:s11], [sflag:$0x2] =	stream.indirect_vreg.gather [hbm4b:s6+s3], $0x80, v34, vm0, $0xb8;
	[tilespmem:$0x1FC00] =	vst v63  }
0x54d: {  	v40 =	vperm.xlane v19, v16;
	v39 =	vadd.s32 v4, v38;
	s11 =	simm.s32 $0xB180  }
0x54e: {  	[tilespmem:s11], [sflag:$0x2] =	stream.indirect_vreg.gather [hbm4b:s6+s3], $0x80, v36, vm0, $0xb8;
	[tilespmem:$0x1FC00] =	vst v63  }
0x54f: {  	v19 =	vperm.xlane v19, v17;
	v41 =	vadd.s32 v4, v40;
	s11 =	simm.s32 $0xB200  }
0x550: {  	[tilespmem:s11], [sflag:$0x2] =	stream.indirect_vreg.gather [hbm4b:s6+s3], $0x80, v20, vm0, $0xb8;
	[tilespmem:$0x1FC00] =	vst v63  }
0x551: {  	v19 =	vadd.s32 v4, v19;
	s11 =	simm.s32 $0xB280  }
0x552: {  	[tilespmem:s11], [sflag:$0x2] =	stream.indirect_vreg.gather [hbm4b:s6+s3], $0x80, v39, vm0, $0xb8;
	[tilespmem:$0x1FC00] =	vst v63  }
0x553: {  	s11 =	simm.s32 $0xB300  }
0x554: {  	[tilespmem:s11], [sflag:$0x2] =	stream.indirect_vreg.gather [hbm4b:s6+s3], $0x80, v41, vm0, $0xb8;
	[tilespmem:$0x1FC00] =	vst v63  }
0x555: {  	s11 =	simm.s32 $0xB380  }
0x556: {  	[tilespmem:s11], [sflag:$0x2] =	stream.indirect_vreg.gather [hbm4b:s6+s3], $0x80, v19, vm0, $0xb8;
	[tilespmem:$0x1FC00] =	vst v63  }
0x557: {  	v19 =	vld [tilespmem:s10+$0x1F0];
	_ =	sdelay $0x4  }
0x558: {  	v20 =	vshll.u32 v19, $0x1  }
0x559: {  	v19 =	vand.u32 $0x7, v19;
	v20 =	vand.u32 $0xFFFFFFF0, v20  }
0x55a: {  	v19 =	vor.u32 v19, v20  }
0x55b: {  	v20 =	vperm.xlane v19, v3;
	_ =	sdelay $0x1  }
0x55c: {  	v42 =	vperm.xlane v19, v2;
	v20 =	vadd.s32 v4, v20;
	_ =	sdelay $0x1  }
0x55d: {  	v43 =	vperm.xlane v19, v5;
	v21 =	vadd.s32 v4, v42;
	_ =	sdelay $0x1  }
0x55e: {  	s11 =	simm.s32 $0xB400;
	v44 =	vperm.xlane v19, v6;
	v22 =	vadd.s32 v4, v43  }
0x55f: {  	[tilespmem:s11], [sflag:$0x2] =	stream.indirect_vreg.gather [hbm4b:s6+s3], $0x80, v20, vm0, $0xb8;
	[tilespmem:$0x1FC00] =	vst v63  }
0x560: {  	v45 =	vperm.xlane v19, v7;
	v20 =	vadd.s32 v4, v44;
	s11 =	simm.s32 $0xB480  }
0x561: {  	[tilespmem:s11], [sflag:$0x2] =	stream.indirect_vreg.gather [hbm4b:s6+s3], $0x80, v21, vm0, $0xb8;
	[tilespmem:$0x1FC00] =	vst v63  }
0x562: {  	v47 =	vperm.xlane v19, v8;
	v46 =	vadd.s32 v4, v45;
	s11 =	simm.s32 $0xB500  }
0x563: {  	[tilespmem:s11], [sflag:$0x2] =	stream.indirect_vreg.gather [hbm4b:s6+s3], $0x80, v22, vm0, $0xb8;
	[tilespmem:$0x1FC00] =	vst v63  }
0x564: {  	v49 =	vperm.xlane v19, v9;
	v48 =	vadd.s32 v4, v47;
	s11 =	simm.s32 $0xB580  }
0x565: {  	[tilespmem:s11], [sflag:$0x2] =	stream.indirect_vreg.gather [hbm4b:s6+s3], $0x80, v20, vm0, $0xb8;
	[tilespmem:$0x1FC00] =	vst v63  }
0x566: {  	v50 =	vperm.xlane v19, v1;
	v20 =	vadd.s32 v4, v49;
	s11 =	simm.s32 $0xB600  }
0x567: {  	[tilespmem:s11], [sflag:$0x2] =	stream.indirect_vreg.gather [hbm4b:s6+s3], $0x80, v46, vm0, $0xb8;
	[tilespmem:$0x1FC00] =	vst v63  }
0x568: {  	v52 =	vperm.xlane v19, v10;
	v51 =	vadd.s32 v4, v50  }
0x569: {  	[tilespmem:s29], [sflag:$0x2] =	stream.indirect_vreg.gather [hbm4b:s6+s3], $0x80, v48, vm0, $0xb8;
	[tilespmem:$0x1FC00] =	vst v63  }
0x56a: {  	v54 =	vperm.xlane v19, v11;
	v53 =	vadd.s32 v4, v52  }
0x56b: {  	[tilespmem:s31], [sflag:$0x2] =	stream.indirect_vreg.gather [hbm4b:s6+s3], $0x80, v20, vm0, $0xb8;
	[tilespmem:$0x1FC00] =	vst v63  }
0x56c: {  	v55 =	vperm.xlane v19, v12;
	v20 =	vadd.s32 v4, v54  }
0x56d: {  	[tilespmem:s28], [sflag:$0x2] =	stream.indirect_vreg.gather [hbm4b:s6+s3], $0x80, v51, vm0, $0xb8;
	[tilespmem:$0x1FC00] =	vst v63  }
0x56e: {  	v57 =	vperm.xlane v19, v13;
	v56 =	vadd.s32 v4, v55  }
0x56f: {  	[tilespmem:s25], [sflag:$0x2] =	stream.indirect_vreg.gather [hbm4b:s6+s3], $0x80, v53, vm0, $0xb8;
	[tilespmem:$0x1FC00] =	vst v63  }
0x570: {  	v59 =	vperm.xlane v19, v14;
	v58 =	vadd.s32 v4, v57  }
0x571: {  	[tilespmem:s24], [sflag:$0x2] =	stream.indirect_vreg.gather [hbm4b:s6+s3], $0x80, v20, vm0, $0xb8;
	[tilespmem:$0x1FC00] =	vst v63  }
0x572: {  	v60 =	vperm.xlane v19, v15;
	v20 =	vadd.s32 v4, v59  }
0x573: {  	[tilespmem:s22], [sflag:$0x2] =	stream.indirect_vreg.gather [hbm4b:s6+s3], $0x80, v56, vm0, $0xb8;
	[tilespmem:$0x1FC00] =	vst v63  }
0x574: {  	v62 =	vperm.xlane v19, v16;
	v61 =	vadd.s32 v4, v60  }
0x575: {  	[tilespmem:s20], [sflag:$0x2] =	stream.indirect_vreg.gather [hbm4b:s6+s3], $0x80, v58, vm0, $0xb8;
	[tilespmem:$0x1FC00] =	vst v63  }
0x576: {  	v19 =	vperm.xlane v19, v17;
	v63 =	vadd.s32 v4, v62  }
0x577: {  	[tilespmem:s18], [sflag:$0x2] =	stream.indirect_vreg.gather [hbm4b:s6+s3], $0x80, v20, vm0, $0xb8;
	[tilespmem:$0x1FC00] =	vst v63  }
0x578: {  	v19 =	vadd.s32 v4, v19  }
0x579: {  	[tilespmem:s16], [sflag:$0x2] =	stream.indirect_vreg.gather [hbm4b:s6+s3], $0x80, v61, vm0, $0xb8;
	[tilespmem:$0x1FC00] =	vst v63  }
0x57a: {  	_ = 	snop  }
0x57b: {  	[tilespmem:s12], [sflag:$0x2] =	stream.indirect_vreg.gather [hbm4b:s6+s3], $0x80, v63, vm0, $0xb8;
	[tilespmem:$0x1FC00] =	vst v63  }
0x57c: {  	_ = 	snop  }
0x57d: {  	[tilespmem:s1], [sflag:$0x2] =	stream.indirect_vreg.gather [hbm4b:s6+s3], $0x80, v19, vm0, $0xb8;
	[tilespmem:$0x1FC00] =	vst v63  }
0x57e: {  	s9 =	sadd.s32 $0x400, s9;
	_ =	swait.ge [sflag:s4], $0x4000  }
0x57f: {  	p0 =	sne.s32 s9, $0x4C00;
	[sflag:s4] =	ssyncset.done $0x0  }
.Ltmp2:
0x580: {  	s10 =	sadd.s32 $0x1500, s10;
	[sflag:s4] =	ssyncadd.s32 $0xFFFFC000;
	(pc) =	sbr.rel @p0 .LBB2_6-.Ltmp2, $4  }
0x581: {  	[spmem:s2] =	stream.indirect.scatter.add.f32 [tilespmem:s13], [sflag:$0x4], $0x80, s10, s5, $0xb8;
	[tilespmem:$0x1FC00] =	vst v63  }
0x582: {  	_ =	swait.ge [sflag:s30], $0x4000  }
0x583: {  	[sflag:s30] =	ssyncset.done $0x0  }
0x584: {  	[sflag:s30] =	ssyncadd.s32 $0xFFFFC000  }
0x585: {  	_ =	swait.ge [sflag:s7], $0x4000  }
0x586: {  	s9 =	sshra.s32 s9, $0x2;
	[sflag:s7] =	ssyncset.done $0x0  }
0x587: {  	s9 =	sadd.s32 $0x1480, s9;
	[sflag:s7] =	ssyncadd.s32 $0xFFFFC000  }
0x588: {  	[spmem:s2] =	stream.indirect.scatter.add.f32 [tilespmem:s26], [sflag:$0x4], $0x80, s9, s5, $0xb8;
	[tilespmem:$0x1FC00] =	vst v63  }
0x589: {  	_ =	swait.ge [sflag:s30], $0x4000  }
0x58a: {  	[sflag:s30] =	ssyncset.done $0x0  }
0x58b: {  	s31 =	simm.s32 $0x0;
	s10 =	rddreg [dreg:$0x6];
	[sflag:s30] =	ssyncadd.s32 $0xFFFFC000  }
0x58c: {  	[tilespmem:s31], [sflag:$0x4] =	stream.linear.gather [hbm4b:s10+s31], $0x1400, $0x38;
	[tilespmem:$0x1FC00] =	vst v63  }
0x58d: {  	_ =	swait.ge [sflag:s30], $0x1400  }
0x58e: {  	[sflag:s30] =	ssyncset.done $0x0  }
0x58f: {  	s9 =	simm.s32 $0x0;
	[sflag:s30] =	ssyncadd.s32 $0xFFFFEC00  }
0x590: {  	v19 =	vld [tilespmem:s9+$0x0]  }
0x591: {  	v25 =	vld [tilespmem:s9+$0x10]  }
0x592: {  	v24 =	vld [tilespmem:s9+$0x20]  }
0x593: {  	v23 =	vld [tilespmem:s9+$0x30]  }
0x594: {  	v21 =	vld [tilespmem:s9+$0x40]  }
0x595: {  	v22 =	vld [tilespmem:s9+$0x50];
	v20 =	vand.u32 $0x3FFF, v19  }
0x596: {  	s10 =	simm.s32 $0x200;
	v19 =	vshra.s32 v19, $0xE;
	v26 =	vand.u32 $0x3FFF, v25;
	[tilespmem:s9+$0x0] =	vst v20;
	v20 =	vshra.s32 v25, $0xE;
	v25 =	vld [tilespmem:s9+$0x60]  }
.LBB2_8:
0x597: {  	p0 =	sne.s32 s10, $0x4E00;
	[tilespmem:s9+$0x10] =	vst v26;
	v26 =	vshra.s32 v24, $0xE;
	v24 =	vand.u32 $0x3FFF, v24;
	v27 =	vld [tilespmem:s9+$0x70]  }
0x598: {  	[tilespmem:s9+$0x20] =	vst v24;
	v24 =	vshra.s32 v23, $0xE;
	v23 =	vand.u32 $0x3FFF, v23  }
0x599: {  	[tilespmem:s9+$0x30] =	vst v23;
	v23 =	vshra.s32 v21, $0xE;
	v21 =	vand.u32 $0x3FFF, v21  }
0x59a: {  	[tilespmem:s9+$0x40] =	vst v21;
	v21 =	vshra.s32 v22, $0xE;
	v22 =	vand.u32 $0x3FFF, v22  }
0x59b: {  	[tilespmem:s9+$0x50] =	vst v22;
	v22 =	vshra.s32 v25, $0xE;
	v25 =	vand.u32 $0x3FFF, v25  }
0x59c: {  	[tilespmem:s9+$0x60] =	vst v25;
	v25 =	vshra.s32 v27, $0xE;
	v27 =	vand.u32 $0x3FFF, v27  }
0x59d: {  	[tilespmem:s9+$0x70] =	vst v27  }
0x59e: {  	[tilespmem:s9+$0x2800] =	vst v19  }
0x59f: {  	s11 =	sshra.s32 s10, $0x2;
	[tilespmem:s9+$0x2810] =	vst v20  }
0x5a0: {  	v20 =	vld [tilespmem:s11+$0x0];
	[tilespmem:s9+$0x2820] =	vst v26  }
0x5a1: {  	v26 =	vld [tilespmem:s11+$0x10];
	[tilespmem:s9+$0x2830] =	vst v24  }
.Ltmp3:
0x5a2: {  	v24 =	vld [tilespmem:s11+$0x20];
	[tilespmem:s9+$0x2840] =	vst v23;
	(pc) =	sbr.rel @p0 .LBB2_8-.Ltmp3, $4  }
0x5a3: {  	v23 =	vld [tilespmem:s11+$0x30];
	[tilespmem:s9+$0x2850] =	vst v21  }
0x5a4: {  	v21 =	vld [tilespmem:s11+$0x40];
	[tilespmem:s9+$0x2860] =	vst v22  }
0x5a5: {  	v19 =	vshra.s32 v20, $0xE;
	v20 =	vand.u32 $0x3FFF, v20;
	v22 =	vld [tilespmem:s11+$0x50];
	[tilespmem:s9+$0x2870] =	vst v25;
	s9 =	smov.u32 s11  }
0x5a6: {  	s10 =	sadd.s32 $0x200, s10;
	[tilespmem:s9+$0x0] =	vst v20;
	v20 =	vshra.s32 v26, $0xE;
	v26 =	vand.u32 $0x3FFF, v26;
	v25 =	vld [tilespmem:s9+$0x60]  }
0x5a7: {  	[tilespmem:s9+$0x10] =	vst v26  }
0x5a8: {  	[tilespmem:s9+$0x2800] =	vst v19  }
0x5a9: {  	v62 =	vand.u32 $0x3FFF, v24;
	[tilespmem:s9+$0x2810] =	vst v20  }
0x5aa: {  	v19 =	vshra.s32 v24, $0xE;
	[tilespmem:s9+$0x20] =	vst v62  }
0x5ab: {  	v63 =	vand.u32 $0x3FFF, v23;
	[tilespmem:s9+$0x2820] =	vst v19  }
0x5ac: {  	v20 =	vshra.s32 v23, $0xE;
	[tilespmem:s9+$0x30] =	vst v63  }
0x5ad: {  	v28 =	vand.u32 $0x3FFF, v21;
	[tilespmem:s9+$0x2830] =	vst v20  }
0x5ae: {  	v27 =	vld [tilespmem:s9+$0x70];
	v19 =	vshra.s32 v21, $0xE;
	[tilespmem:s9+$0x40] =	vst v28  }
0x5af: {  	v29 =	vand.u32 $0x3FFF, v22;
	[tilespmem:s9+$0x2840] =	vst v19  }
0x5b0: {  	v20 =	vshra.s32 v22, $0xE;
	[tilespmem:s9+$0x50] =	vst v29  }
0x5b1: {  	v30 =	vand.u32 $0x3FFF, v25;
	[tilespmem:s9+$0x2850] =	vst v20  }
0x5b2: {  	v19 =	vshra.s32 v25, $0xE;
	[tilespmem:s9+$0x60] =	vst v30  }
0x5b3: {  	v20 =	vshra.s32 v27, $0xE;
	[tilespmem:s9+$0x2860] =	vst v19  }
0x5b4: {  	[tilespmem:s9+$0x2870] =	vst v20  }
0x5b5: {  	v19 =	vld [tilespmem:$0x0];
	_ =	sdelay $0x4  }
0x5b6: {  	v20 =	vshll.u32 v19, $0x1  }
0x5b7: {  	v19 =	vand.u32 $0x7, v19;
	v20 =	vand.u32 $0xFFFFFFF0, v20  }
0x5b8: {  	v19 =	vor.u32 v19, v20  }
0x5b9: {  	v20 =	vperm.xlane v19, v3;
	_ =	sdelay $0x1  }
0x5ba: {  	v32 =	vperm.xlane v19, v2;
	v20 =	vadd.s32 v4, v20;
	_ =	sdelay $0x1  }
0x5bb: {  	v33 =	vperm.xlane v19, v5;
	v21 =	vadd.s32 v4, v32  }
0x5bc: {  	v31 =	vand.u32 $0x3FFF, v27  }
0x5bd: {  	s29 =	simm.s32 $0x3C00;
	[tilespmem:s9+$0x70] =	vst v31;
	s9 =	simm.s32 $0x0;
	v34 =	vperm.xlane v19, v6;
	v22 =	vadd.s32 v4, v33  }
0x5be: {  	[tilespmem:s29], [sflag:$0x1] =	stream.indirect_vreg.gather [hbm4b:s6+s9], $0x80, v20, vm0, $0xb8;
	[tilespmem:$0x1FC00] =	vst v63  }
0x5bf: {  	s0 =	simm.s32 $0x3C80;
	v35 =	vperm.xlane v19, v7;
	v20 =	vadd.s32 v4, v34  }
0x5c0: {  	[tilespmem:s0], [sflag:$0x1] =	stream.indirect_vreg.gather [hbm4b:s6+s9], $0x80, v21, vm0, $0xb8;
	[tilespmem:$0x1FC00] =	vst v63  }
0x5c1: {  	s1 =	simm.s32 $0x3D00;
	v37 =	vperm.xlane v19, v8;
	v36 =	vadd.s32 v4, v35  }
0x5c2: {  	[tilespmem:s1], [sflag:$0x1] =	stream.indirect_vreg.gather [hbm4b:s6+s9], $0x80, v22, vm0, $0xb8;
	[tilespmem:$0x1FC00] =	vst v63  }
0x5c3: {  	s8 =	simm.s32 $0x3D80;
	v39 =	vperm.xlane v19, v9;
	v38 =	vadd.s32 v4, v37  }
0x5c4: {  	[tilespmem:s8], [sflag:$0x1] =	stream.indirect_vreg.gather [hbm4b:s6+s9], $0x80, v20, vm0, $0xb8;
	[tilespmem:$0x1FC00] =	vst v63  }
0x5c5: {  	s10 =	simm.s32 $0x3E00;
	v40 =	vperm.xlane v19, v1;
	v20 =	vadd.s32 v4, v39  }
0x5c6: {  	[tilespmem:s10], [sflag:$0x1] =	stream.indirect_vreg.gather [hbm4b:s6+s9], $0x80, v36, vm0, $0xb8;
	[tilespmem:$0x1FC00] =	vst v63  }
0x5c7: {  	s11 =	simm.s32 $0x3E80;
	v42 =	vperm.xlane v19, v10;
	v41 =	vadd.s32 v4, v40  }
0x5c8: {  	[tilespmem:s11], [sflag:$0x1] =	stream.indirect_vreg.gather [hbm4b:s6+s9], $0x80, v38, vm0, $0xb8;
	[tilespmem:$0x1FC00] =	vst v63  }
0x5c9: {  	s12 =	simm.s32 $0x3F00;
	v44 =	vperm.xlane v19, v11;
	v43 =	vadd.s32 v4, v42  }
0x5ca: {  	[tilespmem:s12], [sflag:$0x1] =	stream.indirect_vreg.gather [hbm4b:s6+s9], $0x80, v20, vm0, $0xb8;
	[tilespmem:$0x1FC00] =	vst v63  }
0x5cb: {  	s13 =	simm.s32 $0x3F80;
	v45 =	vperm.xlane v19, v12;
	v20 =	vadd.s32 v4, v44  }
0x5cc: {  	[tilespmem:s13], [sflag:$0x1] =	stream.indirect_vreg.gather [hbm4b:s6+s9], $0x80, v41, vm0, $0xb8;
	[tilespmem:$0x1FC00] =	vst v63  }
0x5cd: {  	s14 =	simm.s32 $0x4000;
	v47 =	vperm.xlane v19, v13;
	v46 =	vadd.s32 v4, v45  }
0x5ce: {  	[tilespmem:s14], [sflag:$0x1] =	stream.indirect_vreg.gather [hbm4b:s6+s9], $0x80, v43, vm0, $0xb8;
	[tilespmem:$0x1FC00] =	vst v63  }
0x5cf: {  	s15 =	simm.s32 $0x4080;
	v49 =	vperm.xlane v19, v14;
	v48 =	vadd.s32 v4, v47  }
0x5d0: {  	[tilespmem:s15], [sflag:$0x1] =	stream.indirect_vreg.gather [hbm4b:s6+s9], $0x80, v20, vm0, $0xb8;
	[tilespmem:$0x1FC00] =	vst v63  }
0x5d1: {  	s16 =	simm.s32 $0x4100;
	v50 =	vperm.xlane v19, v15;
	v20 =	vadd.s32 v4, v49  }
0x5d2: {  	[tilespmem:s16], [sflag:$0x1] =	stream.indirect_vreg.gather [hbm4b:s6+s9], $0x80, v46, vm0, $0xb8;
	[tilespmem:$0x1FC00] =	vst v63  }
0x5d3: {  	s17 =	simm.s32 $0x4180;
	v52 =	vperm.xlane v19, v16;
	v51 =	vadd.s32 v4, v50  }
0x5d4: {  	[tilespmem:s17], [sflag:$0x1] =	stream.indirect_vreg.gather [hbm4b:s6+s9], $0x80, v48, vm0, $0xb8;
	[tilespmem:$0x1FC00] =	vst v63  }
0x5d5: {  	s18 =	simm.s32 $0x4200;
	v19 =	vperm.xlane v19, v17;
	v53 =	vadd.s32 v4, v52  }
0x5d6: {  	[tilespmem:s18], [sflag:$0x1] =	stream.indirect_vreg.gather [hbm4b:s6+s9], $0x80, v20, vm0, $0xb8;
	[tilespmem:$0x1FC00] =	vst v63  }
0x5d7: {  	s19 =	simm.s32 $0x4280;
	v19 =	vadd.s32 v4, v19  }
0x5d8: {  	[tilespmem:s19], [sflag:$0x1] =	stream.indirect_vreg.gather [hbm4b:s6+s9], $0x80, v51, vm0, $0xb8;
	[tilespmem:$0x1FC00] =	vst v63  }
0x5d9: {  	s20 =	simm.s32 $0x4300  }
0x5da: {  	[tilespmem:s20], [sflag:$0x1] =	stream.indirect_vreg.gather [hbm4b:s6+s9], $0x80, v53, vm0, $0xb8;
	[tilespmem:$0x1FC00] =	vst v63  }
0x5db: {  	s21 =	simm.s32 $0x4380  }
0x5dc: {  	[tilespmem:s21], [sflag:$0x1] =	stream.indirect_vreg.gather [hbm4b:s6+s9], $0x80, v19, vm0, $0xb8;
	[tilespmem:$0x1FC00] =	vst v63  }
0x5dd: {  	v19 =	vld [tilespmem:$0x10];
	_ =	sdelay $0x4  }
0x5de: {  	v20 =	vshll.u32 v19, $0x1  }
0x5df: {  	v19 =	vand.u32 $0x7, v19;
	v20 =	vand.u32 $0xFFFFFFF0, v20  }
0x5e0: {  	v19 =	vor.u32 v19, v20  }
0x5e1: {  	v20 =	vperm.xlane v19, v3;
	_ =	sdelay $0x1  }
0x5e2: {  	v54 =	vperm.xlane v19, v2;
	v20 =	vadd.s32 v4, v20;
	_ =	sdelay $0x1  }
0x5e3: {  	v55 =	vperm.xlane v19, v5;
	v21 =	vadd.s32 v4, v54;
	_ =	sdelay $0x1  }
0x5e4: {  	s22 =	simm.s32 $0x4400;
	v56 =	vperm.xlane v19, v6;
	v22 =	vadd.s32 v4, v55  }
0x5e5: {  	[tilespmem:s22], [sflag:$0x1] =	stream.indirect_vreg.gather [hbm4b:s6+s9], $0x80, v20, vm0, $0xb8;
	[tilespmem:$0x1FC00] =	vst v63  }
0x5e6: {  	s23 =	simm.s32 $0x4480;
	v57 =	vperm.xlane v19, v7;
	v20 =	vadd.s32 v4, v56  }
0x5e7: {  	[tilespmem:s23], [sflag:$0x1] =	stream.indirect_vreg.gather [hbm4b:s6+s9], $0x80, v21, vm0, $0xb8;
	[tilespmem:$0x1FC00] =	vst v63  }
0x5e8: {  	s24 =	simm.s32 $0x4500;
	v59 =	vperm.xlane v19, v8;
	v58 =	vadd.s32 v4, v57  }
0x5e9: {  	[tilespmem:s24], [sflag:$0x1] =	stream.indirect_vreg.gather [hbm4b:s6+s9], $0x80, v22, vm0, $0xb8;
	[tilespmem:$0x1FC00] =	vst v63  }
0x5ea: {  	s25 =	simm.s32 $0x4580;
	v61 =	vperm.xlane v19, v9;
	v60 =	vadd.s32 v4, v59  }
0x5eb: {  	[tilespmem:s25], [sflag:$0x1] =	stream.indirect_vreg.gather [hbm4b:s6+s9], $0x80, v20, vm0, $0xb8;
	[tilespmem:$0x1FC00] =	vst v63  }
0x5ec: {  	s1 =	simm.s32 $0x4600;
	v62 =	vperm.xlane v19, v1;
	v20 =	vadd.s32 v4, v61  }
0x5ed: {  	[tilespmem:s1], [sflag:$0x1] =	stream.indirect_vreg.gather [hbm4b:s6+s9], $0x80, v58, vm0, $0xb8;
	[tilespmem:$0x1FC00] =	vst v63  }
0x5ee: {  	s8 =	simm.s32 $0x4680;
	v24 =	vperm.xlane v19, v10;
	v63 =	vadd.s32 v4, v62  }
0x5ef: {  	[tilespmem:s8], [sflag:$0x1] =	stream.indirect_vreg.gather [hbm4b:s6+s9], $0x80, v60, vm0, $0xb8;
	[tilespmem:$0x1FC00] =	vst v63  }
0x5f0: {  	s10 =	simm.s32 $0x4700;
	v26 =	vperm.xlane v19, v11;
	v25 =	vadd.s32 v4, v24  }
0x5f1: {  	[tilespmem:s10], [sflag:$0x1] =	stream.indirect_vreg.gather [hbm4b:s6+s9], $0x80, v20, vm0, $0xb8;
	[tilespmem:$0x1FC00] =	vst v63  }
0x5f2: {  	s11 =	simm.s32 $0x4780;
	v27 =	vperm.xlane v19, v12;
	v20 =	vadd.s32 v4, v26  }
0x5f3: {  	[tilespmem:s11], [sflag:$0x1] =	stream.indirect_vreg.gather [hbm4b:s6+s9], $0x80, v63, vm0, $0xb8;
	[tilespmem:$0x1FC00] =	vst v63  }
0x5f4: {  	s12 =	simm.s32 $0x4800;
	v29 =	vperm.xlane v19, v13;
	v28 =	vadd.s32 v4, v27  }
0x5f5: {  	[tilespmem:s12], [sflag:$0x1] =	stream.indirect_vreg.gather [hbm4b:s6+s9], $0x80, v25, vm0, $0xb8;
	[tilespmem:$0x1FC00] =	vst v63  }
0x5f6: {  	s13 =	simm.s32 $0x4880;
	v31 =	vperm.xlane v19, v14;
	v30 =	vadd.s32 v4, v29  }
0x5f7: {  	[tilespmem:s13], [sflag:$0x1] =	stream.indirect_vreg.gather [hbm4b:s6+s9], $0x80, v20, vm0, $0xb8;
	[tilespmem:$0x1FC00] =	vst v63  }
0x5f8: {  	s14 =	simm.s32 $0x4900;
	v32 =	vperm.xlane v19, v15;
	v20 =	vadd.s32 v4, v31  }
0x5f9: {  	[tilespmem:s14], [sflag:$0x1] =	stream.indirect_vreg.gather [hbm4b:s6+s9], $0x80, v28, vm0, $0xb8;
	[tilespmem:$0x1FC00] =	vst v63  }
0x5fa: {  	s15 =	simm.s32 $0x4980;
	v34 =	vperm.xlane v19, v16;
	v33 =	vadd.s32 v4, v32  }
0x5fb: {  	[tilespmem:s15], [sflag:$0x1] =	stream.indirect_vreg.gather [hbm4b:s6+s9], $0x80, v30, vm0, $0xb8;
	[tilespmem:$0x1FC00] =	vst v63  }
0x5fc: {  	s16 =	simm.s32 $0x4A00;
	v19 =	vperm.xlane v19, v17;
	v35 =	vadd.s32 v4, v34  }
0x5fd: {  	[tilespmem:s16], [sflag:$0x1] =	stream.indirect_vreg.gather [hbm4b:s6+s9], $0x80, v20, vm0, $0xb8;
	[tilespmem:$0x1FC00] =	vst v63  }
0x5fe: {  	s17 =	simm.s32 $0x4A80;
	v19 =	vadd.s32 v4, v19  }
0x5ff: {  	[tilespmem:s17], [sflag:$0x1] =	stream.indirect_vreg.gather [hbm4b:s6+s9], $0x80, v33, vm0, $0xb8;
	[tilespmem:$0x1FC00] =	vst v63  }
0x600: {  	s18 =	simm.s32 $0x4B00  }
0x601: {  	[tilespmem:s18], [sflag:$0x1] =	stream.indirect_vreg.gather [hbm4b:s6+s9], $0x80, v35, vm0, $0xb8;
	[tilespmem:$0x1FC00] =	vst v63  }
0x602: {  	s19 =	simm.s32 $0x4B80  }
0x603: {  	[tilespmem:s19], [sflag:$0x1] =	stream.indirect_vreg.gather [hbm4b:s6+s9], $0x80, v19, vm0, $0xb8;
	[tilespmem:$0x1FC00] =	vst v63  }
0x604: {  	v19 =	vld [tilespmem:$0x20];
	_ =	sdelay $0x4  }
0x605: {  	v20 =	vshll.u32 v19, $0x1  }
0x606: {  	v19 =	vand.u32 $0x7, v19;
	v20 =	vand.u32 $0xFFFFFFF0, v20  }
0x607: {  	v19 =	vor.u32 v19, v20  }
0x608: {  	v20 =	vperm.xlane v19, v3;
	_ =	sdelay $0x1  }
0x609: {  	v36 =	vperm.xlane v19, v2;
	v20 =	vadd.s32 v4, v20;
	_ =	sdelay $0x1  }
0x60a: {  	v37 =	vperm.xlane v19, v5;
	v21 =	vadd.s32 v4, v36;
	_ =	sdelay $0x1  }
0x60b: {  	s20 =	simm.s32 $0x4C00;
	v38 =	vperm.xlane v19, v6;
	v22 =	vadd.s32 v4, v37  }
0x60c: {  	[tilespmem:s20], [sflag:$0x1] =	stream.indirect_vreg.gather [hbm4b:s6+s9], $0x80, v20, vm0, $0xb8;
	[tilespmem:$0x1FC00] =	vst v63  }
0x60d: {  	s21 =	simm.s32 $0x4C80;
	v39 =	vperm.xlane v19, v7;
	v20 =	vadd.s32 v4, v38  }
0x60e: {  	[tilespmem:s21], [sflag:$0x1] =	stream.indirect_vreg.gather [hbm4b:s6+s9], $0x80, v21, vm0, $0xb8;
	[tilespmem:$0x1FC00] =	vst v63  }
0x60f: {  	s22 =	simm.s32 $0x4D00;
	v41 =	vperm.xlane v19, v8;
	v40 =	vadd.s32 v4, v39  }
0x610: {  	[tilespmem:s22], [sflag:$0x1] =	stream.indirect_vreg.gather [hbm4b:s6+s9], $0x80, v22, vm0, $0xb8;
	[tilespmem:$0x1FC00] =	vst v63  }
0x611: {  	s23 =	simm.s32 $0x4D80;
	v43 =	vperm.xlane v19, v9;
	v42 =	vadd.s32 v4, v41  }
0x612: {  	[tilespmem:s23], [sflag:$0x1] =	stream.indirect_vreg.gather [hbm4b:s6+s9], $0x80, v20, vm0, $0xb8;
	[tilespmem:$0x1FC00] =	vst v63  }
0x613: {  	s24 =	simm.s32 $0x4E00;
	v44 =	vperm.xlane v19, v1;
	v20 =	vadd.s32 v4, v43  }
0x614: {  	[tilespmem:s24], [sflag:$0x1] =	stream.indirect_vreg.gather [hbm4b:s6+s9], $0x80, v40, vm0, $0xb8;
	[tilespmem:$0x1FC00] =	vst v63  }
0x615: {  	s25 =	simm.s32 $0x4E80;
	v46 =	vperm.xlane v19, v10;
	v45 =	vadd.s32 v4, v44  }
0x616: {  	[tilespmem:s25], [sflag:$0x1] =	stream.indirect_vreg.gather [hbm4b:s6+s9], $0x80, v42, vm0, $0xb8;
	[tilespmem:$0x1FC00] =	vst v63  }
0x617: {  	s1 =	simm.s32 $0x4F00;
	v48 =	vperm.xlane v19, v11;
	v47 =	vadd.s32 v4, v46  }
0x618: {  	[tilespmem:s1], [sflag:$0x1] =	stream.indirect_vreg.gather [hbm4b:s6+s9], $0x80, v20, vm0, $0xb8;
	[tilespmem:$0x1FC00] =	vst v63  }
0x619: {  	s8 =	simm.s32 $0x4F80;
	v49 =	vperm.xlane v19, v12;
	v20 =	vadd.s32 v4, v48  }
0x61a: {  	[tilespmem:s8], [sflag:$0x1] =	stream.indirect_vreg.gather [hbm4b:s6+s9], $0x80, v45, vm0, $0xb8;
	[tilespmem:$0x1FC00] =	vst v63  }
0x61b: {  	s10 =	simm.s32 $0x5000;
	v51 =	vperm.xlane v19, v13;
	v50 =	vadd.s32 v4, v49  }
0x61c: {  	[tilespmem:s10], [sflag:$0x1] =	stream.indirect_vreg.gather [hbm4b:s6+s9], $0x80, v47, vm0, $0xb8;
	[tilespmem:$0x1FC00] =	vst v63  }
0x61d: {  	s11 =	simm.s32 $0x5080;
	v53 =	vperm.xlane v19, v14;
	v52 =	vadd.s32 v4, v51  }
0x61e: {  	[tilespmem:s11], [sflag:$0x1] =	stream.indirect_vreg.gather [hbm4b:s6+s9], $0x80, v20, vm0, $0xb8;
	[tilespmem:$0x1FC00] =	vst v63  }
0x61f: {  	s12 =	simm.s32 $0x5100;
	v54 =	vperm.xlane v19, v15;
	v20 =	vadd.s32 v4, v53  }
0x620: {  	[tilespmem:s12], [sflag:$0x1] =	stream.indirect_vreg.gather [hbm4b:s6+s9], $0x80, v50, vm0, $0xb8;
	[tilespmem:$0x1FC00] =	vst v63  }
0x621: {  	s13 =	simm.s32 $0x5180;
	v56 =	vperm.xlane v19, v16;
	v55 =	vadd.s32 v4, v54  }
0x622: {  	[tilespmem:s13], [sflag:$0x1] =	stream.indirect_vreg.gather [hbm4b:s6+s9], $0x80, v52, vm0, $0xb8;
	[tilespmem:$0x1FC00] =	vst v63  }
0x623: {  	s14 =	simm.s32 $0x5200;
	v19 =	vperm.xlane v19, v17;
	v57 =	vadd.s32 v4, v56  }
0x624: {  	[tilespmem:s14], [sflag:$0x1] =	stream.indirect_vreg.gather [hbm4b:s6+s9], $0x80, v20, vm0, $0xb8;
	[tilespmem:$0x1FC00] =	vst v63  }
0x625: {  	s15 =	simm.s32 $0x5280;
	v19 =	vadd.s32 v4, v19  }
0x626: {  	[tilespmem:s15], [sflag:$0x1] =	stream.indirect_vreg.gather [hbm4b:s6+s9], $0x80, v55, vm0, $0xb8;
	[tilespmem:$0x1FC00] =	vst v63  }
0x627: {  	s16 =	simm.s32 $0x5300  }
0x628: {  	[tilespmem:s16], [sflag:$0x1] =	stream.indirect_vreg.gather [hbm4b:s6+s9], $0x80, v57, vm0, $0xb8;
	[tilespmem:$0x1FC00] =	vst v63  }
0x629: {  	s17 =	simm.s32 $0x5380  }
0x62a: {  	[tilespmem:s17], [sflag:$0x1] =	stream.indirect_vreg.gather [hbm4b:s6+s9], $0x80, v19, vm0, $0xb8;
	[tilespmem:$0x1FC00] =	vst v63  }
0x62b: {  	v19 =	vld [tilespmem:$0x30];
	_ =	sdelay $0x4  }
0x62c: {  	v20 =	vshll.u32 v19, $0x1  }
0x62d: {  	v19 =	vand.u32 $0x7, v19;
	v20 =	vand.u32 $0xFFFFFFF0, v20  }
0x62e: {  	v19 =	vor.u32 v19, v20  }
0x62f: {  	v20 =	vperm.xlane v19, v3;
	_ =	sdelay $0x1  }
0x630: {  	v58 =	vperm.xlane v19, v2;
	v20 =	vadd.s32 v4, v20;
	_ =	sdelay $0x1  }
0x631: {  	v59 =	vperm.xlane v19, v5;
	v21 =	vadd.s32 v4, v58;
	_ =	sdelay $0x1  }
0x632: {  	s18 =	simm.s32 $0x5400;
	v60 =	vperm.xlane v19, v6;
	v22 =	vadd.s32 v4, v59  }
0x633: {  	[tilespmem:s18], [sflag:$0x1] =	stream.indirect_vreg.gather [hbm4b:s6+s9], $0x80, v20, vm0, $0xb8;
	[tilespmem:$0x1FC00] =	vst v63  }
0x634: {  	s19 =	simm.s32 $0x5480;
	v61 =	vperm.xlane v19, v7;
	v20 =	vadd.s32 v4, v60  }
0x635: {  	[tilespmem:s19], [sflag:$0x1] =	stream.indirect_vreg.gather [hbm4b:s6+s9], $0x80, v21, vm0, $0xb8;
	[tilespmem:$0x1FC00] =	vst v63  }
0x636: {  	s20 =	simm.s32 $0x5500;
	v63 =	vperm.xlane v19, v8;
	v62 =	vadd.s32 v4, v61  }
0x637: {  	[tilespmem:s20], [sflag:$0x1] =	stream.indirect_vreg.gather [hbm4b:s6+s9], $0x80, v22, vm0, $0xb8;
	[tilespmem:$0x1FC00] =	vst v63  }
0x638: {  	s21 =	simm.s32 $0x5580;
	v25 =	vperm.xlane v19, v9;
	v24 =	vadd.s32 v4, v63  }
0x639: {  	[tilespmem:s21], [sflag:$0x1] =	stream.indirect_vreg.gather [hbm4b:s6+s9], $0x80, v20, vm0, $0xb8;
	[tilespmem:$0x1FC00] =	vst v63  }
0x63a: {  	s22 =	simm.s32 $0x5600;
	v26 =	vperm.xlane v19, v1;
	v20 =	vadd.s32 v4, v25  }
0x63b: {  	[tilespmem:s22], [sflag:$0x1] =	stream.indirect_vreg.gather [hbm4b:s6+s9], $0x80, v62, vm0, $0xb8;
	[tilespmem:$0x1FC00] =	vst v63  }
0x63c: {  	s23 =	simm.s32 $0x5680;
	v28 =	vperm.xlane v19, v10;
	v27 =	vadd.s32 v4, v26  }
0x63d: {  	[tilespmem:s23], [sflag:$0x1] =	stream.indirect_vreg.gather [hbm4b:s6+s9], $0x80, v24, vm0, $0xb8;
	[tilespmem:$0x1FC00] =	vst v63  }
0x63e: {  	s24 =	simm.s32 $0x5700;
	v30 =	vperm.xlane v19, v11;
	v29 =	vadd.s32 v4, v28  }
0x63f: {  	[tilespmem:s24], [sflag:$0x1] =	stream.indirect_vreg.gather [hbm4b:s6+s9], $0x80, v20, vm0, $0xb8;
	[tilespmem:$0x1FC00] =	vst v63  }
0x640: {  	s25 =	simm.s32 $0x5780;
	v31 =	vperm.xlane v19, v12;
	v20 =	vadd.s32 v4, v30  }
0x641: {  	[tilespmem:s25], [sflag:$0x1] =	stream.indirect_vreg.gather [hbm4b:s6+s9], $0x80, v27, vm0, $0xb8;
	[tilespmem:$0x1FC00] =	vst v63  }
0x642: {  	s1 =	simm.s32 $0x5800;
	v33 =	vperm.xlane v19, v13;
	v32 =	vadd.s32 v4, v31  }
0x643: {  	[tilespmem:s1], [sflag:$0x1] =	stream.indirect_vreg.gather [hbm4b:s6+s9], $0x80, v29, vm0, $0xb8;
	[tilespmem:$0x1FC00] =	vst v63  }
0x644: {  	s8 =	simm.s32 $0x5880;
	v35 =	vperm.xlane v19, v14;
	v34 =	vadd.s32 v4, v33  }
0x645: {  	[tilespmem:s8], [sflag:$0x1] =	stream.indirect_vreg.gather [hbm4b:s6+s9], $0x80, v20, vm0, $0xb8;
	[tilespmem:$0x1FC00] =	vst v63  }
0x646: {  	s10 =	simm.s32 $0x5900;
	v36 =	vperm.xlane v19, v15;
	v20 =	vadd.s32 v4, v35  }
0x647: {  	[tilespmem:s10], [sflag:$0x1] =	stream.indirect_vreg.gather [hbm4b:s6+s9], $0x80, v32, vm0, $0xb8;
	[tilespmem:$0x1FC00] =	vst v63  }
0x648: {  	s11 =	simm.s32 $0x5980;
	v38 =	vperm.xlane v19, v16;
	v37 =	vadd.s32 v4, v36  }
0x649: {  	[tilespmem:s11], [sflag:$0x1] =	stream.indirect_vreg.gather [hbm4b:s6+s9], $0x80, v34, vm0, $0xb8;
	[tilespmem:$0x1FC00] =	vst v63  }
0x64a: {  	s12 =	simm.s32 $0x5A00;
	v19 =	vperm.xlane v19, v17;
	v39 =	vadd.s32 v4, v38  }
0x64b: {  	[tilespmem:s12], [sflag:$0x1] =	stream.indirect_vreg.gather [hbm4b:s6+s9], $0x80, v20, vm0, $0xb8;
	[tilespmem:$0x1FC00] =	vst v63  }
0x64c: {  	s13 =	simm.s32 $0x5A80;
	v19 =	vadd.s32 v4, v19  }
0x64d: {  	[tilespmem:s13], [sflag:$0x1] =	stream.indirect_vreg.gather [hbm4b:s6+s9], $0x80, v37, vm0, $0xb8;
	[tilespmem:$0x1FC00] =	vst v63  }
0x64e: {  	s14 =	simm.s32 $0x5B00  }
0x64f: {  	[tilespmem:s14], [sflag:$0x1] =	stream.indirect_vreg.gather [hbm4b:s6+s9], $0x80, v39, vm0, $0xb8;
	[tilespmem:$0x1FC00] =	vst v63  }
0x650: {  	s15 =	simm.s32 $0x5B80  }
0x651: {  	[tilespmem:s15], [sflag:$0x1] =	stream.indirect_vreg.gather [hbm4b:s6+s9], $0x80, v19, vm0, $0xb8;
	[tilespmem:$0x1FC00] =	vst v63  }
0x652: {  	v19 =	vld [tilespmem:$0x40];
	_ =	sdelay $0x4  }
0x653: {  	v20 =	vshll.u32 v19, $0x1  }
0x654: {  	v19 =	vand.u32 $0x7, v19;
	v20 =	vand.u32 $0xFFFFFFF0, v20  }
0x655: {  	v19 =	vor.u32 v19, v20  }
0x656: {  	v20 =	vperm.xlane v19, v3;
	_ =	sdelay $0x1  }
0x657: {  	v40 =	vperm.xlane v19, v2;
	v20 =	vadd.s32 v4, v20;
	_ =	sdelay $0x1  }
0x658: {  	v41 =	vperm.xlane v19, v5;
	v21 =	vadd.s32 v4, v40;
	_ =	sdelay $0x1  }
0x659: {  	s16 =	simm.s32 $0x5C00;
	v42 =	vperm.xlane v19, v6;
	v22 =	vadd.s32 v4, v41  }
0x65a: {  	[tilespmem:s16], [sflag:$0x1] =	stream.indirect_vreg.gather [hbm4b:s6+s9], $0x80, v20, vm0, $0xb8;
	[tilespmem:$0x1FC00] =	vst v63  }
0x65b: {  	s17 =	simm.s32 $0x5C80;
	v43 =	vperm.xlane v19, v7;
	v20 =	vadd.s32 v4, v42  }
0x65c: {  	[tilespmem:s17], [sflag:$0x1] =	stream.indirect_vreg.gather [hbm4b:s6+s9], $0x80, v21, vm0, $0xb8;
	[tilespmem:$0x1FC00] =	vst v63  }
0x65d: {  	s18 =	simm.s32 $0x5D00;
	v45 =	vperm.xlane v19, v8;
	v44 =	vadd.s32 v4, v43  }
0x65e: {  	[tilespmem:s18], [sflag:$0x1] =	stream.indirect_vreg.gather [hbm4b:s6+s9], $0x80, v22, vm0, $0xb8;
	[tilespmem:$0x1FC00] =	vst v63  }
0x65f: {  	s19 =	simm.s32 $0x5D80;
	v47 =	vperm.xlane v19, v9;
	v46 =	vadd.s32 v4, v45  }
0x660: {  	[tilespmem:s19], [sflag:$0x1] =	stream.indirect_vreg.gather [hbm4b:s6+s9], $0x80, v20, vm0, $0xb8;
	[tilespmem:$0x1FC00] =	vst v63  }
0x661: {  	s20 =	simm.s32 $0x5E00;
	v48 =	vperm.xlane v19, v1;
	v20 =	vadd.s32 v4, v47  }
0x662: {  	[tilespmem:s20], [sflag:$0x1] =	stream.indirect_vreg.gather [hbm4b:s6+s9], $0x80, v44, vm0, $0xb8;
	[tilespmem:$0x1FC00] =	vst v63  }
0x663: {  	s21 =	simm.s32 $0x5E80;
	v50 =	vperm.xlane v19, v10;
	v49 =	vadd.s32 v4, v48  }
0x664: {  	[tilespmem:s21], [sflag:$0x1] =	stream.indirect_vreg.gather [hbm4b:s6+s9], $0x80, v46, vm0, $0xb8;
	[tilespmem:$0x1FC00] =	vst v63  }
0x665: {  	s22 =	simm.s32 $0x5F00;
	v52 =	vperm.xlane v19, v11;
	v51 =	vadd.s32 v4, v50  }
0x666: {  	[tilespmem:s22], [sflag:$0x1] =	stream.indirect_vreg.gather [hbm4b:s6+s9], $0x80, v20, vm0, $0xb8;
	[tilespmem:$0x1FC00] =	vst v63  }
0x667: {  	s23 =	simm.s32 $0x5F80;
	v53 =	vperm.xlane v19, v12;
	v20 =	vadd.s32 v4, v52  }
0x668: {  	[tilespmem:s23], [sflag:$0x1] =	stream.indirect_vreg.gather [hbm4b:s6+s9], $0x80, v49, vm0, $0xb8;
	[tilespmem:$0x1FC00] =	vst v63  }
0x669: {  	s24 =	simm.s32 $0x6000;
	v55 =	vperm.xlane v19, v13;
	v54 =	vadd.s32 v4, v53  }
0x66a: {  	[tilespmem:s24], [sflag:$0x1] =	stream.indirect_vreg.gather [hbm4b:s6+s9], $0x80, v51, vm0, $0xb8;
	[tilespmem:$0x1FC00] =	vst v63  }
0x66b: {  	s25 =	simm.s32 $0x6080;
	v57 =	vperm.xlane v19, v14;
	v56 =	vadd.s32 v4, v55  }
0x66c: {  	[tilespmem:s25], [sflag:$0x1] =	stream.indirect_vreg.gather [hbm4b:s6+s9], $0x80, v20, vm0, $0xb8;
	[tilespmem:$0x1FC00] =	vst v63  }
0x66d: {  	s1 =	simm.s32 $0x6100;
	v58 =	vperm.xlane v19, v15;
	v20 =	vadd.s32 v4, v57  }
0x66e: {  	[tilespmem:s1], [sflag:$0x1] =	stream.indirect_vreg.gather [hbm4b:s6+s9], $0x80, v54, vm0, $0xb8;
	[tilespmem:$0x1FC00] =	vst v63  }
0x66f: {  	s8 =	simm.s32 $0x6180;
	v60 =	vperm.xlane v19, v16;
	v59 =	vadd.s32 v4, v58  }
0x670: {  	[tilespmem:s8], [sflag:$0x1] =	stream.indirect_vreg.gather [hbm4b:s6+s9], $0x80, v56, vm0, $0xb8;
	[tilespmem:$0x1FC00] =	vst v63  }
0x671: {  	s10 =	simm.s32 $0x6200;
	v19 =	vperm.xlane v19, v17;
	v61 =	vadd.s32 v4, v60  }
0x672: {  	[tilespmem:s10], [sflag:$0x1] =	stream.indirect_vreg.gather [hbm4b:s6+s9], $0x80, v20, vm0, $0xb8;
	[tilespmem:$0x1FC00] =	vst v63  }
0x673: {  	s11 =	simm.s32 $0x6280;
	v19 =	vadd.s32 v4, v19  }
0x674: {  	[tilespmem:s11], [sflag:$0x1] =	stream.indirect_vreg.gather [hbm4b:s6+s9], $0x80, v59, vm0, $0xb8;
	[tilespmem:$0x1FC00] =	vst v63  }
0x675: {  	s12 =	simm.s32 $0x6300  }
0x676: {  	[tilespmem:s12], [sflag:$0x1] =	stream.indirect_vreg.gather [hbm4b:s6+s9], $0x80, v61, vm0, $0xb8;
	[tilespmem:$0x1FC00] =	vst v63  }
0x677: {  	s13 =	simm.s32 $0x6380  }
0x678: {  	[tilespmem:s13], [sflag:$0x1] =	stream.indirect_vreg.gather [hbm4b:s6+s9], $0x80, v19, vm0, $0xb8;
	[tilespmem:$0x1FC00] =	vst v63  }
0x679: {  	v19 =	vld [tilespmem:$0x50];
	_ =	sdelay $0x4  }
0x67a: {  	v20 =	vshll.u32 v19, $0x1  }
0x67b: {  	v19 =	vand.u32 $0x7, v19;
	v20 =	vand.u32 $0xFFFFFFF0, v20  }
0x67c: {  	v19 =	vor.u32 v19, v20  }
0x67d: {  	v20 =	vperm.xlane v19, v3;
	_ =	sdelay $0x1  }
0x67e: {  	v62 =	vperm.xlane v19, v2;
	v20 =	vadd.s32 v4, v20;
	_ =	sdelay $0x1  }
0x67f: {  	v63 =	vperm.xlane v19, v5;
	v21 =	vadd.s32 v4, v62;
	_ =	sdelay $0x1  }
0x680: {  	s14 =	simm.s32 $0x6400;
	v24 =	vperm.xlane v19, v6;
	v22 =	vadd.s32 v4, v63  }
0x681: {  	[tilespmem:s14], [sflag:$0x1] =	stream.indirect_vreg.gather [hbm4b:s6+s9], $0x80, v20, vm0, $0xb8;
	[tilespmem:$0x1FC00] =	vst v63  }
0x682: {  	s15 =	simm.s32 $0x6480;
	v25 =	vperm.xlane v19, v7;
	v20 =	vadd.s32 v4, v24  }
0x683: {  	[tilespmem:s15], [sflag:$0x1] =	stream.indirect_vreg.gather [hbm4b:s6+s9], $0x80, v21, vm0, $0xb8;
	[tilespmem:$0x1FC00] =	vst v63  }
0x684: {  	s16 =	simm.s32 $0x6500;
	v27 =	vperm.xlane v19, v8;
	v26 =	vadd.s32 v4, v25  }
0x685: {  	[tilespmem:s16], [sflag:$0x1] =	stream.indirect_vreg.gather [hbm4b:s6+s9], $0x80, v22, vm0, $0xb8;
	[tilespmem:$0x1FC00] =	vst v63  }
0x686: {  	s17 =	simm.s32 $0x6580;
	v29 =	vperm.xlane v19, v9;
	v28 =	vadd.s32 v4, v27  }
0x687: {  	[tilespmem:s17], [sflag:$0x1] =	stream.indirect_vreg.gather [hbm4b:s6+s9], $0x80, v20, vm0, $0xb8;
	[tilespmem:$0x1FC00] =	vst v63  }
0x688: {  	s18 =	simm.s32 $0x6600;
	v30 =	vperm.xlane v19, v1;
	v20 =	vadd.s32 v4, v29  }
0x689: {  	[tilespmem:s18], [sflag:$0x1] =	stream.indirect_vreg.gather [hbm4b:s6+s9], $0x80, v26, vm0, $0xb8;
	[tilespmem:$0x1FC00] =	vst v63  }
0x68a: {  	s19 =	simm.s32 $0x6680;
	v32 =	vperm.xlane v19, v10;
	v31 =	vadd.s32 v4, v30  }
0x68b: {  	[tilespmem:s19], [sflag:$0x1] =	stream.indirect_vreg.gather [hbm4b:s6+s9], $0x80, v28, vm0, $0xb8;
	[tilespmem:$0x1FC00] =	vst v63  }
0x68c: {  	s20 =	simm.s32 $0x6700;
	v34 =	vperm.xlane v19, v11;
	v33 =	vadd.s32 v4, v32  }
0x68d: {  	[tilespmem:s20], [sflag:$0x1] =	stream.indirect_vreg.gather [hbm4b:s6+s9], $0x80, v20, vm0, $0xb8;
	[tilespmem:$0x1FC00] =	vst v63  }
0x68e: {  	s21 =	simm.s32 $0x6780;
	v35 =	vperm.xlane v19, v12;
	v20 =	vadd.s32 v4, v34  }
0x68f: {  	[tilespmem:s21], [sflag:$0x1] =	stream.indirect_vreg.gather [hbm4b:s6+s9], $0x80, v31, vm0, $0xb8;
	[tilespmem:$0x1FC00] =	vst v63  }
0x690: {  	s22 =	simm.s32 $0x6800;
	v37 =	vperm.xlane v19, v13;
	v36 =	vadd.s32 v4, v35  }
0x691: {  	[tilespmem:s22], [sflag:$0x1] =	stream.indirect_vreg.gather [hbm4b:s6+s9], $0x80, v33, vm0, $0xb8;
	[tilespmem:$0x1FC00] =	vst v63  }
0x692: {  	s23 =	simm.s32 $0x6880;
	v39 =	vperm.xlane v19, v14;
	v38 =	vadd.s32 v4, v37  }
0x693: {  	[tilespmem:s23], [sflag:$0x1] =	stream.indirect_vreg.gather [hbm4b:s6+s9], $0x80, v20, vm0, $0xb8;
	[tilespmem:$0x1FC00] =	vst v63  }
0x694: {  	s24 =	simm.s32 $0x6900;
	v40 =	vperm.xlane v19, v15;
	v20 =	vadd.s32 v4, v39  }
0x695: {  	[tilespmem:s24], [sflag:$0x1] =	stream.indirect_vreg.gather [hbm4b:s6+s9], $0x80, v36, vm0, $0xb8;
	[tilespmem:$0x1FC00] =	vst v63  }
0x696: {  	s25 =	simm.s32 $0x6980;
	v42 =	vperm.xlane v19, v16;
	v41 =	vadd.s32 v4, v40  }
0x697: {  	[tilespmem:s25], [sflag:$0x1] =	stream.indirect_vreg.gather [hbm4b:s6+s9], $0x80, v38, vm0, $0xb8;
	[tilespmem:$0x1FC00] =	vst v63  }
0x698: {  	s1 =	simm.s32 $0x6A00;
	v19 =	vperm.xlane v19, v17;
	v43 =	vadd.s32 v4, v42  }
0x699: {  	[tilespmem:s1], [sflag:$0x1] =	stream.indirect_vreg.gather [hbm4b:s6+s9], $0x80, v20, vm0, $0xb8;
	[tilespmem:$0x1FC00] =	vst v63  }
0x69a: {  	s8 =	simm.s32 $0x6A80;
	v19 =	vadd.s32 v4, v19  }
0x69b: {  	[tilespmem:s8], [sflag:$0x1] =	stream.indirect_vreg.gather [hbm4b:s6+s9], $0x80, v41, vm0, $0xb8;
	[tilespmem:$0x1FC00] =	vst v63  }
0x69c: {  	s10 =	simm.s32 $0x6B00  }
0x69d: {  	[tilespmem:s10], [sflag:$0x1] =	stream.indirect_vreg.gather [hbm4b:s6+s9], $0x80, v43, vm0, $0xb8;
	[tilespmem:$0x1FC00] =	vst v63  }
0x69e: {  	s11 =	simm.s32 $0x6B80  }
0x69f: {  	[tilespmem:s11], [sflag:$0x1] =	stream.indirect_vreg.gather [hbm4b:s6+s9], $0x80, v19, vm0, $0xb8;
	[tilespmem:$0x1FC00] =	vst v63  }
0x6a0: {  	v19 =	vld [tilespmem:$0x60];
	_ =	sdelay $0x4  }
0x6a1: {  	v20 =	vshll.u32 v19, $0x1  }
0x6a2: {  	v19 =	vand.u32 $0x7, v19;
	v20 =	vand.u32 $0xFFFFFFF0, v20  }
0x6a3: {  	v19 =	vor.u32 v19, v20  }
0x6a4: {  	v20 =	vperm.xlane v19, v3;
	_ =	sdelay $0x1  }
0x6a5: {  	v44 =	vperm.xlane v19, v2;
	v20 =	vadd.s32 v4, v20;
	_ =	sdelay $0x1  }
0x6a6: {  	v45 =	vperm.xlane v19, v5;
	v21 =	vadd.s32 v4, v44;
	_ =	sdelay $0x1  }
0x6a7: {  	s12 =	simm.s32 $0x6C00;
	v46 =	vperm.xlane v19, v6;
	v22 =	vadd.s32 v4, v45  }
0x6a8: {  	[tilespmem:s12], [sflag:$0x1] =	stream.indirect_vreg.gather [hbm4b:s6+s9], $0x80, v20, vm0, $0xb8;
	[tilespmem:$0x1FC00] =	vst v63  }
0x6a9: {  	s13 =	simm.s32 $0x6C80;
	v47 =	vperm.xlane v19, v7;
	v20 =	vadd.s32 v4, v46  }
0x6aa: {  	[tilespmem:s13], [sflag:$0x1] =	stream.indirect_vreg.gather [hbm4b:s6+s9], $0x80, v21, vm0, $0xb8;
	[tilespmem:$0x1FC00] =	vst v63  }
0x6ab: {  	s14 =	simm.s32 $0x6D00;
	v49 =	vperm.xlane v19, v8;
	v48 =	vadd.s32 v4, v47  }
0x6ac: {  	[tilespmem:s14], [sflag:$0x1] =	stream.indirect_vreg.gather [hbm4b:s6+s9], $0x80, v22, vm0, $0xb8;
	[tilespmem:$0x1FC00] =	vst v63  }
0x6ad: {  	s15 =	simm.s32 $0x6D80;
	v51 =	vperm.xlane v19, v9;
	v50 =	vadd.s32 v4, v49  }
0x6ae: {  	[tilespmem:s15], [sflag:$0x1] =	stream.indirect_vreg.gather [hbm4b:s6+s9], $0x80, v20, vm0, $0xb8;
	[tilespmem:$0x1FC00] =	vst v63  }
0x6af: {  	s16 =	simm.s32 $0x6E00;
	v52 =	vperm.xlane v19, v1;
	v20 =	vadd.s32 v4, v51  }
0x6b0: {  	[tilespmem:s16], [sflag:$0x1] =	stream.indirect_vreg.gather [hbm4b:s6+s9], $0x80, v48, vm0, $0xb8;
	[tilespmem:$0x1FC00] =	vst v63  }
0x6b1: {  	s17 =	simm.s32 $0x6E80;
	v54 =	vperm.xlane v19, v10;
	v53 =	vadd.s32 v4, v52  }
0x6b2: {  	[tilespmem:s17], [sflag:$0x1] =	stream.indirect_vreg.gather [hbm4b:s6+s9], $0x80, v50, vm0, $0xb8;
	[tilespmem:$0x1FC00] =	vst v63  }
0x6b3: {  	s18 =	simm.s32 $0x6F00;
	v56 =	vperm.xlane v19, v11;
	v55 =	vadd.s32 v4, v54  }
0x6b4: {  	[tilespmem:s18], [sflag:$0x1] =	stream.indirect_vreg.gather [hbm4b:s6+s9], $0x80, v20, vm0, $0xb8;
	[tilespmem:$0x1FC00] =	vst v63  }
0x6b5: {  	s19 =	simm.s32 $0x6F80;
	v57 =	vperm.xlane v19, v12;
	v20 =	vadd.s32 v4, v56  }
0x6b6: {  	[tilespmem:s19], [sflag:$0x1] =	stream.indirect_vreg.gather [hbm4b:s6+s9], $0x80, v53, vm0, $0xb8;
	[tilespmem:$0x1FC00] =	vst v63  }
0x6b7: {  	s20 =	simm.s32 $0x7000;
	v59 =	vperm.xlane v19, v13;
	v58 =	vadd.s32 v4, v57  }
0x6b8: {  	[tilespmem:s20], [sflag:$0x1] =	stream.indirect_vreg.gather [hbm4b:s6+s9], $0x80, v55, vm0, $0xb8;
	[tilespmem:$0x1FC00] =	vst v63  }
0x6b9: {  	s21 =	simm.s32 $0x7080;
	v61 =	vperm.xlane v19, v14;
	v60 =	vadd.s32 v4, v59  }
0x6ba: {  	[tilespmem:s21], [sflag:$0x1] =	stream.indirect_vreg.gather [hbm4b:s6+s9], $0x80, v20, vm0, $0xb8;
	[tilespmem:$0x1FC00] =	vst v63  }
0x6bb: {  	s22 =	simm.s32 $0x7100;
	v62 =	vperm.xlane v19, v15;
	v20 =	vadd.s32 v4, v61  }
0x6bc: {  	[tilespmem:s22], [sflag:$0x1] =	stream.indirect_vreg.gather [hbm4b:s6+s9], $0x80, v58, vm0, $0xb8;
	[tilespmem:$0x1FC00] =	vst v63  }
0x6bd: {  	s23 =	simm.s32 $0x7180;
	v24 =	vperm.xlane v19, v16;
	v63 =	vadd.s32 v4, v62  }
0x6be: {  	[tilespmem:s23], [sflag:$0x1] =	stream.indirect_vreg.gather [hbm4b:s6+s9], $0x80, v60, vm0, $0xb8;
	[tilespmem:$0x1FC00] =	vst v63  }
0x6bf: {  	s24 =	simm.s32 $0x7200;
	v19 =	vperm.xlane v19, v17;
	v25 =	vadd.s32 v4, v24  }
0x6c0: {  	[tilespmem:s24], [sflag:$0x1] =	stream.indirect_vreg.gather [hbm4b:s6+s9], $0x80, v20, vm0, $0xb8;
	[tilespmem:$0x1FC00] =	vst v63  }
0x6c1: {  	s25 =	simm.s32 $0x7280;
	v19 =	vadd.s32 v4, v19  }
0x6c2: {  	[tilespmem:s25], [sflag:$0x1] =	stream.indirect_vreg.gather [hbm4b:s6+s9], $0x80, v63, vm0, $0xb8;
	[tilespmem:$0x1FC00] =	vst v63  }
0x6c3: {  	s1 =	simm.s32 $0x7300  }
0x6c4: {  	[tilespmem:s1], [sflag:$0x1] =	stream.indirect_vreg.gather [hbm4b:s6+s9], $0x80, v25, vm0, $0xb8;
	[tilespmem:$0x1FC00] =	vst v63  }
0x6c5: {  	s8 =	simm.s32 $0x7380  }
0x6c6: {  	[tilespmem:s8], [sflag:$0x1] =	stream.indirect_vreg.gather [hbm4b:s6+s9], $0x80, v19, vm0, $0xb8;
	[tilespmem:$0x1FC00] =	vst v63  }
0x6c7: {  	v19 =	vld [tilespmem:$0x70];
	_ =	sdelay $0x4  }
0x6c8: {  	v20 =	vshll.u32 v19, $0x1  }
0x6c9: {  	v19 =	vand.u32 $0x7, v19;
	v20 =	vand.u32 $0xFFFFFFF0, v20  }
0x6ca: {  	v19 =	vor.u32 v19, v20  }
0x6cb: {  	v20 =	vperm.xlane v19, v3;
	_ =	sdelay $0x1  }
0x6cc: {  	v26 =	vperm.xlane v19, v2;
	v20 =	vadd.s32 v4, v20;
	_ =	sdelay $0x1  }
0x6cd: {  	v27 =	vperm.xlane v19, v5;
	v21 =	vadd.s32 v4, v26;
	_ =	sdelay $0x1  }
0x6ce: {  	s10 =	simm.s32 $0x7400;
	v28 =	vperm.xlane v19, v6;
	v22 =	vadd.s32 v4, v27  }
0x6cf: {  	[tilespmem:s10], [sflag:$0x1] =	stream.indirect_vreg.gather [hbm4b:s6+s9], $0x80, v20, vm0, $0xb8;
	[tilespmem:$0x1FC00] =	vst v63  }
0x6d0: {  	s11 =	simm.s32 $0x7480;
	v29 =	vperm.xlane v19, v7;
	v20 =	vadd.s32 v4, v28  }
0x6d1: {  	[tilespmem:s11], [sflag:$0x1] =	stream.indirect_vreg.gather [hbm4b:s6+s9], $0x80, v21, vm0, $0xb8;
	[tilespmem:$0x1FC00] =	vst v63  }
0x6d2: {  	s12 =	simm.s32 $0x7500;
	v31 =	vperm.xlane v19, v8;
	v30 =	vadd.s32 v4, v29  }
0x6d3: {  	[tilespmem:s12], [sflag:$0x1] =	stream.indirect_vreg.gather [hbm4b:s6+s9], $0x80, v22, vm0, $0xb8;
	[tilespmem:$0x1FC00] =	vst v63  }
0x6d4: {  	s13 =	simm.s32 $0x7580;
	v33 =	vperm.xlane v19, v9;
	v32 =	vadd.s32 v4, v31  }
0x6d5: {  	[tilespmem:s13], [sflag:$0x1] =	stream.indirect_vreg.gather [hbm4b:s6+s9], $0x80, v20, vm0, $0xb8;
	[tilespmem:$0x1FC00] =	vst v63  }
0x6d6: {  	s14 =	simm.s32 $0x7600;
	v34 =	vperm.xlane v19, v1;
	v20 =	vadd.s32 v4, v33  }
0x6d7: {  	[tilespmem:s14], [sflag:$0x1] =	stream.indirect_vreg.gather [hbm4b:s6+s9], $0x80, v30, vm0, $0xb8;
	[tilespmem:$0x1FC00] =	vst v63  }
0x6d8: {  	s15 =	simm.s32 $0x7680;
	v36 =	vperm.xlane v19, v10;
	v35 =	vadd.s32 v4, v34  }
0x6d9: {  	[tilespmem:s15], [sflag:$0x1] =	stream.indirect_vreg.gather [hbm4b:s6+s9], $0x80, v32, vm0, $0xb8;
	[tilespmem:$0x1FC00] =	vst v63  }
0x6da: {  	s16 =	simm.s32 $0x7700;
	v38 =	vperm.xlane v19, v11;
	v37 =	vadd.s32 v4, v36  }
0x6db: {  	[tilespmem:s16], [sflag:$0x1] =	stream.indirect_vreg.gather [hbm4b:s6+s9], $0x80, v20, vm0, $0xb8;
	[tilespmem:$0x1FC00] =	vst v63  }
0x6dc: {  	s17 =	simm.s32 $0x7780;
	v39 =	vperm.xlane v19, v12;
	v20 =	vadd.s32 v4, v38  }
0x6dd: {  	[tilespmem:s17], [sflag:$0x1] =	stream.indirect_vreg.gather [hbm4b:s6+s9], $0x80, v35, vm0, $0xb8;
	[tilespmem:$0x1FC00] =	vst v63  }
0x6de: {  	s18 =	simm.s32 $0x7800;
	v41 =	vperm.xlane v19, v13;
	v40 =	vadd.s32 v4, v39  }
0x6df: {  	[tilespmem:s18], [sflag:$0x1] =	stream.indirect_vreg.gather [hbm4b:s6+s9], $0x80, v37, vm0, $0xb8;
	[tilespmem:$0x1FC00] =	vst v63  }
0x6e0: {  	s19 =	simm.s32 $0x7880;
	v43 =	vperm.xlane v19, v14;
	v42 =	vadd.s32 v4, v41  }
0x6e1: {  	[tilespmem:s19], [sflag:$0x1] =	stream.indirect_vreg.gather [hbm4b:s6+s9], $0x80, v20, vm0, $0xb8;
	[tilespmem:$0x1FC00] =	vst v63  }
0x6e2: {  	s20 =	simm.s32 $0x7900;
	v44 =	vperm.xlane v19, v15;
	v20 =	vadd.s32 v4, v43  }
0x6e3: {  	[tilespmem:s20], [sflag:$0x1] =	stream.indirect_vreg.gather [hbm4b:s6+s9], $0x80, v40, vm0, $0xb8;
	[tilespmem:$0x1FC00] =	vst v63  }
0x6e4: {  	s21 =	simm.s32 $0x7980;
	v46 =	vperm.xlane v19, v16;
	v45 =	vadd.s32 v4, v44  }
0x6e5: {  	[tilespmem:s21], [sflag:$0x1] =	stream.indirect_vreg.gather [hbm4b:s6+s9], $0x80, v42, vm0, $0xb8;
	[tilespmem:$0x1FC00] =	vst v63  }
0x6e6: {  	s22 =	simm.s32 $0x7A00;
	v19 =	vperm.xlane v19, v17;
	v47 =	vadd.s32 v4, v46  }
0x6e7: {  	[tilespmem:s22], [sflag:$0x1] =	stream.indirect_vreg.gather [hbm4b:s6+s9], $0x80, v20, vm0, $0xb8;
	[tilespmem:$0x1FC00] =	vst v63  }
0x6e8: {  	s23 =	simm.s32 $0x7A80;
	v19 =	vadd.s32 v4, v19  }
0x6e9: {  	[tilespmem:s23], [sflag:$0x1] =	stream.indirect_vreg.gather [hbm4b:s6+s9], $0x80, v45, vm0, $0xb8;
	[tilespmem:$0x1FC00] =	vst v63  }
0x6ea: {  	s24 =	simm.s32 $0x7B00  }
0x6eb: {  	[tilespmem:s24], [sflag:$0x1] =	stream.indirect_vreg.gather [hbm4b:s6+s9], $0x80, v47, vm0, $0xb8;
	[tilespmem:$0x1FC00] =	vst v63  }
0x6ec: {  	s25 =	simm.s32 $0x7B80  }
0x6ed: {  	[tilespmem:s25], [sflag:$0x1] =	stream.indirect_vreg.gather [hbm4b:s6+s9], $0x80, v19, vm0, $0xb8;
	[tilespmem:$0x1FC00] =	vst v63  }
0x6ee: {  	v19 =	vld [tilespmem:$0x80];
	_ =	sdelay $0x4  }
0x6ef: {  	v20 =	vshll.u32 v19, $0x1  }
0x6f0: {  	v19 =	vand.u32 $0x7, v19;
	v20 =	vand.u32 $0xFFFFFFF0, v20  }
0x6f1: {  	v19 =	vor.u32 v19, v20  }
0x6f2: {  	v20 =	vperm.xlane v19, v3;
	_ =	sdelay $0x1  }
0x6f3: {  	v48 =	vperm.xlane v19, v2;
	v20 =	vadd.s32 v4, v20;
	_ =	sdelay $0x1  }
0x6f4: {  	v49 =	vperm.xlane v19, v5;
	v21 =	vadd.s32 v4, v48;
	_ =	sdelay $0x1  }
0x6f5: {  	v50 =	vperm.xlane v19, v6;
	v22 =	vadd.s32 v4, v49  }
0x6f6: {  	[tilespmem:s26], [sflag:$0x2] =	stream.indirect_vreg.gather [hbm4b:s6+s9], $0x80, v20, vm0, $0xb8;
	[tilespmem:$0x1FC00] =	vst v63  }
0x6f7: {  	s1 =	simm.s32 $0x7C80;
	v51 =	vperm.xlane v19, v7;
	v20 =	vadd.s32 v4, v50  }
0x6f8: {  	[tilespmem:s1], [sflag:$0x2] =	stream.indirect_vreg.gather [hbm4b:s6+s9], $0x80, v21, vm0, $0xb8;
	[tilespmem:$0x1FC00] =	vst v63  }
0x6f9: {  	s8 =	simm.s32 $0x7D00;
	v53 =	vperm.xlane v19, v8;
	v52 =	vadd.s32 v4, v51  }
0x6fa: {  	[tilespmem:s8], [sflag:$0x2] =	stream.indirect_vreg.gather [hbm4b:s6+s9], $0x80, v22, vm0, $0xb8;
	[tilespmem:$0x1FC00] =	vst v63  }
0x6fb: {  	s10 =	simm.s32 $0x7D80;
	v55 =	vperm.xlane v19, v9;
	v54 =	vadd.s32 v4, v53  }
0x6fc: {  	[tilespmem:s10], [sflag:$0x2] =	stream.indirect_vreg.gather [hbm4b:s6+s9], $0x80, v20, vm0, $0xb8;
	[tilespmem:$0x1FC00] =	vst v63  }
0x6fd: {  	s11 =	simm.s32 $0x7E00;
	v56 =	vperm.xlane v19, v1;
	v20 =	vadd.s32 v4, v55  }
0x6fe: {  	[tilespmem:s11], [sflag:$0x2] =	stream.indirect_vreg.gather [hbm4b:s6+s9], $0x80, v52, vm0, $0xb8;
	[tilespmem:$0x1FC00] =	vst v63  }
0x6ff: {  	s12 =	simm.s32 $0x7E80;
	v58 =	vperm.xlane v19, v10;
	v57 =	vadd.s32 v4, v56  }
0x700: {  	[tilespmem:s12], [sflag:$0x2] =	stream.indirect_vreg.gather [hbm4b:s6+s9], $0x80, v54, vm0, $0xb8;
	[tilespmem:$0x1FC00] =	vst v63  }
0x701: {  	s13 =	simm.s32 $0x7F00;
	v60 =	vperm.xlane v19, v11;
	v59 =	vadd.s32 v4, v58  }
0x702: {  	[tilespmem:s13], [sflag:$0x2] =	stream.indirect_vreg.gather [hbm4b:s6+s9], $0x80, v20, vm0, $0xb8;
	[tilespmem:$0x1FC00] =	vst v63  }
0x703: {  	s14 =	simm.s32 $0x7F80;
	v61 =	vperm.xlane v19, v12;
	v20 =	vadd.s32 v4, v60  }
0x704: {  	[tilespmem:s14], [sflag:$0x2] =	stream.indirect_vreg.gather [hbm4b:s6+s9], $0x80, v57, vm0, $0xb8;
	[tilespmem:$0x1FC00] =	vst v63  }
0x705: {  	s15 =	simm.s32 $0x8000;
	v63 =	vperm.xlane v19, v13;
	v62 =	vadd.s32 v4, v61  }
0x706: {  	[tilespmem:s15], [sflag:$0x2] =	stream.indirect_vreg.gather [hbm4b:s6+s9], $0x80, v59, vm0, $0xb8;
	[tilespmem:$0x1FC00] =	vst v63  }
0x707: {  	s16 =	simm.s32 $0x8080;
	v25 =	vperm.xlane v19, v14;
	v24 =	vadd.s32 v4, v63  }
0x708: {  	[tilespmem:s16], [sflag:$0x2] =	stream.indirect_vreg.gather [hbm4b:s6+s9], $0x80, v20, vm0, $0xb8;
	[tilespmem:$0x1FC00] =	vst v63  }
0x709: {  	s17 =	simm.s32 $0x8100;
	v26 =	vperm.xlane v19, v15;
	v20 =	vadd.s32 v4, v25  }
0x70a: {  	[tilespmem:s17], [sflag:$0x2] =	stream.indirect_vreg.gather [hbm4b:s6+s9], $0x80, v62, vm0, $0xb8;
	[tilespmem:$0x1FC00] =	vst v63  }
0x70b: {  	s18 =	simm.s32 $0x8180;
	v28 =	vperm.xlane v19, v16;
	v27 =	vadd.s32 v4, v26  }
0x70c: {  	[tilespmem:s18], [sflag:$0x2] =	stream.indirect_vreg.gather [hbm4b:s6+s9], $0x80, v24, vm0, $0xb8;
	[tilespmem:$0x1FC00] =	vst v63  }
0x70d: {  	s19 =	simm.s32 $0x8200;
	v19 =	vperm.xlane v19, v17;
	v29 =	vadd.s32 v4, v28  }
0x70e: {  	[tilespmem:s19], [sflag:$0x2] =	stream.indirect_vreg.gather [hbm4b:s6+s9], $0x80, v20, vm0, $0xb8;
	[tilespmem:$0x1FC00] =	vst v63  }
0x70f: {  	s20 =	simm.s32 $0x8280;
	v19 =	vadd.s32 v4, v19  }
0x710: {  	[tilespmem:s20], [sflag:$0x2] =	stream.indirect_vreg.gather [hbm4b:s6+s9], $0x80, v27, vm0, $0xb8;
	[tilespmem:$0x1FC00] =	vst v63  }
0x711: {  	s21 =	simm.s32 $0x8300  }
0x712: {  	[tilespmem:s21], [sflag:$0x2] =	stream.indirect_vreg.gather [hbm4b:s6+s9], $0x80, v29, vm0, $0xb8;
	[tilespmem:$0x1FC00] =	vst v63  }
0x713: {  	s22 =	simm.s32 $0x8380  }
0x714: {  	[tilespmem:s22], [sflag:$0x2] =	stream.indirect_vreg.gather [hbm4b:s6+s9], $0x80, v19, vm0, $0xb8;
	[tilespmem:$0x1FC00] =	vst v63  }
0x715: {  	v19 =	vld [tilespmem:$0x90];
	_ =	sdelay $0x4  }
0x716: {  	v20 =	vshll.u32 v19, $0x1  }
0x717: {  	v19 =	vand.u32 $0x7, v19;
	v20 =	vand.u32 $0xFFFFFFF0, v20  }
0x718: {  	v19 =	vor.u32 v19, v20  }
0x719: {  	v20 =	vperm.xlane v19, v3;
	_ =	sdelay $0x1  }
0x71a: {  	v30 =	vperm.xlane v19, v2;
	v20 =	vadd.s32 v4, v20;
	_ =	sdelay $0x1  }
0x71b: {  	v31 =	vperm.xlane v19, v5;
	v21 =	vadd.s32 v4, v30;
	_ =	sdelay $0x1  }
0x71c: {  	s23 =	simm.s32 $0x8400;
	v32 =	vperm.xlane v19, v6;
	v22 =	vadd.s32 v4, v31  }
0x71d: {  	[tilespmem:s23], [sflag:$0x2] =	stream.indirect_vreg.gather [hbm4b:s6+s9], $0x80, v20, vm0, $0xb8;
	[tilespmem:$0x1FC00] =	vst v63  }
0x71e: {  	s24 =	simm.s32 $0x8480;
	v33 =	vperm.xlane v19, v7;
	v20 =	vadd.s32 v4, v32  }
0x71f: {  	[tilespmem:s24], [sflag:$0x2] =	stream.indirect_vreg.gather [hbm4b:s6+s9], $0x80, v21, vm0, $0xb8;
	[tilespmem:$0x1FC00] =	vst v63  }
0x720: {  	s25 =	simm.s32 $0x8500;
	v35 =	vperm.xlane v19, v8;
	v34 =	vadd.s32 v4, v33  }
0x721: {  	[tilespmem:s25], [sflag:$0x2] =	stream.indirect_vreg.gather [hbm4b:s6+s9], $0x80, v22, vm0, $0xb8;
	[tilespmem:$0x1FC00] =	vst v63  }
0x722: {  	s1 =	simm.s32 $0x8580;
	v37 =	vperm.xlane v19, v9;
	v36 =	vadd.s32 v4, v35  }
0x723: {  	[tilespmem:s1], [sflag:$0x2] =	stream.indirect_vreg.gather [hbm4b:s6+s9], $0x80, v20, vm0, $0xb8;
	[tilespmem:$0x1FC00] =	vst v63  }
0x724: {  	s8 =	simm.s32 $0x8600;
	v38 =	vperm.xlane v19, v1;
	v20 =	vadd.s32 v4, v37  }
0x725: {  	[tilespmem:s8], [sflag:$0x2] =	stream.indirect_vreg.gather [hbm4b:s6+s9], $0x80, v34, vm0, $0xb8;
	[tilespmem:$0x1FC00] =	vst v63  }
0x726: {  	s10 =	simm.s32 $0x8680;
	v40 =	vperm.xlane v19, v10;
	v39 =	vadd.s32 v4, v38  }
0x727: {  	[tilespmem:s10], [sflag:$0x2] =	stream.indirect_vreg.gather [hbm4b:s6+s9], $0x80, v36, vm0, $0xb8;
	[tilespmem:$0x1FC00] =	vst v63  }
0x728: {  	s11 =	simm.s32 $0x8700;
	v42 =	vperm.xlane v19, v11;
	v41 =	vadd.s32 v4, v40  }
0x729: {  	[tilespmem:s11], [sflag:$0x2] =	stream.indirect_vreg.gather [hbm4b:s6+s9], $0x80, v20, vm0, $0xb8;
	[tilespmem:$0x1FC00] =	vst v63  }
0x72a: {  	s12 =	simm.s32 $0x8780;
	v43 =	vperm.xlane v19, v12;
	v20 =	vadd.s32 v4, v42  }
0x72b: {  	[tilespmem:s12], [sflag:$0x2] =	stream.indirect_vreg.gather [hbm4b:s6+s9], $0x80, v39, vm0, $0xb8;
	[tilespmem:$0x1FC00] =	vst v63  }
0x72c: {  	s13 =	simm.s32 $0x8800;
	v45 =	vperm.xlane v19, v13;
	v44 =	vadd.s32 v4, v43  }
0x72d: {  	[tilespmem:s13], [sflag:$0x2] =	stream.indirect_vreg.gather [hbm4b:s6+s9], $0x80, v41, vm0, $0xb8;
	[tilespmem:$0x1FC00] =	vst v63  }
0x72e: {  	s14 =	simm.s32 $0x8880;
	v47 =	vperm.xlane v19, v14;
	v46 =	vadd.s32 v4, v45  }
0x72f: {  	[tilespmem:s14], [sflag:$0x2] =	stream.indirect_vreg.gather [hbm4b:s6+s9], $0x80, v20, vm0, $0xb8;
	[tilespmem:$0x1FC00] =	vst v63  }
0x730: {  	s15 =	simm.s32 $0x8900;
	v48 =	vperm.xlane v19, v15;
	v20 =	vadd.s32 v4, v47  }
0x731: {  	[tilespmem:s15], [sflag:$0x2] =	stream.indirect_vreg.gather [hbm4b:s6+s9], $0x80, v44, vm0, $0xb8;
	[tilespmem:$0x1FC00] =	vst v63  }
0x732: {  	s16 =	simm.s32 $0x8980;
	v50 =	vperm.xlane v19, v16;
	v49 =	vadd.s32 v4, v48  }
0x733: {  	[tilespmem:s16], [sflag:$0x2] =	stream.indirect_vreg.gather [hbm4b:s6+s9], $0x80, v46, vm0, $0xb8;
	[tilespmem:$0x1FC00] =	vst v63  }
0x734: {  	s17 =	simm.s32 $0x8A00;
	v19 =	vperm.xlane v19, v17;
	v51 =	vadd.s32 v4, v50  }
0x735: {  	[tilespmem:s17], [sflag:$0x2] =	stream.indirect_vreg.gather [hbm4b:s6+s9], $0x80, v20, vm0, $0xb8;
	[tilespmem:$0x1FC00] =	vst v63  }
0x736: {  	s18 =	simm.s32 $0x8A80;
	v19 =	vadd.s32 v4, v19  }
0x737: {  	[tilespmem:s18], [sflag:$0x2] =	stream.indirect_vreg.gather [hbm4b:s6+s9], $0x80, v49, vm0, $0xb8;
	[tilespmem:$0x1FC00] =	vst v63  }
0x738: {  	s19 =	simm.s32 $0x8B00  }
0x739: {  	[tilespmem:s19], [sflag:$0x2] =	stream.indirect_vreg.gather [hbm4b:s6+s9], $0x80, v51, vm0, $0xb8;
	[tilespmem:$0x1FC00] =	vst v63  }
0x73a: {  	s20 =	simm.s32 $0x8B80  }
0x73b: {  	[tilespmem:s20], [sflag:$0x2] =	stream.indirect_vreg.gather [hbm4b:s6+s9], $0x80, v19, vm0, $0xb8;
	[tilespmem:$0x1FC00] =	vst v63  }
0x73c: {  	v19 =	vld [tilespmem:$0xA0];
	_ =	sdelay $0x4  }
0x73d: {  	v20 =	vshll.u32 v19, $0x1  }
0x73e: {  	v19 =	vand.u32 $0x7, v19;
	v20 =	vand.u32 $0xFFFFFFF0, v20  }
0x73f: {  	v19 =	vor.u32 v19, v20  }
0x740: {  	v20 =	vperm.xlane v19, v3;
	_ =	sdelay $0x1  }
0x741: {  	v52 =	vperm.xlane v19, v2;
	v20 =	vadd.s32 v4, v20;
	_ =	sdelay $0x1  }
0x742: {  	v53 =	vperm.xlane v19, v5;
	v21 =	vadd.s32 v4, v52;
	_ =	sdelay $0x1  }
0x743: {  	s21 =	simm.s32 $0x8C00;
	v54 =	vperm.xlane v19, v6;
	v22 =	vadd.s32 v4, v53  }
0x744: {  	[tilespmem:s21], [sflag:$0x2] =	stream.indirect_vreg.gather [hbm4b:s6+s9], $0x80, v20, vm0, $0xb8;
	[tilespmem:$0x1FC00] =	vst v63  }
0x745: {  	s22 =	simm.s32 $0x8C80;
	v55 =	vperm.xlane v19, v7;
	v20 =	vadd.s32 v4, v54  }
0x746: {  	[tilespmem:s22], [sflag:$0x2] =	stream.indirect_vreg.gather [hbm4b:s6+s9], $0x80, v21, vm0, $0xb8;
	[tilespmem:$0x1FC00] =	vst v63  }
0x747: {  	s23 =	simm.s32 $0x8D00;
	v57 =	vperm.xlane v19, v8;
	v56 =	vadd.s32 v4, v55  }
0x748: {  	[tilespmem:s23], [sflag:$0x2] =	stream.indirect_vreg.gather [hbm4b:s6+s9], $0x80, v22, vm0, $0xb8;
	[tilespmem:$0x1FC00] =	vst v63  }
0x749: {  	s24 =	simm.s32 $0x8D80;
	v59 =	vperm.xlane v19, v9;
	v58 =	vadd.s32 v4, v57  }
0x74a: {  	[tilespmem:s24], [sflag:$0x2] =	stream.indirect_vreg.gather [hbm4b:s6+s9], $0x80, v20, vm0, $0xb8;
	[tilespmem:$0x1FC00] =	vst v63  }
0x74b: {  	s25 =	simm.s32 $0x8E00;
	v60 =	vperm.xlane v19, v1;
	v20 =	vadd.s32 v4, v59  }
0x74c: {  	[tilespmem:s25], [sflag:$0x2] =	stream.indirect_vreg.gather [hbm4b:s6+s9], $0x80, v56, vm0, $0xb8;
	[tilespmem:$0x1FC00] =	vst v63  }
0x74d: {  	s1 =	simm.s32 $0x8E80;
	v62 =	vperm.xlane v19, v10;
	v61 =	vadd.s32 v4, v60  }
0x74e: {  	[tilespmem:s1], [sflag:$0x2] =	stream.indirect_vreg.gather [hbm4b:s6+s9], $0x80, v58, vm0, $0xb8;
	[tilespmem:$0x1FC00] =	vst v63  }
0x74f: {  	s8 =	simm.s32 $0x8F00;
	v24 =	vperm.xlane v19, v11;
	v63 =	vadd.s32 v4, v62  }
0x750: {  	[tilespmem:s8], [sflag:$0x2] =	stream.indirect_vreg.gather [hbm4b:s6+s9], $0x80, v20, vm0, $0xb8;
	[tilespmem:$0x1FC00] =	vst v63  }
0x751: {  	s10 =	simm.s32 $0x8F80;
	v25 =	vperm.xlane v19, v12;
	v20 =	vadd.s32 v4, v24  }
0x752: {  	[tilespmem:s10], [sflag:$0x2] =	stream.indirect_vreg.gather [hbm4b:s6+s9], $0x80, v61, vm0, $0xb8;
	[tilespmem:$0x1FC00] =	vst v63  }
0x753: {  	s11 =	simm.s32 $0x9000;
	v27 =	vperm.xlane v19, v13;
	v26 =	vadd.s32 v4, v25  }
0x754: {  	[tilespmem:s11], [sflag:$0x2] =	stream.indirect_vreg.gather [hbm4b:s6+s9], $0x80, v63, vm0, $0xb8;
	[tilespmem:$0x1FC00] =	vst v63  }
0x755: {  	s12 =	simm.s32 $0x9080;
	v29 =	vperm.xlane v19, v14;
	v28 =	vadd.s32 v4, v27  }
0x756: {  	[tilespmem:s12], [sflag:$0x2] =	stream.indirect_vreg.gather [hbm4b:s6+s9], $0x80, v20, vm0, $0xb8;
	[tilespmem:$0x1FC00] =	vst v63  }
0x757: {  	s13 =	simm.s32 $0x9100;
	v30 =	vperm.xlane v19, v15;
	v20 =	vadd.s32 v4, v29  }
0x758: {  	[tilespmem:s13], [sflag:$0x2] =	stream.indirect_vreg.gather [hbm4b:s6+s9], $0x80, v26, vm0, $0xb8;
	[tilespmem:$0x1FC00] =	vst v63  }
0x759: {  	s14 =	simm.s32 $0x9180;
	v32 =	vperm.xlane v19, v16;
	v31 =	vadd.s32 v4, v30  }
0x75a: {  	[tilespmem:s14], [sflag:$0x2] =	stream.indirect_vreg.gather [hbm4b:s6+s9], $0x80, v28, vm0, $0xb8;
	[tilespmem:$0x1FC00] =	vst v63  }
0x75b: {  	s15 =	simm.s32 $0x9200;
	v19 =	vperm.xlane v19, v17;
	v33 =	vadd.s32 v4, v32  }
0x75c: {  	[tilespmem:s15], [sflag:$0x2] =	stream.indirect_vreg.gather [hbm4b:s6+s9], $0x80, v20, vm0, $0xb8;
	[tilespmem:$0x1FC00] =	vst v63  }
0x75d: {  	s16 =	simm.s32 $0x9280;
	v19 =	vadd.s32 v4, v19  }
0x75e: {  	[tilespmem:s16], [sflag:$0x2] =	stream.indirect_vreg.gather [hbm4b:s6+s9], $0x80, v31, vm0, $0xb8;
	[tilespmem:$0x1FC00] =	vst v63  }
0x75f: {  	s17 =	simm.s32 $0x9300  }
0x760: {  	[tilespmem:s17], [sflag:$0x2] =	stream.indirect_vreg.gather [hbm4b:s6+s9], $0x80, v33, vm0, $0xb8;
	[tilespmem:$0x1FC00] =	vst v63  }
0x761: {  	s18 =	simm.s32 $0x9380  }
0x762: {  	[tilespmem:s18], [sflag:$0x2] =	stream.indirect_vreg.gather [hbm4b:s6+s9], $0x80, v19, vm0, $0xb8;
	[tilespmem:$0x1FC00] =	vst v63  }
0x763: {  	v19 =	vld [tilespmem:$0xB0];
	_ =	sdelay $0x4  }
0x764: {  	v20 =	vshll.u32 v19, $0x1  }
0x765: {  	v19 =	vand.u32 $0x7, v19;
	v20 =	vand.u32 $0xFFFFFFF0, v20  }
0x766: {  	v19 =	vor.u32 v19, v20  }
0x767: {  	v20 =	vperm.xlane v19, v3;
	_ =	sdelay $0x1  }
0x768: {  	v34 =	vperm.xlane v19, v2;
	v20 =	vadd.s32 v4, v20;
	_ =	sdelay $0x1  }
0x769: {  	v35 =	vperm.xlane v19, v5;
	v21 =	vadd.s32 v4, v34;
	_ =	sdelay $0x1  }
0x76a: {  	s19 =	simm.s32 $0x9400;
	v36 =	vperm.xlane v19, v6;
	v22 =	vadd.s32 v4, v35  }
0x76b: {  	[tilespmem:s19], [sflag:$0x2] =	stream.indirect_vreg.gather [hbm4b:s6+s9], $0x80, v20, vm0, $0xb8;
	[tilespmem:$0x1FC00] =	vst v63  }
0x76c: {  	s20 =	simm.s32 $0x9480;
	v37 =	vperm.xlane v19, v7;
	v20 =	vadd.s32 v4, v36  }
0x76d: {  	[tilespmem:s20], [sflag:$0x2] =	stream.indirect_vreg.gather [hbm4b:s6+s9], $0x80, v21, vm0, $0xb8;
	[tilespmem:$0x1FC00] =	vst v63  }
0x76e: {  	s21 =	simm.s32 $0x9500;
	v39 =	vperm.xlane v19, v8;
	v38 =	vadd.s32 v4, v37  }
0x76f: {  	[tilespmem:s21], [sflag:$0x2] =	stream.indirect_vreg.gather [hbm4b:s6+s9], $0x80, v22, vm0, $0xb8;
	[tilespmem:$0x1FC00] =	vst v63  }
0x770: {  	s22 =	simm.s32 $0x9580;
	v41 =	vperm.xlane v19, v9;
	v40 =	vadd.s32 v4, v39  }
0x771: {  	[tilespmem:s22], [sflag:$0x2] =	stream.indirect_vreg.gather [hbm4b:s6+s9], $0x80, v20, vm0, $0xb8;
	[tilespmem:$0x1FC00] =	vst v63  }
0x772: {  	s23 =	simm.s32 $0x9600;
	v42 =	vperm.xlane v19, v1;
	v20 =	vadd.s32 v4, v41  }
0x773: {  	[tilespmem:s23], [sflag:$0x2] =	stream.indirect_vreg.gather [hbm4b:s6+s9], $0x80, v38, vm0, $0xb8;
	[tilespmem:$0x1FC00] =	vst v63  }
0x774: {  	s24 =	simm.s32 $0x9680;
	v44 =	vperm.xlane v19, v10;
	v43 =	vadd.s32 v4, v42  }
0x775: {  	[tilespmem:s24], [sflag:$0x2] =	stream.indirect_vreg.gather [hbm4b:s6+s9], $0x80, v40, vm0, $0xb8;
	[tilespmem:$0x1FC00] =	vst v63  }
0x776: {  	s25 =	simm.s32 $0x9700;
	v46 =	vperm.xlane v19, v11;
	v45 =	vadd.s32 v4, v44  }
0x777: {  	[tilespmem:s25], [sflag:$0x2] =	stream.indirect_vreg.gather [hbm4b:s6+s9], $0x80, v20, vm0, $0xb8;
	[tilespmem:$0x1FC00] =	vst v63  }
0x778: {  	s1 =	simm.s32 $0x9780;
	v47 =	vperm.xlane v19, v12;
	v20 =	vadd.s32 v4, v46  }
0x779: {  	[tilespmem:s1], [sflag:$0x2] =	stream.indirect_vreg.gather [hbm4b:s6+s9], $0x80, v43, vm0, $0xb8;
	[tilespmem:$0x1FC00] =	vst v63  }
0x77a: {  	s8 =	simm.s32 $0x9800;
	v49 =	vperm.xlane v19, v13;
	v48 =	vadd.s32 v4, v47  }
0x77b: {  	[tilespmem:s8], [sflag:$0x2] =	stream.indirect_vreg.gather [hbm4b:s6+s9], $0x80, v45, vm0, $0xb8;
	[tilespmem:$0x1FC00] =	vst v63  }
0x77c: {  	s10 =	simm.s32 $0x9880;
	v51 =	vperm.xlane v19, v14;
	v50 =	vadd.s32 v4, v49  }
0x77d: {  	[tilespmem:s10], [sflag:$0x2] =	stream.indirect_vreg.gather [hbm4b:s6+s9], $0x80, v20, vm0, $0xb8;
	[tilespmem:$0x1FC00] =	vst v63  }
0x77e: {  	s11 =	simm.s32 $0x9900;
	v52 =	vperm.xlane v19, v15;
	v20 =	vadd.s32 v4, v51  }
0x77f: {  	[tilespmem:s11], [sflag:$0x2] =	stream.indirect_vreg.gather [hbm4b:s6+s9], $0x80, v48, vm0, $0xb8;
	[tilespmem:$0x1FC00] =	vst v63  }
0x780: {  	s12 =	simm.s32 $0x9980;
	v54 =	vperm.xlane v19, v16;
	v53 =	vadd.s32 v4, v52  }
0x781: {  	[tilespmem:s12], [sflag:$0x2] =	stream.indirect_vreg.gather [hbm4b:s6+s9], $0x80, v50, vm0, $0xb8;
	[tilespmem:$0x1FC00] =	vst v63  }
0x782: {  	s13 =	simm.s32 $0x9A00;
	v19 =	vperm.xlane v19, v17;
	v55 =	vadd.s32 v4, v54  }
0x783: {  	[tilespmem:s13], [sflag:$0x2] =	stream.indirect_vreg.gather [hbm4b:s6+s9], $0x80, v20, vm0, $0xb8;
	[tilespmem:$0x1FC00] =	vst v63  }
0x784: {  	s14 =	simm.s32 $0x9A80;
	v19 =	vadd.s32 v4, v19  }
0x785: {  	[tilespmem:s14], [sflag:$0x2] =	stream.indirect_vreg.gather [hbm4b:s6+s9], $0x80, v53, vm0, $0xb8;
	[tilespmem:$0x1FC00] =	vst v63  }
0x786: {  	s15 =	simm.s32 $0x9B00  }
0x787: {  	[tilespmem:s15], [sflag:$0x2] =	stream.indirect_vreg.gather [hbm4b:s6+s9], $0x80, v55, vm0, $0xb8;
	[tilespmem:$0x1FC00] =	vst v63  }
0x788: {  	s16 =	simm.s32 $0x9B80  }
0x789: {  	[tilespmem:s16], [sflag:$0x2] =	stream.indirect_vreg.gather [hbm4b:s6+s9], $0x80, v19, vm0, $0xb8;
	[tilespmem:$0x1FC00] =	vst v63  }
0x78a: {  	v19 =	vld [tilespmem:$0xC0];
	_ =	sdelay $0x4  }
0x78b: {  	v20 =	vshll.u32 v19, $0x1  }
0x78c: {  	v19 =	vand.u32 $0x7, v19;
	v20 =	vand.u32 $0xFFFFFFF0, v20  }
0x78d: {  	v19 =	vor.u32 v19, v20  }
0x78e: {  	v20 =	vperm.xlane v19, v3;
	_ =	sdelay $0x1  }
0x78f: {  	v56 =	vperm.xlane v19, v2;
	v20 =	vadd.s32 v4, v20;
	_ =	sdelay $0x1  }
0x790: {  	v57 =	vperm.xlane v19, v5;
	v21 =	vadd.s32 v4, v56;
	_ =	sdelay $0x1  }
0x791: {  	s17 =	simm.s32 $0x9C00;
	v58 =	vperm.xlane v19, v6;
	v22 =	vadd.s32 v4, v57  }
0x792: {  	[tilespmem:s17], [sflag:$0x2] =	stream.indirect_vreg.gather [hbm4b:s6+s9], $0x80, v20, vm0, $0xb8;
	[tilespmem:$0x1FC00] =	vst v63  }
0x793: {  	s18 =	simm.s32 $0x9C80;
	v59 =	vperm.xlane v19, v7;
	v20 =	vadd.s32 v4, v58  }
0x794: {  	[tilespmem:s18], [sflag:$0x2] =	stream.indirect_vreg.gather [hbm4b:s6+s9], $0x80, v21, vm0, $0xb8;
	[tilespmem:$0x1FC00] =	vst v63  }
0x795: {  	s19 =	simm.s32 $0x9D00;
	v61 =	vperm.xlane v19, v8;
	v60 =	vadd.s32 v4, v59  }
0x796: {  	[tilespmem:s19], [sflag:$0x2] =	stream.indirect_vreg.gather [hbm4b:s6+s9], $0x80, v22, vm0, $0xb8;
	[tilespmem:$0x1FC00] =	vst v63  }
0x797: {  	s20 =	simm.s32 $0x9D80;
	v63 =	vperm.xlane v19, v9;
	v62 =	vadd.s32 v4, v61  }
0x798: {  	[tilespmem:s20], [sflag:$0x2] =	stream.indirect_vreg.gather [hbm4b:s6+s9], $0x80, v20, vm0, $0xb8;
	[tilespmem:$0x1FC00] =	vst v63  }
0x799: {  	s21 =	simm.s32 $0x9E00;
	v24 =	vperm.xlane v19, v1;
	v20 =	vadd.s32 v4, v63  }
0x79a: {  	[tilespmem:s21], [sflag:$0x2] =	stream.indirect_vreg.gather [hbm4b:s6+s9], $0x80, v60, vm0, $0xb8;
	[tilespmem:$0x1FC00] =	vst v63  }
0x79b: {  	s22 =	simm.s32 $0x9E80;
	v26 =	vperm.xlane v19, v10;
	v25 =	vadd.s32 v4, v24  }
0x79c: {  	[tilespmem:s22], [sflag:$0x2] =	stream.indirect_vreg.gather [hbm4b:s6+s9], $0x80, v62, vm0, $0xb8;
	[tilespmem:$0x1FC00] =	vst v63  }
0x79d: {  	s23 =	simm.s32 $0x9F00;
	v28 =	vperm.xlane v19, v11;
	v27 =	vadd.s32 v4, v26  }
0x79e: {  	[tilespmem:s23], [sflag:$0x2] =	stream.indirect_vreg.gather [hbm4b:s6+s9], $0x80, v20, vm0, $0xb8;
	[tilespmem:$0x1FC00] =	vst v63  }
0x79f: {  	s24 =	simm.s32 $0x9F80;
	v29 =	vperm.xlane v19, v12;
	v20 =	vadd.s32 v4, v28  }
0x7a0: {  	[tilespmem:s24], [sflag:$0x2] =	stream.indirect_vreg.gather [hbm4b:s6+s9], $0x80, v25, vm0, $0xb8;
	[tilespmem:$0x1FC00] =	vst v63  }
0x7a1: {  	s25 =	simm.s32 $0xA000;
	v31 =	vperm.xlane v19, v13;
	v30 =	vadd.s32 v4, v29  }
0x7a2: {  	[tilespmem:s25], [sflag:$0x2] =	stream.indirect_vreg.gather [hbm4b:s6+s9], $0x80, v27, vm0, $0xb8;
	[tilespmem:$0x1FC00] =	vst v63  }
0x7a3: {  	s1 =	simm.s32 $0xA080;
	v33 =	vperm.xlane v19, v14;
	v32 =	vadd.s32 v4, v31  }
0x7a4: {  	[tilespmem:s1], [sflag:$0x2] =	stream.indirect_vreg.gather [hbm4b:s6+s9], $0x80, v20, vm0, $0xb8;
	[tilespmem:$0x1FC00] =	vst v63  }
0x7a5: {  	s8 =	simm.s32 $0xA100;
	v34 =	vperm.xlane v19, v15;
	v20 =	vadd.s32 v4, v33  }
0x7a6: {  	[tilespmem:s8], [sflag:$0x2] =	stream.indirect_vreg.gather [hbm4b:s6+s9], $0x80, v30, vm0, $0xb8;
	[tilespmem:$0x1FC00] =	vst v63  }
0x7a7: {  	s10 =	simm.s32 $0xA180;
	v36 =	vperm.xlane v19, v16;
	v35 =	vadd.s32 v4, v34  }
0x7a8: {  	[tilespmem:s10], [sflag:$0x2] =	stream.indirect_vreg.gather [hbm4b:s6+s9], $0x80, v32, vm0, $0xb8;
	[tilespmem:$0x1FC00] =	vst v63  }
0x7a9: {  	s11 =	simm.s32 $0xA200;
	v19 =	vperm.xlane v19, v17;
	v37 =	vadd.s32 v4, v36  }
0x7aa: {  	[tilespmem:s11], [sflag:$0x2] =	stream.indirect_vreg.gather [hbm4b:s6+s9], $0x80, v20, vm0, $0xb8;
	[tilespmem:$0x1FC00] =	vst v63  }
0x7ab: {  	s12 =	simm.s32 $0xA280;
	v19 =	vadd.s32 v4, v19  }
0x7ac: {  	[tilespmem:s12], [sflag:$0x2] =	stream.indirect_vreg.gather [hbm4b:s6+s9], $0x80, v35, vm0, $0xb8;
	[tilespmem:$0x1FC00] =	vst v63  }
0x7ad: {  	s13 =	simm.s32 $0xA300  }
0x7ae: {  	[tilespmem:s13], [sflag:$0x2] =	stream.indirect_vreg.gather [hbm4b:s6+s9], $0x80, v37, vm0, $0xb8;
	[tilespmem:$0x1FC00] =	vst v63  }
0x7af: {  	s14 =	simm.s32 $0xA380  }
0x7b0: {  	[tilespmem:s14], [sflag:$0x2] =	stream.indirect_vreg.gather [hbm4b:s6+s9], $0x80, v19, vm0, $0xb8;
	[tilespmem:$0x1FC00] =	vst v63  }
0x7b1: {  	v19 =	vld [tilespmem:$0xD0];
	_ =	sdelay $0x4  }
0x7b2: {  	v20 =	vshll.u32 v19, $0x1  }
0x7b3: {  	v19 =	vand.u32 $0x7, v19;
	v20 =	vand.u32 $0xFFFFFFF0, v20  }
0x7b4: {  	v19 =	vor.u32 v19, v20  }
0x7b5: {  	v20 =	vperm.xlane v19, v3;
	_ =	sdelay $0x1  }
0x7b6: {  	v38 =	vperm.xlane v19, v2;
	v20 =	vadd.s32 v4, v20;
	_ =	sdelay $0x1  }
0x7b7: {  	v39 =	vperm.xlane v19, v5;
	v21 =	vadd.s32 v4, v38;
	_ =	sdelay $0x1  }
0x7b8: {  	s15 =	simm.s32 $0xA400;
	v40 =	vperm.xlane v19, v6;
	v22 =	vadd.s32 v4, v39  }
0x7b9: {  	[tilespmem:s15], [sflag:$0x2] =	stream.indirect_vreg.gather [hbm4b:s6+s9], $0x80, v20, vm0, $0xb8;
	[tilespmem:$0x1FC00] =	vst v63  }
0x7ba: {  	s16 =	simm.s32 $0xA480;
	v41 =	vperm.xlane v19, v7;
	v20 =	vadd.s32 v4, v40  }
0x7bb: {  	[tilespmem:s16], [sflag:$0x2] =	stream.indirect_vreg.gather [hbm4b:s6+s9], $0x80, v21, vm0, $0xb8;
	[tilespmem:$0x1FC00] =	vst v63  }
0x7bc: {  	s17 =	simm.s32 $0xA500;
	v43 =	vperm.xlane v19, v8;
	v42 =	vadd.s32 v4, v41  }
0x7bd: {  	[tilespmem:s17], [sflag:$0x2] =	stream.indirect_vreg.gather [hbm4b:s6+s9], $0x80, v22, vm0, $0xb8;
	[tilespmem:$0x1FC00] =	vst v63  }
0x7be: {  	s18 =	simm.s32 $0xA580;
	v45 =	vperm.xlane v19, v9;
	v44 =	vadd.s32 v4, v43  }
0x7bf: {  	[tilespmem:s18], [sflag:$0x2] =	stream.indirect_vreg.gather [hbm4b:s6+s9], $0x80, v20, vm0, $0xb8;
	[tilespmem:$0x1FC00] =	vst v63  }
0x7c0: {  	s19 =	simm.s32 $0xA600;
	v46 =	vperm.xlane v19, v1;
	v20 =	vadd.s32 v4, v45  }
0x7c1: {  	[tilespmem:s19], [sflag:$0x2] =	stream.indirect_vreg.gather [hbm4b:s6+s9], $0x80, v42, vm0, $0xb8;
	[tilespmem:$0x1FC00] =	vst v63  }
0x7c2: {  	s20 =	simm.s32 $0xA680;
	v48 =	vperm.xlane v19, v10;
	v47 =	vadd.s32 v4, v46  }
0x7c3: {  	[tilespmem:s20], [sflag:$0x2] =	stream.indirect_vreg.gather [hbm4b:s6+s9], $0x80, v44, vm0, $0xb8;
	[tilespmem:$0x1FC00] =	vst v63  }
0x7c4: {  	s21 =	simm.s32 $0xA700;
	v50 =	vperm.xlane v19, v11;
	v49 =	vadd.s32 v4, v48  }
0x7c5: {  	[tilespmem:s21], [sflag:$0x2] =	stream.indirect_vreg.gather [hbm4b:s6+s9], $0x80, v20, vm0, $0xb8;
	[tilespmem:$0x1FC00] =	vst v63  }
0x7c6: {  	s22 =	simm.s32 $0xA780;
	v51 =	vperm.xlane v19, v12;
	v20 =	vadd.s32 v4, v50  }
0x7c7: {  	[tilespmem:s22], [sflag:$0x2] =	stream.indirect_vreg.gather [hbm4b:s6+s9], $0x80, v47, vm0, $0xb8;
	[tilespmem:$0x1FC00] =	vst v63  }
0x7c8: {  	s23 =	simm.s32 $0xA800;
	v53 =	vperm.xlane v19, v13;
	v52 =	vadd.s32 v4, v51  }
0x7c9: {  	[tilespmem:s23], [sflag:$0x2] =	stream.indirect_vreg.gather [hbm4b:s6+s9], $0x80, v49, vm0, $0xb8;
	[tilespmem:$0x1FC00] =	vst v63  }
0x7ca: {  	s24 =	simm.s32 $0xA880;
	v55 =	vperm.xlane v19, v14;
	v54 =	vadd.s32 v4, v53  }
0x7cb: {  	[tilespmem:s24], [sflag:$0x2] =	stream.indirect_vreg.gather [hbm4b:s6+s9], $0x80, v20, vm0, $0xb8;
	[tilespmem:$0x1FC00] =	vst v63  }
0x7cc: {  	s25 =	simm.s32 $0xA900;
	v56 =	vperm.xlane v19, v15;
	v20 =	vadd.s32 v4, v55  }
0x7cd: {  	[tilespmem:s25], [sflag:$0x2] =	stream.indirect_vreg.gather [hbm4b:s6+s9], $0x80, v52, vm0, $0xb8;
	[tilespmem:$0x1FC00] =	vst v63  }
0x7ce: {  	s1 =	simm.s32 $0xA980;
	v58 =	vperm.xlane v19, v16;
	v57 =	vadd.s32 v4, v56  }
0x7cf: {  	[tilespmem:s1], [sflag:$0x2] =	stream.indirect_vreg.gather [hbm4b:s6+s9], $0x80, v54, vm0, $0xb8;
	[tilespmem:$0x1FC00] =	vst v63  }
0x7d0: {  	s8 =	simm.s32 $0xAA00;
	v19 =	vperm.xlane v19, v17;
	v59 =	vadd.s32 v4, v58  }
0x7d1: {  	[tilespmem:s8], [sflag:$0x2] =	stream.indirect_vreg.gather [hbm4b:s6+s9], $0x80, v20, vm0, $0xb8;
	[tilespmem:$0x1FC00] =	vst v63  }
0x7d2: {  	s10 =	simm.s32 $0xAA80;
	v19 =	vadd.s32 v4, v19  }
0x7d3: {  	[tilespmem:s10], [sflag:$0x2] =	stream.indirect_vreg.gather [hbm4b:s6+s9], $0x80, v57, vm0, $0xb8;
	[tilespmem:$0x1FC00] =	vst v63  }
0x7d4: {  	s11 =	simm.s32 $0xAB00  }
0x7d5: {  	[tilespmem:s11], [sflag:$0x2] =	stream.indirect_vreg.gather [hbm4b:s6+s9], $0x80, v59, vm0, $0xb8;
	[tilespmem:$0x1FC00] =	vst v63  }
0x7d6: {  	s12 =	simm.s32 $0xAB80  }
0x7d7: {  	[tilespmem:s12], [sflag:$0x2] =	stream.indirect_vreg.gather [hbm4b:s6+s9], $0x80, v19, vm0, $0xb8;
	[tilespmem:$0x1FC00] =	vst v63  }
0x7d8: {  	v19 =	vld [tilespmem:$0xE0];
	_ =	sdelay $0x4  }
0x7d9: {  	v20 =	vshll.u32 v19, $0x1  }
0x7da: {  	v19 =	vand.u32 $0x7, v19;
	v20 =	vand.u32 $0xFFFFFFF0, v20  }
0x7db: {  	v19 =	vor.u32 v19, v20  }
0x7dc: {  	v20 =	vperm.xlane v19, v3;
	_ =	sdelay $0x1  }
0x7dd: {  	v60 =	vperm.xlane v19, v2;
	v20 =	vadd.s32 v4, v20;
	_ =	sdelay $0x1  }
0x7de: {  	v61 =	vperm.xlane v19, v5;
	v21 =	vadd.s32 v4, v60;
	_ =	sdelay $0x1  }
0x7df: {  	s13 =	simm.s32 $0xAC00;
	v62 =	vperm.xlane v19, v6;
	v22 =	vadd.s32 v4, v61  }
0x7e0: {  	[tilespmem:s13], [sflag:$0x2] =	stream.indirect_vreg.gather [hbm4b:s6+s9], $0x80, v20, vm0, $0xb8;
	[tilespmem:$0x1FC00] =	vst v63  }
0x7e1: {  	s14 =	simm.s32 $0xAC80;
	v63 =	vperm.xlane v19, v7;
	v20 =	vadd.s32 v4, v62  }
0x7e2: {  	[tilespmem:s14], [sflag:$0x2] =	stream.indirect_vreg.gather [hbm4b:s6+s9], $0x80, v21, vm0, $0xb8;
	[tilespmem:$0x1FC00] =	vst v63  }
0x7e3: {  	s15 =	simm.s32 $0xAD00;
	v25 =	vperm.xlane v19, v8;
	v24 =	vadd.s32 v4, v63  }
0x7e4: {  	[tilespmem:s15], [sflag:$0x2] =	stream.indirect_vreg.gather [hbm4b:s6+s9], $0x80, v22, vm0, $0xb8;
	[tilespmem:$0x1FC00] =	vst v63  }
0x7e5: {  	s16 =	simm.s32 $0xAD80;
	v27 =	vperm.xlane v19, v9;
	v26 =	vadd.s32 v4, v25  }
0x7e6: {  	[tilespmem:s16], [sflag:$0x2] =	stream.indirect_vreg.gather [hbm4b:s6+s9], $0x80, v20, vm0, $0xb8;
	[tilespmem:$0x1FC00] =	vst v63  }
0x7e7: {  	s17 =	simm.s32 $0xAE00;
	v28 =	vperm.xlane v19, v1;
	v20 =	vadd.s32 v4, v27  }
0x7e8: {  	[tilespmem:s17], [sflag:$0x2] =	stream.indirect_vreg.gather [hbm4b:s6+s9], $0x80, v24, vm0, $0xb8;
	[tilespmem:$0x1FC00] =	vst v63  }
0x7e9: {  	s18 =	simm.s32 $0xAE80;
	v30 =	vperm.xlane v19, v10;
	v29 =	vadd.s32 v4, v28  }
0x7ea: {  	[tilespmem:s18], [sflag:$0x2] =	stream.indirect_vreg.gather [hbm4b:s6+s9], $0x80, v26, vm0, $0xb8;
	[tilespmem:$0x1FC00] =	vst v63  }
0x7eb: {  	s19 =	simm.s32 $0xAF00;
	v32 =	vperm.xlane v19, v11;
	v31 =	vadd.s32 v4, v30  }
0x7ec: {  	[tilespmem:s19], [sflag:$0x2] =	stream.indirect_vreg.gather [hbm4b:s6+s9], $0x80, v20, vm0, $0xb8;
	[tilespmem:$0x1FC00] =	vst v63  }
0x7ed: {  	s20 =	simm.s32 $0xAF80;
	v33 =	vperm.xlane v19, v12;
	v20 =	vadd.s32 v4, v32  }
0x7ee: {  	[tilespmem:s20], [sflag:$0x2] =	stream.indirect_vreg.gather [hbm4b:s6+s9], $0x80, v29, vm0, $0xb8;
	[tilespmem:$0x1FC00] =	vst v63  }
0x7ef: {  	s21 =	simm.s32 $0xB000;
	v35 =	vperm.xlane v19, v13;
	v34 =	vadd.s32 v4, v33  }
0x7f0: {  	[tilespmem:s21], [sflag:$0x2] =	stream.indirect_vreg.gather [hbm4b:s6+s9], $0x80, v31, vm0, $0xb8;
	[tilespmem:$0x1FC00] =	vst v63  }
0x7f1: {  	s22 =	simm.s32 $0xB080;
	v37 =	vperm.xlane v19, v14;
	v36 =	vadd.s32 v4, v35  }
0x7f2: {  	[tilespmem:s22], [sflag:$0x2] =	stream.indirect_vreg.gather [hbm4b:s6+s9], $0x80, v20, vm0, $0xb8;
	[tilespmem:$0x1FC00] =	vst v63  }
0x7f3: {  	s23 =	simm.s32 $0xB100;
	v38 =	vperm.xlane v19, v15;
	v20 =	vadd.s32 v4, v37  }
0x7f4: {  	[tilespmem:s23], [sflag:$0x2] =	stream.indirect_vreg.gather [hbm4b:s6+s9], $0x80, v34, vm0, $0xb8;
	[tilespmem:$0x1FC00] =	vst v63  }
0x7f5: {  	s24 =	simm.s32 $0xB180;
	v40 =	vperm.xlane v19, v16;
	v39 =	vadd.s32 v4, v38  }
0x7f6: {  	[tilespmem:s24], [sflag:$0x2] =	stream.indirect_vreg.gather [hbm4b:s6+s9], $0x80, v36, vm0, $0xb8;
	[tilespmem:$0x1FC00] =	vst v63  }
0x7f7: {  	s25 =	simm.s32 $0xB200;
	v19 =	vperm.xlane v19, v17;
	v41 =	vadd.s32 v4, v40  }
0x7f8: {  	[tilespmem:s25], [sflag:$0x2] =	stream.indirect_vreg.gather [hbm4b:s6+s9], $0x80, v20, vm0, $0xb8;
	[tilespmem:$0x1FC00] =	vst v63  }
0x7f9: {  	s8 =	simm.s32 $0xB280;
	v19 =	vadd.s32 v4, v19  }
0x7fa: {  	[tilespmem:s8], [sflag:$0x2] =	stream.indirect_vreg.gather [hbm4b:s6+s9], $0x80, v39, vm0, $0xb8;
	[tilespmem:$0x1FC00] =	vst v63  }
0x7fb: {  	s14 =	simm.s32 $0xB300  }
0x7fc: {  	[tilespmem:s14], [sflag:$0x2] =	stream.indirect_vreg.gather [hbm4b:s6+s9], $0x80, v41, vm0, $0xb8;
	[tilespmem:$0x1FC00] =	vst v63  }
0x7fd: {  	s15 =	simm.s32 $0xB380  }
0x7fe: {  	[tilespmem:s15], [sflag:$0x2] =	stream.indirect_vreg.gather [hbm4b:s6+s9], $0x80, v19, vm0, $0xb8;
	[tilespmem:$0x1FC00] =	vst v63  }
0x7ff: {  	v19 =	vld [tilespmem:$0xF0];
	_ =	sdelay $0x4  }
0x800: {  	v20 =	vshll.u32 v19, $0x1  }
0x801: {  	v19 =	vand.u32 $0x7, v19;
	v20 =	vand.u32 $0xFFFFFFF0, v20  }
0x802: {  	v19 =	vor.u32 v19, v20  }
0x803: {  	v20 =	vperm.xlane v19, v3;
	_ =	sdelay $0x1  }
0x804: {  	v42 =	vperm.xlane v19, v2;
	v20 =	vadd.s32 v4, v20;
	_ =	sdelay $0x1  }
0x805: {  	v43 =	vperm.xlane v19, v5;
	v21 =	vadd.s32 v4, v42;
	_ =	sdelay $0x1  }
0x806: {  	s19 =	simm.s32 $0xB400;
	v44 =	vperm.xlane v19, v6;
	v22 =	vadd.s32 v4, v43  }
0x807: {  	[tilespmem:s19], [sflag:$0x2] =	stream.indirect_vreg.gather [hbm4b:s6+s9], $0x80, v20, vm0, $0xb8;
	[tilespmem:$0x1FC00] =	vst v63  }
0x808: {  	s21 =	simm.s32 $0xB480;
	v45 =	vperm.xlane v19, v7;
	v20 =	vadd.s32 v4, v44  }
0x809: {  	[tilespmem:s21], [sflag:$0x2] =	stream.indirect_vreg.gather [hbm4b:s6+s9], $0x80, v21, vm0, $0xb8;
	[tilespmem:$0x1FC00] =	vst v63  }
0x80a: {  	s23 =	simm.s32 $0xB500;
	v47 =	vperm.xlane v19, v8;
	v46 =	vadd.s32 v4, v45  }
0x80b: {  	[tilespmem:s23], [sflag:$0x2] =	stream.indirect_vreg.gather [hbm4b:s6+s9], $0x80, v22, vm0, $0xb8;
	[tilespmem:$0x1FC00] =	vst v63  }
0x80c: {  	s17 =	simm.s32 $0xB580;
	v49 =	vperm.xlane v19, v9;
	v48 =	vadd.s32 v4, v47  }
0x80d: {  	[tilespmem:s17], [sflag:$0x2] =	stream.indirect_vreg.gather [hbm4b:s6+s9], $0x80, v20, vm0, $0xb8;
	[tilespmem:$0x1FC00] =	vst v63  }
0x80e: {  	s13 =	simm.s32 $0xB600;
	v50 =	vperm.xlane v19, v1;
	v20 =	vadd.s32 v4, v49  }
0x80f: {  	[tilespmem:s13], [sflag:$0x2] =	stream.indirect_vreg.gather [hbm4b:s6+s9], $0x80, v46, vm0, $0xb8;
	[tilespmem:$0x1FC00] =	vst v63  }
0x810: {  	s0 =	simm.s32 $0xB680;
	v52 =	vperm.xlane v19, v10;
	v51 =	vadd.s32 v4, v50  }
0x811: {  	[tilespmem:s0], [sflag:$0x2] =	stream.indirect_vreg.gather [hbm4b:s6+s9], $0x80, v48, vm0, $0xb8;
	[tilespmem:$0x1FC00] =	vst v63  }
0x812: {  	s31 =	simm.s32 $0xB700;
	v54 =	vperm.xlane v19, v11;
	v53 =	vadd.s32 v4, v52  }
0x813: {  	[tilespmem:s31], [sflag:$0x2] =	stream.indirect_vreg.gather [hbm4b:s6+s9], $0x80, v20, vm0, $0xb8;
	[tilespmem:$0x1FC00] =	vst v63  }
0x814: {  	s28 =	simm.s32 $0xB780;
	v55 =	vperm.xlane v19, v12;
	v20 =	vadd.s32 v4, v54  }
0x815: {  	[tilespmem:s28], [sflag:$0x2] =	stream.indirect_vreg.gather [hbm4b:s6+s9], $0x80, v51, vm0, $0xb8;
	[tilespmem:$0x1FC00] =	vst v63  }
0x816: {  	s25 =	simm.s32 $0xB800;
	v57 =	vperm.xlane v19, v13;
	v56 =	vadd.s32 v4, v55  }
0x817: {  	[tilespmem:s25], [sflag:$0x2] =	stream.indirect_vreg.gather [hbm4b:s6+s9], $0x80, v53, vm0, $0xb8;
	[tilespmem:$0x1FC00] =	vst v63  }
0x818: {  	s24 =	simm.s32 $0xB880;
	v59 =	vperm.xlane v19, v14;
	v58 =	vadd.s32 v4, v57  }
0x819: {  	[tilespmem:s24], [sflag:$0x2] =	stream.indirect_vreg.gather [hbm4b:s6+s9], $0x80, v20, vm0, $0xb8;
	[tilespmem:$0x1FC00] =	vst v63  }
0x81a: {  	s22 =	simm.s32 $0xB900;
	v60 =	vperm.xlane v19, v15;
	v20 =	vadd.s32 v4, v59  }
0x81b: {  	[tilespmem:s22], [sflag:$0x2] =	stream.indirect_vreg.gather [hbm4b:s6+s9], $0x80, v56, vm0, $0xb8;
	[tilespmem:$0x1FC00] =	vst v63  }
0x81c: {  	s20 =	simm.s32 $0xB980;
	v62 =	vperm.xlane v19, v16;
	v61 =	vadd.s32 v4, v60  }
0x81d: {  	[tilespmem:s20], [sflag:$0x2] =	stream.indirect_vreg.gather [hbm4b:s6+s9], $0x80, v58, vm0, $0xb8;
	[tilespmem:$0x1FC00] =	vst v63  }
0x81e: {  	s18 =	simm.s32 $0xBA00;
	v19 =	vperm.xlane v19, v17;
	v63 =	vadd.s32 v4, v62  }
0x81f: {  	[tilespmem:s18], [sflag:$0x2] =	stream.indirect_vreg.gather [hbm4b:s6+s9], $0x80, v20, vm0, $0xb8;
	[tilespmem:$0x1FC00] =	vst v63  }
0x820: {  	s16 =	simm.s32 $0xBA80;
	v19 =	vadd.s32 v4, v19  }
0x821: {  	[tilespmem:s16], [sflag:$0x2] =	stream.indirect_vreg.gather [hbm4b:s6+s9], $0x80, v61, vm0, $0xb8;
	[tilespmem:$0x1FC00] =	vst v63  }
0x822: {  	s12 =	simm.s32 $0xBB00  }
0x823: {  	[tilespmem:s12], [sflag:$0x2] =	stream.indirect_vreg.gather [hbm4b:s6+s9], $0x80, v63, vm0, $0xb8;
	[tilespmem:$0x1FC00] =	vst v63  }
0x824: {  	s1 =	simm.s32 $0xBB80  }
0x825: {  	[tilespmem:s1], [sflag:$0x2] =	stream.indirect_vreg.gather [hbm4b:s6+s9], $0x80, v19, vm0, $0xb8;
	[tilespmem:$0x1FC00] =	vst v63  }
0x826: {  	_ =	swait.ge [sflag:s4], $0x4000  }
0x827: {  	[sflag:s4] =	ssyncset.done $0x0  }
0x828: {  	s10 =	simm.s32 $0x2800;
	[sflag:s4] =	ssyncadd.s32 $0xFFFFC000  }
0x829: {  	[spmem:s2] =	stream.indirect.scatter.add.f32 [tilespmem:s29], [sflag:$0x4], $0x80, s10, s5, $0xb8;
	[tilespmem:$0x1FC00] =	vst v63  }
0x82a: {  	_ =	swait.ge [sflag:s30], $0x4000  }
0x82b: {  	[sflag:s30] =	ssyncset.done $0x0  }
0x82c: {  	[sflag:s30] =	ssyncadd.s32 $0xFFFFC000  }
.LBB2_10:
0x82d: {  	s10 =	sshra.s32 s9, $0x2  }
0x82e: {  	v19 =	vld [tilespmem:s10+$0x100];
	_ =	sdelay $0x4  }
0x82f: {  	v20 =	vshll.u32 v19, $0x1  }
0x830: {  	v19 =	vand.u32 $0x7, v19;
	v20 =	vand.u32 $0xFFFFFFF0, v20  }
0x831: {  	v19 =	vor.u32 v19, v20  }
0x832: {  	v20 =	vperm.xlane v19, v3;
	_ =	sdelay $0x1  }
0x833: {  	v21 =	vperm.xlane v19, v2;
	v20 =	vadd.s32 v4, v20;
	_ =	sdelay $0x1  }
0x834: {  	v22 =	vperm.xlane v19, v5;
	v21 =	vadd.s32 v4, v21;
	_ =	sdelay $0x1  }
0x835: {  	v23 =	vperm.xlane v19, v6;
	v22 =	vadd.s32 v4, v22  }
0x836: {  	[tilespmem:s29], [sflag:$0x1] =	stream.indirect_vreg.gather [hbm4b:s6+s3], $0x80, v20, vm0, $0xb8;
	[tilespmem:$0x1FC00] =	vst v63  }
0x837: {  	s11 =	simm.s32 $0x3C80;
	v35 =	vperm.xlane v19, v7;
	v20 =	vadd.s32 v4, v23  }
0x838: {  	[tilespmem:s11], [sflag:$0x1] =	stream.indirect_vreg.gather [hbm4b:s6+s3], $0x80, v21, vm0, $0xb8;
	[tilespmem:$0x1FC00] =	vst v63  }
0x839: {  	v37 =	vperm.xlane v19, v8;
	v36 =	vadd.s32 v4, v35;
	s11 =	simm.s32 $0x3D00  }
0x83a: {  	[tilespmem:s11], [sflag:$0x1] =	stream.indirect_vreg.gather [hbm4b:s6+s3], $0x80, v22, vm0, $0xb8;
	[tilespmem:$0x1FC00] =	vst v63  }
0x83b: {  	v39 =	vperm.xlane v19, v9;
	v38 =	vadd.s32 v4, v37;
	s11 =	simm.s32 $0x3D80  }
0x83c: {  	[tilespmem:s11], [sflag:$0x1] =	stream.indirect_vreg.gather [hbm4b:s6+s3], $0x80, v20, vm0, $0xb8;
	[tilespmem:$0x1FC00] =	vst v63  }
0x83d: {  	v40 =	vperm.xlane v19, v1;
	v20 =	vadd.s32 v4, v39;
	s11 =	simm.s32 $0x3E00  }
0x83e: {  	[tilespmem:s11], [sflag:$0x1] =	stream.indirect_vreg.gather [hbm4b:s6+s3], $0x80, v36, vm0, $0xb8;
	[tilespmem:$0x1FC00] =	vst v63  }
0x83f: {  	v42 =	vperm.xlane v19, v10;
	v41 =	vadd.s32 v4, v40;
	s11 =	simm.s32 $0x3E80  }
0x840: {  	[tilespmem:s11], [sflag:$0x1] =	stream.indirect_vreg.gather [hbm4b:s6+s3], $0x80, v38, vm0, $0xb8;
	[tilespmem:$0x1FC00] =	vst v63  }
0x841: {  	v44 =	vperm.xlane v19, v11;
	v43 =	vadd.s32 v4, v42;
	s11 =	simm.s32 $0x3F00  }
0x842: {  	[tilespmem:s11], [sflag:$0x1] =	stream.indirect_vreg.gather [hbm4b:s6+s3], $0x80, v20, vm0, $0xb8;
	[tilespmem:$0x1FC00] =	vst v63  }
0x843: {  	v45 =	vperm.xlane v19, v12;
	v20 =	vadd.s32 v4, v44;
	s11 =	simm.s32 $0x3F80  }
0x844: {  	[tilespmem:s11], [sflag:$0x1] =	stream.indirect_vreg.gather [hbm4b:s6+s3], $0x80, v41, vm0, $0xb8;
	[tilespmem:$0x1FC00] =	vst v63  }
0x845: {  	v47 =	vperm.xlane v19, v13;
	v46 =	vadd.s32 v4, v45;
	s11 =	simm.s32 $0x4000  }
0x846: {  	[tilespmem:s11], [sflag:$0x1] =	stream.indirect_vreg.gather [hbm4b:s6+s3], $0x80, v43, vm0, $0xb8;
	[tilespmem:$0x1FC00] =	vst v63  }
0x847: {  	v49 =	vperm.xlane v19, v14;
	v48 =	vadd.s32 v4, v47;
	s11 =	simm.s32 $0x4080  }
0x848: {  	[tilespmem:s11], [sflag:$0x1] =	stream.indirect_vreg.gather [hbm4b:s6+s3], $0x80, v20, vm0, $0xb8;
	[tilespmem:$0x1FC00] =	vst v63  }
0x849: {  	v50 =	vperm.xlane v19, v15;
	v20 =	vadd.s32 v4, v49;
	s11 =	simm.s32 $0x4100  }
0x84a: {  	[tilespmem:s11], [sflag:$0x1] =	stream.indirect_vreg.gather [hbm4b:s6+s3], $0x80, v46, vm0, $0xb8;
	[tilespmem:$0x1FC00] =	vst v63  }
0x84b: {  	v52 =	vperm.xlane v19, v16;
	v51 =	vadd.s32 v4, v50;
	s11 =	simm.s32 $0x4180  }
0x84c: {  	[tilespmem:s11], [sflag:$0x1] =	stream.indirect_vreg.gather [hbm4b:s6+s3], $0x80, v48, vm0, $0xb8;
	[tilespmem:$0x1FC00] =	vst v63  }
0x84d: {  	v19 =	vperm.xlane v19, v17;
	v53 =	vadd.s32 v4, v52;
	s11 =	simm.s32 $0x4200  }
0x84e: {  	[tilespmem:s11], [sflag:$0x1] =	stream.indirect_vreg.gather [hbm4b:s6+s3], $0x80, v20, vm0, $0xb8;
	[tilespmem:$0x1FC00] =	vst v63  }
0x84f: {  	v19 =	vadd.s32 v4, v19;
	s11 =	simm.s32 $0x4280  }
0x850: {  	[tilespmem:s11], [sflag:$0x1] =	stream.indirect_vreg.gather [hbm4b:s6+s3], $0x80, v51, vm0, $0xb8;
	[tilespmem:$0x1FC00] =	vst v63  }
0x851: {  	s11 =	simm.s32 $0x4300  }
0x852: {  	[tilespmem:s11], [sflag:$0x1] =	stream.indirect_vreg.gather [hbm4b:s6+s3], $0x80, v53, vm0, $0xb8;
	[tilespmem:$0x1FC00] =	vst v63  }
0x853: {  	s11 =	simm.s32 $0x4380  }
0x854: {  	[tilespmem:s11], [sflag:$0x1] =	stream.indirect_vreg.gather [hbm4b:s6+s3], $0x80, v19, vm0, $0xb8;
	[tilespmem:$0x1FC00] =	vst v63  }
0x855: {  	v19 =	vld [tilespmem:s10+$0x110];
	_ =	sdelay $0x4  }
0x856: {  	v20 =	vshll.u32 v19, $0x1  }
0x857: {  	v19 =	vand.u32 $0x7, v19;
	v20 =	vand.u32 $0xFFFFFFF0, v20  }
0x858: {  	v19 =	vor.u32 v19, v20  }
0x859: {  	v20 =	vperm.xlane v19, v3;
	_ =	sdelay $0x1  }
0x85a: {  	v54 =	vperm.xlane v19, v2;
	v20 =	vadd.s32 v4, v20;
	_ =	sdelay $0x1  }
0x85b: {  	v55 =	vperm.xlane v19, v5;
	v21 =	vadd.s32 v4, v54;
	_ =	sdelay $0x1  }
0x85c: {  	s11 =	simm.s32 $0x4400;
	v56 =	vperm.xlane v19, v6;
	v22 =	vadd.s32 v4, v55  }
0x85d: {  	[tilespmem:s11], [sflag:$0x1] =	stream.indirect_vreg.gather [hbm4b:s6+s3], $0x80, v20, vm0, $0xb8;
	[tilespmem:$0x1FC00] =	vst v63  }
0x85e: {  	v57 =	vperm.xlane v19, v7;
	v20 =	vadd.s32 v4, v56;
	s11 =	simm.s32 $0x4480  }
0x85f: {  	[tilespmem:s11], [sflag:$0x1] =	stream.indirect_vreg.gather [hbm4b:s6+s3], $0x80, v21, vm0, $0xb8;
	[tilespmem:$0x1FC00] =	vst v63  }
0x860: {  	v59 =	vperm.xlane v19, v8;
	v58 =	vadd.s32 v4, v57;
	s11 =	simm.s32 $0x4500  }
0x861: {  	[tilespmem:s11], [sflag:$0x1] =	stream.indirect_vreg.gather [hbm4b:s6+s3], $0x80, v22, vm0, $0xb8;
	[tilespmem:$0x1FC00] =	vst v63  }
0x862: {  	v61 =	vperm.xlane v19, v9;
	v60 =	vadd.s32 v4, v59;
	s11 =	simm.s32 $0x4580  }
0x863: {  	[tilespmem:s11], [sflag:$0x1] =	stream.indirect_vreg.gather [hbm4b:s6+s3], $0x80, v20, vm0, $0xb8;
	[tilespmem:$0x1FC00] =	vst v63  }
0x864: {  	v62 =	vperm.xlane v19, v1;
	v20 =	vadd.s32 v4, v61;
	s11 =	simm.s32 $0x4600  }
0x865: {  	[tilespmem:s11], [sflag:$0x1] =	stream.indirect_vreg.gather [hbm4b:s6+s3], $0x80, v58, vm0, $0xb8;
	[tilespmem:$0x1FC00] =	vst v63  }
0x866: {  	v24 =	vperm.xlane v19, v10;
	v63 =	vadd.s32 v4, v62;
	s11 =	simm.s32 $0x4680  }
0x867: {  	[tilespmem:s11], [sflag:$0x1] =	stream.indirect_vreg.gather [hbm4b:s6+s3], $0x80, v60, vm0, $0xb8;
	[tilespmem:$0x1FC00] =	vst v63  }
0x868: {  	v26 =	vperm.xlane v19, v11;
	v25 =	vadd.s32 v4, v24;
	s11 =	simm.s32 $0x4700  }
0x869: {  	[tilespmem:s11], [sflag:$0x1] =	stream.indirect_vreg.gather [hbm4b:s6+s3], $0x80, v20, vm0, $0xb8;
	[tilespmem:$0x1FC00] =	vst v63  }
0x86a: {  	v27 =	vperm.xlane v19, v12;
	v20 =	vadd.s32 v4, v26;
	s11 =	simm.s32 $0x4780  }
0x86b: {  	[tilespmem:s11], [sflag:$0x1] =	stream.indirect_vreg.gather [hbm4b:s6+s3], $0x80, v63, vm0, $0xb8;
	[tilespmem:$0x1FC00] =	vst v63  }
0x86c: {  	v29 =	vperm.xlane v19, v13;
	v28 =	vadd.s32 v4, v27;
	s11 =	simm.s32 $0x4800  }
0x86d: {  	[tilespmem:s11], [sflag:$0x1] =	stream.indirect_vreg.gather [hbm4b:s6+s3], $0x80, v25, vm0, $0xb8;
	[tilespmem:$0x1FC00] =	vst v63  }
0x86e: {  	v31 =	vperm.xlane v19, v14;
	v30 =	vadd.s32 v4, v29;
	s11 =	simm.s32 $0x4880  }
0x86f: {  	[tilespmem:s11], [sflag:$0x1] =	stream.indirect_vreg.gather [hbm4b:s6+s3], $0x80, v20, vm0, $0xb8;
	[tilespmem:$0x1FC00] =	vst v63  }
0x870: {  	v32 =	vperm.xlane v19, v15;
	v20 =	vadd.s32 v4, v31;
	s11 =	simm.s32 $0x4900  }
0x871: {  	[tilespmem:s11], [sflag:$0x1] =	stream.indirect_vreg.gather [hbm4b:s6+s3], $0x80, v28, vm0, $0xb8;
	[tilespmem:$0x1FC00] =	vst v63  }
0x872: {  	v34 =	vperm.xlane v19, v16;
	v33 =	vadd.s32 v4, v32;
	s11 =	simm.s32 $0x4980  }
0x873: {  	[tilespmem:s11], [sflag:$0x1] =	stream.indirect_vreg.gather [hbm4b:s6+s3], $0x80, v30, vm0, $0xb8;
	[tilespmem:$0x1FC00] =	vst v63  }
0x874: {  	v19 =	vperm.xlane v19, v17;
	v35 =	vadd.s32 v4, v34;
	s11 =	simm.s32 $0x4A00  }
0x875: {  	[tilespmem:s11], [sflag:$0x1] =	stream.indirect_vreg.gather [hbm4b:s6+s3], $0x80, v20, vm0, $0xb8;
	[tilespmem:$0x1FC00] =	vst v63  }
0x876: {  	v19 =	vadd.s32 v4, v19;
	s11 =	simm.s32 $0x4A80  }
0x877: {  	[tilespmem:s11], [sflag:$0x1] =	stream.indirect_vreg.gather [hbm4b:s6+s3], $0x80, v33, vm0, $0xb8;
	[tilespmem:$0x1FC00] =	vst v63  }
0x878: {  	s11 =	simm.s32 $0x4B00  }
0x879: {  	[tilespmem:s11], [sflag:$0x1] =	stream.indirect_vreg.gather [hbm4b:s6+s3], $0x80, v35, vm0, $0xb8;
	[tilespmem:$0x1FC00] =	vst v63  }
0x87a: {  	s11 =	simm.s32 $0x4B80  }
0x87b: {  	[tilespmem:s11], [sflag:$0x1] =	stream.indirect_vreg.gather [hbm4b:s6+s3], $0x80, v19, vm0, $0xb8;
	[tilespmem:$0x1FC00] =	vst v63  }
0x87c: {  	v19 =	vld [tilespmem:s10+$0x120];
	_ =	sdelay $0x4  }
0x87d: {  	v20 =	vshll.u32 v19, $0x1  }
0x87e: {  	v19 =	vand.u32 $0x7, v19;
	v20 =	vand.u32 $0xFFFFFFF0, v20  }
0x87f: {  	v19 =	vor.u32 v19, v20  }
0x880: {  	v20 =	vperm.xlane v19, v3;
	_ =	sdelay $0x1  }
0x881: {  	v36 =	vperm.xlane v19, v2;
	v20 =	vadd.s32 v4, v20;
	_ =	sdelay $0x1  }
0x882: {  	v37 =	vperm.xlane v19, v5;
	v21 =	vadd.s32 v4, v36;
	_ =	sdelay $0x1  }
0x883: {  	s11 =	simm.s32 $0x4C00;
	v38 =	vperm.xlane v19, v6;
	v22 =	vadd.s32 v4, v37  }
0x884: {  	[tilespmem:s11], [sflag:$0x1] =	stream.indirect_vreg.gather [hbm4b:s6+s3], $0x80, v20, vm0, $0xb8;
	[tilespmem:$0x1FC00] =	vst v63  }
0x885: {  	v39 =	vperm.xlane v19, v7;
	v20 =	vadd.s32 v4, v38;
	s11 =	simm.s32 $0x4C80  }
0x886: {  	[tilespmem:s11], [sflag:$0x1] =	stream.indirect_vreg.gather [hbm4b:s6+s3], $0x80, v21, vm0, $0xb8;
	[tilespmem:$0x1FC00] =	vst v63  }
0x887: {  	v41 =	vperm.xlane v19, v8;
	v40 =	vadd.s32 v4, v39;
	s11 =	simm.s32 $0x4D00  }
0x888: {  	[tilespmem:s11], [sflag:$0x1] =	stream.indirect_vreg.gather [hbm4b:s6+s3], $0x80, v22, vm0, $0xb8;
	[tilespmem:$0x1FC00] =	vst v63  }
0x889: {  	v43 =	vperm.xlane v19, v9;
	v42 =	vadd.s32 v4, v41;
	s11 =	simm.s32 $0x4D80  }
0x88a: {  	[tilespmem:s11], [sflag:$0x1] =	stream.indirect_vreg.gather [hbm4b:s6+s3], $0x80, v20, vm0, $0xb8;
	[tilespmem:$0x1FC00] =	vst v63  }
0x88b: {  	v44 =	vperm.xlane v19, v1;
	v20 =	vadd.s32 v4, v43;
	s11 =	simm.s32 $0x4E00  }
0x88c: {  	[tilespmem:s11], [sflag:$0x1] =	stream.indirect_vreg.gather [hbm4b:s6+s3], $0x80, v40, vm0, $0xb8;
	[tilespmem:$0x1FC00] =	vst v63  }
0x88d: {  	v46 =	vperm.xlane v19, v10;
	v45 =	vadd.s32 v4, v44;
	s11 =	simm.s32 $0x4E80  }
0x88e: {  	[tilespmem:s11], [sflag:$0x1] =	stream.indirect_vreg.gather [hbm4b:s6+s3], $0x80, v42, vm0, $0xb8;
	[tilespmem:$0x1FC00] =	vst v63  }
0x88f: {  	v48 =	vperm.xlane v19, v11;
	v47 =	vadd.s32 v4, v46;
	s11 =	simm.s32 $0x4F00  }
0x890: {  	[tilespmem:s11], [sflag:$0x1] =	stream.indirect_vreg.gather [hbm4b:s6+s3], $0x80, v20, vm0, $0xb8;
	[tilespmem:$0x1FC00] =	vst v63  }
0x891: {  	v49 =	vperm.xlane v19, v12;
	v20 =	vadd.s32 v4, v48;
	s11 =	simm.s32 $0x4F80  }
0x892: {  	[tilespmem:s11], [sflag:$0x1] =	stream.indirect_vreg.gather [hbm4b:s6+s3], $0x80, v45, vm0, $0xb8;
	[tilespmem:$0x1FC00] =	vst v63  }
0x893: {  	v51 =	vperm.xlane v19, v13;
	v50 =	vadd.s32 v4, v49;
	s11 =	simm.s32 $0x5000  }
0x894: {  	[tilespmem:s11], [sflag:$0x1] =	stream.indirect_vreg.gather [hbm4b:s6+s3], $0x80, v47, vm0, $0xb8;
	[tilespmem:$0x1FC00] =	vst v63  }
0x895: {  	v53 =	vperm.xlane v19, v14;
	v52 =	vadd.s32 v4, v51;
	s11 =	simm.s32 $0x5080  }
0x896: {  	[tilespmem:s11], [sflag:$0x1] =	stream.indirect_vreg.gather [hbm4b:s6+s3], $0x80, v20, vm0, $0xb8;
	[tilespmem:$0x1FC00] =	vst v63  }
0x897: {  	v54 =	vperm.xlane v19, v15;
	v20 =	vadd.s32 v4, v53;
	s11 =	simm.s32 $0x5100  }
0x898: {  	[tilespmem:s11], [sflag:$0x1] =	stream.indirect_vreg.gather [hbm4b:s6+s3], $0x80, v50, vm0, $0xb8;
	[tilespmem:$0x1FC00] =	vst v63  }
0x899: {  	v56 =	vperm.xlane v19, v16;
	v55 =	vadd.s32 v4, v54;
	s11 =	simm.s32 $0x5180  }
0x89a: {  	[tilespmem:s11], [sflag:$0x1] =	stream.indirect_vreg.gather [hbm4b:s6+s3], $0x80, v52, vm0, $0xb8;
	[tilespmem:$0x1FC00] =	vst v63  }
0x89b: {  	v19 =	vperm.xlane v19, v17;
	v57 =	vadd.s32 v4, v56;
	s11 =	simm.s32 $0x5200  }
0x89c: {  	[tilespmem:s11], [sflag:$0x1] =	stream.indirect_vreg.gather [hbm4b:s6+s3], $0x80, v20, vm0, $0xb8;
	[tilespmem:$0x1FC00] =	vst v63  }
0x89d: {  	v19 =	vadd.s32 v4, v19;
	s11 =	simm.s32 $0x5280  }
0x89e: {  	[tilespmem:s11], [sflag:$0x1] =	stream.indirect_vreg.gather [hbm4b:s6+s3], $0x80, v55, vm0, $0xb8;
	[tilespmem:$0x1FC00] =	vst v63  }
0x89f: {  	s11 =	simm.s32 $0x5300  }
0x8a0: {  	[tilespmem:s11], [sflag:$0x1] =	stream.indirect_vreg.gather [hbm4b:s6+s3], $0x80, v57, vm0, $0xb8;
	[tilespmem:$0x1FC00] =	vst v63  }
0x8a1: {  	s11 =	simm.s32 $0x5380  }
0x8a2: {  	[tilespmem:s11], [sflag:$0x1] =	stream.indirect_vreg.gather [hbm4b:s6+s3], $0x80, v19, vm0, $0xb8;
	[tilespmem:$0x1FC00] =	vst v63  }
0x8a3: {  	v19 =	vld [tilespmem:s10+$0x130];
	_ =	sdelay $0x4  }
0x8a4: {  	v20 =	vshll.u32 v19, $0x1  }
0x8a5: {  	v19 =	vand.u32 $0x7, v19;
	v20 =	vand.u32 $0xFFFFFFF0, v20  }
0x8a6: {  	v19 =	vor.u32 v19, v20  }
0x8a7: {  	v20 =	vperm.xlane v19, v3;
	_ =	sdelay $0x1  }
0x8a8: {  	v58 =	vperm.xlane v19, v2;
	v20 =	vadd.s32 v4, v20;
	_ =	sdelay $0x1  }
0x8a9: {  	v59 =	vperm.xlane v19, v5;
	v21 =	vadd.s32 v4, v58;
	_ =	sdelay $0x1  }
0x8aa: {  	s11 =	simm.s32 $0x5400;
	v60 =	vperm.xlane v19, v6;
	v22 =	vadd.s32 v4, v59  }
0x8ab: {  	[tilespmem:s11], [sflag:$0x1] =	stream.indirect_vreg.gather [hbm4b:s6+s3], $0x80, v20, vm0, $0xb8;
	[tilespmem:$0x1FC00] =	vst v63  }
0x8ac: {  	v61 =	vperm.xlane v19, v7;
	v20 =	vadd.s32 v4, v60;
	s11 =	simm.s32 $0x5480  }
0x8ad: {  	[tilespmem:s11], [sflag:$0x1] =	stream.indirect_vreg.gather [hbm4b:s6+s3], $0x80, v21, vm0, $0xb8;
	[tilespmem:$0x1FC00] =	vst v63  }
0x8ae: {  	v63 =	vperm.xlane v19, v8;
	v62 =	vadd.s32 v4, v61;
	s11 =	simm.s32 $0x5500  }
0x8af: {  	[tilespmem:s11], [sflag:$0x1] =	stream.indirect_vreg.gather [hbm4b:s6+s3], $0x80, v22, vm0, $0xb8;
	[tilespmem:$0x1FC00] =	vst v63  }
0x8b0: {  	v25 =	vperm.xlane v19, v9;
	v24 =	vadd.s32 v4, v63;
	s11 =	simm.s32 $0x5580  }
0x8b1: {  	[tilespmem:s11], [sflag:$0x1] =	stream.indirect_vreg.gather [hbm4b:s6+s3], $0x80, v20, vm0, $0xb8;
	[tilespmem:$0x1FC00] =	vst v63  }
0x8b2: {  	v26 =	vperm.xlane v19, v1;
	v20 =	vadd.s32 v4, v25;
	s11 =	simm.s32 $0x5600  }
0x8b3: {  	[tilespmem:s11], [sflag:$0x1] =	stream.indirect_vreg.gather [hbm4b:s6+s3], $0x80, v62, vm0, $0xb8;
	[tilespmem:$0x1FC00] =	vst v63  }
0x8b4: {  	v28 =	vperm.xlane v19, v10;
	v27 =	vadd.s32 v4, v26;
	s11 =	simm.s32 $0x5680  }
0x8b5: {  	[tilespmem:s11], [sflag:$0x1] =	stream.indirect_vreg.gather [hbm4b:s6+s3], $0x80, v24, vm0, $0xb8;
	[tilespmem:$0x1FC00] =	vst v63  }
0x8b6: {  	v30 =	vperm.xlane v19, v11;
	v29 =	vadd.s32 v4, v28;
	s11 =	simm.s32 $0x5700  }
0x8b7: {  	[tilespmem:s11], [sflag:$0x1] =	stream.indirect_vreg.gather [hbm4b:s6+s3], $0x80, v20, vm0, $0xb8;
	[tilespmem:$0x1FC00] =	vst v63  }
0x8b8: {  	v31 =	vperm.xlane v19, v12;
	v20 =	vadd.s32 v4, v30;
	s11 =	simm.s32 $0x5780  }
0x8b9: {  	[tilespmem:s11], [sflag:$0x1] =	stream.indirect_vreg.gather [hbm4b:s6+s3], $0x80, v27, vm0, $0xb8;
	[tilespmem:$0x1FC00] =	vst v63  }
0x8ba: {  	v33 =	vperm.xlane v19, v13;
	v32 =	vadd.s32 v4, v31;
	s11 =	simm.s32 $0x5800  }
0x8bb: {  	[tilespmem:s11], [sflag:$0x1] =	stream.indirect_vreg.gather [hbm4b:s6+s3], $0x80, v29, vm0, $0xb8;
	[tilespmem:$0x1FC00] =	vst v63  }
0x8bc: {  	v35 =	vperm.xlane v19, v14;
	v34 =	vadd.s32 v4, v33;
	s11 =	simm.s32 $0x5880  }
0x8bd: {  	[tilespmem:s11], [sflag:$0x1] =	stream.indirect_vreg.gather [hbm4b:s6+s3], $0x80, v20, vm0, $0xb8;
	[tilespmem:$0x1FC00] =	vst v63  }
0x8be: {  	v36 =	vperm.xlane v19, v15;
	v20 =	vadd.s32 v4, v35;
	s11 =	simm.s32 $0x5900  }
0x8bf: {  	[tilespmem:s11], [sflag:$0x1] =	stream.indirect_vreg.gather [hbm4b:s6+s3], $0x80, v32, vm0, $0xb8;
	[tilespmem:$0x1FC00] =	vst v63  }
0x8c0: {  	v38 =	vperm.xlane v19, v16;
	v37 =	vadd.s32 v4, v36;
	s11 =	simm.s32 $0x5980  }
0x8c1: {  	[tilespmem:s11], [sflag:$0x1] =	stream.indirect_vreg.gather [hbm4b:s6+s3], $0x80, v34, vm0, $0xb8;
	[tilespmem:$0x1FC00] =	vst v63  }
0x8c2: {  	v19 =	vperm.xlane v19, v17;
	v39 =	vadd.s32 v4, v38;
	s11 =	simm.s32 $0x5A00  }
0x8c3: {  	[tilespmem:s11], [sflag:$0x1] =	stream.indirect_vreg.gather [hbm4b:s6+s3], $0x80, v20, vm0, $0xb8;
	[tilespmem:$0x1FC00] =	vst v63  }
0x8c4: {  	v19 =	vadd.s32 v4, v19;
	s11 =	simm.s32 $0x5A80  }
0x8c5: {  	[tilespmem:s11], [sflag:$0x1] =	stream.indirect_vreg.gather [hbm4b:s6+s3], $0x80, v37, vm0, $0xb8;
	[tilespmem:$0x1FC00] =	vst v63  }
0x8c6: {  	s11 =	simm.s32 $0x5B00  }
0x8c7: {  	[tilespmem:s11], [sflag:$0x1] =	stream.indirect_vreg.gather [hbm4b:s6+s3], $0x80, v39, vm0, $0xb8;
	[tilespmem:$0x1FC00] =	vst v63  }
0x8c8: {  	s11 =	simm.s32 $0x5B80  }
0x8c9: {  	[tilespmem:s11], [sflag:$0x1] =	stream.indirect_vreg.gather [hbm4b:s6+s3], $0x80, v19, vm0, $0xb8;
	[tilespmem:$0x1FC00] =	vst v63  }
0x8ca: {  	v19 =	vld [tilespmem:s10+$0x140];
	_ =	sdelay $0x4  }
0x8cb: {  	v20 =	vshll.u32 v19, $0x1  }
0x8cc: {  	v19 =	vand.u32 $0x7, v19;
	v20 =	vand.u32 $0xFFFFFFF0, v20  }
0x8cd: {  	v19 =	vor.u32 v19, v20  }
0x8ce: {  	v20 =	vperm.xlane v19, v3;
	_ =	sdelay $0x1  }
0x8cf: {  	v40 =	vperm.xlane v19, v2;
	v20 =	vadd.s32 v4, v20;
	_ =	sdelay $0x1  }
0x8d0: {  	v41 =	vperm.xlane v19, v5;
	v21 =	vadd.s32 v4, v40;
	_ =	sdelay $0x1  }
0x8d1: {  	s11 =	simm.s32 $0x5C00;
	v42 =	vperm.xlane v19, v6;
	v22 =	vadd.s32 v4, v41  }
0x8d2: {  	[tilespmem:s11], [sflag:$0x1] =	stream.indirect_vreg.gather [hbm4b:s6+s3], $0x80, v20, vm0, $0xb8;
	[tilespmem:$0x1FC00] =	vst v63  }
0x8d3: {  	v43 =	vperm.xlane v19, v7;
	v20 =	vadd.s32 v4, v42;
	s11 =	simm.s32 $0x5C80  }
0x8d4: {  	[tilespmem:s11], [sflag:$0x1] =	stream.indirect_vreg.gather [hbm4b:s6+s3], $0x80, v21, vm0, $0xb8;
	[tilespmem:$0x1FC00] =	vst v63  }
0x8d5: {  	v45 =	vperm.xlane v19, v8;
	v44 =	vadd.s32 v4, v43;
	s11 =	simm.s32 $0x5D00  }
0x8d6: {  	[tilespmem:s11], [sflag:$0x1] =	stream.indirect_vreg.gather [hbm4b:s6+s3], $0x80, v22, vm0, $0xb8;
	[tilespmem:$0x1FC00] =	vst v63  }
0x8d7: {  	v47 =	vperm.xlane v19, v9;
	v46 =	vadd.s32 v4, v45;
	s11 =	simm.s32 $0x5D80  }
0x8d8: {  	[tilespmem:s11], [sflag:$0x1] =	stream.indirect_vreg.gather [hbm4b:s6+s3], $0x80, v20, vm0, $0xb8;
	[tilespmem:$0x1FC00] =	vst v63  }
0x8d9: {  	v48 =	vperm.xlane v19, v1;
	v20 =	vadd.s32 v4, v47;
	s11 =	simm.s32 $0x5E00  }
0x8da: {  	[tilespmem:s11], [sflag:$0x1] =	stream.indirect_vreg.gather [hbm4b:s6+s3], $0x80, v44, vm0, $0xb8;
	[tilespmem:$0x1FC00] =	vst v63  }
0x8db: {  	v50 =	vperm.xlane v19, v10;
	v49 =	vadd.s32 v4, v48;
	s11 =	simm.s32 $0x5E80  }
0x8dc: {  	[tilespmem:s11], [sflag:$0x1] =	stream.indirect_vreg.gather [hbm4b:s6+s3], $0x80, v46, vm0, $0xb8;
	[tilespmem:$0x1FC00] =	vst v63  }
0x8dd: {  	v52 =	vperm.xlane v19, v11;
	v51 =	vadd.s32 v4, v50;
	s11 =	simm.s32 $0x5F00  }
0x8de: {  	[tilespmem:s11], [sflag:$0x1] =	stream.indirect_vreg.gather [hbm4b:s6+s3], $0x80, v20, vm0, $0xb8;
	[tilespmem:$0x1FC00] =	vst v63  }
0x8df: {  	v53 =	vperm.xlane v19, v12;
	v20 =	vadd.s32 v4, v52;
	s11 =	simm.s32 $0x5F80  }
0x8e0: {  	[tilespmem:s11], [sflag:$0x1] =	stream.indirect_vreg.gather [hbm4b:s6+s3], $0x80, v49, vm0, $0xb8;
	[tilespmem:$0x1FC00] =	vst v63  }
0x8e1: {  	v55 =	vperm.xlane v19, v13;
	v54 =	vadd.s32 v4, v53;
	s11 =	simm.s32 $0x6000  }
0x8e2: {  	[tilespmem:s11], [sflag:$0x1] =	stream.indirect_vreg.gather [hbm4b:s6+s3], $0x80, v51, vm0, $0xb8;
	[tilespmem:$0x1FC00] =	vst v63  }
0x8e3: {  	v57 =	vperm.xlane v19, v14;
	v56 =	vadd.s32 v4, v55;
	s11 =	simm.s32 $0x6080  }
0x8e4: {  	[tilespmem:s11], [sflag:$0x1] =	stream.indirect_vreg.gather [hbm4b:s6+s3], $0x80, v20, vm0, $0xb8;
	[tilespmem:$0x1FC00] =	vst v63  }
0x8e5: {  	v58 =	vperm.xlane v19, v15;
	v20 =	vadd.s32 v4, v57;
	s11 =	simm.s32 $0x6100  }
0x8e6: {  	[tilespmem:s11], [sflag:$0x1] =	stream.indirect_vreg.gather [hbm4b:s6+s3], $0x80, v54, vm0, $0xb8;
	[tilespmem:$0x1FC00] =	vst v63  }
0x8e7: {  	v60 =	vperm.xlane v19, v16;
	v59 =	vadd.s32 v4, v58;
	s11 =	simm.s32 $0x6180  }
0x8e8: {  	[tilespmem:s11], [sflag:$0x1] =	stream.indirect_vreg.gather [hbm4b:s6+s3], $0x80, v56, vm0, $0xb8;
	[tilespmem:$0x1FC00] =	vst v63  }
0x8e9: {  	v19 =	vperm.xlane v19, v17;
	v61 =	vadd.s32 v4, v60;
	s11 =	simm.s32 $0x6200  }
0x8ea: {  	[tilespmem:s11], [sflag:$0x1] =	stream.indirect_vreg.gather [hbm4b:s6+s3], $0x80, v20, vm0, $0xb8;
	[tilespmem:$0x1FC00] =	vst v63  }
0x8eb: {  	v19 =	vadd.s32 v4, v19;
	s11 =	simm.s32 $0x6280  }
0x8ec: {  	[tilespmem:s11], [sflag:$0x1] =	stream.indirect_vreg.gather [hbm4b:s6+s3], $0x80, v59, vm0, $0xb8;
	[tilespmem:$0x1FC00] =	vst v63  }
0x8ed: {  	s11 =	simm.s32 $0x6300  }
0x8ee: {  	[tilespmem:s11], [sflag:$0x1] =	stream.indirect_vreg.gather [hbm4b:s6+s3], $0x80, v61, vm0, $0xb8;
	[tilespmem:$0x1FC00] =	vst v63  }
0x8ef: {  	s11 =	simm.s32 $0x6380  }
0x8f0: {  	[tilespmem:s11], [sflag:$0x1] =	stream.indirect_vreg.gather [hbm4b:s6+s3], $0x80, v19, vm0, $0xb8;
	[tilespmem:$0x1FC00] =	vst v63  }
0x8f1: {  	v19 =	vld [tilespmem:s10+$0x150];
	_ =	sdelay $0x4  }
0x8f2: {  	v20 =	vshll.u32 v19, $0x1  }
0x8f3: {  	v19 =	vand.u32 $0x7, v19;
	v20 =	vand.u32 $0xFFFFFFF0, v20  }
0x8f4: {  	v19 =	vor.u32 v19, v20  }
0x8f5: {  	v20 =	vperm.xlane v19, v3;
	_ =	sdelay $0x1  }
0x8f6: {  	v62 =	vperm.xlane v19, v2;
	v20 =	vadd.s32 v4, v20;
	_ =	sdelay $0x1  }
0x8f7: {  	v63 =	vperm.xlane v19, v5;
	v21 =	vadd.s32 v4, v62;
	_ =	sdelay $0x1  }
0x8f8: {  	s11 =	simm.s32 $0x6400;
	v24 =	vperm.xlane v19, v6;
	v22 =	vadd.s32 v4, v63  }
0x8f9: {  	[tilespmem:s11], [sflag:$0x1] =	stream.indirect_vreg.gather [hbm4b:s6+s3], $0x80, v20, vm0, $0xb8;
	[tilespmem:$0x1FC00] =	vst v63  }
0x8fa: {  	v25 =	vperm.xlane v19, v7;
	v20 =	vadd.s32 v4, v24;
	s11 =	simm.s32 $0x6480  }
0x8fb: {  	[tilespmem:s11], [sflag:$0x1] =	stream.indirect_vreg.gather [hbm4b:s6+s3], $0x80, v21, vm0, $0xb8;
	[tilespmem:$0x1FC00] =	vst v63  }
0x8fc: {  	v27 =	vperm.xlane v19, v8;
	v26 =	vadd.s32 v4, v25;
	s11 =	simm.s32 $0x6500  }
0x8fd: {  	[tilespmem:s11], [sflag:$0x1] =	stream.indirect_vreg.gather [hbm4b:s6+s3], $0x80, v22, vm0, $0xb8;
	[tilespmem:$0x1FC00] =	vst v63  }
0x8fe: {  	v29 =	vperm.xlane v19, v9;
	v28 =	vadd.s32 v4, v27;
	s11 =	simm.s32 $0x6580  }
0x8ff: {  	[tilespmem:s11], [sflag:$0x1] =	stream.indirect_vreg.gather [hbm4b:s6+s3], $0x80, v20, vm0, $0xb8;
	[tilespmem:$0x1FC00] =	vst v63  }
0x900: {  	v30 =	vperm.xlane v19, v1;
	v20 =	vadd.s32 v4, v29;
	s11 =	simm.s32 $0x6600  }
0x901: {  	[tilespmem:s11], [sflag:$0x1] =	stream.indirect_vreg.gather [hbm4b:s6+s3], $0x80, v26, vm0, $0xb8;
	[tilespmem:$0x1FC00] =	vst v63  }
0x902: {  	v32 =	vperm.xlane v19, v10;
	v31 =	vadd.s32 v4, v30;
	s11 =	simm.s32 $0x6680  }
0x903: {  	[tilespmem:s11], [sflag:$0x1] =	stream.indirect_vreg.gather [hbm4b:s6+s3], $0x80, v28, vm0, $0xb8;
	[tilespmem:$0x1FC00] =	vst v63  }
0x904: {  	v34 =	vperm.xlane v19, v11;
	v33 =	vadd.s32 v4, v32;
	s11 =	simm.s32 $0x6700  }
0x905: {  	[tilespmem:s11], [sflag:$0x1] =	stream.indirect_vreg.gather [hbm4b:s6+s3], $0x80, v20, vm0, $0xb8;
	[tilespmem:$0x1FC00] =	vst v63  }
0x906: {  	v35 =	vperm.xlane v19, v12;
	v20 =	vadd.s32 v4, v34;
	s11 =	simm.s32 $0x6780  }
0x907: {  	[tilespmem:s11], [sflag:$0x1] =	stream.indirect_vreg.gather [hbm4b:s6+s3], $0x80, v31, vm0, $0xb8;
	[tilespmem:$0x1FC00] =	vst v63  }
0x908: {  	v37 =	vperm.xlane v19, v13;
	v36 =	vadd.s32 v4, v35;
	s11 =	simm.s32 $0x6800  }
0x909: {  	[tilespmem:s11], [sflag:$0x1] =	stream.indirect_vreg.gather [hbm4b:s6+s3], $0x80, v33, vm0, $0xb8;
	[tilespmem:$0x1FC00] =	vst v63  }
0x90a: {  	v39 =	vperm.xlane v19, v14;
	v38 =	vadd.s32 v4, v37;
	s11 =	simm.s32 $0x6880  }
0x90b: {  	[tilespmem:s11], [sflag:$0x1] =	stream.indirect_vreg.gather [hbm4b:s6+s3], $0x80, v20, vm0, $0xb8;
	[tilespmem:$0x1FC00] =	vst v63  }
0x90c: {  	v40 =	vperm.xlane v19, v15;
	v20 =	vadd.s32 v4, v39;
	s11 =	simm.s32 $0x6900  }
0x90d: {  	[tilespmem:s11], [sflag:$0x1] =	stream.indirect_vreg.gather [hbm4b:s6+s3], $0x80, v36, vm0, $0xb8;
	[tilespmem:$0x1FC00] =	vst v63  }
0x90e: {  	v42 =	vperm.xlane v19, v16;
	v41 =	vadd.s32 v4, v40;
	s11 =	simm.s32 $0x6980  }
0x90f: {  	[tilespmem:s11], [sflag:$0x1] =	stream.indirect_vreg.gather [hbm4b:s6+s3], $0x80, v38, vm0, $0xb8;
	[tilespmem:$0x1FC00] =	vst v63  }
0x910: {  	v19 =	vperm.xlane v19, v17;
	v43 =	vadd.s32 v4, v42;
	s11 =	simm.s32 $0x6A00  }
0x911: {  	[tilespmem:s11], [sflag:$0x1] =	stream.indirect_vreg.gather [hbm4b:s6+s3], $0x80, v20, vm0, $0xb8;
	[tilespmem:$0x1FC00] =	vst v63  }
0x912: {  	v19 =	vadd.s32 v4, v19;
	s11 =	simm.s32 $0x6A80  }
0x913: {  	[tilespmem:s11], [sflag:$0x1] =	stream.indirect_vreg.gather [hbm4b:s6+s3], $0x80, v41, vm0, $0xb8;
	[tilespmem:$0x1FC00] =	vst v63  }
0x914: {  	s11 =	simm.s32 $0x6B00  }
0x915: {  	[tilespmem:s11], [sflag:$0x1] =	stream.indirect_vreg.gather [hbm4b:s6+s3], $0x80, v43, vm0, $0xb8;
	[tilespmem:$0x1FC00] =	vst v63  }
0x916: {  	s11 =	simm.s32 $0x6B80  }
0x917: {  	[tilespmem:s11], [sflag:$0x1] =	stream.indirect_vreg.gather [hbm4b:s6+s3], $0x80, v19, vm0, $0xb8;
	[tilespmem:$0x1FC00] =	vst v63  }
0x918: {  	v19 =	vld [tilespmem:s10+$0x160];
	_ =	sdelay $0x4  }
0x919: {  	v20 =	vshll.u32 v19, $0x1  }
0x91a: {  	v19 =	vand.u32 $0x7, v19;
	v20 =	vand.u32 $0xFFFFFFF0, v20  }
0x91b: {  	v19 =	vor.u32 v19, v20  }
0x91c: {  	v20 =	vperm.xlane v19, v3;
	_ =	sdelay $0x1  }
0x91d: {  	v44 =	vperm.xlane v19, v2;
	v20 =	vadd.s32 v4, v20;
	_ =	sdelay $0x1  }
0x91e: {  	v45 =	vperm.xlane v19, v5;
	v21 =	vadd.s32 v4, v44;
	_ =	sdelay $0x1  }
0x91f: {  	s11 =	simm.s32 $0x6C00;
	v46 =	vperm.xlane v19, v6;
	v22 =	vadd.s32 v4, v45  }
0x920: {  	[tilespmem:s11], [sflag:$0x1] =	stream.indirect_vreg.gather [hbm4b:s6+s3], $0x80, v20, vm0, $0xb8;
	[tilespmem:$0x1FC00] =	vst v63  }
0x921: {  	v47 =	vperm.xlane v19, v7;
	v20 =	vadd.s32 v4, v46;
	s11 =	simm.s32 $0x6C80  }
0x922: {  	[tilespmem:s11], [sflag:$0x1] =	stream.indirect_vreg.gather [hbm4b:s6+s3], $0x80, v21, vm0, $0xb8;
	[tilespmem:$0x1FC00] =	vst v63  }
0x923: {  	v49 =	vperm.xlane v19, v8;
	v48 =	vadd.s32 v4, v47;
	s11 =	simm.s32 $0x6D00  }
0x924: {  	[tilespmem:s11], [sflag:$0x1] =	stream.indirect_vreg.gather [hbm4b:s6+s3], $0x80, v22, vm0, $0xb8;
	[tilespmem:$0x1FC00] =	vst v63  }
0x925: {  	v51 =	vperm.xlane v19, v9;
	v50 =	vadd.s32 v4, v49;
	s11 =	simm.s32 $0x6D80  }
0x926: {  	[tilespmem:s11], [sflag:$0x1] =	stream.indirect_vreg.gather [hbm4b:s6+s3], $0x80, v20, vm0, $0xb8;
	[tilespmem:$0x1FC00] =	vst v63  }
0x927: {  	v52 =	vperm.xlane v19, v1;
	v20 =	vadd.s32 v4, v51;
	s11 =	simm.s32 $0x6E00  }
0x928: {  	[tilespmem:s11], [sflag:$0x1] =	stream.indirect_vreg.gather [hbm4b:s6+s3], $0x80, v48, vm0, $0xb8;
	[tilespmem:$0x1FC00] =	vst v63  }
0x929: {  	v54 =	vperm.xlane v19, v10;
	v53 =	vadd.s32 v4, v52;
	s11 =	simm.s32 $0x6E80  }
0x92a: {  	[tilespmem:s11], [sflag:$0x1] =	stream.indirect_vreg.gather [hbm4b:s6+s3], $0x80, v50, vm0, $0xb8;
	[tilespmem:$0x1FC00] =	vst v63  }
0x92b: {  	v56 =	vperm.xlane v19, v11;
	v55 =	vadd.s32 v4, v54;
	s11 =	simm.s32 $0x6F00  }
0x92c: {  	[tilespmem:s11], [sflag:$0x1] =	stream.indirect_vreg.gather [hbm4b:s6+s3], $0x80, v20, vm0, $0xb8;
	[tilespmem:$0x1FC00] =	vst v63  }
0x92d: {  	v57 =	vperm.xlane v19, v12;
	v20 =	vadd.s32 v4, v56;
	s11 =	simm.s32 $0x6F80  }
0x92e: {  	[tilespmem:s11], [sflag:$0x1] =	stream.indirect_vreg.gather [hbm4b:s6+s3], $0x80, v53, vm0, $0xb8;
	[tilespmem:$0x1FC00] =	vst v63  }
0x92f: {  	v59 =	vperm.xlane v19, v13;
	v58 =	vadd.s32 v4, v57;
	s11 =	simm.s32 $0x7000  }
0x930: {  	[tilespmem:s11], [sflag:$0x1] =	stream.indirect_vreg.gather [hbm4b:s6+s3], $0x80, v55, vm0, $0xb8;
	[tilespmem:$0x1FC00] =	vst v63  }
0x931: {  	v61 =	vperm.xlane v19, v14;
	v60 =	vadd.s32 v4, v59;
	s11 =	simm.s32 $0x7080  }
0x932: {  	[tilespmem:s11], [sflag:$0x1] =	stream.indirect_vreg.gather [hbm4b:s6+s3], $0x80, v20, vm0, $0xb8;
	[tilespmem:$0x1FC00] =	vst v63  }
0x933: {  	v62 =	vperm.xlane v19, v15;
	v20 =	vadd.s32 v4, v61;
	s11 =	simm.s32 $0x7100  }
0x934: {  	[tilespmem:s11], [sflag:$0x1] =	stream.indirect_vreg.gather [hbm4b:s6+s3], $0x80, v58, vm0, $0xb8;
	[tilespmem:$0x1FC00] =	vst v63  }
0x935: {  	v24 =	vperm.xlane v19, v16;
	v63 =	vadd.s32 v4, v62;
	s11 =	simm.s32 $0x7180  }
0x936: {  	[tilespmem:s11], [sflag:$0x1] =	stream.indirect_vreg.gather [hbm4b:s6+s3], $0x80, v60, vm0, $0xb8;
	[tilespmem:$0x1FC00] =	vst v63  }
0x937: {  	v19 =	vperm.xlane v19, v17;
	v25 =	vadd.s32 v4, v24;
	s11 =	simm.s32 $0x7200  }
0x938: {  	[tilespmem:s11], [sflag:$0x1] =	stream.indirect_vreg.gather [hbm4b:s6+s3], $0x80, v20, vm0, $0xb8;
	[tilespmem:$0x1FC00] =	vst v63  }
0x939: {  	v19 =	vadd.s32 v4, v19;
	s11 =	simm.s32 $0x7280  }
0x93a: {  	[tilespmem:s11], [sflag:$0x1] =	stream.indirect_vreg.gather [hbm4b:s6+s3], $0x80, v63, vm0, $0xb8;
	[tilespmem:$0x1FC00] =	vst v63  }
0x93b: {  	s11 =	simm.s32 $0x7300  }
0x93c: {  	[tilespmem:s11], [sflag:$0x1] =	stream.indirect_vreg.gather [hbm4b:s6+s3], $0x80, v25, vm0, $0xb8;
	[tilespmem:$0x1FC00] =	vst v63  }
0x93d: {  	s11 =	simm.s32 $0x7380  }
0x93e: {  	[tilespmem:s11], [sflag:$0x1] =	stream.indirect_vreg.gather [hbm4b:s6+s3], $0x80, v19, vm0, $0xb8;
	[tilespmem:$0x1FC00] =	vst v63  }
0x93f: {  	v19 =	vld [tilespmem:s10+$0x170];
	_ =	sdelay $0x4  }
0x940: {  	v20 =	vshll.u32 v19, $0x1  }
0x941: {  	v19 =	vand.u32 $0x7, v19;
	v20 =	vand.u32 $0xFFFFFFF0, v20  }
0x942: {  	v19 =	vor.u32 v19, v20  }
0x943: {  	v20 =	vperm.xlane v19, v3;
	_ =	sdelay $0x1  }
0x944: {  	v26 =	vperm.xlane v19, v2;
	v20 =	vadd.s32 v4, v20;
	_ =	sdelay $0x1  }
0x945: {  	v27 =	vperm.xlane v19, v5;
	v21 =	vadd.s32 v4, v26;
	_ =	sdelay $0x1  }
0x946: {  	s11 =	simm.s32 $0x7400;
	v28 =	vperm.xlane v19, v6;
	v22 =	vadd.s32 v4, v27  }
0x947: {  	[tilespmem:s11], [sflag:$0x1] =	stream.indirect_vreg.gather [hbm4b:s6+s3], $0x80, v20, vm0, $0xb8;
	[tilespmem:$0x1FC00] =	vst v63  }
0x948: {  	v29 =	vperm.xlane v19, v7;
	v20 =	vadd.s32 v4, v28;
	s11 =	simm.s32 $0x7480  }
0x949: {  	[tilespmem:s11], [sflag:$0x1] =	stream.indirect_vreg.gather [hbm4b:s6+s3], $0x80, v21, vm0, $0xb8;
	[tilespmem:$0x1FC00] =	vst v63  }
0x94a: {  	v31 =	vperm.xlane v19, v8;
	v30 =	vadd.s32 v4, v29;
	s11 =	simm.s32 $0x7500  }
0x94b: {  	[tilespmem:s11], [sflag:$0x1] =	stream.indirect_vreg.gather [hbm4b:s6+s3], $0x80, v22, vm0, $0xb8;
	[tilespmem:$0x1FC00] =	vst v63  }
0x94c: {  	v33 =	vperm.xlane v19, v9;
	v32 =	vadd.s32 v4, v31;
	s11 =	simm.s32 $0x7580  }
0x94d: {  	[tilespmem:s11], [sflag:$0x1] =	stream.indirect_vreg.gather [hbm4b:s6+s3], $0x80, v20, vm0, $0xb8;
	[tilespmem:$0x1FC00] =	vst v63  }
0x94e: {  	v34 =	vperm.xlane v19, v1;
	v20 =	vadd.s32 v4, v33;
	s11 =	simm.s32 $0x7600  }
0x94f: {  	[tilespmem:s11], [sflag:$0x1] =	stream.indirect_vreg.gather [hbm4b:s6+s3], $0x80, v30, vm0, $0xb8;
	[tilespmem:$0x1FC00] =	vst v63  }
0x950: {  	v36 =	vperm.xlane v19, v10;
	v35 =	vadd.s32 v4, v34;
	s11 =	simm.s32 $0x7680  }
0x951: {  	[tilespmem:s11], [sflag:$0x1] =	stream.indirect_vreg.gather [hbm4b:s6+s3], $0x80, v32, vm0, $0xb8;
	[tilespmem:$0x1FC00] =	vst v63  }
0x952: {  	v38 =	vperm.xlane v19, v11;
	v37 =	vadd.s32 v4, v36;
	s11 =	simm.s32 $0x7700  }
0x953: {  	[tilespmem:s11], [sflag:$0x1] =	stream.indirect_vreg.gather [hbm4b:s6+s3], $0x80, v20, vm0, $0xb8;
	[tilespmem:$0x1FC00] =	vst v63  }
0x954: {  	v39 =	vperm.xlane v19, v12;
	v20 =	vadd.s32 v4, v38;
	s11 =	simm.s32 $0x7780  }
0x955: {  	[tilespmem:s11], [sflag:$0x1] =	stream.indirect_vreg.gather [hbm4b:s6+s3], $0x80, v35, vm0, $0xb8;
	[tilespmem:$0x1FC00] =	vst v63  }
0x956: {  	v41 =	vperm.xlane v19, v13;
	v40 =	vadd.s32 v4, v39;
	s11 =	simm.s32 $0x7800  }
0x957: {  	[tilespmem:s11], [sflag:$0x1] =	stream.indirect_vreg.gather [hbm4b:s6+s3], $0x80, v37, vm0, $0xb8;
	[tilespmem:$0x1FC00] =	vst v63  }
0x958: {  	v43 =	vperm.xlane v19, v14;
	v42 =	vadd.s32 v4, v41;
	s11 =	simm.s32 $0x7880  }
0x959: {  	[tilespmem:s11], [sflag:$0x1] =	stream.indirect_vreg.gather [hbm4b:s6+s3], $0x80, v20, vm0, $0xb8;
	[tilespmem:$0x1FC00] =	vst v63  }
0x95a: {  	v44 =	vperm.xlane v19, v15;
	v20 =	vadd.s32 v4, v43;
	s11 =	simm.s32 $0x7900  }
0x95b: {  	[tilespmem:s11], [sflag:$0x1] =	stream.indirect_vreg.gather [hbm4b:s6+s3], $0x80, v40, vm0, $0xb8;
	[tilespmem:$0x1FC00] =	vst v63  }
0x95c: {  	v46 =	vperm.xlane v19, v16;
	v45 =	vadd.s32 v4, v44;
	s11 =	simm.s32 $0x7980  }
0x95d: {  	[tilespmem:s11], [sflag:$0x1] =	stream.indirect_vreg.gather [hbm4b:s6+s3], $0x80, v42, vm0, $0xb8;
	[tilespmem:$0x1FC00] =	vst v63  }
0x95e: {  	v19 =	vperm.xlane v19, v17;
	v47 =	vadd.s32 v4, v46;
	s11 =	simm.s32 $0x7A00  }
0x95f: {  	[tilespmem:s11], [sflag:$0x1] =	stream.indirect_vreg.gather [hbm4b:s6+s3], $0x80, v20, vm0, $0xb8;
	[tilespmem:$0x1FC00] =	vst v63  }
0x960: {  	v19 =	vadd.s32 v4, v19;
	s11 =	simm.s32 $0x7A80  }
0x961: {  	[tilespmem:s11], [sflag:$0x1] =	stream.indirect_vreg.gather [hbm4b:s6+s3], $0x80, v45, vm0, $0xb8;
	[tilespmem:$0x1FC00] =	vst v63  }
0x962: {  	s11 =	simm.s32 $0x7B00  }
0x963: {  	[tilespmem:s11], [sflag:$0x1] =	stream.indirect_vreg.gather [hbm4b:s6+s3], $0x80, v47, vm0, $0xb8;
	[tilespmem:$0x1FC00] =	vst v63  }
0x964: {  	s11 =	simm.s32 $0x7B80  }
0x965: {  	[tilespmem:s11], [sflag:$0x1] =	stream.indirect_vreg.gather [hbm4b:s6+s3], $0x80, v19, vm0, $0xb8;
	[tilespmem:$0x1FC00] =	vst v63  }
0x966: {  	_ =	swait.ge [sflag:s7], $0x4000  }
0x967: {  	[sflag:s7] =	ssyncset.done $0x0  }
0x968: {  	s11 =	sadd.s32 $0x2880, s10;
	[sflag:s7] =	ssyncadd.s32 $0xFFFFC000  }
0x969: {  	[spmem:s2] =	stream.indirect.scatter.add.f32 [tilespmem:s26], [sflag:$0x4], $0x80, s11, s5, $0xb8;
	[tilespmem:$0x1FC00] =	vst v63  }
0x96a: {  	_ =	swait.ge [sflag:s30], $0x4000  }
0x96b: {  	[sflag:s30] =	ssyncset.done $0x0  }
0x96c: {  	[sflag:s30] =	ssyncadd.s32 $0xFFFFC000  }
0x96d: {  	v19 =	vld [tilespmem:s10+$0x180];
	_ =	sdelay $0x4  }
0x96e: {  	v20 =	vshll.u32 v19, $0x1  }
0x96f: {  	v19 =	vand.u32 $0x7, v19;
	v20 =	vand.u32 $0xFFFFFFF0, v20  }
0x970: {  	v19 =	vor.u32 v19, v20  }
0x971: {  	v20 =	vperm.xlane v19, v3;
	_ =	sdelay $0x1  }
0x972: {  	v48 =	vperm.xlane v19, v2;
	v20 =	vadd.s32 v4, v20;
	_ =	sdelay $0x1  }
0x973: {  	v49 =	vperm.xlane v19, v5;
	v21 =	vadd.s32 v4, v48;
	_ =	sdelay $0x1  }
0x974: {  	v50 =	vperm.xlane v19, v6;
	v22 =	vadd.s32 v4, v49  }
0x975: {  	[tilespmem:s26], [sflag:$0x2] =	stream.indirect_vreg.gather [hbm4b:s6+s3], $0x80, v20, vm0, $0xb8;
	[tilespmem:$0x1FC00] =	vst v63  }
0x976: {  	s11 =	simm.s32 $0x7C80;
	v51 =	vperm.xlane v19, v7;
	v20 =	vadd.s32 v4, v50  }
0x977: {  	[tilespmem:s11], [sflag:$0x2] =	stream.indirect_vreg.gather [hbm4b:s6+s3], $0x80, v21, vm0, $0xb8;
	[tilespmem:$0x1FC00] =	vst v63  }
0x978: {  	v53 =	vperm.xlane v19, v8;
	v52 =	vadd.s32 v4, v51;
	s11 =	simm.s32 $0x7D00  }
0x979: {  	[tilespmem:s11], [sflag:$0x2] =	stream.indirect_vreg.gather [hbm4b:s6+s3], $0x80, v22, vm0, $0xb8;
	[tilespmem:$0x1FC00] =	vst v63  }
0x97a: {  	v55 =	vperm.xlane v19, v9;
	v54 =	vadd.s32 v4, v53;
	s11 =	simm.s32 $0x7D80  }
0x97b: {  	[tilespmem:s11], [sflag:$0x2] =	stream.indirect_vreg.gather [hbm4b:s6+s3], $0x80, v20, vm0, $0xb8;
	[tilespmem:$0x1FC00] =	vst v63  }
0x97c: {  	v56 =	vperm.xlane v19, v1;
	v20 =	vadd.s32 v4, v55;
	s11 =	simm.s32 $0x7E00  }
0x97d: {  	[tilespmem:s11], [sflag:$0x2] =	stream.indirect_vreg.gather [hbm4b:s6+s3], $0x80, v52, vm0, $0xb8;
	[tilespmem:$0x1FC00] =	vst v63  }
0x97e: {  	v58 =	vperm.xlane v19, v10;
	v57 =	vadd.s32 v4, v56;
	s11 =	simm.s32 $0x7E80  }
0x97f: {  	[tilespmem:s11], [sflag:$0x2] =	stream.indirect_vreg.gather [hbm4b:s6+s3], $0x80, v54, vm0, $0xb8;
	[tilespmem:$0x1FC00] =	vst v63  }
0x980: {  	v60 =	vperm.xlane v19, v11;
	v59 =	vadd.s32 v4, v58;
	s11 =	simm.s32 $0x7F00  }
0x981: {  	[tilespmem:s11], [sflag:$0x2] =	stream.indirect_vreg.gather [hbm4b:s6+s3], $0x80, v20, vm0, $0xb8;
	[tilespmem:$0x1FC00] =	vst v63  }
0x982: {  	v61 =	vperm.xlane v19, v12;
	v20 =	vadd.s32 v4, v60;
	s11 =	simm.s32 $0x7F80  }
0x983: {  	[tilespmem:s11], [sflag:$0x2] =	stream.indirect_vreg.gather [hbm4b:s6+s3], $0x80, v57, vm0, $0xb8;
	[tilespmem:$0x1FC00] =	vst v63  }
0x984: {  	v63 =	vperm.xlane v19, v13;
	v62 =	vadd.s32 v4, v61;
	s11 =	simm.s32 $0x8000  }
0x985: {  	[tilespmem:s11], [sflag:$0x2] =	stream.indirect_vreg.gather [hbm4b:s6+s3], $0x80, v59, vm0, $0xb8;
	[tilespmem:$0x1FC00] =	vst v63  }
0x986: {  	v25 =	vperm.xlane v19, v14;
	v24 =	vadd.s32 v4, v63;
	s11 =	simm.s32 $0x8080  }
0x987: {  	[tilespmem:s11], [sflag:$0x2] =	stream.indirect_vreg.gather [hbm4b:s6+s3], $0x80, v20, vm0, $0xb8;
	[tilespmem:$0x1FC00] =	vst v63  }
0x988: {  	v26 =	vperm.xlane v19, v15;
	v20 =	vadd.s32 v4, v25;
	s11 =	simm.s32 $0x8100  }
0x989: {  	[tilespmem:s11], [sflag:$0x2] =	stream.indirect_vreg.gather [hbm4b:s6+s3], $0x80, v62, vm0, $0xb8;
	[tilespmem:$0x1FC00] =	vst v63  }
0x98a: {  	v28 =	vperm.xlane v19, v16;
	v27 =	vadd.s32 v4, v26;
	s11 =	simm.s32 $0x8180  }
0x98b: {  	[tilespmem:s11], [sflag:$0x2] =	stream.indirect_vreg.gather [hbm4b:s6+s3], $0x80, v24, vm0, $0xb8;
	[tilespmem:$0x1FC00] =	vst v63  }
0x98c: {  	v19 =	vperm.xlane v19, v17;
	v29 =	vadd.s32 v4, v28;
	s11 =	simm.s32 $0x8200  }
0x98d: {  	[tilespmem:s11], [sflag:$0x2] =	stream.indirect_vreg.gather [hbm4b:s6+s3], $0x80, v20, vm0, $0xb8;
	[tilespmem:$0x1FC00] =	vst v63  }
0x98e: {  	v19 =	vadd.s32 v4, v19;
	s11 =	simm.s32 $0x8280  }
0x98f: {  	[tilespmem:s11], [sflag:$0x2] =	stream.indirect_vreg.gather [hbm4b:s6+s3], $0x80, v27, vm0, $0xb8;
	[tilespmem:$0x1FC00] =	vst v63  }
0x990: {  	s11 =	simm.s32 $0x8300  }
0x991: {  	[tilespmem:s11], [sflag:$0x2] =	stream.indirect_vreg.gather [hbm4b:s6+s3], $0x80, v29, vm0, $0xb8;
	[tilespmem:$0x1FC00] =	vst v63  }
0x992: {  	s11 =	simm.s32 $0x8380  }
0x993: {  	[tilespmem:s11], [sflag:$0x2] =	stream.indirect_vreg.gather [hbm4b:s6+s3], $0x80, v19, vm0, $0xb8;
	[tilespmem:$0x1FC00] =	vst v63  }
0x994: {  	v19 =	vld [tilespmem:s10+$0x190];
	_ =	sdelay $0x4  }
0x995: {  	v20 =	vshll.u32 v19, $0x1  }
0x996: {  	v19 =	vand.u32 $0x7, v19;
	v20 =	vand.u32 $0xFFFFFFF0, v20  }
0x997: {  	v19 =	vor.u32 v19, v20  }
0x998: {  	v20 =	vperm.xlane v19, v3;
	_ =	sdelay $0x1  }
0x999: {  	v30 =	vperm.xlane v19, v2;
	v20 =	vadd.s32 v4, v20;
	_ =	sdelay $0x1  }
0x99a: {  	v31 =	vperm.xlane v19, v5;
	v21 =	vadd.s32 v4, v30;
	_ =	sdelay $0x1  }
0x99b: {  	s11 =	simm.s32 $0x8400;
	v32 =	vperm.xlane v19, v6;
	v22 =	vadd.s32 v4, v31  }
0x99c: {  	[tilespmem:s11], [sflag:$0x2] =	stream.indirect_vreg.gather [hbm4b:s6+s3], $0x80, v20, vm0, $0xb8;
	[tilespmem:$0x1FC00] =	vst v63  }
0x99d: {  	v33 =	vperm.xlane v19, v7;
	v20 =	vadd.s32 v4, v32;
	s11 =	simm.s32 $0x8480  }
0x99e: {  	[tilespmem:s11], [sflag:$0x2] =	stream.indirect_vreg.gather [hbm4b:s6+s3], $0x80, v21, vm0, $0xb8;
	[tilespmem:$0x1FC00] =	vst v63  }
0x99f: {  	v35 =	vperm.xlane v19, v8;
	v34 =	vadd.s32 v4, v33;
	s11 =	simm.s32 $0x8500  }
0x9a0: {  	[tilespmem:s11], [sflag:$0x2] =	stream.indirect_vreg.gather [hbm4b:s6+s3], $0x80, v22, vm0, $0xb8;
	[tilespmem:$0x1FC00] =	vst v63  }
0x9a1: {  	v37 =	vperm.xlane v19, v9;
	v36 =	vadd.s32 v4, v35;
	s11 =	simm.s32 $0x8580  }
0x9a2: {  	[tilespmem:s11], [sflag:$0x2] =	stream.indirect_vreg.gather [hbm4b:s6+s3], $0x80, v20, vm0, $0xb8;
	[tilespmem:$0x1FC00] =	vst v63  }
0x9a3: {  	v38 =	vperm.xlane v19, v1;
	v20 =	vadd.s32 v4, v37;
	s11 =	simm.s32 $0x8600  }
0x9a4: {  	[tilespmem:s11], [sflag:$0x2] =	stream.indirect_vreg.gather [hbm4b:s6+s3], $0x80, v34, vm0, $0xb8;
	[tilespmem:$0x1FC00] =	vst v63  }
0x9a5: {  	v40 =	vperm.xlane v19, v10;
	v39 =	vadd.s32 v4, v38;
	s11 =	simm.s32 $0x8680  }
0x9a6: {  	[tilespmem:s11], [sflag:$0x2] =	stream.indirect_vreg.gather [hbm4b:s6+s3], $0x80, v36, vm0, $0xb8;
	[tilespmem:$0x1FC00] =	vst v63  }
0x9a7: {  	v42 =	vperm.xlane v19, v11;
	v41 =	vadd.s32 v4, v40;
	s11 =	simm.s32 $0x8700  }
0x9a8: {  	[tilespmem:s11], [sflag:$0x2] =	stream.indirect_vreg.gather [hbm4b:s6+s3], $0x80, v20, vm0, $0xb8;
	[tilespmem:$0x1FC00] =	vst v63  }
0x9a9: {  	v43 =	vperm.xlane v19, v12;
	v20 =	vadd.s32 v4, v42;
	s11 =	simm.s32 $0x8780  }
0x9aa: {  	[tilespmem:s11], [sflag:$0x2] =	stream.indirect_vreg.gather [hbm4b:s6+s3], $0x80, v39, vm0, $0xb8;
	[tilespmem:$0x1FC00] =	vst v63  }
0x9ab: {  	v45 =	vperm.xlane v19, v13;
	v44 =	vadd.s32 v4, v43;
	s11 =	simm.s32 $0x8800  }
0x9ac: {  	[tilespmem:s11], [sflag:$0x2] =	stream.indirect_vreg.gather [hbm4b:s6+s3], $0x80, v41, vm0, $0xb8;
	[tilespmem:$0x1FC00] =	vst v63  }
0x9ad: {  	v47 =	vperm.xlane v19, v14;
	v46 =	vadd.s32 v4, v45;
	s11 =	simm.s32 $0x8880  }
0x9ae: {  	[tilespmem:s11], [sflag:$0x2] =	stream.indirect_vreg.gather [hbm4b:s6+s3], $0x80, v20, vm0, $0xb8;
	[tilespmem:$0x1FC00] =	vst v63  }
0x9af: {  	v48 =	vperm.xlane v19, v15;
	v20 =	vadd.s32 v4, v47;
	s11 =	simm.s32 $0x8900  }
0x9b0: {  	[tilespmem:s11], [sflag:$0x2] =	stream.indirect_vreg.gather [hbm4b:s6+s3], $0x80, v44, vm0, $0xb8;
	[tilespmem:$0x1FC00] =	vst v63  }
0x9b1: {  	v50 =	vperm.xlane v19, v16;
	v49 =	vadd.s32 v4, v48;
	s11 =	simm.s32 $0x8980  }
0x9b2: {  	[tilespmem:s11], [sflag:$0x2] =	stream.indirect_vreg.gather [hbm4b:s6+s3], $0x80, v46, vm0, $0xb8;
	[tilespmem:$0x1FC00] =	vst v63  }
0x9b3: {  	v19 =	vperm.xlane v19, v17;
	v51 =	vadd.s32 v4, v50;
	s11 =	simm.s32 $0x8A00  }
0x9b4: {  	[tilespmem:s11], [sflag:$0x2] =	stream.indirect_vreg.gather [hbm4b:s6+s3], $0x80, v20, vm0, $0xb8;
	[tilespmem:$0x1FC00] =	vst v63  }
0x9b5: {  	v19 =	vadd.s32 v4, v19;
	s11 =	simm.s32 $0x8A80  }
0x9b6: {  	[tilespmem:s11], [sflag:$0x2] =	stream.indirect_vreg.gather [hbm4b:s6+s3], $0x80, v49, vm0, $0xb8;
	[tilespmem:$0x1FC00] =	vst v63  }
0x9b7: {  	s11 =	simm.s32 $0x8B00  }
0x9b8: {  	[tilespmem:s11], [sflag:$0x2] =	stream.indirect_vreg.gather [hbm4b:s6+s3], $0x80, v51, vm0, $0xb8;
	[tilespmem:$0x1FC00] =	vst v63  }
0x9b9: {  	s11 =	simm.s32 $0x8B80  }
0x9ba: {  	[tilespmem:s11], [sflag:$0x2] =	stream.indirect_vreg.gather [hbm4b:s6+s3], $0x80, v19, vm0, $0xb8;
	[tilespmem:$0x1FC00] =	vst v63  }
0x9bb: {  	v19 =	vld [tilespmem:s10+$0x1A0];
	_ =	sdelay $0x4  }
0x9bc: {  	v20 =	vshll.u32 v19, $0x1  }
0x9bd: {  	v19 =	vand.u32 $0x7, v19;
	v20 =	vand.u32 $0xFFFFFFF0, v20  }
0x9be: {  	v19 =	vor.u32 v19, v20  }
0x9bf: {  	v20 =	vperm.xlane v19, v3;
	_ =	sdelay $0x1  }
0x9c0: {  	v52 =	vperm.xlane v19, v2;
	v20 =	vadd.s32 v4, v20;
	_ =	sdelay $0x1  }
0x9c1: {  	v53 =	vperm.xlane v19, v5;
	v21 =	vadd.s32 v4, v52;
	_ =	sdelay $0x1  }
0x9c2: {  	s11 =	simm.s32 $0x8C00;
	v54 =	vperm.xlane v19, v6;
	v22 =	vadd.s32 v4, v53  }
0x9c3: {  	[tilespmem:s11], [sflag:$0x2] =	stream.indirect_vreg.gather [hbm4b:s6+s3], $0x80, v20, vm0, $0xb8;
	[tilespmem:$0x1FC00] =	vst v63  }
0x9c4: {  	v55 =	vperm.xlane v19, v7;
	v20 =	vadd.s32 v4, v54;
	s11 =	simm.s32 $0x8C80  }
0x9c5: {  	[tilespmem:s11], [sflag:$0x2] =	stream.indirect_vreg.gather [hbm4b:s6+s3], $0x80, v21, vm0, $0xb8;
	[tilespmem:$0x1FC00] =	vst v63  }
0x9c6: {  	v57 =	vperm.xlane v19, v8;
	v56 =	vadd.s32 v4, v55;
	s11 =	simm.s32 $0x8D00  }
0x9c7: {  	[tilespmem:s11], [sflag:$0x2] =	stream.indirect_vreg.gather [hbm4b:s6+s3], $0x80, v22, vm0, $0xb8;
	[tilespmem:$0x1FC00] =	vst v63  }
0x9c8: {  	v59 =	vperm.xlane v19, v9;
	v58 =	vadd.s32 v4, v57;
	s11 =	simm.s32 $0x8D80  }
0x9c9: {  	[tilespmem:s11], [sflag:$0x2] =	stream.indirect_vreg.gather [hbm4b:s6+s3], $0x80, v20, vm0, $0xb8;
	[tilespmem:$0x1FC00] =	vst v63  }
0x9ca: {  	v60 =	vperm.xlane v19, v1;
	v20 =	vadd.s32 v4, v59;
	s11 =	simm.s32 $0x8E00  }
0x9cb: {  	[tilespmem:s11], [sflag:$0x2] =	stream.indirect_vreg.gather [hbm4b:s6+s3], $0x80, v56, vm0, $0xb8;
	[tilespmem:$0x1FC00] =	vst v63  }
0x9cc: {  	v62 =	vperm.xlane v19, v10;
	v61 =	vadd.s32 v4, v60;
	s11 =	simm.s32 $0x8E80  }
0x9cd: {  	[tilespmem:s11], [sflag:$0x2] =	stream.indirect_vreg.gather [hbm4b:s6+s3], $0x80, v58, vm0, $0xb8;
	[tilespmem:$0x1FC00] =	vst v63  }
0x9ce: {  	v24 =	vperm.xlane v19, v11;
	v63 =	vadd.s32 v4, v62;
	s11 =	simm.s32 $0x8F00  }
0x9cf: {  	[tilespmem:s11], [sflag:$0x2] =	stream.indirect_vreg.gather [hbm4b:s6+s3], $0x80, v20, vm0, $0xb8;
	[tilespmem:$0x1FC00] =	vst v63  }
0x9d0: {  	v25 =	vperm.xlane v19, v12;
	v20 =	vadd.s32 v4, v24;
	s11 =	simm.s32 $0x8F80  }
0x9d1: {  	[tilespmem:s11], [sflag:$0x2] =	stream.indirect_vreg.gather [hbm4b:s6+s3], $0x80, v61, vm0, $0xb8;
	[tilespmem:$0x1FC00] =	vst v63  }
0x9d2: {  	v27 =	vperm.xlane v19, v13;
	v26 =	vadd.s32 v4, v25;
	s11 =	simm.s32 $0x9000  }
0x9d3: {  	[tilespmem:s11], [sflag:$0x2] =	stream.indirect_vreg.gather [hbm4b:s6+s3], $0x80, v63, vm0, $0xb8;
	[tilespmem:$0x1FC00] =	vst v63  }
0x9d4: {  	v29 =	vperm.xlane v19, v14;
	v28 =	vadd.s32 v4, v27;
	s11 =	simm.s32 $0x9080  }
0x9d5: {  	[tilespmem:s11], [sflag:$0x2] =	stream.indirect_vreg.gather [hbm4b:s6+s3], $0x80, v20, vm0, $0xb8;
	[tilespmem:$0x1FC00] =	vst v63  }
0x9d6: {  	v30 =	vperm.xlane v19, v15;
	v20 =	vadd.s32 v4, v29;
	s11 =	simm.s32 $0x9100  }
0x9d7: {  	[tilespmem:s11], [sflag:$0x2] =	stream.indirect_vreg.gather [hbm4b:s6+s3], $0x80, v26, vm0, $0xb8;
	[tilespmem:$0x1FC00] =	vst v63  }
0x9d8: {  	v32 =	vperm.xlane v19, v16;
	v31 =	vadd.s32 v4, v30;
	s11 =	simm.s32 $0x9180  }
0x9d9: {  	[tilespmem:s11], [sflag:$0x2] =	stream.indirect_vreg.gather [hbm4b:s6+s3], $0x80, v28, vm0, $0xb8;
	[tilespmem:$0x1FC00] =	vst v63  }
0x9da: {  	v19 =	vperm.xlane v19, v17;
	v33 =	vadd.s32 v4, v32;
	s11 =	simm.s32 $0x9200  }
0x9db: {  	[tilespmem:s11], [sflag:$0x2] =	stream.indirect_vreg.gather [hbm4b:s6+s3], $0x80, v20, vm0, $0xb8;
	[tilespmem:$0x1FC00] =	vst v63  }
0x9dc: {  	v19 =	vadd.s32 v4, v19;
	s11 =	simm.s32 $0x9280  }
0x9dd: {  	[tilespmem:s11], [sflag:$0x2] =	stream.indirect_vreg.gather [hbm4b:s6+s3], $0x80, v31, vm0, $0xb8;
	[tilespmem:$0x1FC00] =	vst v63  }
0x9de: {  	s11 =	simm.s32 $0x9300  }
0x9df: {  	[tilespmem:s11], [sflag:$0x2] =	stream.indirect_vreg.gather [hbm4b:s6+s3], $0x80, v33, vm0, $0xb8;
	[tilespmem:$0x1FC00] =	vst v63  }
0x9e0: {  	s11 =	simm.s32 $0x9380  }
0x9e1: {  	[tilespmem:s11], [sflag:$0x2] =	stream.indirect_vreg.gather [hbm4b:s6+s3], $0x80, v19, vm0, $0xb8;
	[tilespmem:$0x1FC00] =	vst v63  }
0x9e2: {  	v19 =	vld [tilespmem:s10+$0x1B0];
	_ =	sdelay $0x4  }
0x9e3: {  	v20 =	vshll.u32 v19, $0x1  }
0x9e4: {  	v19 =	vand.u32 $0x7, v19;
	v20 =	vand.u32 $0xFFFFFFF0, v20  }
0x9e5: {  	v19 =	vor.u32 v19, v20  }
0x9e6: {  	v20 =	vperm.xlane v19, v3;
	_ =	sdelay $0x1  }
0x9e7: {  	v34 =	vperm.xlane v19, v2;
	v20 =	vadd.s32 v4, v20;
	_ =	sdelay $0x1  }
0x9e8: {  	v35 =	vperm.xlane v19, v5;
	v21 =	vadd.s32 v4, v34;
	_ =	sdelay $0x1  }
0x9e9: {  	s11 =	simm.s32 $0x9400;
	v36 =	vperm.xlane v19, v6;
	v22 =	vadd.s32 v4, v35  }
0x9ea: {  	[tilespmem:s11], [sflag:$0x2] =	stream.indirect_vreg.gather [hbm4b:s6+s3], $0x80, v20, vm0, $0xb8;
	[tilespmem:$0x1FC00] =	vst v63  }
0x9eb: {  	v37 =	vperm.xlane v19, v7;
	v20 =	vadd.s32 v4, v36;
	s11 =	simm.s32 $0x9480  }
0x9ec: {  	[tilespmem:s11], [sflag:$0x2] =	stream.indirect_vreg.gather [hbm4b:s6+s3], $0x80, v21, vm0, $0xb8;
	[tilespmem:$0x1FC00] =	vst v63  }
0x9ed: {  	v39 =	vperm.xlane v19, v8;
	v38 =	vadd.s32 v4, v37;
	s11 =	simm.s32 $0x9500  }
0x9ee: {  	[tilespmem:s11], [sflag:$0x2] =	stream.indirect_vreg.gather [hbm4b:s6+s3], $0x80, v22, vm0, $0xb8;
	[tilespmem:$0x1FC00] =	vst v63  }
0x9ef: {  	v41 =	vperm.xlane v19, v9;
	v40 =	vadd.s32 v4, v39;
	s11 =	simm.s32 $0x9580  }
0x9f0: {  	[tilespmem:s11], [sflag:$0x2] =	stream.indirect_vreg.gather [hbm4b:s6+s3], $0x80, v20, vm0, $0xb8;
	[tilespmem:$0x1FC00] =	vst v63  }
0x9f1: {  	v42 =	vperm.xlane v19, v1;
	v20 =	vadd.s32 v4, v41;
	s11 =	simm.s32 $0x9600  }
0x9f2: {  	[tilespmem:s11], [sflag:$0x2] =	stream.indirect_vreg.gather [hbm4b:s6+s3], $0x80, v38, vm0, $0xb8;
	[tilespmem:$0x1FC00] =	vst v63  }
0x9f3: {  	v44 =	vperm.xlane v19, v10;
	v43 =	vadd.s32 v4, v42;
	s11 =	simm.s32 $0x9680  }
0x9f4: {  	[tilespmem:s11], [sflag:$0x2] =	stream.indirect_vreg.gather [hbm4b:s6+s3], $0x80, v40, vm0, $0xb8;
	[tilespmem:$0x1FC00] =	vst v63  }
0x9f5: {  	v46 =	vperm.xlane v19, v11;
	v45 =	vadd.s32 v4, v44;
	s11 =	simm.s32 $0x9700  }
0x9f6: {  	[tilespmem:s11], [sflag:$0x2] =	stream.indirect_vreg.gather [hbm4b:s6+s3], $0x80, v20, vm0, $0xb8;
	[tilespmem:$0x1FC00] =	vst v63  }
0x9f7: {  	v47 =	vperm.xlane v19, v12;
	v20 =	vadd.s32 v4, v46;
	s11 =	simm.s32 $0x9780  }
0x9f8: {  	[tilespmem:s11], [sflag:$0x2] =	stream.indirect_vreg.gather [hbm4b:s6+s3], $0x80, v43, vm0, $0xb8;
	[tilespmem:$0x1FC00] =	vst v63  }
0x9f9: {  	v49 =	vperm.xlane v19, v13;
	v48 =	vadd.s32 v4, v47;
	s11 =	simm.s32 $0x9800  }
0x9fa: {  	[tilespmem:s11], [sflag:$0x2] =	stream.indirect_vreg.gather [hbm4b:s6+s3], $0x80, v45, vm0, $0xb8;
	[tilespmem:$0x1FC00] =	vst v63  }
0x9fb: {  	v51 =	vperm.xlane v19, v14;
	v50 =	vadd.s32 v4, v49;
	s11 =	simm.s32 $0x9880  }
0x9fc: {  	[tilespmem:s11], [sflag:$0x2] =	stream.indirect_vreg.gather [hbm4b:s6+s3], $0x80, v20, vm0, $0xb8;
	[tilespmem:$0x1FC00] =	vst v63  }
0x9fd: {  	v52 =	vperm.xlane v19, v15;
	v20 =	vadd.s32 v4, v51;
	s11 =	simm.s32 $0x9900  }
0x9fe: {  	[tilespmem:s11], [sflag:$0x2] =	stream.indirect_vreg.gather [hbm4b:s6+s3], $0x80, v48, vm0, $0xb8;
	[tilespmem:$0x1FC00] =	vst v63  }
0x9ff: {  	v54 =	vperm.xlane v19, v16;
	v53 =	vadd.s32 v4, v52;
	s11 =	simm.s32 $0x9980  }
0xa00: {  	[tilespmem:s11], [sflag:$0x2] =	stream.indirect_vreg.gather [hbm4b:s6+s3], $0x80, v50, vm0, $0xb8;
	[tilespmem:$0x1FC00] =	vst v63  }
0xa01: {  	v19 =	vperm.xlane v19, v17;
	v55 =	vadd.s32 v4, v54;
	s11 =	simm.s32 $0x9A00  }
0xa02: {  	[tilespmem:s11], [sflag:$0x2] =	stream.indirect_vreg.gather [hbm4b:s6+s3], $0x80, v20, vm0, $0xb8;
	[tilespmem:$0x1FC00] =	vst v63  }
0xa03: {  	v19 =	vadd.s32 v4, v19;
	s11 =	simm.s32 $0x9A80  }
0xa04: {  	[tilespmem:s11], [sflag:$0x2] =	stream.indirect_vreg.gather [hbm4b:s6+s3], $0x80, v53, vm0, $0xb8;
	[tilespmem:$0x1FC00] =	vst v63  }
0xa05: {  	s11 =	simm.s32 $0x9B00  }
0xa06: {  	[tilespmem:s11], [sflag:$0x2] =	stream.indirect_vreg.gather [hbm4b:s6+s3], $0x80, v55, vm0, $0xb8;
	[tilespmem:$0x1FC00] =	vst v63  }
0xa07: {  	s11 =	simm.s32 $0x9B80  }
0xa08: {  	[tilespmem:s11], [sflag:$0x2] =	stream.indirect_vreg.gather [hbm4b:s6+s3], $0x80, v19, vm0, $0xb8;
	[tilespmem:$0x1FC00] =	vst v63  }
0xa09: {  	v19 =	vld [tilespmem:s10+$0x1C0];
	_ =	sdelay $0x4  }
0xa0a: {  	v20 =	vshll.u32 v19, $0x1  }
0xa0b: {  	v19 =	vand.u32 $0x7, v19;
	v20 =	vand.u32 $0xFFFFFFF0, v20  }
0xa0c: {  	v19 =	vor.u32 v19, v20  }
0xa0d: {  	v20 =	vperm.xlane v19, v3;
	_ =	sdelay $0x1  }
0xa0e: {  	v56 =	vperm.xlane v19, v2;
	v20 =	vadd.s32 v4, v20;
	_ =	sdelay $0x1  }
0xa0f: {  	v57 =	vperm.xlane v19, v5;
	v21 =	vadd.s32 v4, v56;
	_ =	sdelay $0x1  }
0xa10: {  	s11 =	simm.s32 $0x9C00;
	v58 =	vperm.xlane v19, v6;
	v22 =	vadd.s32 v4, v57  }
0xa11: {  	[tilespmem:s11], [sflag:$0x2] =	stream.indirect_vreg.gather [hbm4b:s6+s3], $0x80, v20, vm0, $0xb8;
	[tilespmem:$0x1FC00] =	vst v63  }
0xa12: {  	v59 =	vperm.xlane v19, v7;
	v20 =	vadd.s32 v4, v58;
	s11 =	simm.s32 $0x9C80  }
0xa13: {  	[tilespmem:s11], [sflag:$0x2] =	stream.indirect_vreg.gather [hbm4b:s6+s3], $0x80, v21, vm0, $0xb8;
	[tilespmem:$0x1FC00] =	vst v63  }
0xa14: {  	v61 =	vperm.xlane v19, v8;
	v60 =	vadd.s32 v4, v59;
	s11 =	simm.s32 $0x9D00  }
0xa15: {  	[tilespmem:s11], [sflag:$0x2] =	stream.indirect_vreg.gather [hbm4b:s6+s3], $0x80, v22, vm0, $0xb8;
	[tilespmem:$0x1FC00] =	vst v63  }
0xa16: {  	v63 =	vperm.xlane v19, v9;
	v62 =	vadd.s32 v4, v61;
	s11 =	simm.s32 $0x9D80  }
0xa17: {  	[tilespmem:s11], [sflag:$0x2] =	stream.indirect_vreg.gather [hbm4b:s6+s3], $0x80, v20, vm0, $0xb8;
	[tilespmem:$0x1FC00] =	vst v63  }
0xa18: {  	v24 =	vperm.xlane v19, v1;
	v20 =	vadd.s32 v4, v63;
	s11 =	simm.s32 $0x9E00  }
0xa19: {  	[tilespmem:s11], [sflag:$0x2] =	stream.indirect_vreg.gather [hbm4b:s6+s3], $0x80, v60, vm0, $0xb8;
	[tilespmem:$0x1FC00] =	vst v63  }
0xa1a: {  	v26 =	vperm.xlane v19, v10;
	v25 =	vadd.s32 v4, v24;
	s11 =	simm.s32 $0x9E80  }
0xa1b: {  	[tilespmem:s11], [sflag:$0x2] =	stream.indirect_vreg.gather [hbm4b:s6+s3], $0x80, v62, vm0, $0xb8;
	[tilespmem:$0x1FC00] =	vst v63  }
0xa1c: {  	v28 =	vperm.xlane v19, v11;
	v27 =	vadd.s32 v4, v26;
	s11 =	simm.s32 $0x9F00  }
0xa1d: {  	[tilespmem:s11], [sflag:$0x2] =	stream.indirect_vreg.gather [hbm4b:s6+s3], $0x80, v20, vm0, $0xb8;
	[tilespmem:$0x1FC00] =	vst v63  }
0xa1e: {  	v29 =	vperm.xlane v19, v12;
	v20 =	vadd.s32 v4, v28;
	s11 =	simm.s32 $0x9F80  }
0xa1f: {  	[tilespmem:s11], [sflag:$0x2] =	stream.indirect_vreg.gather [hbm4b:s6+s3], $0x80, v25, vm0, $0xb8;
	[tilespmem:$0x1FC00] =	vst v63  }
0xa20: {  	v31 =	vperm.xlane v19, v13;
	v30 =	vadd.s32 v4, v29;
	s11 =	simm.s32 $0xA000  }
0xa21: {  	[tilespmem:s11], [sflag:$0x2] =	stream.indirect_vreg.gather [hbm4b:s6+s3], $0x80, v27, vm0, $0xb8;
	[tilespmem:$0x1FC00] =	vst v63  }
0xa22: {  	v33 =	vperm.xlane v19, v14;
	v32 =	vadd.s32 v4, v31;
	s11 =	simm.s32 $0xA080  }
0xa23: {  	[tilespmem:s11], [sflag:$0x2] =	stream.indirect_vreg.gather [hbm4b:s6+s3], $0x80, v20, vm0, $0xb8;
	[tilespmem:$0x1FC00] =	vst v63  }
0xa24: {  	v34 =	vperm.xlane v19, v15;
	v20 =	vadd.s32 v4, v33;
	s11 =	simm.s32 $0xA100  }
0xa25: {  	[tilespmem:s11], [sflag:$0x2] =	stream.indirect_vreg.gather [hbm4b:s6+s3], $0x80, v30, vm0, $0xb8;
	[tilespmem:$0x1FC00] =	vst v63  }
0xa26: {  	v36 =	vperm.xlane v19, v16;
	v35 =	vadd.s32 v4, v34;
	s11 =	simm.s32 $0xA180  }
0xa27: {  	[tilespmem:s11], [sflag:$0x2] =	stream.indirect_vreg.gather [hbm4b:s6+s3], $0x80, v32, vm0, $0xb8;
	[tilespmem:$0x1FC00] =	vst v63  }
0xa28: {  	v19 =	vperm.xlane v19, v17;
	v37 =	vadd.s32 v4, v36;
	s11 =	simm.s32 $0xA200  }
0xa29: {  	[tilespmem:s11], [sflag:$0x2] =	stream.indirect_vreg.gather [hbm4b:s6+s3], $0x80, v20, vm0, $0xb8;
	[tilespmem:$0x1FC00] =	vst v63  }
0xa2a: {  	v19 =	vadd.s32 v4, v19;
	s11 =	simm.s32 $0xA280  }
0xa2b: {  	[tilespmem:s11], [sflag:$0x2] =	stream.indirect_vreg.gather [hbm4b:s6+s3], $0x80, v35, vm0, $0xb8;
	[tilespmem:$0x1FC00] =	vst v63  }
0xa2c: {  	s11 =	simm.s32 $0xA300  }
0xa2d: {  	[tilespmem:s11], [sflag:$0x2] =	stream.indirect_vreg.gather [hbm4b:s6+s3], $0x80, v37, vm0, $0xb8;
	[tilespmem:$0x1FC00] =	vst v63  }
0xa2e: {  	s11 =	simm.s32 $0xA380  }
0xa2f: {  	[tilespmem:s11], [sflag:$0x2] =	stream.indirect_vreg.gather [hbm4b:s6+s3], $0x80, v19, vm0, $0xb8;
	[tilespmem:$0x1FC00] =	vst v63  }
0xa30: {  	v19 =	vld [tilespmem:s10+$0x1D0];
	_ =	sdelay $0x4  }
0xa31: {  	v20 =	vshll.u32 v19, $0x1  }
0xa32: {  	v19 =	vand.u32 $0x7, v19;
	v20 =	vand.u32 $0xFFFFFFF0, v20  }
0xa33: {  	v19 =	vor.u32 v19, v20  }
0xa34: {  	v20 =	vperm.xlane v19, v3;
	_ =	sdelay $0x1  }
0xa35: {  	v38 =	vperm.xlane v19, v2;
	v20 =	vadd.s32 v4, v20;
	_ =	sdelay $0x1  }
0xa36: {  	v39 =	vperm.xlane v19, v5;
	v21 =	vadd.s32 v4, v38;
	_ =	sdelay $0x1  }
0xa37: {  	s11 =	simm.s32 $0xA400;
	v40 =	vperm.xlane v19, v6;
	v22 =	vadd.s32 v4, v39  }
0xa38: {  	[tilespmem:s11], [sflag:$0x2] =	stream.indirect_vreg.gather [hbm4b:s6+s3], $0x80, v20, vm0, $0xb8;
	[tilespmem:$0x1FC00] =	vst v63  }
0xa39: {  	v41 =	vperm.xlane v19, v7;
	v20 =	vadd.s32 v4, v40;
	s11 =	simm.s32 $0xA480  }
0xa3a: {  	[tilespmem:s11], [sflag:$0x2] =	stream.indirect_vreg.gather [hbm4b:s6+s3], $0x80, v21, vm0, $0xb8;
	[tilespmem:$0x1FC00] =	vst v63  }
0xa3b: {  	v43 =	vperm.xlane v19, v8;
	v42 =	vadd.s32 v4, v41;
	s11 =	simm.s32 $0xA500  }
0xa3c: {  	[tilespmem:s11], [sflag:$0x2] =	stream.indirect_vreg.gather [hbm4b:s6+s3], $0x80, v22, vm0, $0xb8;
	[tilespmem:$0x1FC00] =	vst v63  }
0xa3d: {  	v45 =	vperm.xlane v19, v9;
	v44 =	vadd.s32 v4, v43;
	s11 =	simm.s32 $0xA580  }
0xa3e: {  	[tilespmem:s11], [sflag:$0x2] =	stream.indirect_vreg.gather [hbm4b:s6+s3], $0x80, v20, vm0, $0xb8;
	[tilespmem:$0x1FC00] =	vst v63  }
0xa3f: {  	v46 =	vperm.xlane v19, v1;
	v20 =	vadd.s32 v4, v45;
	s11 =	simm.s32 $0xA600  }
0xa40: {  	[tilespmem:s11], [sflag:$0x2] =	stream.indirect_vreg.gather [hbm4b:s6+s3], $0x80, v42, vm0, $0xb8;
	[tilespmem:$0x1FC00] =	vst v63  }
0xa41: {  	v48 =	vperm.xlane v19, v10;
	v47 =	vadd.s32 v4, v46;
	s11 =	simm.s32 $0xA680  }
0xa42: {  	[tilespmem:s11], [sflag:$0x2] =	stream.indirect_vreg.gather [hbm4b:s6+s3], $0x80, v44, vm0, $0xb8;
	[tilespmem:$0x1FC00] =	vst v63  }
0xa43: {  	v50 =	vperm.xlane v19, v11;
	v49 =	vadd.s32 v4, v48;
	s11 =	simm.s32 $0xA700  }
0xa44: {  	[tilespmem:s11], [sflag:$0x2] =	stream.indirect_vreg.gather [hbm4b:s6+s3], $0x80, v20, vm0, $0xb8;
	[tilespmem:$0x1FC00] =	vst v63  }
0xa45: {  	v51 =	vperm.xlane v19, v12;
	v20 =	vadd.s32 v4, v50;
	s11 =	simm.s32 $0xA780  }
0xa46: {  	[tilespmem:s11], [sflag:$0x2] =	stream.indirect_vreg.gather [hbm4b:s6+s3], $0x80, v47, vm0, $0xb8;
	[tilespmem:$0x1FC00] =	vst v63  }
0xa47: {  	v53 =	vperm.xlane v19, v13;
	v52 =	vadd.s32 v4, v51;
	s11 =	simm.s32 $0xA800  }
0xa48: {  	[tilespmem:s11], [sflag:$0x2] =	stream.indirect_vreg.gather [hbm4b:s6+s3], $0x80, v49, vm0, $0xb8;
	[tilespmem:$0x1FC00] =	vst v63  }
0xa49: {  	v55 =	vperm.xlane v19, v14;
	v54 =	vadd.s32 v4, v53;
	s11 =	simm.s32 $0xA880  }
0xa4a: {  	[tilespmem:s11], [sflag:$0x2] =	stream.indirect_vreg.gather [hbm4b:s6+s3], $0x80, v20, vm0, $0xb8;
	[tilespmem:$0x1FC00] =	vst v63  }
0xa4b: {  	v56 =	vperm.xlane v19, v15;
	v20 =	vadd.s32 v4, v55;
	s11 =	simm.s32 $0xA900  }
0xa4c: {  	[tilespmem:s11], [sflag:$0x2] =	stream.indirect_vreg.gather [hbm4b:s6+s3], $0x80, v52, vm0, $0xb8;
	[tilespmem:$0x1FC00] =	vst v63  }
0xa4d: {  	v58 =	vperm.xlane v19, v16;
	v57 =	vadd.s32 v4, v56;
	s11 =	simm.s32 $0xA980  }
0xa4e: {  	[tilespmem:s11], [sflag:$0x2] =	stream.indirect_vreg.gather [hbm4b:s6+s3], $0x80, v54, vm0, $0xb8;
	[tilespmem:$0x1FC00] =	vst v63  }
0xa4f: {  	v19 =	vperm.xlane v19, v17;
	v59 =	vadd.s32 v4, v58;
	s11 =	simm.s32 $0xAA00  }
0xa50: {  	[tilespmem:s11], [sflag:$0x2] =	stream.indirect_vreg.gather [hbm4b:s6+s3], $0x80, v20, vm0, $0xb8;
	[tilespmem:$0x1FC00] =	vst v63  }
0xa51: {  	v19 =	vadd.s32 v4, v19;
	s11 =	simm.s32 $0xAA80  }
0xa52: {  	[tilespmem:s11], [sflag:$0x2] =	stream.indirect_vreg.gather [hbm4b:s6+s3], $0x80, v57, vm0, $0xb8;
	[tilespmem:$0x1FC00] =	vst v63  }
0xa53: {  	s11 =	simm.s32 $0xAB00  }
0xa54: {  	[tilespmem:s11], [sflag:$0x2] =	stream.indirect_vreg.gather [hbm4b:s6+s3], $0x80, v59, vm0, $0xb8;
	[tilespmem:$0x1FC00] =	vst v63  }
0xa55: {  	s11 =	simm.s32 $0xAB80  }
0xa56: {  	[tilespmem:s11], [sflag:$0x2] =	stream.indirect_vreg.gather [hbm4b:s6+s3], $0x80, v19, vm0, $0xb8;
	[tilespmem:$0x1FC00] =	vst v63  }
0xa57: {  	v19 =	vld [tilespmem:s10+$0x1E0];
	_ =	sdelay $0x4  }
0xa58: {  	v20 =	vshll.u32 v19, $0x1  }
0xa59: {  	v19 =	vand.u32 $0x7, v19;
	v20 =	vand.u32 $0xFFFFFFF0, v20  }
0xa5a: {  	v19 =	vor.u32 v19, v20  }
0xa5b: {  	v20 =	vperm.xlane v19, v3;
	_ =	sdelay $0x1  }
0xa5c: {  	v60 =	vperm.xlane v19, v2;
	v20 =	vadd.s32 v4, v20;
	_ =	sdelay $0x1  }
0xa5d: {  	v61 =	vperm.xlane v19, v5;
	v21 =	vadd.s32 v4, v60;
	_ =	sdelay $0x1  }
0xa5e: {  	s11 =	simm.s32 $0xAC00;
	v62 =	vperm.xlane v19, v6;
	v22 =	vadd.s32 v4, v61  }
0xa5f: {  	[tilespmem:s11], [sflag:$0x2] =	stream.indirect_vreg.gather [hbm4b:s6+s3], $0x80, v20, vm0, $0xb8;
	[tilespmem:$0x1FC00] =	vst v63  }
0xa60: {  	v63 =	vperm.xlane v19, v7;
	v20 =	vadd.s32 v4, v62;
	s11 =	simm.s32 $0xAC80  }
0xa61: {  	[tilespmem:s11], [sflag:$0x2] =	stream.indirect_vreg.gather [hbm4b:s6+s3], $0x80, v21, vm0, $0xb8;
	[tilespmem:$0x1FC00] =	vst v63  }
0xa62: {  	v25 =	vperm.xlane v19, v8;
	v24 =	vadd.s32 v4, v63;
	s11 =	simm.s32 $0xAD00  }
0xa63: {  	[tilespmem:s11], [sflag:$0x2] =	stream.indirect_vreg.gather [hbm4b:s6+s3], $0x80, v22, vm0, $0xb8;
	[tilespmem:$0x1FC00] =	vst v63  }
0xa64: {  	v27 =	vperm.xlane v19, v9;
	v26 =	vadd.s32 v4, v25;
	s11 =	simm.s32 $0xAD80  }
0xa65: {  	[tilespmem:s11], [sflag:$0x2] =	stream.indirect_vreg.gather [hbm4b:s6+s3], $0x80, v20, vm0, $0xb8;
	[tilespmem:$0x1FC00] =	vst v63  }
0xa66: {  	v28 =	vperm.xlane v19, v1;
	v20 =	vadd.s32 v4, v27;
	s11 =	simm.s32 $0xAE00  }
0xa67: {  	[tilespmem:s11], [sflag:$0x2] =	stream.indirect_vreg.gather [hbm4b:s6+s3], $0x80, v24, vm0, $0xb8;
	[tilespmem:$0x1FC00] =	vst v63  }
0xa68: {  	v30 =	vperm.xlane v19, v10;
	v29 =	vadd.s32 v4, v28;
	s11 =	simm.s32 $0xAE80  }
0xa69: {  	[tilespmem:s11], [sflag:$0x2] =	stream.indirect_vreg.gather [hbm4b:s6+s3], $0x80, v26, vm0, $0xb8;
	[tilespmem:$0x1FC00] =	vst v63  }
0xa6a: {  	v32 =	vperm.xlane v19, v11;
	v31 =	vadd.s32 v4, v30;
	s11 =	simm.s32 $0xAF00  }
0xa6b: {  	[tilespmem:s11], [sflag:$0x2] =	stream.indirect_vreg.gather [hbm4b:s6+s3], $0x80, v20, vm0, $0xb8;
	[tilespmem:$0x1FC00] =	vst v63  }
0xa6c: {  	v33 =	vperm.xlane v19, v12;
	v20 =	vadd.s32 v4, v32;
	s11 =	simm.s32 $0xAF80  }
0xa6d: {  	[tilespmem:s11], [sflag:$0x2] =	stream.indirect_vreg.gather [hbm4b:s6+s3], $0x80, v29, vm0, $0xb8;
	[tilespmem:$0x1FC00] =	vst v63  }
0xa6e: {  	v35 =	vperm.xlane v19, v13;
	v34 =	vadd.s32 v4, v33;
	s11 =	simm.s32 $0xB000  }
0xa6f: {  	[tilespmem:s11], [sflag:$0x2] =	stream.indirect_vreg.gather [hbm4b:s6+s3], $0x80, v31, vm0, $0xb8;
	[tilespmem:$0x1FC00] =	vst v63  }
0xa70: {  	v37 =	vperm.xlane v19, v14;
	v36 =	vadd.s32 v4, v35;
	s11 =	simm.s32 $0xB080  }
0xa71: {  	[tilespmem:s11], [sflag:$0x2] =	stream.indirect_vreg.gather [hbm4b:s6+s3], $0x80, v20, vm0, $0xb8;
	[tilespmem:$0x1FC00] =	vst v63  }
0xa72: {  	v38 =	vperm.xlane v19, v15;
	v20 =	vadd.s32 v4, v37;
	s11 =	simm.s32 $0xB100  }
0xa73: {  	[tilespmem:s11], [sflag:$0x2] =	stream.indirect_vreg.gather [hbm4b:s6+s3], $0x80, v34, vm0, $0xb8;
	[tilespmem:$0x1FC00] =	vst v63  }
0xa74: {  	v40 =	vperm.xlane v19, v16;
	v39 =	vadd.s32 v4, v38;
	s11 =	simm.s32 $0xB180  }
0xa75: {  	[tilespmem:s11], [sflag:$0x2] =	stream.indirect_vreg.gather [hbm4b:s6+s3], $0x80, v36, vm0, $0xb8;
	[tilespmem:$0x1FC00] =	vst v63  }
0xa76: {  	v19 =	vperm.xlane v19, v17;
	v41 =	vadd.s32 v4, v40;
	s11 =	simm.s32 $0xB200  }
0xa77: {  	[tilespmem:s11], [sflag:$0x2] =	stream.indirect_vreg.gather [hbm4b:s6+s3], $0x80, v20, vm0, $0xb8;
	[tilespmem:$0x1FC00] =	vst v63  }
0xa78: {  	v19 =	vadd.s32 v4, v19  }
0xa79: {  	[tilespmem:s8], [sflag:$0x2] =	stream.indirect_vreg.gather [hbm4b:s6+s3], $0x80, v39, vm0, $0xb8;
	[tilespmem:$0x1FC00] =	vst v63  }
0xa7a: {  	_ = 	snop  }
0xa7b: {  	[tilespmem:s14], [sflag:$0x2] =	stream.indirect_vreg.gather [hbm4b:s6+s3], $0x80, v41, vm0, $0xb8;
	[tilespmem:$0x1FC00] =	vst v63  }
0xa7c: {  	_ = 	snop  }
0xa7d: {  	[tilespmem:s15], [sflag:$0x2] =	stream.indirect_vreg.gather [hbm4b:s6+s3], $0x80, v19, vm0, $0xb8;
	[tilespmem:$0x1FC00] =	vst v63  }
0xa7e: {  	v19 =	vld [tilespmem:s10+$0x1F0];
	_ =	sdelay $0x4  }
0xa7f: {  	v20 =	vshll.u32 v19, $0x1  }
0xa80: {  	v19 =	vand.u32 $0x7, v19;
	v20 =	vand.u32 $0xFFFFFFF0, v20  }
0xa81: {  	v19 =	vor.u32 v19, v20  }
0xa82: {  	v20 =	vperm.xlane v19, v3;
	_ =	sdelay $0x1  }
0xa83: {  	v42 =	vperm.xlane v19, v2;
	v20 =	vadd.s32 v4, v20;
	_ =	sdelay $0x1  }
0xa84: {  	v43 =	vperm.xlane v19, v5;
	v21 =	vadd.s32 v4, v42;
	_ =	sdelay $0x1  }
0xa85: {  	v44 =	vperm.xlane v19, v6;
	v22 =	vadd.s32 v4, v43  }
0xa86: {  	[tilespmem:s19], [sflag:$0x2] =	stream.indirect_vreg.gather [hbm4b:s6+s3], $0x80, v20, vm0, $0xb8;
	[tilespmem:$0x1FC00] =	vst v63  }
0xa87: {  	v45 =	vperm.xlane v19, v7;
	v20 =	vadd.s32 v4, v44  }
0xa88: {  	[tilespmem:s21], [sflag:$0x2] =	stream.indirect_vreg.gather [hbm4b:s6+s3], $0x80, v21, vm0, $0xb8;
	[tilespmem:$0x1FC00] =	vst v63  }
0xa89: {  	v47 =	vperm.xlane v19, v8;
	v46 =	vadd.s32 v4, v45  }
0xa8a: {  	[tilespmem:s23], [sflag:$0x2] =	stream.indirect_vreg.gather [hbm4b:s6+s3], $0x80, v22, vm0, $0xb8;
	[tilespmem:$0x1FC00] =	vst v63  }
0xa8b: {  	v49 =	vperm.xlane v19, v9;
	v48 =	vadd.s32 v4, v47  }
0xa8c: {  	[tilespmem:s17], [sflag:$0x2] =	stream.indirect_vreg.gather [hbm4b:s6+s3], $0x80, v20, vm0, $0xb8;
	[tilespmem:$0x1FC00] =	vst v63  }
0xa8d: {  	v50 =	vperm.xlane v19, v1;
	v20 =	vadd.s32 v4, v49  }
0xa8e: {  	[tilespmem:s13], [sflag:$0x2] =	stream.indirect_vreg.gather [hbm4b:s6+s3], $0x80, v46, vm0, $0xb8;
	[tilespmem:$0x1FC00] =	vst v63  }
0xa8f: {  	v52 =	vperm.xlane v19, v10;
	v51 =	vadd.s32 v4, v50  }
0xa90: {  	[tilespmem:s0], [sflag:$0x2] =	stream.indirect_vreg.gather [hbm4b:s6+s3], $0x80, v48, vm0, $0xb8;
	[tilespmem:$0x1FC00] =	vst v63  }
0xa91: {  	v54 =	vperm.xlane v19, v11;
	v53 =	vadd.s32 v4, v52  }
0xa92: {  	[tilespmem:s31], [sflag:$0x2] =	stream.indirect_vreg.gather [hbm4b:s6+s3], $0x80, v20, vm0, $0xb8;
	[tilespmem:$0x1FC00] =	vst v63  }
0xa93: {  	v55 =	vperm.xlane v19, v12;
	v20 =	vadd.s32 v4, v54  }
0xa94: {  	[tilespmem:s28], [sflag:$0x2] =	stream.indirect_vreg.gather [hbm4b:s6+s3], $0x80, v51, vm0, $0xb8;
	[tilespmem:$0x1FC00] =	vst v63  }
0xa95: {  	v57 =	vperm.xlane v19, v13;
	v56 =	vadd.s32 v4, v55  }
0xa96: {  	[tilespmem:s25], [sflag:$0x2] =	stream.indirect_vreg.gather [hbm4b:s6+s3], $0x80, v53, vm0, $0xb8;
	[tilespmem:$0x1FC00] =	vst v63  }
0xa97: {  	v59 =	vperm.xlane v19, v14;
	v58 =	vadd.s32 v4, v57  }
0xa98: {  	[tilespmem:s24], [sflag:$0x2] =	stream.indirect_vreg.gather [hbm4b:s6+s3], $0x80, v20, vm0, $0xb8;
	[tilespmem:$0x1FC00] =	vst v63  }
0xa99: {  	v60 =	vperm.xlane v19, v15;
	v20 =	vadd.s32 v4, v59  }
0xa9a: {  	[tilespmem:s22], [sflag:$0x2] =	stream.indirect_vreg.gather [hbm4b:s6+s3], $0x80, v56, vm0, $0xb8;
	[tilespmem:$0x1FC00] =	vst v63  }
0xa9b: {  	v62 =	vperm.xlane v19, v16;
	v61 =	vadd.s32 v4, v60  }
0xa9c: {  	[tilespmem:s20], [sflag:$0x2] =	stream.indirect_vreg.gather [hbm4b:s6+s3], $0x80, v58, vm0, $0xb8;
	[tilespmem:$0x1FC00] =	vst v63  }
0xa9d: {  	v19 =	vperm.xlane v19, v17;
	v63 =	vadd.s32 v4, v62  }
0xa9e: {  	[tilespmem:s18], [sflag:$0x2] =	stream.indirect_vreg.gather [hbm4b:s6+s3], $0x80, v20, vm0, $0xb8;
	[tilespmem:$0x1FC00] =	vst v63  }
0xa9f: {  	v19 =	vadd.s32 v4, v19  }
0xaa0: {  	[tilespmem:s16], [sflag:$0x2] =	stream.indirect_vreg.gather [hbm4b:s6+s3], $0x80, v61, vm0, $0xb8;
	[tilespmem:$0x1FC00] =	vst v63  }
0xaa1: {  	_ = 	snop  }
0xaa2: {  	[tilespmem:s12], [sflag:$0x2] =	stream.indirect_vreg.gather [hbm4b:s6+s3], $0x80, v63, vm0, $0xb8;
	[tilespmem:$0x1FC00] =	vst v63  }
0xaa3: {  	_ = 	snop  }
0xaa4: {  	[tilespmem:s1], [sflag:$0x2] =	stream.indirect_vreg.gather [hbm4b:s6+s3], $0x80, v19, vm0, $0xb8;
	[tilespmem:$0x1FC00] =	vst v63  }
0xaa5: {  	s9 =	sadd.s32 $0x400, s9;
	_ =	swait.ge [sflag:s4], $0x4000  }
0xaa6: {  	p0 =	sne.s32 s9, $0x4C00;
	[sflag:s4] =	ssyncset.done $0x0  }
.Ltmp4:
0xaa7: {  	s10 =	sadd.s32 $0x2900, s10;
	[sflag:s4] =	ssyncadd.s32 $0xFFFFC000;
	(pc) =	sbr.rel @p0 .LBB2_10-.Ltmp4, $4  }
0xaa8: {  	[spmem:s2] =	stream.indirect.scatter.add.f32 [tilespmem:s29], [sflag:$0x4], $0x80, s10, s5, $0xb8;
	[tilespmem:$0x1FC00] =	vst v63  }
0xaa9: {  	_ =	swait.ge [sflag:s30], $0x4000  }
0xaaa: {  	[sflag:s30] =	ssyncset.done $0x0  }
0xaab: {  	[sflag:s30] =	ssyncadd.s32 $0xFFFFC000  }
0xaac: {  	_ =	swait.ge [sflag:s7], $0x4000  }
0xaad: {  	s9 =	sshra.s32 s9, $0x2;
	[sflag:s7] =	ssyncset.done $0x0  }
0xaae: {  	s9 =	sadd.s32 $0x2880, s9;
	[sflag:s7] =	ssyncadd.s32 $0xFFFFC000  }
0xaaf: {  	[spmem:s2] =	stream.indirect.scatter.add.f32 [tilespmem:s26], [sflag:$0x4], $0x80, s9, s5, $0xb8;
	[tilespmem:$0x1FC00] =	vst v63  }
0xab0: {  	_ =	swait.ge [sflag:s30], $0x4000  }
0xab1: {  	[sflag:s30] =	ssyncset.done $0x0  }
0xab2: {  	[sflag:s30] =	ssyncadd.s32 $0xFFFFC000  }
0xab3: {  	[bflag:$0x0] =	sbarrier.arrive $0xFFFF  }
0xab4: {  	s0 =	sld [smem:$0x7FD]  }
0xab5: {  	s31 =	stileid.u32  }
0xab6: {  	s9 =	sshll.u32 s31, $0x6  }
0xab7: {  	s9 =	sor.u32 $0x1C04, s9;
	s11 =	rddreg [dreg:$0x7];
	s10 =	sshrl.u32 s0, $0x3  }
0xab8: {  	[hbm:s11], [sflag:s9] =	dma.local [spmem:s10], $0x2800  }
0xab9: {  	_ =	swait.ge [sflag:s30], $0x2800  }
0xaba: {  	[sflag:s30] =	ssyncset.done $0x0  }
0xabb: {  	s12 =	simm.s32 $0x200;
	[sflag:s30] =	ssyncadd.s32 $0xFFFFD800  }
0xabc: {  	s13 =	smov.u32 s0;
	s11 =	simm.s32 $0x0;
	[bflag:$0x0] =	sbarrier.arrive $0xFFFF  }
.LBB2_12:
0xabd: {  	p0 =	sne.s32 s12, $0xFE00;
	[tilespmem:s11+$0x7C70] =	vst v18  }
0xabe: {  	[tilespmem:s11+$0x7C00] =	vst v18  }
0xabf: {  	[tilespmem:s11+$0x7C10] =	vst v18  }
.Ltmp5:
0xac0: {  	[tilespmem:s11+$0x7C20] =	vst v18;
	(pc) =	sbr.rel @p0 .LBB2_12-.Ltmp5, $4  }
0xac1: {  	[tilespmem:s11+$0x7C30] =	vst v18  }
0xac2: {  	[tilespmem:s11+$0x7C40] =	vst v18  }
0xac3: {  	[tilespmem:s11+$0x7C50] =	vst v18  }
0xac4: {  	[tilespmem:s11+$0x7C60] =	vst v18;
	s11 =	sshra.s32 s12, $0x2;
	s12 =	sadd.s32 $0x200, s12  }
0xac5: {  	[tilespmem:s11+$0x7C70] =	vst v18  }
0xac6: {  	[tilespmem:s11+$0x7C00] =	vst v18  }
0xac7: {  	[tilespmem:s11+$0x7C10] =	vst v18  }
0xac8: {  	[tilespmem:s11+$0x7C20] =	vst v18  }
0xac9: {  	[tilespmem:s11+$0x7C30] =	vst v18  }
0xaca: {  	[tilespmem:s11+$0x7C40] =	vst v18  }
0xacb: {  	[tilespmem:s11+$0x7C50] =	vst v18  }
0xacc: {  	[tilespmem:s11+$0x7C60] =	vst v18;
	s12 =	rddreg [dreg:$0x8]  }
0xacd: {  	[spmem:s2] =	stream.indirect.scatter.add.f32 [tilespmem:s26], [sflag:$0x3], $0x80, s12, s5, $0xb8;
	[tilespmem:$0x1FC00] =	vst v63  }
0xace: {  	s14 =	rddreg [dreg:$0xb]  }
0xacf: {  	[spmem:s2] =	stream.indirect.scatter.add.f32 [tilespmem:s26], [sflag:$0x3], $0x80, s14, s5, $0xb8;
	[tilespmem:$0x1FC00] =	vst v63  }
0xad0: {  	s15 =	rddreg [dreg:$0xc]  }
0xad1: {  	[spmem:s2] =	stream.indirect.scatter.add.f32 [tilespmem:s26], [sflag:$0x3], $0x80, s15, s5, $0xb8;
	[tilespmem:$0x1FC00] =	vst v63  }
0xad2: {  	s16 =	rddreg [dreg:$0xd];
	s0 =	simm.s32 $0x3  }
0xad3: {  	[spmem:s2] =	stream.indirect.scatter.add.f32 [tilespmem:s26], [sflag:$0x3], $0x80, s16, s5, $0xb8;
	[tilespmem:$0x1FC00] =	vst v63  }
0xad4: {  	_ =	swait.ge [sflag:s0], $0x4000  }
0xad5: {  	[sflag:s0] =	ssyncset.done $0x0  }
0xad6: {  	[sflag:s0] =	ssyncadd.s32 $0xFFFFC000  }
0xad7: {  	_ =	swait.ge [sflag:s0], $0x4000  }
0xad8: {  	[sflag:s0] =	ssyncset.done $0x0  }
0xad9: {  	[sflag:s0] =	ssyncadd.s32 $0xFFFFC000  }
0xada: {  	_ =	swait.ge [sflag:s0], $0x4000  }
0xadb: {  	[sflag:s0] =	ssyncset.done $0x0  }
0xadc: {  	[sflag:s0] =	ssyncadd.s32 $0xFFFFC000  }
0xadd: {  	_ =	swait.ge [sflag:s0], $0x4000  }
0xade: {  	[sflag:s0] =	ssyncset.done $0x0  }
0xadf: {  	s17 =	rddreg [dreg:$0xe];
	[sflag:s0] =	ssyncadd.s32 $0xFFFFC000  }
0xae0: {  	[spmem:s2] =	stream.indirect.scatter.add.f32 [tilespmem:s26], [sflag:$0x3], $0x80, s17, s5, $0xb8;
	[tilespmem:$0x1FC00] =	vst v63  }
0xae1: {  	s18 =	rddreg [dreg:$0xf]  }
0xae2: {  	[spmem:s2] =	stream.indirect.scatter.add.f32 [tilespmem:s26], [sflag:$0x3], $0x80, s18, s5, $0xb8;
	[tilespmem:$0x1FC00] =	vst v63  }
0xae3: {  	s19 =	rddreg [dreg:$0x10]  }
0xae4: {  	[spmem:s2] =	stream.indirect.scatter.add.f32 [tilespmem:s26], [sflag:$0x3], $0x80, s19, s5, $0xb8;
	[tilespmem:$0x1FC00] =	vst v63  }
0xae5: {  	s20 =	rddreg [dreg:$0x11]  }
0xae6: {  	[spmem:s2] =	stream.indirect.scatter.add.f32 [tilespmem:s26], [sflag:$0x3], $0x80, s20, s5, $0xb8;
	[tilespmem:$0x1FC00] =	vst v63  }
0xae7: {  	_ =	swait.ge [sflag:s0], $0x4000  }
0xae8: {  	[sflag:s0] =	ssyncset.done $0x0  }
0xae9: {  	[sflag:s0] =	ssyncadd.s32 $0xFFFFC000  }
0xaea: {  	_ =	swait.ge [sflag:s0], $0x4000  }
0xaeb: {  	[sflag:s0] =	ssyncset.done $0x0  }
0xaec: {  	[sflag:s0] =	ssyncadd.s32 $0xFFFFC000  }
0xaed: {  	_ =	swait.ge [sflag:s0], $0x4000  }
0xaee: {  	[sflag:s0] =	ssyncset.done $0x0  }
0xaef: {  	[sflag:s0] =	ssyncadd.s32 $0xFFFFC000  }
0xaf0: {  	_ =	swait.ge [sflag:s0], $0x4000  }
0xaf1: {  	[sflag:s0] =	ssyncset.done $0x0  }
0xaf2: {  	s21 =	rddreg [dreg:$0x12];
	[sflag:s0] =	ssyncadd.s32 $0xFFFFC000  }
0xaf3: {  	[spmem:s2] =	stream.indirect.scatter.add.f32 [tilespmem:s26], [sflag:$0x3], $0x80, s21, s5, $0xb8;
	[tilespmem:$0x1FC00] =	vst v63  }
0xaf4: {  	s22 =	rddreg [dreg:$0x13]  }
0xaf5: {  	[spmem:s2] =	stream.indirect.scatter.add.f32 [tilespmem:s26], [sflag:$0x3], $0x80, s22, s5, $0xb8;
	[tilespmem:$0x1FC00] =	vst v63  }
0xaf6: {  	s23 =	rddreg [dreg:$0x14]  }
0xaf7: {  	[spmem:s2] =	stream.indirect.scatter.add.f32 [tilespmem:s26], [sflag:$0x3], $0x80, s23, s5, $0xb8;
	[tilespmem:$0x1FC00] =	vst v63  }
0xaf8: {  	s24 =	rddreg [dreg:$0x15]  }
0xaf9: {  	[spmem:s2] =	stream.indirect.scatter.add.f32 [tilespmem:s26], [sflag:$0x3], $0x80, s24, s5, $0xb8;
	[tilespmem:$0x1FC00] =	vst v63  }
0xafa: {  	_ =	swait.ge [sflag:s0], $0x4000  }
0xafb: {  	[sflag:s0] =	ssyncset.done $0x0  }
0xafc: {  	[sflag:s0] =	ssyncadd.s32 $0xFFFFC000  }
0xafd: {  	_ =	swait.ge [sflag:s0], $0x4000  }
0xafe: {  	[sflag:s0] =	ssyncset.done $0x0  }
0xaff: {  	[sflag:s0] =	ssyncadd.s32 $0xFFFFC000  }
0xb00: {  	_ =	swait.ge [sflag:s0], $0x4000  }
0xb01: {  	[sflag:s0] =	ssyncset.done $0x0  }
0xb02: {  	[sflag:s0] =	ssyncadd.s32 $0xFFFFC000  }
0xb03: {  	_ =	swait.ge [sflag:s0], $0x4000  }
0xb04: {  	[sflag:s0] =	ssyncset.done $0x0  }
0xb05: {  	s25 =	rddreg [dreg:$0x16];
	[sflag:s0] =	ssyncadd.s32 $0xFFFFC000  }
0xb06: {  	[spmem:s2] =	stream.indirect.scatter.add.f32 [tilespmem:s26], [sflag:$0x3], $0x80, s25, s5, $0xb8;
	[tilespmem:$0x1FC00] =	vst v63  }
0xb07: {  	s1 =	rddreg [dreg:$0x17]  }
0xb08: {  	[spmem:s2] =	stream.indirect.scatter.add.f32 [tilespmem:s26], [sflag:$0x3], $0x80, s1, s5, $0xb8;
	[tilespmem:$0x1FC00] =	vst v63  }
0xb09: {  	s8 =	rddreg [dreg:$0x18]  }
0xb0a: {  	[spmem:s2] =	stream.indirect.scatter.add.f32 [tilespmem:s26], [sflag:$0x3], $0x80, s8, s5, $0xb8;
	[tilespmem:$0x1FC00] =	vst v63  }
0xb0b: {  	s12 =	rddreg [dreg:$0x19]  }
0xb0c: {  	[spmem:s2] =	stream.indirect.scatter.add.f32 [tilespmem:s26], [sflag:$0x3], $0x80, s12, s5, $0xb8;
	[tilespmem:$0x1FC00] =	vst v63  }
0xb0d: {  	_ =	swait.ge [sflag:s0], $0x4000  }
0xb0e: {  	[sflag:s0] =	ssyncset.done $0x0  }
0xb0f: {  	[sflag:s0] =	ssyncadd.s32 $0xFFFFC000  }
0xb10: {  	_ =	swait.ge [sflag:s0], $0x4000  }
0xb11: {  	[sflag:s0] =	ssyncset.done $0x0  }
0xb12: {  	[sflag:s0] =	ssyncadd.s32 $0xFFFFC000  }
0xb13: {  	_ =	swait.ge [sflag:s0], $0x4000  }
0xb14: {  	[sflag:s0] =	ssyncset.done $0x0  }
0xb15: {  	[sflag:s0] =	ssyncadd.s32 $0xFFFFC000  }
0xb16: {  	_ =	swait.ge [sflag:s0], $0x4000  }
0xb17: {  	[sflag:s0] =	ssyncset.done $0x0  }
0xb18: {  	s14 =	rddreg [dreg:$0x1a];
	[sflag:s0] =	ssyncadd.s32 $0xFFFFC000  }
0xb19: {  	[spmem:s2] =	stream.indirect.scatter.add.f32 [tilespmem:s26], [sflag:$0x3], $0x80, s14, s5, $0xb8;
	[tilespmem:$0x1FC00] =	vst v63  }
0xb1a: {  	s15 =	rddreg [dreg:$0x1b]  }
0xb1b: {  	[spmem:s2] =	stream.indirect.scatter.add.f32 [tilespmem:s26], [sflag:$0x3], $0x80, s15, s5, $0xb8;
	[tilespmem:$0x1FC00] =	vst v63  }
0xb1c: {  	s16 =	rddreg [dreg:$0x1c]  }
0xb1d: {  	[spmem:s2] =	stream.indirect.scatter.add.f32 [tilespmem:s26], [sflag:$0x3], $0x80, s16, s5, $0xb8;
	[tilespmem:$0x1FC00] =	vst v63  }
0xb1e: {  	s17 =	rddreg [dreg:$0x1d]  }
0xb1f: {  	[spmem:s2] =	stream.indirect.scatter.add.f32 [tilespmem:s26], [sflag:$0x3], $0x80, s17, s5, $0xb8;
	[tilespmem:$0x1FC00] =	vst v63  }
0xb20: {  	_ =	swait.ge [sflag:s0], $0x4000  }
0xb21: {  	[sflag:s0] =	ssyncset.done $0x0  }
0xb22: {  	[sflag:s0] =	ssyncadd.s32 $0xFFFFC000  }
0xb23: {  	_ =	swait.ge [sflag:s0], $0x4000  }
0xb24: {  	[sflag:s0] =	ssyncset.done $0x0  }
0xb25: {  	[sflag:s0] =	ssyncadd.s32 $0xFFFFC000  }
0xb26: {  	_ =	swait.ge [sflag:s0], $0x4000  }
0xb27: {  	[sflag:s0] =	ssyncset.done $0x0  }
0xb28: {  	[sflag:s0] =	ssyncadd.s32 $0xFFFFC000  }
0xb29: {  	_ =	swait.ge [sflag:s0], $0x4000  }
0xb2a: {  	[sflag:s0] =	ssyncset.done $0x0;
	s18 =	rddreg [dreg:$0x1e]  }
0xb2b: {  	s19 =	rddreg [dreg:$0x1f];
	[sflag:s0] =	ssyncadd.s32 $0xFFFFC000  }
0xb2c: {  	[spmem:s2] =	stream.indirect.scatter.add.f32 [tilespmem:s26], [sflag:$0x3], $0x80, s18, s5, $0xb8;
	[tilespmem:$0x1FC00] =	vst v63  }
0xb2d: {  	s20 =	sld [smem:$0x7E7]  }
0xb2e: {  	[spmem:s2] =	stream.indirect.scatter.add.f32 [tilespmem:s26], [sflag:$0x3], $0x80, s19, s5, $0xb8;
	[tilespmem:$0x1FC00] =	vst v63  }
0xb2f: {  	s21 =	sld [smem:$0x7E8]  }
0xb30: {  	[spmem:s2] =	stream.indirect.scatter.add.f32 [tilespmem:s26], [sflag:$0x3], $0x80, s20, s5, $0xb8;
	[tilespmem:$0x1FC00] =	vst v63  }
0xb31: {  	_ = 	snop  }
0xb32: {  	[spmem:s2] =	stream.indirect.scatter.add.f32 [tilespmem:s26], [sflag:$0x3], $0x80, s21, s5, $0xb8;
	[tilespmem:$0x1FC00] =	vst v63  }
0xb33: {  	_ =	swait.ge [sflag:s0], $0x4000  }
0xb34: {  	[sflag:s0] =	ssyncset.done $0x0  }
0xb35: {  	[sflag:s0] =	ssyncadd.s32 $0xFFFFC000  }
0xb36: {  	_ =	swait.ge [sflag:s0], $0x4000  }
0xb37: {  	[sflag:s0] =	ssyncset.done $0x0  }
0xb38: {  	[sflag:s0] =	ssyncadd.s32 $0xFFFFC000  }
0xb39: {  	_ =	swait.ge [sflag:s0], $0x4000  }
0xb3a: {  	[sflag:s0] =	ssyncset.done $0x0  }
0xb3b: {  	[sflag:s0] =	ssyncadd.s32 $0xFFFFC000  }
0xb3c: {  	_ =	swait.ge [sflag:s0], $0x4000  }
0xb3d: {  	s22 =	sld [smem:$0x7E9]  }
0xb3e: {  	[sflag:s0] =	ssyncset.done $0x0  }
0xb3f: {  	s23 =	sld [smem:$0x7EA];
	[sflag:s0] =	ssyncadd.s32 $0xFFFFC000  }
0xb40: {  	[spmem:s2] =	stream.indirect.scatter.add.f32 [tilespmem:s26], [sflag:$0x3], $0x80, s22, s5, $0xb8;
	[tilespmem:$0x1FC00] =	vst v63  }
0xb41: {  	s24 =	sld [smem:$0x7EB]  }
0xb42: {  	[spmem:s2] =	stream.indirect.scatter.add.f32 [tilespmem:s26], [sflag:$0x3], $0x80, s23, s5, $0xb8;
	[tilespmem:$0x1FC00] =	vst v63  }
0xb43: {  	s25 =	sld [smem:$0x7EC]  }
0xb44: {  	[spmem:s2] =	stream.indirect.scatter.add.f32 [tilespmem:s26], [sflag:$0x3], $0x80, s24, s5, $0xb8;
	[tilespmem:$0x1FC00] =	vst v63  }
0xb45: {  	_ = 	snop  }
0xb46: {  	[spmem:s2] =	stream.indirect.scatter.add.f32 [tilespmem:s26], [sflag:$0x3], $0x80, s25, s5, $0xb8;
	[tilespmem:$0x1FC00] =	vst v63  }
0xb47: {  	_ =	swait.ge [sflag:s0], $0x4000  }
0xb48: {  	[sflag:s0] =	ssyncset.done $0x0  }
0xb49: {  	[sflag:s0] =	ssyncadd.s32 $0xFFFFC000  }
0xb4a: {  	_ =	swait.ge [sflag:s0], $0x4000  }
0xb4b: {  	[sflag:s0] =	ssyncset.done $0x0  }
0xb4c: {  	[sflag:s0] =	ssyncadd.s32 $0xFFFFC000  }
0xb4d: {  	_ =	swait.ge [sflag:s0], $0x4000  }
0xb4e: {  	[sflag:s0] =	ssyncset.done $0x0  }
0xb4f: {  	[sflag:s0] =	ssyncadd.s32 $0xFFFFC000  }
0xb50: {  	_ =	swait.ge [sflag:s0], $0x4000  }
0xb51: {  	s1 =	sld [smem:$0x7ED]  }
0xb52: {  	[sflag:s0] =	ssyncset.done $0x0  }
0xb53: {  	s8 =	sld [smem:$0x7EE];
	[sflag:s0] =	ssyncadd.s32 $0xFFFFC000  }
0xb54: {  	[spmem:s2] =	stream.indirect.scatter.add.f32 [tilespmem:s26], [sflag:$0x3], $0x80, s1, s5, $0xb8;
	[tilespmem:$0x1FC00] =	vst v63  }
0xb55: {  	s12 =	sld [smem:$0x7EF]  }
0xb56: {  	[spmem:s2] =	stream.indirect.scatter.add.f32 [tilespmem:s26], [sflag:$0x3], $0x80, s8, s5, $0xb8;
	[tilespmem:$0x1FC00] =	vst v63  }
0xb57: {  	s14 =	sld [smem:$0x7F0]  }
0xb58: {  	[spmem:s2] =	stream.indirect.scatter.add.f32 [tilespmem:s26], [sflag:$0x3], $0x80, s12, s5, $0xb8;
	[tilespmem:$0x1FC00] =	vst v63  }
0xb59: {  	_ = 	snop  }
0xb5a: {  	[spmem:s2] =	stream.indirect.scatter.add.f32 [tilespmem:s26], [sflag:$0x3], $0x80, s14, s5, $0xb8;
	[tilespmem:$0x1FC00] =	vst v63  }
0xb5b: {  	_ =	swait.ge [sflag:s0], $0x4000  }
0xb5c: {  	[sflag:s0] =	ssyncset.done $0x0  }
0xb5d: {  	[sflag:s0] =	ssyncadd.s32 $0xFFFFC000  }
0xb5e: {  	_ =	swait.ge [sflag:s0], $0x4000  }
0xb5f: {  	[sflag:s0] =	ssyncset.done $0x0  }
0xb60: {  	[sflag:s0] =	ssyncadd.s32 $0xFFFFC000  }
0xb61: {  	_ =	swait.ge [sflag:s0], $0x4000  }
0xb62: {  	[sflag:s0] =	ssyncset.done $0x0  }
0xb63: {  	[sflag:s0] =	ssyncadd.s32 $0xFFFFC000  }
0xb64: {  	_ =	swait.ge [sflag:s0], $0x4000  }
0xb65: {  	s15 =	sld [smem:$0x7F1]  }
0xb66: {  	[sflag:s0] =	ssyncset.done $0x0  }
0xb67: {  	s16 =	sld [smem:$0x7F2];
	[sflag:s0] =	ssyncadd.s32 $0xFFFFC000  }
0xb68: {  	[spmem:s2] =	stream.indirect.scatter.add.f32 [tilespmem:s26], [sflag:$0x3], $0x80, s15, s5, $0xb8;
	[tilespmem:$0x1FC00] =	vst v63  }
0xb69: {  	s17 =	sld [smem:$0x7F3]  }
0xb6a: {  	[spmem:s2] =	stream.indirect.scatter.add.f32 [tilespmem:s26], [sflag:$0x3], $0x80, s16, s5, $0xb8;
	[tilespmem:$0x1FC00] =	vst v63  }
0xb6b: {  	s18 =	sld [smem:$0x7F4]  }
0xb6c: {  	[spmem:s2] =	stream.indirect.scatter.add.f32 [tilespmem:s26], [sflag:$0x3], $0x80, s17, s5, $0xb8;
	[tilespmem:$0x1FC00] =	vst v63  }
0xb6d: {  	_ = 	snop  }
0xb6e: {  	[spmem:s2] =	stream.indirect.scatter.add.f32 [tilespmem:s26], [sflag:$0x3], $0x80, s18, s5, $0xb8;
	[tilespmem:$0x1FC00] =	vst v63  }
0xb6f: {  	_ =	swait.ge [sflag:s0], $0x4000  }
0xb70: {  	[sflag:s0] =	ssyncset.done $0x0  }
0xb71: {  	[sflag:s0] =	ssyncadd.s32 $0xFFFFC000  }
0xb72: {  	_ =	swait.ge [sflag:s0], $0x4000  }
0xb73: {  	[sflag:s0] =	ssyncset.done $0x0  }
0xb74: {  	[sflag:s0] =	ssyncadd.s32 $0xFFFFC000  }
0xb75: {  	_ =	swait.ge [sflag:s0], $0x4000  }
0xb76: {  	[sflag:s0] =	ssyncset.done $0x0  }
0xb77: {  	[sflag:s0] =	ssyncadd.s32 $0xFFFFC000  }
0xb78: {  	_ =	swait.ge [sflag:s0], $0x4000  }
0xb79: {  	s19 =	sld [smem:$0x7F5]  }
0xb7a: {  	[sflag:s0] =	ssyncset.done $0x0  }
0xb7b: {  	s20 =	sld [smem:$0x7F6];
	[sflag:s0] =	ssyncadd.s32 $0xFFFFC000  }
0xb7c: {  	[spmem:s2] =	stream.indirect.scatter.add.f32 [tilespmem:s26], [sflag:$0x3], $0x80, s19, s5, $0xb8;
	[tilespmem:$0x1FC00] =	vst v63  }
0xb7d: {  	s21 =	sld [smem:$0x7F7]  }
0xb7e: {  	[spmem:s2] =	stream.indirect.scatter.add.f32 [tilespmem:s26], [sflag:$0x3], $0x80, s20, s5, $0xb8;
	[tilespmem:$0x1FC00] =	vst v63  }
0xb7f: {  	s22 =	sld [smem:$0x7F8]  }
0xb80: {  	[spmem:s2] =	stream.indirect.scatter.add.f32 [tilespmem:s26], [sflag:$0x3], $0x80, s21, s5, $0xb8;
	[tilespmem:$0x1FC00] =	vst v63  }
0xb81: {  	_ = 	snop  }
0xb82: {  	[spmem:s2] =	stream.indirect.scatter.add.f32 [tilespmem:s26], [sflag:$0x3], $0x80, s22, s5, $0xb8;
	[tilespmem:$0x1FC00] =	vst v63  }
0xb83: {  	_ =	swait.ge [sflag:s0], $0x4000  }
0xb84: {  	[sflag:s0] =	ssyncset.done $0x0  }
0xb85: {  	[sflag:s0] =	ssyncadd.s32 $0xFFFFC000  }
0xb86: {  	_ =	swait.ge [sflag:s0], $0x4000  }
0xb87: {  	[sflag:s0] =	ssyncset.done $0x0  }
0xb88: {  	[sflag:s0] =	ssyncadd.s32 $0xFFFFC000  }
0xb89: {  	_ =	swait.ge [sflag:s0], $0x4000  }
0xb8a: {  	[sflag:s0] =	ssyncset.done $0x0  }
0xb8b: {  	[sflag:s0] =	ssyncadd.s32 $0xFFFFC000  }
0xb8c: {  	_ =	swait.ge [sflag:s0], $0x4000  }
0xb8d: {  	[sflag:s0] =	ssyncset.done $0x0  }
0xb8e: {  	[sflag:s0] =	ssyncadd.s32 $0xFFFFC000  }
0xb8f: {  	[bflag:$0x0] =	sbarrier.arrive $0xFFFF  }
0xb90: {  	s23 =	rddreg [dreg:$0x9]  }
0xb91: {  	[hbm:s23], [sflag:s9] =	dma.local [spmem:s10], $0x2800  }
0xb92: {  	_ =	swait.ge [sflag:s30], $0x2800  }
0xb93: {  	s24 =	sld [smem:$0x7E6]  }
0xb94: {  	s11 =	smov.u32 s13;
	s13 =	simm.s32 $0x3C80  }
0xb95: {  	s28 =	simm.s32 $0xB700;
	s31 =	simm.s32 $0xB680;
	s1 =	simm.s32 $0xA300  }
0xb96: {  	s8 =	simm.s32 $0xB800;
	s25 =	rddreg [dreg:$0xa];
	s10 =	sadd.s32 $0x1, s24  }
0xb97: {  	s12 =	simm.s32 $0xA380;
	s14 =	simm.s32 $0xA400;
	p0 =	sne.s32 s10, s25  }
.Ltmp6:
0xb98: {  	s15 =	simm.s32 $0xBA80;
	s16 =	simm.s32 $0xA480;
	(pc) =	sbr.rel @p0 .LBB2_1-.Ltmp6, $4  }
0xb99: {  	s17 =	simm.s32 $0xBA00;
	s18 =	simm.s32 $0xA500;
	s19 =	simm.s32 $0xB980  }
0xb9a: {  	s20 =	simm.s32 $0xA580;
	s21 =	simm.s32 $0xB900;
	s22 =	simm.s32 $0xA600  }
0xb9b: {  	s0 =	simm.s32 $0xBB00;
	s23 =	simm.s32 $0xB880;
	[sflag:s30] =	ssyncset.done $0x0  }
0xb9c: {  	[sflag:s30] =	ssyncadd.s32 $0xFFFFD800;
	s24 =	simm.s32 $0xA680;
	s25 =	simm.s32 $0xB780  }
0xb9d: {  	_ =	sfence.sel $0x180000  }
0xb9e: {  	[bflag:$0x0] =	sbarrier.arrive $0xFFFF  }
0xb9f: {  	_ =	strace $0x90000047  }
0xba0: {  	s0 =	stileid.u32;
	[bflag:$0x2] =	sbarrier.arrive $0xFFFF  }
0xba1: {  	p0 =	sne.s32 s0, $0x0;
	s0 =	rddreg [dreg:$0x4]  }
0xba2: {  	s0 =	sadd.s32 @!p0 $0x100000, s0  }
0xba3: {  	[sflag:s0] =	ssyncadd.tile.s32 @!p0 $0x1;
	_ =	shalt  }
.Lfunc_end2:
_tile_overlayer_lowered:
.L_overlay_start_2:
0xba4: {  	(tag) =	ssettag $0x2  }
0xba5: {  	s0 =	rddreg [dreg:$0x0];
	s2 =	stileid.u32  }
0xba6: {  	s1 =	rddreg [dreg:$0x1];
	p0 =	sne.s32 s2, $0x0  }
0xba7: {  	s3 =	rddreg [dreg:$0x2];
	[bflag:$0x3] =	sbarrier.arrive $0xFFFF;
	s2 =	simm.s32 @!p0 $0x1C04  }
0xba8: {  	[timem:s3], [sflag:s2] =	dma.local @!p0 [hbm:s0], s1  }
0xba9: {  	s0 =	simm.s32 @!p0 $0x4  }
0xbaa: {  	_ =	swait.ge @!p0 [sflag:s0], s1  }
0xbab: {  	s1 =	ssub.s32 @!p0 $0x0, s1;
	[sflag:s0] =	ssyncset.done @!p0 $0x0  }
0xbac: {  	[sflag:s0] =	ssyncadd.s32 @!p0 s1  }
0xbad: {  	[bflag:$0x3] =	sbarrier.arrive $0xFFFF  }
0xbae: {  	_ =	shalt  }

</sc_bundles>
